<compile_context>
chip_gen: v7x
topology: tpu7x:2x2x1
jax: 0.10.2.dev20260603
libtpu: 0.0.44.dev20260713+nightly
codegen_flags: <defaults>
</compile_context>

<pallas_src>
import jax
import jax.numpy as jnp
from jax import lax
from jax.experimental import pallas as pl
from jax.experimental.pallas import tpu as pltpu
from jax.experimental.pallas import tpu_sc as plsc

N_NODES = 10000
N_EDGES = 320000
DIM = 128

NUM_CORES = 2
NUM_SUBCORES = 16
NUM_WORKERS = NUM_CORES * NUM_SUBCORES
CHUNK = 64
PAIR = 2 * CHUNK
BASE_PAIRS = 78
EXTRA_W = 28
NCOL = DIM // 16
ROWS_A = 632
ROWS_B = N_NODES - (NUM_SUBCORES - 1) * ROWS_A


def _relu_add(rows, ea, res):
    @plsc.parallel_loop(0, CHUNK, step=1, unroll=8)
    def _edge(e):
        for cg in range(NCOL):
            slc = (pl.ds(e, 1), pl.ds(cg * 16, 16))
            v = rows.at[slc][...] + ea.at[slc][...]
            res.at[slc][...] = jnp.maximum(v, 0.0)


def _sc_edge_aggregate(x, edge_index, edge_attr):
    mesh = plsc.VectorSubcoreMesh(
        core_axis_name="c", subcore_axis_name="s", num_cores=NUM_CORES
    )

    @pl.kernel(
        out_type=jax.ShapeDtypeStruct((NUM_CORES, N_NODES, DIM), jnp.float32),
        mesh=mesh,
        scratch_types=[
            pltpu.VMEM_SHARED((N_NODES, DIM), jnp.float32),
            pltpu.VMEM((CHUNK, DIM), jnp.float32),
            pltpu.VMEM((CHUNK, DIM), jnp.float32),
            pltpu.VMEM((CHUNK, DIM), jnp.float32),
            pltpu.VMEM((CHUNK, DIM), jnp.float32),
            pltpu.VMEM((CHUNK, DIM), jnp.float32),
            pltpu.VMEM((CHUNK, DIM), jnp.float32),
            pltpu.VMEM((PAIR,), jnp.int32),
            pltpu.VMEM((PAIR,), jnp.int32),
            pltpu.VMEM((PAIR,), jnp.int32),
            pltpu.VMEM((PAIR,), jnp.int32),
            pltpu.VMEM((CHUNK,), jnp.int32),
            pltpu.VMEM((CHUNK,), jnp.int32),
            pltpu.SemaphoreType.DMA,
            pltpu.SemaphoreType.DMA,
            pltpu.SemaphoreType.DMA,
            pltpu.SemaphoreType.DMA,
            pltpu.SemaphoreType.DMA,
            pltpu.SemaphoreType.DMA,
            pltpu.SemaphoreType.DMA,
            pltpu.SemaphoreType.DMA,
        ],
    )
    def edge_kernel(x_hbm, ei_hbm, ea_hbm, out_hbm,
                    acc, rows0, rows1, ea0, ea1, res0, res1,
                    sf0, sf1, df0, df1, dh0, dh1,
                    semg0, semg1, semis0, semis1, semid0, semid1,
                    sems0, sems1):
        cid = lax.axis_index("c")
        sid = lax.axis_index("s")
        w = cid * NUM_SUBCORES + sid
        cb = pl.multiple_of(
            BASE_PAIRS * PAIR * w + PAIR * jnp.maximum(w - EXTRA_W, 0), 128)
        nchunks = jnp.where(w >= EXTRA_W, 2 * BASE_PAIRS + 2, 2 * BASE_PAIRS)
        r0 = pl.multiple_of(sid * ROWS_A, 8)

        data = ((rows0, ea0, res0, dh0, semg0, sems0),
                (rows1, ea1, res1, dh1, semg1, sems1))
        idxb = ((sf0, df0, semis0, semid0),
                (sf1, df1, semis1, semid1))

        def pair_off(k):
            return pl.multiple_of(cb + k * PAIR, 128)

        def fetch_pair(k, q):
            sf, df, semis, semid = idxb[q]
            off = pair_off(k)
            pltpu.async_copy(ei_hbm.at[0, pl.ds(off, PAIR)], sf, semis)
            pltpu.async_copy(ei_hbm.at[1, pl.ds(off, PAIR)], df, semid)

        def start_fetch(c, b, q):
            rows, ea = data[b][0], data[b][1]
            semg = data[b][4]
            sf = idxb[q][0]
            pltpu.async_copy(
                x_hbm.at[sf.at[pl.ds(CHUNK * b, CHUNK)]], rows, semg)
            eoff = pl.multiple_of(cb + c * CHUNK, 64)
            pltpu.async_copy(ea_hbm.at[pl.ds(eoff, CHUNK)], ea, semg)

        fetch_pair(0, 0)
        fetch_pair(1, 1)
        pltpu.make_async_copy(
            ei_hbm.at[0, pl.ds(pair_off(0), PAIR)], sf0, semis0).wait()
        start_fetch(0, 0, 0)
        start_fetch(1, 1, 0)

        @pl.when(sid < NUM_SUBCORES - 1)
        def _init_main():
            pltpu.sync_copy(x_hbm.at[pl.ds(r0, ROWS_A)],
                            acc.at[pl.ds(r0, ROWS_A)])

        @pl.when(sid == NUM_SUBCORES - 1)
        def _init_tail():
            t0 = (NUM_SUBCORES - 1) * ROWS_A
            pltpu.sync_copy(x_hbm.at[pl.ds(t0, ROWS_B)],
                            acc.at[pl.ds(t0, ROWS_B)])

        plsc.subcore_barrier()

        def chunk_body(c, b, q):
            rows, ea, res, dh, semg, sems = data[b]
            sf, df, semis, semid = idxb[q]
            pltpu.make_async_copy(
                x_hbm.at[sf.at[pl.ds(CHUNK * b, CHUNK)]], rows, semg).wait()
            eoff = pl.multiple_of(cb + c * CHUNK, 64)
            pltpu.make_async_copy(
                ea_hbm.at[pl.ds(eoff, CHUNK)], ea, semg).wait()

            @pl.when(c >= 2)
            def _drain():
                pltpu.make_async_copy(res, acc.at[dh], sems).wait()

            if b == 0:
                pltpu.make_async_copy(
                    ei_hbm.at[1, pl.ds(pair_off(c // 2), PAIR)],
                    df, semid).wait()
            for i in range(CHUNK // 16):
                dh.at[pl.ds(16 * i, 16)][...] = (
                    df.at[pl.ds(CHUNK * b + 16 * i, 16)][...])

            _relu_add(rows, ea, res)

            pltpu.async_copy(res, acc.at[dh], sems, add=True)

            @pl.when(c + 2 < nchunks)
            def _prefetch():
                if b == 0:
                    pltpu.make_async_copy(
                        ei_hbm.at[0, pl.ds(pair_off(c // 2 + 1), PAIR)],
                        idxb[1 - q][0], idxb[1 - q][2]).wait()
                start_fetch(c + 2, b, 1 - q)

            if b == 1:
                @pl.when(c + 3 < nchunks)
                def _refetch():
                    fetch_pair(c // 2 + 2, q)

        @pl.loop(0, BASE_PAIRS // 2)
        def _super(t):
            c0 = 4 * t
            chunk_body(c0 + 0, 0, 0)
            chunk_body(c0 + 1, 1, 0)
            chunk_body(c0 + 2, 0, 1)
            chunk_body(c0 + 3, 1, 1)

        @pl.when(w >= EXTRA_W)
        def _tail():
            chunk_body(2 * BASE_PAIRS + 0, 0, 0)
            chunk_body(2 * BASE_PAIRS + 1, 1, 0)

        for b in range(2):
            res, dh, sems = data[b][2], data[b][3], data[b][5]
            pltpu.make_async_copy(res, acc.at[dh], sems).wait()

        plsc.subcore_barrier()

        @pl.when(sid < NUM_SUBCORES - 1)
        def _out_main():
            pltpu.sync_copy(acc.at[pl.ds(r0, ROWS_A)],
                            out_hbm.at[cid, pl.ds(r0, ROWS_A)])

        @pl.when(sid == NUM_SUBCORES - 1)
        def _out_tail():
            t0 = (NUM_SUBCORES - 1) * ROWS_A
            pltpu.sync_copy(acc.at[pl.ds(t0, ROWS_B)],
                            out_hbm.at[cid, pl.ds(t0, ROWS_B)])

    return edge_kernel(x, edge_index, edge_attr)


BLK = 1000


def _mlp_body(x_ref, a_ref, w1_ref, b1_ref, w2_ref, b2_ref,
              w3_ref, b3_ref, o_ref):
    dn = (((1,), (0,)), ((), ()))
    h = a_ref[0] + a_ref[1] - x_ref[...]
    h = lax.dot_general(h, w1_ref[...], dn,
                        preferred_element_type=jnp.float32)
    h = jnp.maximum(h + b1_ref[...], 0.0)
    h = lax.dot_general(h, w2_ref[...], dn,
                        preferred_element_type=jnp.float32)
    h = jnp.maximum(h + b2_ref[...], 0.0)
    h = lax.dot_general(h, w3_ref[...], dn,
                        preferred_element_type=jnp.float32)
    o_ref[...] = h + b3_ref[...]


def _tc_mlp(x, acc, W1, b1, W2, b2, W3, b3):
    row_spec = pl.BlockSpec((BLK, DIM), lambda i: (i, 0))
    acc_spec = pl.BlockSpec((NUM_CORES, BLK, DIM), lambda i: (0, i, 0))
    w_spec = pl.BlockSpec((DIM, DIM), lambda i: (0, 0))
    b_spec = pl.BlockSpec((1, DIM), lambda i: (0, 0))
    return pl.pallas_call(
        _mlp_body,
        grid=(N_NODES // BLK,),
        in_specs=[row_spec, acc_spec,
                  w_spec, b_spec, w_spec, b_spec, w_spec, b_spec],
        out_specs=row_spec,
        out_shape=jax.ShapeDtypeStruct((N_NODES, DIM), jnp.float32),
    )(x, acc, W1, b1.reshape(1, DIM), W2, b2.reshape(1, DIM),
      W3, b3.reshape(1, DIM))


def kernel(x, edge_index, edge_attr, W1, b1, W2, b2, W3, b3):
    acc = _sc_edge_aggregate(x, edge_index, edge_attr)
    return _tc_mlp(x, acc, W1, b1, W2, b2, W3, b3)

# --- scband reference (transcript-rebuilt; emitter-appended) ---
"""Pipeline reference for scband-gineconv-mlp-38173669327254 (READ-ONLY COPY).

The authoritative reference and input builder live on the scoring server;
editing this copy changes nothing except your own understanding.
"""

import jax, jax.numpy as jnp
import numpy as np

N, E, D = 10000, 320000, 128
EPS = 0.0

def setup_inputs(seed: int = 0):
    key = jax.random.key(seed)
    ks = jax.random.split(key, 10)
    x = jax.random.normal(ks[0], (N, D), dtype=jnp.float32)
    edge_index = jax.random.randint(ks[1], (2, E), 0, N, dtype=jnp.int32)
    edge_attr = jax.random.normal(ks[2], (E, D), dtype=jnp.float32)
    s = 1.0 / np.sqrt(D)
    W1 = jax.random.normal(ks[3], (D, D), dtype=jnp.float32) * s
    b1 = jnp.zeros((D,), dtype=jnp.float32)
    W2 = jax.random.normal(ks[4], (D, D), dtype=jnp.float32) * s
    b2 = jnp.zeros((D,), dtype=jnp.float32)
    W3 = jax.random.normal(ks[5], (D, D), dtype=jnp.float32) * s
    b3 = jnp.zeros((D,), dtype=jnp.float32)
    return {"x": x, "edge_index": edge_index, "edge_attr": edge_attr,
            "W1": W1, "b1": b1, "W2": W2, "b2": b2, "W3": W3, "b3": b3}

def reference(x, edge_index, edge_attr, W1, b1, W2, b2, W3, b3):
    src = edge_index[0]
    dst = edge_index[1]
    # GINEConv message: ReLU(x_j + edge_attr), sum-aggregated at dst
    msg = jax.nn.relu(x[src] + edge_attr)
    aggr = jax.ops.segment_sum(msg, dst, num_segments=x.shape[0])
    h = (1.0 + EPS) * x + aggr
    # MLP: Linear -> ReLU -> Linear -> ReLU -> Linear
    h = jax.nn.relu(h @ W1 + b1)
    h = jax.nn.relu(h @ W2 + b2)
    out = h @ W3 + b3
    return out

if __name__ == "__main__":
    import jax
    _d = setup_inputs()
    print(jax.jit(kernel)(*tuple(_d.values())))

</pallas_src>

<mosaic_0001>
#map = affine_map<(d0, d1) -> (0, 0)>
#map1 = affine_map<(d0, d1) -> (0, 0, 0)>
module attributes {stable_mosaic.version = 14 : i64} {
  func.func @edge_kernel(%arg0: i32, %arg1: i32, %arg2: memref<10000x128xf32, #tpu.memory_space<hbm>>, %arg3: memref<2x320000xi32, #tpu.memory_space<hbm>>, %arg4: memref<320000x128xf32, #tpu.memory_space<hbm>>, %arg5: memref<2x10000x128xf32, #tpu.memory_space<hbm>>, %arg6: memref<10000x128xf32, #tpu.memory_space<vmem_shared>>, %arg7: memref<64x128xf32, #tpu.memory_space<vmem>>, %arg8: memref<64x128xf32, #tpu.memory_space<vmem>>, %arg9: memref<64x128xf32, #tpu.memory_space<vmem>>, %arg10: memref<64x128xf32, #tpu.memory_space<vmem>>, %arg11: memref<64x128xf32, #tpu.memory_space<vmem>>, %arg12: memref<64x128xf32, #tpu.memory_space<vmem>>, %arg13: memref<128xi32, #tpu.memory_space<vmem>>, %arg14: memref<128xi32, #tpu.memory_space<vmem>>, %arg15: memref<128xi32, #tpu.memory_space<vmem>>, %arg16: memref<128xi32, #tpu.memory_space<vmem>>, %arg17: memref<64xi32, #tpu.memory_space<vmem>>, %arg18: memref<64xi32, #tpu.memory_space<vmem>>, %arg19: memref<!tpu.dma_semaphore, #tpu.memory_space<semaphore_mem>>, %arg20: memref<!tpu.dma_semaphore, #tpu.memory_space<semaphore_mem>>, %arg21: memref<!tpu.dma_semaphore, #tpu.memory_space<semaphore_mem>>, %arg22: memref<!tpu.dma_semaphore, #tpu.memory_space<semaphore_mem>>, %arg23: memref<!tpu.dma_semaphore, #tpu.memory_space<semaphore_mem>>, %arg24: memref<!tpu.dma_semaphore, #tpu.memory_space<semaphore_mem>>, %arg25: memref<!tpu.dma_semaphore, #tpu.memory_space<semaphore_mem>>, %arg26: memref<!tpu.dma_semaphore, #tpu.memory_space<semaphore_mem>>) attributes {dimension_semantics = [#tpu.dimension_semantics<core_parallel>, #tpu.dimension_semantics<subcore_parallel>], iteration_bounds = array<i64: 2, 16>, scalar_prefetch = 0 : i64, scratch_operands = 21 : i64, tpu.core_type = #tpu.core_type<sc_vector_subcore>, window_params = [{transform_indices = #map}, {transform_indices = #map}, {transform_indices = #map}, {transform_indices = #map1}]} {
    %mul3A = arith.constant 16 : i32
    %mul3A_0 = arith.muli %arg0, %mul3A : i32
    %add3A = arith.addi %mul3A_0, %arg1 : i32
    %mul3A_1 = arith.constant 9984 : i32
    %mul3A_2 = arith.muli %mul3A_1, %add3A : i32
    %sub3A = arith.constant 28 : i32
    %sub3A_3 = arith.subi %add3A, %sub3A : i32
    %max3A = arith.constant 0 : i32
    %max3A_4 = arith.maxsi %sub3A_3, %max3A : i32
    %mul3A_5 = arith.constant 128 : i32
    %mul3A_6 = arith.muli %mul3A_5, %max3A_4 : i32
    %add3A_7 = arith.addi %mul3A_2, %mul3A_6 : i32
    %multiple_of3A = tpu.assume_multiple %add3A_7, 128 : i32
    %ge3A = arith.constant 28 : i32
    %ge3A_8 = arith.cmpi sge, %add3A, %ge3A : i32
    %jit3A = arith.constant 158 : i32
    %jit3A_9 = arith.constant 156 : i32
    %select_n3A = arith.select %ge3A_8, %jit3A, %jit3A_9 : i32
    %mul3A_10 = arith.constant 632 : i32
    %mul3A_11 = arith.muli %arg1, %mul3A_10 : i32
    %multiple_of3A_12 = tpu.assume_multiple %mul3A_11, 8 : i32
    %add3A_13 = arith.constant 0 : i32
    %add3A_14 = arith.addi %multiple_of3A, %add3A_13 : i32
    %multiple_of3A_15 = tpu.assume_multiple %add3A_14, 128 : i32
    %dma_start3A = arith.constant 0 : i32
    %dma_start3A_16 = tpu.memref_slice %arg3[%dma_start3A, %multiple_of3A_15] : memref<2x320000xi32, #tpu.memory_space<hbm>> -> memref<1x128xi32, #tpu.memory_space<hbm>>
    %dma_start3A_17 = tpu.memref_squeeze %dma_start3A_16 : memref<1x128xi32, #tpu.memory_space<hbm>> -> memref<128xi32, #tpu.memory_space<hbm>>
    %dma_start3A_18 = tpu.memref_slice %arg3[%dma_start3A, %multiple_of3A_15] : memref<2x320000xi32, #tpu.memory_space<hbm>> -> memref<1x128xi32, #tpu.memory_space<hbm>>
    %dma_start3A_19 = tpu.memref_squeeze %dma_start3A_18 : memref<1x128xi32, #tpu.memory_space<hbm>> -> memref<128xi32, #tpu.memory_space<hbm>>
    tpu.enqueue_dma source(%dma_start3A_19 : memref<128xi32, #tpu.memory_space<hbm>>) target(%arg13 : memref<128xi32, #tpu.memory_space<vmem>>) target_semaphore(%arg21 : memref<!tpu.dma_semaphore, #tpu.memory_space<semaphore_mem>>)
    %dma_start3A_20 = arith.constant 1 : i32
    %dma_start3A_21 = tpu.memref_slice %arg3[%dma_start3A_20, %multiple_of3A_15] : memref<2x320000xi32, #tpu.memory_space<hbm>> -> memref<1x128xi32, #tpu.memory_space<hbm>>
    %dma_start3A_22 = tpu.memref_squeeze %dma_start3A_21 : memref<1x128xi32, #tpu.memory_space<hbm>> -> memref<128xi32, #tpu.memory_space<hbm>>
    %dma_start3A_23 = tpu.memref_slice %arg3[%dma_start3A_20, %multiple_of3A_15] : memref<2x320000xi32, #tpu.memory_space<hbm>> -> memref<1x128xi32, #tpu.memory_space<hbm>>
    %dma_start3A_24 = tpu.memref_squeeze %dma_start3A_23 : memref<1x128xi32, #tpu.memory_space<hbm>> -> memref<128xi32, #tpu.memory_space<hbm>>
    tpu.enqueue_dma source(%dma_start3A_24 : memref<128xi32, #tpu.memory_space<hbm>>) target(%arg15 : memref<128xi32, #tpu.memory_space<vmem>>) target_semaphore(%arg23 : memref<!tpu.dma_semaphore, #tpu.memory_space<semaphore_mem>>)
    %add3A_25 = arith.constant 128 : i32
    %add3A_26 = arith.addi %multiple_of3A, %add3A_25 : i32
    %multiple_of3A_27 = tpu.assume_multiple %add3A_26, 128 : i32
    %dma_start3A_28 = arith.constant 0 : i32
    %dma_start3A_29 = tpu.memref_slice %arg3[%dma_start3A_28, %multiple_of3A_27] : memref<2x320000xi32, #tpu.memory_space<hbm>> -> memref<1x128xi32, #tpu.memory_space<hbm>>
    %dma_start3A_30 = tpu.memref_squeeze %dma_start3A_29 : memref<1x128xi32, #tpu.memory_space<hbm>> -> memref<128xi32, #tpu.memory_space<hbm>>
    %dma_start3A_31 = tpu.memref_slice %arg3[%dma_start3A_28, %multiple_of3A_27] : memref<2x320000xi32, #tpu.memory_space<hbm>> -> memref<1x128xi32, #tpu.memory_space<hbm>>
    %dma_start3A_32 = tpu.memref_squeeze %dma_start3A_31 : memref<1x128xi32, #tpu.memory_space<hbm>> -> memref<128xi32, #tpu.memory_space<hbm>>
    tpu.enqueue_dma source(%dma_start3A_32 : memref<128xi32, #tpu.memory_space<hbm>>) target(%arg14 : memref<128xi32, #tpu.memory_space<vmem>>) target_semaphore(%arg22 : memref<!tpu.dma_semaphore, #tpu.memory_space<semaphore_mem>>)
    %dma_start3A_33 = arith.constant 1 : i32
    %dma_start3A_34 = tpu.memref_slice %arg3[%dma_start3A_33, %multiple_of3A_27] : memref<2x320000xi32, #tpu.memory_space<hbm>> -> memref<1x128xi32, #tpu.memory_space<hbm>>
    %dma_start3A_35 = tpu.memref_squeeze %dma_start3A_34 : memref<1x128xi32, #tpu.memory_space<hbm>> -> memref<128xi32, #tpu.memory_space<hbm>>
    %dma_start3A_36 = tpu.memref_slice %arg3[%dma_start3A_33, %multiple_of3A_27] : memref<2x320000xi32, #tpu.memory_space<hbm>> -> memref<1x128xi32, #tpu.memory_space<hbm>>
    %dma_start3A_37 = tpu.memref_squeeze %dma_start3A_36 : memref<1x128xi32, #tpu.memory_space<hbm>> -> memref<128xi32, #tpu.memory_space<hbm>>
    tpu.enqueue_dma source(%dma_start3A_37 : memref<128xi32, #tpu.memory_space<hbm>>) target(%arg16 : memref<128xi32, #tpu.memory_space<vmem>>) target_semaphore(%arg24 : memref<!tpu.dma_semaphore, #tpu.memory_space<semaphore_mem>>)
    %add3A_38 = arith.constant 0 : i32
    %add3A_39 = arith.addi %multiple_of3A, %add3A_38 : i32
    %multiple_of3A_40 = tpu.assume_multiple %add3A_39, 128 : i32
    %dma_wait3A = arith.constant 0 : i32
    %dma_wait3A_41 = tpu.memref_slice %arg3[%dma_wait3A, %multiple_of3A_40] : memref<2x320000xi32, #tpu.memory_space<hbm>> -> memref<1x128xi32, #tpu.memory_space<hbm>>
    %dma_wait3A_42 = tpu.memref_squeeze %dma_wait3A_41 : memref<1x128xi32, #tpu.memory_space<hbm>> -> memref<128xi32, #tpu.memory_space<hbm>>
    %dma_wait3A_43 = tpu.memref_slice %arg3[%dma_wait3A, %multiple_of3A_40] : memref<2x320000xi32, #tpu.memory_space<hbm>> -> memref<1x128xi32, #tpu.memory_space<hbm>>
    %dma_wait3A_44 = tpu.memref_squeeze %dma_wait3A_43 : memref<1x128xi32, #tpu.memory_space<hbm>> -> memref<128xi32, #tpu.memory_space<hbm>>
    tpu.wait_dma2 semaphore(%arg21 : memref<!tpu.dma_semaphore, #tpu.memory_space<semaphore_mem>>) src(%dma_wait3A_44 : memref<128xi32, #tpu.memory_space<hbm>>) dst(%arg13 : memref<128xi32, #tpu.memory_space<vmem>>)
    %dma_start3A_45 = arith.constant 0 : i32
    %dma_start3A_46 = tpu.memref_slice %arg13[%dma_start3A_45] : memref<128xi32, #tpu.memory_space<vmem>> -> memref<64xi32, #tpu.memory_space<vmem>>
    %dma_start3A_47 = arith.constant 0 : i32
    %dma_start3A_48 = arith.constant 0 : i32
    %dma_start3A_49 = tpu.memref_slice %arg2[%dma_start3A_47, %dma_start3A_48] : memref<10000x128xf32, #tpu.memory_space<hbm>> -> memref<10000x128xf32, #tpu.memory_space<hbm>>
    tpu.enqueue_indirect_dma source(%dma_start3A_49 : memref<10000x128xf32, #tpu.memory_space<hbm>>) target(%arg7 : memref<64x128xf32, #tpu.memory_space<vmem>>) offsets(%dma_start3A_46 : memref<64xi32, #tpu.memory_space<vmem>>) semaphore(%arg19 : memref<!tpu.dma_semaphore, #tpu.memory_space<semaphore_mem>>)
    %add3A_50 = arith.constant 0 : i32
    %add3A_51 = arith.addi %multiple_of3A, %add3A_50 : i32
    %multiple_of3A_52 = tpu.assume_multiple %add3A_51, 64 : i32
    %dma_start3A_53 = arith.constant 0 : i32
    %dma_start3A_54 = tpu.memref_slice %arg4[%multiple_of3A_52, %dma_start3A_53] : memref<320000x128xf32, #tpu.memory_space<hbm>> -> memref<64x128xf32, #tpu.memory_space<hbm>>
    %dma_start3A_55 = arith.constant 0 : i32
    %dma_start3A_56 = tpu.memref_slice %arg4[%multiple_of3A_52, %dma_start3A_55] : memref<320000x128xf32, #tpu.memory_space<hbm>> -> memref<64x128xf32, #tpu.memory_space<hbm>>
    tpu.enqueue_dma source(%dma_start3A_56 : memref<64x128xf32, #tpu.memory_space<hbm>>) target(%arg9 : memref<64x128xf32, #tpu.memory_space<vmem>>) target_semaphore(%arg19 : memref<!tpu.dma_semaphore, #tpu.memory_space<semaphore_mem>>)
    %dma_start3A_57 = arith.constant 64 : i32
    %dma_start3A_58 = tpu.memref_slice %arg13[%dma_start3A_57] : memref<128xi32, #tpu.memory_space<vmem>> -> memref<64xi32, #tpu.memory_space<vmem>>
    %dma_start3A_59 = arith.constant 0 : i32
    %dma_start3A_60 = arith.constant 0 : i32
    %dma_start3A_61 = tpu.memref_slice %arg2[%dma_start3A_59, %dma_start3A_60] : memref<10000x128xf32, #tpu.memory_space<hbm>> -> memref<10000x128xf32, #tpu.memory_space<hbm>>
    tpu.enqueue_indirect_dma source(%dma_start3A_61 : memref<10000x128xf32, #tpu.memory_space<hbm>>) target(%arg8 : memref<64x128xf32, #tpu.memory_space<vmem>>) offsets(%dma_start3A_58 : memref<64xi32, #tpu.memory_space<vmem>>) semaphore(%arg20 : memref<!tpu.dma_semaphore, #tpu.memory_space<semaphore_mem>>)
    %add3A_62 = arith.constant 64 : i32
    %add3A_63 = arith.addi %multiple_of3A, %add3A_62 : i32
    %multiple_of3A_64 = tpu.assume_multiple %add3A_63, 64 : i32
    %dma_start3A_65 = arith.constant 0 : i32
    %dma_start3A_66 = tpu.memref_slice %arg4[%multiple_of3A_64, %dma_start3A_65] : memref<320000x128xf32, #tpu.memory_space<hbm>> -> memref<64x128xf32, #tpu.memory_space<hbm>>
    %dma_start3A_67 = arith.constant 0 : i32
    %dma_start3A_68 = tpu.memref_slice %arg4[%multiple_of3A_64, %dma_start3A_67] : memref<320000x128xf32, #tpu.memory_space<hbm>> -> memref<64x128xf32, #tpu.memory_space<hbm>>
    tpu.enqueue_dma source(%dma_start3A_68 : memref<64x128xf32, #tpu.memory_space<hbm>>) target(%arg10 : memref<64x128xf32, #tpu.memory_space<vmem>>) target_semaphore(%arg20 : memref<!tpu.dma_semaphore, #tpu.memory_space<semaphore_mem>>)
    %lt3A = arith.constant 15 : i32
    %lt3A_69 = arith.cmpi slt, %arg1, %lt3A : i32
    %convert_element_type3A = arith.extui %lt3A_69 : i1 to i32
    %cond3A = arith.constant 0 : i32
    %cond3A_70 = arith.cmpi ne, %convert_element_type3A, %cond3A : i32
    scf.if %cond3A_70 {
      "tpu.region"() ({
        %run_scoped3A = tpu.sem_alloc : memref<!tpu.dma_semaphore, #tpu.memory_space<semaphore_mem>>
        %dma_start3A_101 = arith.constant 0 : i32
        %dma_start3A_102 = tpu.memref_slice %arg6[%multiple_of3A_12, %dma_start3A_101] : memref<10000x128xf32, #tpu.memory_space<vmem_shared>> -> memref<632x128xf32, #tpu.memory_space<vmem_shared>>
        %dma_start3A_103 = arith.constant 0 : i32
        %dma_start3A_104 = tpu.memref_slice %arg2[%multiple_of3A_12, %dma_start3A_103] : memref<10000x128xf32, #tpu.memory_space<hbm>> -> memref<632x128xf32, #tpu.memory_space<hbm>>
        tpu.enqueue_dma source(%dma_start3A_104 : memref<632x128xf32, #tpu.memory_space<hbm>>) target(%dma_start3A_102 : memref<632x128xf32, #tpu.memory_space<vmem_shared>>) target_semaphore(%run_scoped3A : memref<!tpu.dma_semaphore, #tpu.memory_space<semaphore_mem>>)
        %dma_wait3A_105 = arith.constant 0 : i32
        %dma_wait3A_106 = tpu.memref_slice %arg6[%multiple_of3A_12, %dma_wait3A_105] : memref<10000x128xf32, #tpu.memory_space<vmem_shared>> -> memref<632x128xf32, #tpu.memory_space<vmem_shared>>
        %dma_wait3A_107 = arith.constant 0 : i32
        %dma_wait3A_108 = tpu.memref_slice %arg2[%multiple_of3A_12, %dma_wait3A_107] : memref<10000x128xf32, #tpu.memory_space<hbm>> -> memref<632x128xf32, #tpu.memory_space<hbm>>
        tpu.wait_dma2 semaphore(%run_scoped3A : memref<!tpu.dma_semaphore, #tpu.memory_space<semaphore_mem>>) src(%dma_wait3A_108 : memref<632x128xf32, #tpu.memory_space<hbm>>) dst(%dma_wait3A_106 : memref<632x128xf32, #tpu.memory_space<vmem_shared>>)
        tpu.yield
      }) : () -> ()
    } else {
    }
    %eq3A = arith.constant 15 : i32
    %eq3A_71 = arith.cmpi eq, %arg1, %eq3A : i32
    %convert_element_type3A_72 = arith.extui %eq3A_71 : i1 to i32
    %cond3A_73 = arith.constant 0 : i32
    %cond3A_74 = arith.cmpi ne, %convert_element_type3A_72, %cond3A_73 : i32
    scf.if %cond3A_74 {
      "tpu.region"() ({
        %run_scoped3A = tpu.sem_alloc : memref<!tpu.dma_semaphore, #tpu.memory_space<semaphore_mem>>
        %dma_start3A_101 = arith.constant 9480 : i32
        %dma_start3A_102 = arith.constant 0 : i32
        %dma_start3A_103 = tpu.memref_slice %arg6[%dma_start3A_101, %dma_start3A_102] : memref<10000x128xf32, #tpu.memory_space<vmem_shared>> -> memref<520x128xf32, #tpu.memory_space<vmem_shared>>
        %dma_start3A_104 = arith.constant 9480 : i32
        %dma_start3A_105 = arith.constant 0 : i32
        %dma_start3A_106 = tpu.memref_slice %arg2[%dma_start3A_104, %dma_start3A_105] : memref<10000x128xf32, #tpu.memory_space<hbm>> -> memref<520x128xf32, #tpu.memory_space<hbm>>
        tpu.enqueue_dma source(%dma_start3A_106 : memref<520x128xf32, #tpu.memory_space<hbm>>) target(%dma_start3A_103 : memref<520x128xf32, #tpu.memory_space<vmem_shared>>) target_semaphore(%run_scoped3A : memref<!tpu.dma_semaphore, #tpu.memory_space<semaphore_mem>>)
        %dma_wait3A_107 = arith.constant 9480 : i32
        %dma_wait3A_108 = arith.constant 0 : i32
        %dma_wait3A_109 = tpu.memref_slice %arg6[%dma_wait3A_107, %dma_wait3A_108] : memref<10000x128xf32, #tpu.memory_space<vmem_shared>> -> memref<520x128xf32, #tpu.memory_space<vmem_shared>>
        %dma_wait3A_110 = arith.constant 9480 : i32
        %dma_wait3A_111 = arith.constant 0 : i32
        %dma_wait3A_112 = tpu.memref_slice %arg2[%dma_wait3A_110, %dma_wait3A_111] : memref<10000x128xf32, #tpu.memory_space<hbm>> -> memref<520x128xf32, #tpu.memory_space<hbm>>
        tpu.wait_dma2 semaphore(%run_scoped3A : memref<!tpu.dma_semaphore, #tpu.memory_space<semaphore_mem>>) src(%dma_wait3A_112 : memref<520x128xf32, #tpu.memory_space<hbm>>) dst(%dma_wait3A_109 : memref<520x128xf32, #tpu.memory_space<vmem_shared>>)
        tpu.yield
      }) : () -> ()
    } else {
    }
    %barrier3A = arith.constant 0 : index
    tpu.barrier barrier_id(%barrier3A)
    %scan3A = arith.constant 0 : i32
    %scan3A_75 = arith.constant 39 : i32
    %scan3A_76 = arith.addi %scan3A, %scan3A_75 : i32
    %scan3A_77 = arith.constant 1 : i32
    scf.for %scan3A_101 = %scan3A to %scan3A_76 step %scan3A_77  : i32 {
      %mul3A_102 = arith.constant 1 : i32
      %mul3A_103 = arith.muli %scan3A_101, %mul3A_102 : i32
      %add3A_104 = arith.constant 0 : i32
      %add3A_105 = arith.addi %add3A_104, %mul3A_103 : i32
      %mul3A_106 = arith.constant 4 : i32
      %mul3A_107 = arith.muli %mul3A_106, %add3A_105 : i32
      %add3A_108 = arith.constant 0 : i32
      %add3A_109 = arith.addi %mul3A_107, %add3A_108 : i32
      %dma_wait3A_110 = arith.constant 0 : i32
      %dma_wait3A_111 = tpu.memref_slice %arg13[%dma_wait3A_110] : memref<128xi32, #tpu.memory_space<vmem>> -> memref<64xi32, #tpu.memory_space<vmem>>
      %dma_wait3A_112 = arith.constant 0 : i32
      %dma_wait3A_113 = arith.constant 0 : i32
      %dma_wait3A_114 = tpu.memref_slice %arg2[%dma_wait3A_112, %dma_wait3A_113] : memref<10000x128xf32, #tpu.memory_space<hbm>> -> memref<10000x128xf32, #tpu.memory_space<hbm>>
      tpu.wait_indirect_dma semaphore(%arg19 : memref<!tpu.dma_semaphore, #tpu.memory_space<semaphore_mem>>) src(%dma_wait3A_114 : memref<10000x128xf32, #tpu.memory_space<hbm>>) dst(%arg7 : memref<64x128xf32, #tpu.memory_space<vmem>>)
      %mul3A_115 = arith.constant 64 : i32
      %mul3A_116 = arith.muli %add3A_109, %mul3A_115 : i32
      %add3A_117 = arith.addi %multiple_of3A, %mul3A_116 : i32
      %multiple_of3A_118 = tpu.assume_multiple %add3A_117, 64 : i32
      %dma_wait3A_119 = arith.constant 0 : i32
      %dma_wait3A_120 = tpu.memref_slice %arg4[%multiple_of3A_118, %dma_wait3A_119] : memref<320000x128xf32, #tpu.memory_space<hbm>> -> memref<64x128xf32, #tpu.memory_space<hbm>>
      %dma_wait3A_121 = arith.constant 0 : i32
      %dma_wait3A_122 = tpu.memref_slice %arg4[%multiple_of3A_118, %dma_wait3A_121] : memref<320000x128xf32, #tpu.memory_space<hbm>> -> memref<64x128xf32, #tpu.memory_space<hbm>>
      tpu.wait_dma2 semaphore(%arg19 : memref<!tpu.dma_semaphore, #tpu.memory_space<semaphore_mem>>) src(%dma_wait3A_122 : memref<64x128xf32, #tpu.memory_space<hbm>>) dst(%arg9 : memref<64x128xf32, #tpu.memory_space<vmem>>)
      %ge3A_123 = arith.constant 2 : i32
      %ge3A_124 = arith.cmpi sge, %add3A_109, %ge3A_123 : i32
      %convert_element_type3A_125 = arith.extui %ge3A_124 : i1 to i32
      %cond3A_126 = arith.constant 0 : i32
      %cond3A_127 = arith.cmpi ne, %convert_element_type3A_125, %cond3A_126 : i32
      scf.if %cond3A_127 {
        %dma_wait3A_418 = arith.constant 0 : i32
        %dma_wait3A_419 = arith.constant 0 : i32
        %dma_wait3A_420 = tpu.memref_slice %arg6[%dma_wait3A_418, %dma_wait3A_419] : memref<10000x128xf32, #tpu.memory_space<vmem_shared>> -> memref<10000x128xf32, #tpu.memory_space<vmem_shared>>
        tpu.wait_indirect_dma semaphore(%arg25 : memref<!tpu.dma_semaphore, #tpu.memory_space<semaphore_mem>>) src(%arg11 : memref<64x128xf32, #tpu.memory_space<vmem>>) dst(%dma_wait3A_420 : memref<10000x128xf32, #tpu.memory_space<vmem_shared>>)
      } else {
      }
      %jit3A_128 = arith.constant 2 : i32
      %div3A = arith.divsi %add3A_109, %jit3A_128 : i32
      %sign3A = arith.constant 0 : i32
      %sign3A_129 = arith.cmpi sgt, %add3A_109, %sign3A : i32
      %sign3A_130 = arith.extui %sign3A_129 : i1 to i32
      %sign3A_131 = arith.constant 0 : i32
      %sign3A_132 = arith.cmpi slt, %add3A_109, %sign3A_131 : i32
      %sign3A_133 = arith.extui %sign3A_132 : i1 to i32
      %sign3A_134 = arith.subi %sign3A_130, %sign3A_133 : i32
      %sign3A_135 = arith.constant 0 : i32
      %sign3A_136 = arith.cmpi sgt, %jit3A_128, %sign3A_135 : i32
      %sign3A_137 = arith.extui %sign3A_136 : i1 to i32
      %sign3A_138 = arith.constant 0 : i32
      %sign3A_139 = arith.cmpi slt, %jit3A_128, %sign3A_138 : i32
      %sign3A_140 = arith.extui %sign3A_139 : i1 to i32
      %sign3A_141 = arith.subi %sign3A_137, %sign3A_140 : i32
      %ne3A = arith.cmpi ne, %sign3A_134, %sign3A_141 : i32
      %rem3A = arith.remsi %add3A_109, %jit3A_128 : i32
      %ne3A_142 = arith.constant 0 : i32
      %ne3A_143 = arith.cmpi ne, %rem3A, %ne3A_142 : i32
      %and3A = arith.andi %ne3A, %ne3A_143 : i1
      %sub3A_144 = arith.constant 1 : i32
      %sub3A_145 = arith.subi %div3A, %sub3A_144 : i32
      %select_n3A_146 = arith.select %and3A, %sub3A_145, %div3A : i32
      %mul3A_147 = arith.constant 128 : i32
      %mul3A_148 = arith.muli %select_n3A_146, %mul3A_147 : i32
      %add3A_149 = arith.addi %multiple_of3A, %mul3A_148 : i32
      %multiple_of3A_150 = tpu.assume_multiple %add3A_149, 128 : i32
      %dma_wait3A_151 = arith.constant 1 : i32
      %dma_wait3A_152 = tpu.memref_slice %arg3[%dma_wait3A_151, %multiple_of3A_150] : memref<2x320000xi32, #tpu.memory_space<hbm>> -> memref<1x128xi32, #tpu.memory_space<hbm>>
      %dma_wait3A_153 = tpu.memref_squeeze %dma_wait3A_152 : memref<1x128xi32, #tpu.memory_space<hbm>> -> memref<128xi32, #tpu.memory_space<hbm>>
      %dma_wait3A_154 = tpu.memref_slice %arg3[%dma_wait3A_151, %multiple_of3A_150] : memref<2x320000xi32, #tpu.memory_space<hbm>> -> memref<1x128xi32, #tpu.memory_space<hbm>>
      %dma_wait3A_155 = tpu.memref_squeeze %dma_wait3A_154 : memref<1x128xi32, #tpu.memory_space<hbm>> -> memref<128xi32, #tpu.memory_space<hbm>>
      tpu.wait_dma2 semaphore(%arg23 : memref<!tpu.dma_semaphore, #tpu.memory_space<semaphore_mem>>) src(%dma_wait3A_155 : memref<128xi32, #tpu.memory_space<hbm>>) dst(%arg15 : memref<128xi32, #tpu.memory_space<vmem>>)
      %get3A = arith.constant 0 : index
      %get3A_156 = tpu.vector_load %arg15[%get3A] {strides = array<i32>} : memref<128xi32, #tpu.memory_space<vmem>>, vector<16xi32>,
      %get3A_157 = vector.shape_cast %get3A_156 : vector<16xi32> to vector<16xi32>
      %swap3A = arith.constant 0 : index
      %swap3A_158 = tpu.vector_load %arg17[%swap3A] {strides = array<i32>} : memref<64xi32, #tpu.memory_space<vmem>>, vector<16xi32>,
      %swap3A_159 = vector.shape_cast %swap3A_158 : vector<16xi32> to vector<16xi32>
      %swap3A_160 = vector.shape_cast %get3A_157 : vector<16xi32> to vector<16xi32>
      tpu.vector_store %arg17[%swap3A], %swap3A_160 {strides = array<i32>} : memref<64xi32, #tpu.memory_space<vmem>>, vector<16xi32>,
      %get3A_161 = arith.constant 16 : index
      %get3A_162 = tpu.vector_load %arg15[%get3A_161] {strides = array<i32>} : memref<128xi32, #tpu.memory_space<vmem>>, vector<16xi32>,
      %get3A_163 = vector.shape_cast %get3A_162 : vector<16xi32> to vector<16xi32>
      %swap3A_164 = arith.constant 16 : index
      %swap3A_165 = tpu.vector_load %arg17[%swap3A_164] {strides = array<i32>} : memref<64xi32, #tpu.memory_space<vmem>>, vector<16xi32>,
      %swap3A_166 = vector.shape_cast %swap3A_165 : vector<16xi32> to vector<16xi32>
      %swap3A_167 = vector.shape_cast %get3A_163 : vector<16xi32> to vector<16xi32>
      tpu.vector_store %arg17[%swap3A_164], %swap3A_167 {strides = array<i32>} : memref<64xi32, #tpu.memory_space<vmem>>, vector<16xi32>,
      %get3A_168 = arith.constant 32 : index
      %get3A_169 = tpu.vector_load %arg15[%get3A_168] {strides = array<i32>} : memref<128xi32, #tpu.memory_space<vmem>>, vector<16xi32>,
      %get3A_170 = vector.shape_cast %get3A_169 : vector<16xi32> to vector<16xi32>
      %swap3A_171 = arith.constant 32 : index
      %swap3A_172 = tpu.vector_load %arg17[%swap3A_171] {strides = array<i32>} : memref<64xi32, #tpu.memory_space<vmem>>, vector<16xi32>,
      %swap3A_173 = vector.shape_cast %swap3A_172 : vector<16xi32> to vector<16xi32>
      %swap3A_174 = vector.shape_cast %get3A_170 : vector<16xi32> to vector<16xi32>
      tpu.vector_store %arg17[%swap3A_171], %swap3A_174 {strides = array<i32>} : memref<64xi32, #tpu.memory_space<vmem>>, vector<16xi32>,
      %get3A_175 = arith.constant 48 : index
      %get3A_176 = tpu.vector_load %arg15[%get3A_175] {strides = array<i32>} : memref<128xi32, #tpu.memory_space<vmem>>, vector<16xi32>,
      %get3A_177 = vector.shape_cast %get3A_176 : vector<16xi32> to vector<16xi32>
      %swap3A_178 = arith.constant 48 : index
      %swap3A_179 = tpu.vector_load %arg17[%swap3A_178] {strides = array<i32>} : memref<64xi32, #tpu.memory_space<vmem>>, vector<16xi32>,
      %swap3A_180 = vector.shape_cast %swap3A_179 : vector<16xi32> to vector<16xi32>
      %swap3A_181 = vector.shape_cast %get3A_177 : vector<16xi32> to vector<16xi32>
      tpu.vector_store %arg17[%swap3A_178], %swap3A_181 {strides = array<i32>} : memref<64xi32, #tpu.memory_space<vmem>>, vector<16xi32>,
      %parallel_loop3A = arith.constant 0 : i32
      %parallel_loop3A_182 = arith.constant 64 : i32
      %parallel_loop3A_183 = arith.constant 1 : i32
      scf.for %parallel_loop3A_418 = %parallel_loop3A to %parallel_loop3A_182 step %parallel_loop3A_183  : i32 {
        %parallel_loop3A_419 = arith.index_cast %parallel_loop3A_418 : i32 to index
        %parallel_loop3A_420 = arith.constant 0 : index
        %parallel_loop3A_421 = tpu.vector_load %arg7[%parallel_loop3A_419, %parallel_loop3A_420] {strides = array<i32>} : memref<64x128xf32, #tpu.memory_space<vmem>>, vector<1x16xf32>,
        %parallel_loop3A_422 = vector.shape_cast %parallel_loop3A_421 : vector<1x16xf32> to vector<1x16xf32>
        %parallel_loop3A_423 = arith.index_cast %parallel_loop3A_418 : i32 to index
        %parallel_loop3A_424 = arith.constant 0 : index
        %parallel_loop3A_425 = tpu.vector_load %arg9[%parallel_loop3A_423, %parallel_loop3A_424] {strides = array<i32>} : memref<64x128xf32, #tpu.memory_space<vmem>>, vector<1x16xf32>,
        %parallel_loop3A_426 = vector.shape_cast %parallel_loop3A_425 : vector<1x16xf32> to vector<1x16xf32>
        %parallel_loop3A_427 = arith.addf %parallel_loop3A_422, %parallel_loop3A_426 : vector<1x16xf32>
        %parallel_loop3A_428 = arith.constant 0.000000e+00 : f32
        %parallel_loop3A_429 = vector.broadcast %parallel_loop3A_428 : f32 to vector<1x16xf32>
        %parallel_loop3A_430 = arith.maximumf %parallel_loop3A_427, %parallel_loop3A_429 : vector<1x16xf32>
        %parallel_loop3A_431 = arith.index_cast %parallel_loop3A_418 : i32 to index
        %parallel_loop3A_432 = arith.constant 0 : index
        %parallel_loop3A_433 = tpu.vector_load %arg11[%parallel_loop3A_431, %parallel_loop3A_432] {strides = array<i32>} : memref<64x128xf32, #tpu.memory_space<vmem>>, vector<1x16xf32>,
        %parallel_loop3A_434 = vector.shape_cast %parallel_loop3A_433 : vector<1x16xf32> to vector<1x16xf32>
        %parallel_loop3A_435 = vector.shape_cast %parallel_loop3A_430 : vector<1x16xf32> to vector<1x16xf32>
        tpu.vector_store %arg11[%parallel_loop3A_431, %parallel_loop3A_432], %parallel_loop3A_435 {strides = array<i32>} : memref<64x128xf32, #tpu.memory_space<vmem>>, vector<1x16xf32>,
        %parallel_loop3A_436 = arith.index_cast %parallel_loop3A_418 : i32 to index
        %parallel_loop3A_437 = arith.constant 16 : index
        %parallel_loop3A_438 = tpu.vector_load %arg7[%parallel_loop3A_436, %parallel_loop3A_437] {strides = array<i32>} : memref<64x128xf32, #tpu.memory_space<vmem>>, vector<1x16xf32>,
        %parallel_loop3A_439 = vector.shape_cast %parallel_loop3A_438 : vector<1x16xf32> to vector<1x16xf32>
        %parallel_loop3A_440 = arith.index_cast %parallel_loop3A_418 : i32 to index
        %parallel_loop3A_441 = arith.constant 16 : index
        %parallel_loop3A_442 = tpu.vector_load %arg9[%parallel_loop3A_440, %parallel_loop3A_441] {strides = array<i32>} : memref<64x128xf32, #tpu.memory_space<vmem>>, vector<1x16xf32>,
        %parallel_loop3A_443 = vector.shape_cast %parallel_loop3A_442 : vector<1x16xf32> to vector<1x16xf32>
        %parallel_loop3A_444 = arith.addf %parallel_loop3A_439, %parallel_loop3A_443 : vector<1x16xf32>
        %parallel_loop3A_445 = arith.constant 0.000000e+00 : f32
        %parallel_loop3A_446 = vector.broadcast %parallel_loop3A_445 : f32 to vector<1x16xf32>
        %parallel_loop3A_447 = arith.maximumf %parallel_loop3A_444, %parallel_loop3A_446 : vector<1x16xf32>
        %parallel_loop3A_448 = arith.index_cast %parallel_loop3A_418 : i32 to index
        %parallel_loop3A_449 = arith.constant 16 : index
        %parallel_loop3A_450 = tpu.vector_load %arg11[%parallel_loop3A_448, %parallel_loop3A_449] {strides = array<i32>} : memref<64x128xf32, #tpu.memory_space<vmem>>, vector<1x16xf32>,
        %parallel_loop3A_451 = vector.shape_cast %parallel_loop3A_450 : vector<1x16xf32> to vector<1x16xf32>
        %parallel_loop3A_452 = vector.shape_cast %parallel_loop3A_447 : vector<1x16xf32> to vector<1x16xf32>
        tpu.vector_store %arg11[%parallel_loop3A_448, %parallel_loop3A_449], %parallel_loop3A_452 {strides = array<i32>} : memref<64x128xf32, #tpu.memory_space<vmem>>, vector<1x16xf32>,
        %parallel_loop3A_453 = arith.index_cast %parallel_loop3A_418 : i32 to index
        %parallel_loop3A_454 = arith.constant 32 : index
        %parallel_loop3A_455 = tpu.vector_load %arg7[%parallel_loop3A_453, %parallel_loop3A_454] {strides = array<i32>} : memref<64x128xf32, #tpu.memory_space<vmem>>, vector<1x16xf32>,
        %parallel_loop3A_456 = vector.shape_cast %parallel_loop3A_455 : vector<1x16xf32> to vector<1x16xf32>
        %parallel_loop3A_457 = arith.index_cast %parallel_loop3A_418 : i32 to index
        %parallel_loop3A_458 = arith.constant 32 : index
        %parallel_loop3A_459 = tpu.vector_load %arg9[%parallel_loop3A_457, %parallel_loop3A_458] {strides = array<i32>} : memref<64x128xf32, #tpu.memory_space<vmem>>, vector<1x16xf32>,
        %parallel_loop3A_460 = vector.shape_cast %parallel_loop3A_459 : vector<1x16xf32> to vector<1x16xf32>
        %parallel_loop3A_461 = arith.addf %parallel_loop3A_456, %parallel_loop3A_460 : vector<1x16xf32>
        %parallel_loop3A_462 = arith.constant 0.000000e+00 : f32
        %parallel_loop3A_463 = vector.broadcast %parallel_loop3A_462 : f32 to vector<1x16xf32>
        %parallel_loop3A_464 = arith.maximumf %parallel_loop3A_461, %parallel_loop3A_463 : vector<1x16xf32>
        %parallel_loop3A_465 = arith.index_cast %parallel_loop3A_418 : i32 to index
        %parallel_loop3A_466 = arith.constant 32 : index
        %parallel_loop3A_467 = tpu.vector_load %arg11[%parallel_loop3A_465, %parallel_loop3A_466] {strides = array<i32>} : memref<64x128xf32, #tpu.memory_space<vmem>>, vector<1x16xf32>,
        %parallel_loop3A_468 = vector.shape_cast %parallel_loop3A_467 : vector<1x16xf32> to vector<1x16xf32>
        %parallel_loop3A_469 = vector.shape_cast %parallel_loop3A_464 : vector<1x16xf32> to vector<1x16xf32>
        tpu.vector_store %arg11[%parallel_loop3A_465, %parallel_loop3A_466], %parallel_loop3A_469 {strides = array<i32>} : memref<64x128xf32, #tpu.memory_space<vmem>>, vector<1x16xf32>,
        %parallel_loop3A_470 = arith.index_cast %parallel_loop3A_418 : i32 to index
        %parallel_loop3A_471 = arith.constant 48 : index
        %parallel_loop3A_472 = tpu.vector_load %arg7[%parallel_loop3A_470, %parallel_loop3A_471] {strides = array<i32>} : memref<64x128xf32, #tpu.memory_space<vmem>>, vector<1x16xf32>,
        %parallel_loop3A_473 = vector.shape_cast %parallel_loop3A_472 : vector<1x16xf32> to vector<1x16xf32>
        %parallel_loop3A_474 = arith.index_cast %parallel_loop3A_418 : i32 to index
        %parallel_loop3A_475 = arith.constant 48 : index
        %parallel_loop3A_476 = tpu.vector_load %arg9[%parallel_loop3A_474, %parallel_loop3A_475] {strides = array<i32>} : memref<64x128xf32, #tpu.memory_space<vmem>>, vector<1x16xf32>,
        %parallel_loop3A_477 = vector.shape_cast %parallel_loop3A_476 : vector<1x16xf32> to vector<1x16xf32>
        %parallel_loop3A_478 = arith.addf %parallel_loop3A_473, %parallel_loop3A_477 : vector<1x16xf32>
        %parallel_loop3A_479 = arith.constant 0.000000e+00 : f32
        %parallel_loop3A_480 = vector.broadcast %parallel_loop3A_479 : f32 to vector<1x16xf32>
        %parallel_loop3A_481 = arith.maximumf %parallel_loop3A_478, %parallel_loop3A_480 : vector<1x16xf32>
        %parallel_loop3A_482 = arith.index_cast %parallel_loop3A_418 : i32 to index
        %parallel_loop3A_483 = arith.constant 48 : index
        %parallel_loop3A_484 = tpu.vector_load %arg11[%parallel_loop3A_482, %parallel_loop3A_483] {strides = array<i32>} : memref<64x128xf32, #tpu.memory_space<vmem>>, vector<1x16xf32>,
        %parallel_loop3A_485 = vector.shape_cast %parallel_loop3A_484 : vector<1x16xf32> to vector<1x16xf32>
        %parallel_loop3A_486 = vector.shape_cast %parallel_loop3A_481 : vector<1x16xf32> to vector<1x16xf32>
        tpu.vector_store %arg11[%parallel_loop3A_482, %parallel_loop3A_483], %parallel_loop3A_486 {strides = array<i32>} : memref<64x128xf32, #tpu.memory_space<vmem>>, vector<1x16xf32>,
        %parallel_loop3A_487 = arith.index_cast %parallel_loop3A_418 : i32 to index
        %parallel_loop3A_488 = arith.constant 64 : index
        %parallel_loop3A_489 = tpu.vector_load %arg7[%parallel_loop3A_487, %parallel_loop3A_488] {strides = array<i32>} : memref<64x128xf32, #tpu.memory_space<vmem>>, vector<1x16xf32>,
        %parallel_loop3A_490 = vector.shape_cast %parallel_loop3A_489 : vector<1x16xf32> to vector<1x16xf32>
        %parallel_loop3A_491 = arith.index_cast %parallel_loop3A_418 : i32 to index
        %parallel_loop3A_492 = arith.constant 64 : index
        %parallel_loop3A_493 = tpu.vector_load %arg9[%parallel_loop3A_491, %parallel_loop3A_492] {strides = array<i32>} : memref<64x128xf32, #tpu.memory_space<vmem>>, vector<1x16xf32>,
        %parallel_loop3A_494 = vector.shape_cast %parallel_loop3A_493 : vector<1x16xf32> to vector<1x16xf32>
        %parallel_loop3A_495 = arith.addf %parallel_loop3A_490, %parallel_loop3A_494 : vector<1x16xf32>
        %parallel_loop3A_496 = arith.constant 0.000000e+00 : f32
        %parallel_loop3A_497 = vector.broadcast %parallel_loop3A_496 : f32 to vector<1x16xf32>
        %parallel_loop3A_498 = arith.maximumf %parallel_loop3A_495, %parallel_loop3A_497 : vector<1x16xf32>
        %parallel_loop3A_499 = arith.index_cast %parallel_loop3A_418 : i32 to index
        %parallel_loop3A_500 = arith.constant 64 : index
        %parallel_loop3A_501 = tpu.vector_load %arg11[%parallel_loop3A_499, %parallel_loop3A_500] {strides = array<i32>} : memref<64x128xf32, #tpu.memory_space<vmem>>, vector<1x16xf32>,
        %parallel_loop3A_502 = vector.shape_cast %parallel_loop3A_501 : vector<1x16xf32> to vector<1x16xf32>
        %parallel_loop3A_503 = vector.shape_cast %parallel_loop3A_498 : vector<1x16xf32> to vector<1x16xf32>
        tpu.vector_store %arg11[%parallel_loop3A_499, %parallel_loop3A_500], %parallel_loop3A_503 {strides = array<i32>} : memref<64x128xf32, #tpu.memory_space<vmem>>, vector<1x16xf32>,
        %parallel_loop3A_504 = arith.index_cast %parallel_loop3A_418 : i32 to index
        %parallel_loop3A_505 = arith.constant 80 : index
        %parallel_loop3A_506 = tpu.vector_load %arg7[%parallel_loop3A_504, %parallel_loop3A_505] {strides = array<i32>} : memref<64x128xf32, #tpu.memory_space<vmem>>, vector<1x16xf32>,
        %parallel_loop3A_507 = vector.shape_cast %parallel_loop3A_506 : vector<1x16xf32> to vector<1x16xf32>
        %parallel_loop3A_508 = arith.index_cast %parallel_loop3A_418 : i32 to index
        %parallel_loop3A_509 = arith.constant 80 : index
        %parallel_loop3A_510 = tpu.vector_load %arg9[%parallel_loop3A_508, %parallel_loop3A_509] {strides = array<i32>} : memref<64x128xf32, #tpu.memory_space<vmem>>, vector<1x16xf32>,
        %parallel_loop3A_511 = vector.shape_cast %parallel_loop3A_510 : vector<1x16xf32> to vector<1x16xf32>
        %parallel_loop3A_512 = arith.addf %parallel_loop3A_507, %parallel_loop3A_511 : vector<1x16xf32>
        %parallel_loop3A_513 = arith.constant 0.000000e+00 : f32
        %parallel_loop3A_514 = vector.broadcast %parallel_loop3A_513 : f32 to vector<1x16xf32>
        %parallel_loop3A_515 = arith.maximumf %parallel_loop3A_512, %parallel_loop3A_514 : vector<1x16xf32>
        %parallel_loop3A_516 = arith.index_cast %parallel_loop3A_418 : i32 to index
        %parallel_loop3A_517 = arith.constant 80 : index
        %parallel_loop3A_518 = tpu.vector_load %arg11[%parallel_loop3A_516, %parallel_loop3A_517] {strides = array<i32>} : memref<64x128xf32, #tpu.memory_space<vmem>>, vector<1x16xf32>,
        %parallel_loop3A_519 = vector.shape_cast %parallel_loop3A_518 : vector<1x16xf32> to vector<1x16xf32>
        %parallel_loop3A_520 = vector.shape_cast %parallel_loop3A_515 : vector<1x16xf32> to vector<1x16xf32>
        tpu.vector_store %arg11[%parallel_loop3A_516, %parallel_loop3A_517], %parallel_loop3A_520 {strides = array<i32>} : memref<64x128xf32, #tpu.memory_space<vmem>>, vector<1x16xf32>,
        %parallel_loop3A_521 = arith.index_cast %parallel_loop3A_418 : i32 to index
        %parallel_loop3A_522 = arith.constant 96 : index
        %parallel_loop3A_523 = tpu.vector_load %arg7[%parallel_loop3A_521, %parallel_loop3A_522] {strides = array<i32>} : memref<64x128xf32, #tpu.memory_space<vmem>>, vector<1x16xf32>,
        %parallel_loop3A_524 = vector.shape_cast %parallel_loop3A_523 : vector<1x16xf32> to vector<1x16xf32>
        %parallel_loop3A_525 = arith.index_cast %parallel_loop3A_418 : i32 to index
        %parallel_loop3A_526 = arith.constant 96 : index
        %parallel_loop3A_527 = tpu.vector_load %arg9[%parallel_loop3A_525, %parallel_loop3A_526] {strides = array<i32>} : memref<64x128xf32, #tpu.memory_space<vmem>>, vector<1x16xf32>,
        %parallel_loop3A_528 = vector.shape_cast %parallel_loop3A_527 : vector<1x16xf32> to vector<1x16xf32>
        %parallel_loop3A_529 = arith.addf %parallel_loop3A_524, %parallel_loop3A_528 : vector<1x16xf32>
        %parallel_loop3A_530 = arith.constant 0.000000e+00 : f32
        %parallel_loop3A_531 = vector.broadcast %parallel_loop3A_530 : f32 to vector<1x16xf32>
        %parallel_loop3A_532 = arith.maximumf %parallel_loop3A_529, %parallel_loop3A_531 : vector<1x16xf32>
        %parallel_loop3A_533 = arith.index_cast %parallel_loop3A_418 : i32 to index
        %parallel_loop3A_534 = arith.constant 96 : index
        %parallel_loop3A_535 = tpu.vector_load %arg11[%parallel_loop3A_533, %parallel_loop3A_534] {strides = array<i32>} : memref<64x128xf32, #tpu.memory_space<vmem>>, vector<1x16xf32>,
        %parallel_loop3A_536 = vector.shape_cast %parallel_loop3A_535 : vector<1x16xf32> to vector<1x16xf32>
        %parallel_loop3A_537 = vector.shape_cast %parallel_loop3A_532 : vector<1x16xf32> to vector<1x16xf32>
        tpu.vector_store %arg11[%parallel_loop3A_533, %parallel_loop3A_534], %parallel_loop3A_537 {strides = array<i32>} : memref<64x128xf32, #tpu.memory_space<vmem>>, vector<1x16xf32>,
        %parallel_loop3A_538 = arith.index_cast %parallel_loop3A_418 : i32 to index
        %parallel_loop3A_539 = arith.constant 112 : index
        %parallel_loop3A_540 = tpu.vector_load %arg7[%parallel_loop3A_538, %parallel_loop3A_539] {strides = array<i32>} : memref<64x128xf32, #tpu.memory_space<vmem>>, vector<1x16xf32>,
        %parallel_loop3A_541 = vector.shape_cast %parallel_loop3A_540 : vector<1x16xf32> to vector<1x16xf32>
        %parallel_loop3A_542 = arith.index_cast %parallel_loop3A_418 : i32 to index
        %parallel_loop3A_543 = arith.constant 112 : index
        %parallel_loop3A_544 = tpu.vector_load %arg9[%parallel_loop3A_542, %parallel_loop3A_543] {strides = array<i32>} : memref<64x128xf32, #tpu.memory_space<vmem>>, vector<1x16xf32>,
        %parallel_loop3A_545 = vector.shape_cast %parallel_loop3A_544 : vector<1x16xf32> to vector<1x16xf32>
        %parallel_loop3A_546 = arith.addf %parallel_loop3A_541, %parallel_loop3A_545 : vector<1x16xf32>
        %parallel_loop3A_547 = arith.constant 0.000000e+00 : f32
        %parallel_loop3A_548 = vector.broadcast %parallel_loop3A_547 : f32 to vector<1x16xf32>
        %parallel_loop3A_549 = arith.maximumf %parallel_loop3A_546, %parallel_loop3A_548 : vector<1x16xf32>
        %parallel_loop3A_550 = arith.index_cast %parallel_loop3A_418 : i32 to index
        %parallel_loop3A_551 = arith.constant 112 : index
        %parallel_loop3A_552 = tpu.vector_load %arg11[%parallel_loop3A_550, %parallel_loop3A_551] {strides = array<i32>} : memref<64x128xf32, #tpu.memory_space<vmem>>, vector<1x16xf32>,
        %parallel_loop3A_553 = vector.shape_cast %parallel_loop3A_552 : vector<1x16xf32> to vector<1x16xf32>
        %parallel_loop3A_554 = vector.shape_cast %parallel_loop3A_549 : vector<1x16xf32> to vector<1x16xf32>
        tpu.vector_store %arg11[%parallel_loop3A_550, %parallel_loop3A_551], %parallel_loop3A_554 {strides = array<i32>} : memref<64x128xf32, #tpu.memory_space<vmem>>, vector<1x16xf32>,
      } {sc.loop_unroll_factor = 8 : i64, sc.parallel_access}
      %dma_start3A_184 = arith.constant 0 : i32
      %dma_start3A_185 = arith.constant 0 : i32
      %dma_start3A_186 = tpu.memref_slice %arg6[%dma_start3A_184, %dma_start3A_185] : memref<10000x128xf32, #tpu.memory_space<vmem_shared>> -> memref<10000x128xf32, #tpu.memory_space<vmem_shared>>
      tpu.enqueue_indirect_dma source(%arg11 : memref<64x128xf32, #tpu.memory_space<vmem>>) target(%dma_start3A_186 : memref<10000x128xf32, #tpu.memory_space<vmem_shared>>) offsets(%arg17 : memref<64xi32, #tpu.memory_space<vmem>>) semaphore(%arg25 : memref<!tpu.dma_semaphore, #tpu.memory_space<semaphore_mem>>) {add = true}
      %add3A_187 = arith.constant 2 : i32
      %add3A_188 = arith.addi %add3A_109, %add3A_187 : i32
      %lt3A_189 = arith.cmpi slt, %add3A_188, %select_n3A : i32
      %convert_element_type3A_190 = arith.extui %lt3A_189 : i1 to i32
      %cond3A_191 = arith.constant 0 : i32
      %cond3A_192 = arith.cmpi ne, %convert_element_type3A_190, %cond3A_191 : i32
      scf.if %cond3A_192 {
        %jit3A_418 = arith.constant 2 : i32
        %div3A_419 = arith.divsi %add3A_109, %jit3A_418 : i32
        %sign3A_420 = arith.constant 0 : i32
        %sign3A_421 = arith.cmpi sgt, %add3A_109, %sign3A_420 : i32
        %sign3A_422 = arith.extui %sign3A_421 : i1 to i32
        %sign3A_423 = arith.constant 0 : i32
        %sign3A_424 = arith.cmpi slt, %add3A_109, %sign3A_423 : i32
        %sign3A_425 = arith.extui %sign3A_424 : i1 to i32
        %sign3A_426 = arith.subi %sign3A_422, %sign3A_425 : i32
        %sign3A_427 = arith.constant 0 : i32
        %sign3A_428 = arith.cmpi sgt, %jit3A_418, %sign3A_427 : i32
        %sign3A_429 = arith.extui %sign3A_428 : i1 to i32
        %sign3A_430 = arith.constant 0 : i32
        %sign3A_431 = arith.cmpi slt, %jit3A_418, %sign3A_430 : i32
        %sign3A_432 = arith.extui %sign3A_431 : i1 to i32
        %sign3A_433 = arith.subi %sign3A_429, %sign3A_432 : i32
        %ne3A_434 = arith.cmpi ne, %sign3A_426, %sign3A_433 : i32
        %rem3A_435 = arith.remsi %add3A_109, %jit3A_418 : i32
        %ne3A_436 = arith.constant 0 : i32
        %ne3A_437 = arith.cmpi ne, %rem3A_435, %ne3A_436 : i32
        %and3A_438 = arith.andi %ne3A_434, %ne3A_437 : i1
        %sub3A_439 = arith.constant 1 : i32
        %sub3A_440 = arith.subi %div3A_419, %sub3A_439 : i32
        %select_n3A_441 = arith.select %and3A_438, %sub3A_440, %div3A_419 : i32
        %add3A_442 = arith.constant 1 : i32
        %add3A_443 = arith.addi %select_n3A_441, %add3A_442 : i32
        %mul3A_444 = arith.constant 128 : i32
        %mul3A_445 = arith.muli %add3A_443, %mul3A_444 : i32
        %add3A_446 = arith.addi %multiple_of3A, %mul3A_445 : i32
        %multiple_of3A_447 = tpu.assume_multiple %add3A_446, 128 : i32
        %dma_wait3A_448 = arith.constant 0 : i32
        %dma_wait3A_449 = tpu.memref_slice %arg3[%dma_wait3A_448, %multiple_of3A_447] : memref<2x320000xi32, #tpu.memory_space<hbm>> -> memref<1x128xi32, #tpu.memory_space<hbm>>
        %dma_wait3A_450 = tpu.memref_squeeze %dma_wait3A_449 : memref<1x128xi32, #tpu.memory_space<hbm>> -> memref<128xi32, #tpu.memory_space<hbm>>
        %dma_wait3A_451 = tpu.memref_slice %arg3[%dma_wait3A_448, %multiple_of3A_447] : memref<2x320000xi32, #tpu.memory_space<hbm>> -> memref<1x128xi32, #tpu.memory_space<hbm>>
        %dma_wait3A_452 = tpu.memref_squeeze %dma_wait3A_451 : memref<1x128xi32, #tpu.memory_space<hbm>> -> memref<128xi32, #tpu.memory_space<hbm>>
        tpu.wait_dma2 semaphore(%arg22 : memref<!tpu.dma_semaphore, #tpu.memory_space<semaphore_mem>>) src(%dma_wait3A_452 : memref<128xi32, #tpu.memory_space<hbm>>) dst(%arg14 : memref<128xi32, #tpu.memory_space<vmem>>)
        %add3A_453 = arith.constant 2 : i32
        %add3A_454 = arith.addi %add3A_109, %add3A_453 : i32
        %dma_start3A_455 = arith.constant 0 : i32
        %dma_start3A_456 = tpu.memref_slice %arg14[%dma_start3A_455] : memref<128xi32, #tpu.memory_space<vmem>> -> memref<64xi32, #tpu.memory_space<vmem>>
        %dma_start3A_457 = arith.constant 0 : i32
        %dma_start3A_458 = arith.constant 0 : i32
        %dma_start3A_459 = tpu.memref_slice %arg2[%dma_start3A_457, %dma_start3A_458] : memref<10000x128xf32, #tpu.memory_space<hbm>> -> memref<10000x128xf32, #tpu.memory_space<hbm>>
        tpu.enqueue_indirect_dma source(%dma_start3A_459 : memref<10000x128xf32, #tpu.memory_space<hbm>>) target(%arg7 : memref<64x128xf32, #tpu.memory_space<vmem>>) offsets(%dma_start3A_456 : memref<64xi32, #tpu.memory_space<vmem>>) semaphore(%arg19 : memref<!tpu.dma_semaphore, #tpu.memory_space<semaphore_mem>>)
        %mul3A_460 = arith.constant 64 : i32
        %mul3A_461 = arith.muli %add3A_454, %mul3A_460 : i32
        %add3A_462 = arith.addi %multiple_of3A, %mul3A_461 : i32
        %multiple_of3A_463 = tpu.assume_multiple %add3A_462, 64 : i32
        %dma_start3A_464 = arith.constant 0 : i32
        %dma_start3A_465 = tpu.memref_slice %arg4[%multiple_of3A_463, %dma_start3A_464] : memref<320000x128xf32, #tpu.memory_space<hbm>> -> memref<64x128xf32, #tpu.memory_space<hbm>>
        %dma_start3A_466 = arith.constant 0 : i32
        %dma_start3A_467 = tpu.memref_slice %arg4[%multiple_of3A_463, %dma_start3A_466] : memref<320000x128xf32, #tpu.memory_space<hbm>> -> memref<64x128xf32, #tpu.memory_space<hbm>>
        tpu.enqueue_dma source(%dma_start3A_467 : memref<64x128xf32, #tpu.memory_space<hbm>>) target(%arg9 : memref<64x128xf32, #tpu.memory_space<vmem>>) target_semaphore(%arg19 : memref<!tpu.dma_semaphore, #tpu.memory_space<semaphore_mem>>)
      } else {
      }
      %add3A_193 = arith.constant 1 : i32
      %add3A_194 = arith.addi %mul3A_107, %add3A_193 : i32
      %dma_wait3A_195 = arith.constant 64 : i32
      %dma_wait3A_196 = tpu.memref_slice %arg13[%dma_wait3A_195] : memref<128xi32, #tpu.memory_space<vmem>> -> memref<64xi32, #tpu.memory_space<vmem>>
      %dma_wait3A_197 = arith.constant 0 : i32
      %dma_wait3A_198 = arith.constant 0 : i32
      %dma_wait3A_199 = tpu.memref_slice %arg2[%dma_wait3A_197, %dma_wait3A_198] : memref<10000x128xf32, #tpu.memory_space<hbm>> -> memref<10000x128xf32, #tpu.memory_space<hbm>>
      tpu.wait_indirect_dma semaphore(%arg20 : memref<!tpu.dma_semaphore, #tpu.memory_space<semaphore_mem>>) src(%dma_wait3A_199 : memref<10000x128xf32, #tpu.memory_space<hbm>>) dst(%arg8 : memref<64x128xf32, #tpu.memory_space<vmem>>)
      %mul3A_200 = arith.constant 64 : i32
      %mul3A_201 = arith.muli %add3A_194, %mul3A_200 : i32
      %add3A_202 = arith.addi %multiple_of3A, %mul3A_201 : i32
      %multiple_of3A_203 = tpu.assume_multiple %add3A_202, 64 : i32
      %dma_wait3A_204 = arith.constant 0 : i32
      %dma_wait3A_205 = tpu.memref_slice %arg4[%multiple_of3A_203, %dma_wait3A_204] : memref<320000x128xf32, #tpu.memory_space<hbm>> -> memref<64x128xf32, #tpu.memory_space<hbm>>
      %dma_wait3A_206 = arith.constant 0 : i32
      %dma_wait3A_207 = tpu.memref_slice %arg4[%multiple_of3A_203, %dma_wait3A_206] : memref<320000x128xf32, #tpu.memory_space<hbm>> -> memref<64x128xf32, #tpu.memory_space<hbm>>
      tpu.wait_dma2 semaphore(%arg20 : memref<!tpu.dma_semaphore, #tpu.memory_space<semaphore_mem>>) src(%dma_wait3A_207 : memref<64x128xf32, #tpu.memory_space<hbm>>) dst(%arg10 : memref<64x128xf32, #tpu.memory_space<vmem>>)
      %ge3A_208 = arith.constant 2 : i32
      %ge3A_209 = arith.cmpi sge, %add3A_194, %ge3A_208 : i32
      %convert_element_type3A_210 = arith.extui %ge3A_209 : i1 to i32
      %cond3A_211 = arith.constant 0 : i32
      %cond3A_212 = arith.cmpi ne, %convert_element_type3A_210, %cond3A_211 : i32
      scf.if %cond3A_212 {
        %dma_wait3A_418 = arith.constant 0 : i32
        %dma_wait3A_419 = arith.constant 0 : i32
        %dma_wait3A_420 = tpu.memref_slice %arg6[%dma_wait3A_418, %dma_wait3A_419] : memref<10000x128xf32, #tpu.memory_space<vmem_shared>> -> memref<10000x128xf32, #tpu.memory_space<vmem_shared>>
        tpu.wait_indirect_dma semaphore(%arg26 : memref<!tpu.dma_semaphore, #tpu.memory_space<semaphore_mem>>) src(%arg12 : memref<64x128xf32, #tpu.memory_space<vmem>>) dst(%dma_wait3A_420 : memref<10000x128xf32, #tpu.memory_space<vmem_shared>>)
      } else {
      }
      %get3A_213 = arith.constant 64 : index
      %get3A_214 = tpu.vector_load %arg15[%get3A_213] {strides = array<i32>} : memref<128xi32, #tpu.memory_space<vmem>>, vector<16xi32>,
      %get3A_215 = vector.shape_cast %get3A_214 : vector<16xi32> to vector<16xi32>
      %swap3A_216 = arith.constant 0 : index
      %swap3A_217 = tpu.vector_load %arg18[%swap3A_216] {strides = array<i32>} : memref<64xi32, #tpu.memory_space<vmem>>, vector<16xi32>,
      %swap3A_218 = vector.shape_cast %swap3A_217 : vector<16xi32> to vector<16xi32>
      %swap3A_219 = vector.shape_cast %get3A_215 : vector<16xi32> to vector<16xi32>
      tpu.vector_store %arg18[%swap3A_216], %swap3A_219 {strides = array<i32>} : memref<64xi32, #tpu.memory_space<vmem>>, vector<16xi32>,
      %get3A_220 = arith.constant 80 : index
      %get3A_221 = tpu.vector_load %arg15[%get3A_220] {strides = array<i32>} : memref<128xi32, #tpu.memory_space<vmem>>, vector<16xi32>,
      %get3A_222 = vector.shape_cast %get3A_221 : vector<16xi32> to vector<16xi32>
      %swap3A_223 = arith.constant 16 : index
      %swap3A_224 = tpu.vector_load %arg18[%swap3A_223] {strides = array<i32>} : memref<64xi32, #tpu.memory_space<vmem>>, vector<16xi32>,
      %swap3A_225 = vector.shape_cast %swap3A_224 : vector<16xi32> to vector<16xi32>
      %swap3A_226 = vector.shape_cast %get3A_222 : vector<16xi32> to vector<16xi32>
      tpu.vector_store %arg18[%swap3A_223], %swap3A_226 {strides = array<i32>} : memref<64xi32, #tpu.memory_space<vmem>>, vector<16xi32>,
      %get3A_227 = arith.constant 96 : index
      %get3A_228 = tpu.vector_load %arg15[%get3A_227] {strides = array<i32>} : memref<128xi32, #tpu.memory_space<vmem>>, vector<16xi32>,
      %get3A_229 = vector.shape_cast %get3A_228 : vector<16xi32> to vector<16xi32>
      %swap3A_230 = arith.constant 32 : index
      %swap3A_231 = tpu.vector_load %arg18[%swap3A_230] {strides = array<i32>} : memref<64xi32, #tpu.memory_space<vmem>>, vector<16xi32>,
      %swap3A_232 = vector.shape_cast %swap3A_231 : vector<16xi32> to vector<16xi32>
      %swap3A_233 = vector.shape_cast %get3A_229 : vector<16xi32> to vector<16xi32>
      tpu.vector_store %arg18[%swap3A_230], %swap3A_233 {strides = array<i32>} : memref<64xi32, #tpu.memory_space<vmem>>, vector<16xi32>,
      %get3A_234 = arith.constant 112 : index
      %get3A_235 = tpu.vector_load %arg15[%get3A_234] {strides = array<i32>} : memref<128xi32, #tpu.memory_space<vmem>>, vector<16xi32>,
      %get3A_236 = vector.shape_cast %get3A_235 : vector<16xi32> to vector<16xi32>
      %swap3A_237 = arith.constant 48 : index
      %swap3A_238 = tpu.vector_load %arg18[%swap3A_237] {strides = array<i32>} : memref<64xi32, #tpu.memory_space<vmem>>, vector<16xi32>,
      %swap3A_239 = vector.shape_cast %swap3A_238 : vector<16xi32> to vector<16xi32>
      %swap3A_240 = vector.shape_cast %get3A_236 : vector<16xi32> to vector<16xi32>
      tpu.vector_store %arg18[%swap3A_237], %swap3A_240 {strides = array<i32>} : memref<64xi32, #tpu.memory_space<vmem>>, vector<16xi32>,
      %parallel_loop3A_241 = arith.constant 0 : i32
      %parallel_loop3A_242 = arith.constant 64 : i32
      %parallel_loop3A_243 = arith.constant 1 : i32
      scf.for %parallel_loop3A_418 = %parallel_loop3A_241 to %parallel_loop3A_242 step %parallel_loop3A_243  : i32 {
        %parallel_loop3A_419 = arith.index_cast %parallel_loop3A_418 : i32 to index
        %parallel_loop3A_420 = arith.constant 0 : index
        %parallel_loop3A_421 = tpu.vector_load %arg8[%parallel_loop3A_419, %parallel_loop3A_420] {strides = array<i32>} : memref<64x128xf32, #tpu.memory_space<vmem>>, vector<1x16xf32>,
        %parallel_loop3A_422 = vector.shape_cast %parallel_loop3A_421 : vector<1x16xf32> to vector<1x16xf32>
        %parallel_loop3A_423 = arith.index_cast %parallel_loop3A_418 : i32 to index
        %parallel_loop3A_424 = arith.constant 0 : index
        %parallel_loop3A_425 = tpu.vector_load %arg10[%parallel_loop3A_423, %parallel_loop3A_424] {strides = array<i32>} : memref<64x128xf32, #tpu.memory_space<vmem>>, vector<1x16xf32>,
        %parallel_loop3A_426 = vector.shape_cast %parallel_loop3A_425 : vector<1x16xf32> to vector<1x16xf32>
        %parallel_loop3A_427 = arith.addf %parallel_loop3A_422, %parallel_loop3A_426 : vector<1x16xf32>
        %parallel_loop3A_428 = arith.constant 0.000000e+00 : f32
        %parallel_loop3A_429 = vector.broadcast %parallel_loop3A_428 : f32 to vector<1x16xf32>
        %parallel_loop3A_430 = arith.maximumf %parallel_loop3A_427, %parallel_loop3A_429 : vector<1x16xf32>
        %parallel_loop3A_431 = arith.index_cast %parallel_loop3A_418 : i32 to index
        %parallel_loop3A_432 = arith.constant 0 : index
        %parallel_loop3A_433 = tpu.vector_load %arg12[%parallel_loop3A_431, %parallel_loop3A_432] {strides = array<i32>} : memref<64x128xf32, #tpu.memory_space<vmem>>, vector<1x16xf32>,
        %parallel_loop3A_434 = vector.shape_cast %parallel_loop3A_433 : vector<1x16xf32> to vector<1x16xf32>
        %parallel_loop3A_435 = vector.shape_cast %parallel_loop3A_430 : vector<1x16xf32> to vector<1x16xf32>
        tpu.vector_store %arg12[%parallel_loop3A_431, %parallel_loop3A_432], %parallel_loop3A_435 {strides = array<i32>} : memref<64x128xf32, #tpu.memory_space<vmem>>, vector<1x16xf32>,
        %parallel_loop3A_436 = arith.index_cast %parallel_loop3A_418 : i32 to index
        %parallel_loop3A_437 = arith.constant 16 : index
        %parallel_loop3A_438 = tpu.vector_load %arg8[%parallel_loop3A_436, %parallel_loop3A_437] {strides = array<i32>} : memref<64x128xf32, #tpu.memory_space<vmem>>, vector<1x16xf32>,
        %parallel_loop3A_439 = vector.shape_cast %parallel_loop3A_438 : vector<1x16xf32> to vector<1x16xf32>
        %parallel_loop3A_440 = arith.index_cast %parallel_loop3A_418 : i32 to index
        %parallel_loop3A_441 = arith.constant 16 : index
        %parallel_loop3A_442 = tpu.vector_load %arg10[%parallel_loop3A_440, %parallel_loop3A_441] {strides = array<i32>} : memref<64x128xf32, #tpu.memory_space<vmem>>, vector<1x16xf32>,
        %parallel_loop3A_443 = vector.shape_cast %parallel_loop3A_442 : vector<1x16xf32> to vector<1x16xf32>
        %parallel_loop3A_444 = arith.addf %parallel_loop3A_439, %parallel_loop3A_443 : vector<1x16xf32>
        %parallel_loop3A_445 = arith.constant 0.000000e+00 : f32
        %parallel_loop3A_446 = vector.broadcast %parallel_loop3A_445 : f32 to vector<1x16xf32>
        %parallel_loop3A_447 = arith.maximumf %parallel_loop3A_444, %parallel_loop3A_446 : vector<1x16xf32>
        %parallel_loop3A_448 = arith.index_cast %parallel_loop3A_418 : i32 to index
        %parallel_loop3A_449 = arith.constant 16 : index
        %parallel_loop3A_450 = tpu.vector_load %arg12[%parallel_loop3A_448, %parallel_loop3A_449] {strides = array<i32>} : memref<64x128xf32, #tpu.memory_space<vmem>>, vector<1x16xf32>,
        %parallel_loop3A_451 = vector.shape_cast %parallel_loop3A_450 : vector<1x16xf32> to vector<1x16xf32>
        %parallel_loop3A_452 = vector.shape_cast %parallel_loop3A_447 : vector<1x16xf32> to vector<1x16xf32>
        tpu.vector_store %arg12[%parallel_loop3A_448, %parallel_loop3A_449], %parallel_loop3A_452 {strides = array<i32>} : memref<64x128xf32, #tpu.memory_space<vmem>>, vector<1x16xf32>,
        %parallel_loop3A_453 = arith.index_cast %parallel_loop3A_418 : i32 to index
        %parallel_loop3A_454 = arith.constant 32 : index
        %parallel_loop3A_455 = tpu.vector_load %arg8[%parallel_loop3A_453, %parallel_loop3A_454] {strides = array<i32>} : memref<64x128xf32, #tpu.memory_space<vmem>>, vector<1x16xf32>,
        %parallel_loop3A_456 = vector.shape_cast %parallel_loop3A_455 : vector<1x16xf32> to vector<1x16xf32>
        %parallel_loop3A_457 = arith.index_cast %parallel_loop3A_418 : i32 to index
        %parallel_loop3A_458 = arith.constant 32 : index
        %parallel_loop3A_459 = tpu.vector_load %arg10[%parallel_loop3A_457, %parallel_loop3A_458] {strides = array<i32>} : memref<64x128xf32, #tpu.memory_space<vmem>>, vector<1x16xf32>,
        %parallel_loop3A_460 = vector.shape_cast %parallel_loop3A_459 : vector<1x16xf32> to vector<1x16xf32>
        %parallel_loop3A_461 = arith.addf %parallel_loop3A_456, %parallel_loop3A_460 : vector<1x16xf32>
        %parallel_loop3A_462 = arith.constant 0.000000e+00 : f32
        %parallel_loop3A_463 = vector.broadcast %parallel_loop3A_462 : f32 to vector<1x16xf32>
        %parallel_loop3A_464 = arith.maximumf %parallel_loop3A_461, %parallel_loop3A_463 : vector<1x16xf32>
        %parallel_loop3A_465 = arith.index_cast %parallel_loop3A_418 : i32 to index
        %parallel_loop3A_466 = arith.constant 32 : index
        %parallel_loop3A_467 = tpu.vector_load %arg12[%parallel_loop3A_465, %parallel_loop3A_466] {strides = array<i32>} : memref<64x128xf32, #tpu.memory_space<vmem>>, vector<1x16xf32>,
        %parallel_loop3A_468 = vector.shape_cast %parallel_loop3A_467 : vector<1x16xf32> to vector<1x16xf32>
        %parallel_loop3A_469 = vector.shape_cast %parallel_loop3A_464 : vector<1x16xf32> to vector<1x16xf32>
        tpu.vector_store %arg12[%parallel_loop3A_465, %parallel_loop3A_466], %parallel_loop3A_469 {strides = array<i32>} : memref<64x128xf32, #tpu.memory_space<vmem>>, vector<1x16xf32>,
        %parallel_loop3A_470 = arith.index_cast %parallel_loop3A_418 : i32 to index
        %parallel_loop3A_471 = arith.constant 48 : index
        %parallel_loop3A_472 = tpu.vector_load %arg8[%parallel_loop3A_470, %parallel_loop3A_471] {strides = array<i32>} : memref<64x128xf32, #tpu.memory_space<vmem>>, vector<1x16xf32>,
        %parallel_loop3A_473 = vector.shape_cast %parallel_loop3A_472 : vector<1x16xf32> to vector<1x16xf32>
        %parallel_loop3A_474 = arith.index_cast %parallel_loop3A_418 : i32 to index
        %parallel_loop3A_475 = arith.constant 48 : index
        %parallel_loop3A_476 = tpu.vector_load %arg10[%parallel_loop3A_474, %parallel_loop3A_475] {strides = array<i32>} : memref<64x128xf32, #tpu.memory_space<vmem>>, vector<1x16xf32>,
        %parallel_loop3A_477 = vector.shape_cast %parallel_loop3A_476 : vector<1x16xf32> to vector<1x16xf32>
        %parallel_loop3A_478 = arith.addf %parallel_loop3A_473, %parallel_loop3A_477 : vector<1x16xf32>
        %parallel_loop3A_479 = arith.constant 0.000000e+00 : f32
        %parallel_loop3A_480 = vector.broadcast %parallel_loop3A_479 : f32 to vector<1x16xf32>
        %parallel_loop3A_481 = arith.maximumf %parallel_loop3A_478, %parallel_loop3A_480 : vector<1x16xf32>
        %parallel_loop3A_482 = arith.index_cast %parallel_loop3A_418 : i32 to index
        %parallel_loop3A_483 = arith.constant 48 : index
        %parallel_loop3A_484 = tpu.vector_load %arg12[%parallel_loop3A_482, %parallel_loop3A_483] {strides = array<i32>} : memref<64x128xf32, #tpu.memory_space<vmem>>, vector<1x16xf32>,
        %parallel_loop3A_485 = vector.shape_cast %parallel_loop3A_484 : vector<1x16xf32> to vector<1x16xf32>
        %parallel_loop3A_486 = vector.shape_cast %parallel_loop3A_481 : vector<1x16xf32> to vector<1x16xf32>
        tpu.vector_store %arg12[%parallel_loop3A_482, %parallel_loop3A_483], %parallel_loop3A_486 {strides = array<i32>} : memref<64x128xf32, #tpu.memory_space<vmem>>, vector<1x16xf32>,
        %parallel_loop3A_487 = arith.index_cast %parallel_loop3A_418 : i32 to index
        %parallel_loop3A_488 = arith.constant 64 : index
        %parallel_loop3A_489 = tpu.vector_load %arg8[%parallel_loop3A_487, %parallel_loop3A_488] {strides = array<i32>} : memref<64x128xf32, #tpu.memory_space<vmem>>, vector<1x16xf32>,
        %parallel_loop3A_490 = vector.shape_cast %parallel_loop3A_489 : vector<1x16xf32> to vector<1x16xf32>
        %parallel_loop3A_491 = arith.index_cast %parallel_loop3A_418 : i32 to index
        %parallel_loop3A_492 = arith.constant 64 : index
        %parallel_loop3A_493 = tpu.vector_load %arg10[%parallel_loop3A_491, %parallel_loop3A_492] {strides = array<i32>} : memref<64x128xf32, #tpu.memory_space<vmem>>, vector<1x16xf32>,
        %parallel_loop3A_494 = vector.shape_cast %parallel_loop3A_493 : vector<1x16xf32> to vector<1x16xf32>
        %parallel_loop3A_495 = arith.addf %parallel_loop3A_490, %parallel_loop3A_494 : vector<1x16xf32>
        %parallel_loop3A_496 = arith.constant 0.000000e+00 : f32
        %parallel_loop3A_497 = vector.broadcast %parallel_loop3A_496 : f32 to vector<1x16xf32>
        %parallel_loop3A_498 = arith.maximumf %parallel_loop3A_495, %parallel_loop3A_497 : vector<1x16xf32>
        %parallel_loop3A_499 = arith.index_cast %parallel_loop3A_418 : i32 to index
        %parallel_loop3A_500 = arith.constant 64 : index
        %parallel_loop3A_501 = tpu.vector_load %arg12[%parallel_loop3A_499, %parallel_loop3A_500] {strides = array<i32>} : memref<64x128xf32, #tpu.memory_space<vmem>>, vector<1x16xf32>,
        %parallel_loop3A_502 = vector.shape_cast %parallel_loop3A_501 : vector<1x16xf32> to vector<1x16xf32>
        %parallel_loop3A_503 = vector.shape_cast %parallel_loop3A_498 : vector<1x16xf32> to vector<1x16xf32>
        tpu.vector_store %arg12[%parallel_loop3A_499, %parallel_loop3A_500], %parallel_loop3A_503 {strides = array<i32>} : memref<64x128xf32, #tpu.memory_space<vmem>>, vector<1x16xf32>,
        %parallel_loop3A_504 = arith.index_cast %parallel_loop3A_418 : i32 to index
        %parallel_loop3A_505 = arith.constant 80 : index
        %parallel_loop3A_506 = tpu.vector_load %arg8[%parallel_loop3A_504, %parallel_loop3A_505] {strides = array<i32>} : memref<64x128xf32, #tpu.memory_space<vmem>>, vector<1x16xf32>,
        %parallel_loop3A_507 = vector.shape_cast %parallel_loop3A_506 : vector<1x16xf32> to vector<1x16xf32>
        %parallel_loop3A_508 = arith.index_cast %parallel_loop3A_418 : i32 to index
        %parallel_loop3A_509 = arith.constant 80 : index
        %parallel_loop3A_510 = tpu.vector_load %arg10[%parallel_loop3A_508, %parallel_loop3A_509] {strides = array<i32>} : memref<64x128xf32, #tpu.memory_space<vmem>>, vector<1x16xf32>,
        %parallel_loop3A_511 = vector.shape_cast %parallel_loop3A_510 : vector<1x16xf32> to vector<1x16xf32>
        %parallel_loop3A_512 = arith.addf %parallel_loop3A_507, %parallel_loop3A_511 : vector<1x16xf32>
        %parallel_loop3A_513 = arith.constant 0.000000e+00 : f32
        %parallel_loop3A_514 = vector.broadcast %parallel_loop3A_513 : f32 to vector<1x16xf32>
        %parallel_loop3A_515 = arith.maximumf %parallel_loop3A_512, %parallel_loop3A_514 : vector<1x16xf32>
        %parallel_loop3A_516 = arith.index_cast %parallel_loop3A_418 : i32 to index
        %parallel_loop3A_517 = arith.constant 80 : index
        %parallel_loop3A_518 = tpu.vector_load %arg12[%parallel_loop3A_516, %parallel_loop3A_517] {strides = array<i32>} : memref<64x128xf32, #tpu.memory_space<vmem>>, vector<1x16xf32>,
        %parallel_loop3A_519 = vector.shape_cast %parallel_loop3A_518 : vector<1x16xf32> to vector<1x16xf32>
        %parallel_loop3A_520 = vector.shape_cast %parallel_loop3A_515 : vector<1x16xf32> to vector<1x16xf32>
        tpu.vector_store %arg12[%parallel_loop3A_516, %parallel_loop3A_517], %parallel_loop3A_520 {strides = array<i32>} : memref<64x128xf32, #tpu.memory_space<vmem>>, vector<1x16xf32>,
        %parallel_loop3A_521 = arith.index_cast %parallel_loop3A_418 : i32 to index
        %parallel_loop3A_522 = arith.constant 96 : index
        %parallel_loop3A_523 = tpu.vector_load %arg8[%parallel_loop3A_521, %parallel_loop3A_522] {strides = array<i32>} : memref<64x128xf32, #tpu.memory_space<vmem>>, vector<1x16xf32>,
        %parallel_loop3A_524 = vector.shape_cast %parallel_loop3A_523 : vector<1x16xf32> to vector<1x16xf32>
        %parallel_loop3A_525 = arith.index_cast %parallel_loop3A_418 : i32 to index
        %parallel_loop3A_526 = arith.constant 96 : index
        %parallel_loop3A_527 = tpu.vector_load %arg10[%parallel_loop3A_525, %parallel_loop3A_526] {strides = array<i32>} : memref<64x128xf32, #tpu.memory_space<vmem>>, vector<1x16xf32>,
        %parallel_loop3A_528 = vector.shape_cast %parallel_loop3A_527 : vector<1x16xf32> to vector<1x16xf32>
        %parallel_loop3A_529 = arith.addf %parallel_loop3A_524, %parallel_loop3A_528 : vector<1x16xf32>
        %parallel_loop3A_530 = arith.constant 0.000000e+00 : f32
        %parallel_loop3A_531 = vector.broadcast %parallel_loop3A_530 : f32 to vector<1x16xf32>
        %parallel_loop3A_532 = arith.maximumf %parallel_loop3A_529, %parallel_loop3A_531 : vector<1x16xf32>
        %parallel_loop3A_533 = arith.index_cast %parallel_loop3A_418 : i32 to index
        %parallel_loop3A_534 = arith.constant 96 : index
        %parallel_loop3A_535 = tpu.vector_load %arg12[%parallel_loop3A_533, %parallel_loop3A_534] {strides = array<i32>} : memref<64x128xf32, #tpu.memory_space<vmem>>, vector<1x16xf32>,
        %parallel_loop3A_536 = vector.shape_cast %parallel_loop3A_535 : vector<1x16xf32> to vector<1x16xf32>
        %parallel_loop3A_537 = vector.shape_cast %parallel_loop3A_532 : vector<1x16xf32> to vector<1x16xf32>
        tpu.vector_store %arg12[%parallel_loop3A_533, %parallel_loop3A_534], %parallel_loop3A_537 {strides = array<i32>} : memref<64x128xf32, #tpu.memory_space<vmem>>, vector<1x16xf32>,
        %parallel_loop3A_538 = arith.index_cast %parallel_loop3A_418 : i32 to index
        %parallel_loop3A_539 = arith.constant 112 : index
        %parallel_loop3A_540 = tpu.vector_load %arg8[%parallel_loop3A_538, %parallel_loop3A_539] {strides = array<i32>} : memref<64x128xf32, #tpu.memory_space<vmem>>, vector<1x16xf32>,
        %parallel_loop3A_541 = vector.shape_cast %parallel_loop3A_540 : vector<1x16xf32> to vector<1x16xf32>
        %parallel_loop3A_542 = arith.index_cast %parallel_loop3A_418 : i32 to index
        %parallel_loop3A_543 = arith.constant 112 : index
        %parallel_loop3A_544 = tpu.vector_load %arg10[%parallel_loop3A_542, %parallel_loop3A_543] {strides = array<i32>} : memref<64x128xf32, #tpu.memory_space<vmem>>, vector<1x16xf32>,
        %parallel_loop3A_545 = vector.shape_cast %parallel_loop3A_544 : vector<1x16xf32> to vector<1x16xf32>
        %parallel_loop3A_546 = arith.addf %parallel_loop3A_541, %parallel_loop3A_545 : vector<1x16xf32>
        %parallel_loop3A_547 = arith.constant 0.000000e+00 : f32
        %parallel_loop3A_548 = vector.broadcast %parallel_loop3A_547 : f32 to vector<1x16xf32>
        %parallel_loop3A_549 = arith.maximumf %parallel_loop3A_546, %parallel_loop3A_548 : vector<1x16xf32>
        %parallel_loop3A_550 = arith.index_cast %parallel_loop3A_418 : i32 to index
        %parallel_loop3A_551 = arith.constant 112 : index
        %parallel_loop3A_552 = tpu.vector_load %arg12[%parallel_loop3A_550, %parallel_loop3A_551] {strides = array<i32>} : memref<64x128xf32, #tpu.memory_space<vmem>>, vector<1x16xf32>,
        %parallel_loop3A_553 = vector.shape_cast %parallel_loop3A_552 : vector<1x16xf32> to vector<1x16xf32>
        %parallel_loop3A_554 = vector.shape_cast %parallel_loop3A_549 : vector<1x16xf32> to vector<1x16xf32>
        tpu.vector_store %arg12[%parallel_loop3A_550, %parallel_loop3A_551], %parallel_loop3A_554 {strides = array<i32>} : memref<64x128xf32, #tpu.memory_space<vmem>>, vector<1x16xf32>,
      } {sc.loop_unroll_factor = 8 : i64, sc.parallel_access}
      %dma_start3A_244 = arith.constant 0 : i32
      %dma_start3A_245 = arith.constant 0 : i32
      %dma_start3A_246 = tpu.memref_slice %arg6[%dma_start3A_244, %dma_start3A_245] : memref<10000x128xf32, #tpu.memory_space<vmem_shared>> -> memref<10000x128xf32, #tpu.memory_space<vmem_shared>>
      tpu.enqueue_indirect_dma source(%arg12 : memref<64x128xf32, #tpu.memory_space<vmem>>) target(%dma_start3A_246 : memref<10000x128xf32, #tpu.memory_space<vmem_shared>>) offsets(%arg18 : memref<64xi32, #tpu.memory_space<vmem>>) semaphore(%arg26 : memref<!tpu.dma_semaphore, #tpu.memory_space<semaphore_mem>>) {add = true}
      %add3A_247 = arith.constant 2 : i32
      %add3A_248 = arith.addi %add3A_194, %add3A_247 : i32
      %lt3A_249 = arith.cmpi slt, %add3A_248, %select_n3A : i32
      %convert_element_type3A_250 = arith.extui %lt3A_249 : i1 to i32
      %cond3A_251 = arith.constant 0 : i32
      %cond3A_252 = arith.cmpi ne, %convert_element_type3A_250, %cond3A_251 : i32
      scf.if %cond3A_252 {
        %add3A_418 = arith.constant 2 : i32
        %add3A_419 = arith.addi %add3A_194, %add3A_418 : i32
        %dma_start3A_420 = arith.constant 64 : i32
        %dma_start3A_421 = tpu.memref_slice %arg14[%dma_start3A_420] : memref<128xi32, #tpu.memory_space<vmem>> -> memref<64xi32, #tpu.memory_space<vmem>>
        %dma_start3A_422 = arith.constant 0 : i32
        %dma_start3A_423 = arith.constant 0 : i32
        %dma_start3A_424 = tpu.memref_slice %arg2[%dma_start3A_422, %dma_start3A_423] : memref<10000x128xf32, #tpu.memory_space<hbm>> -> memref<10000x128xf32, #tpu.memory_space<hbm>>
        tpu.enqueue_indirect_dma source(%dma_start3A_424 : memref<10000x128xf32, #tpu.memory_space<hbm>>) target(%arg8 : memref<64x128xf32, #tpu.memory_space<vmem>>) offsets(%dma_start3A_421 : memref<64xi32, #tpu.memory_space<vmem>>) semaphore(%arg20 : memref<!tpu.dma_semaphore, #tpu.memory_space<semaphore_mem>>)
        %mul3A_425 = arith.constant 64 : i32
        %mul3A_426 = arith.muli %add3A_419, %mul3A_425 : i32
        %add3A_427 = arith.addi %multiple_of3A, %mul3A_426 : i32
        %multiple_of3A_428 = tpu.assume_multiple %add3A_427, 64 : i32
        %dma_start3A_429 = arith.constant 0 : i32
        %dma_start3A_430 = tpu.memref_slice %arg4[%multiple_of3A_428, %dma_start3A_429] : memref<320000x128xf32, #tpu.memory_space<hbm>> -> memref<64x128xf32, #tpu.memory_space<hbm>>
        %dma_start3A_431 = arith.constant 0 : i32
        %dma_start3A_432 = tpu.memref_slice %arg4[%multiple_of3A_428, %dma_start3A_431] : memref<320000x128xf32, #tpu.memory_space<hbm>> -> memref<64x128xf32, #tpu.memory_space<hbm>>
        tpu.enqueue_dma source(%dma_start3A_432 : memref<64x128xf32, #tpu.memory_space<hbm>>) target(%arg10 : memref<64x128xf32, #tpu.memory_space<vmem>>) target_semaphore(%arg20 : memref<!tpu.dma_semaphore, #tpu.memory_space<semaphore_mem>>)
      } else {
      }
      %add3A_253 = arith.constant 3 : i32
      %add3A_254 = arith.addi %add3A_194, %add3A_253 : i32
      %lt3A_255 = arith.cmpi slt, %add3A_254, %select_n3A : i32
      %convert_element_type3A_256 = arith.extui %lt3A_255 : i1 to i32
      %cond3A_257 = arith.constant 0 : i32
      %cond3A_258 = arith.cmpi ne, %convert_element_type3A_256, %cond3A_257 : i32
      scf.if %cond3A_258 {
        %jit3A_418 = arith.constant 2 : i32
        %div3A_419 = arith.divsi %add3A_194, %jit3A_418 : i32
        %sign3A_420 = arith.constant 0 : i32
        %sign3A_421 = arith.cmpi sgt, %add3A_194, %sign3A_420 : i32
        %sign3A_422 = arith.extui %sign3A_421 : i1 to i32
        %sign3A_423 = arith.constant 0 : i32
        %sign3A_424 = arith.cmpi slt, %add3A_194, %sign3A_423 : i32
        %sign3A_425 = arith.extui %sign3A_424 : i1 to i32
        %sign3A_426 = arith.subi %sign3A_422, %sign3A_425 : i32
        %sign3A_427 = arith.constant 0 : i32
        %sign3A_428 = arith.cmpi sgt, %jit3A_418, %sign3A_427 : i32
        %sign3A_429 = arith.extui %sign3A_428 : i1 to i32
        %sign3A_430 = arith.constant 0 : i32
        %sign3A_431 = arith.cmpi slt, %jit3A_418, %sign3A_430 : i32
        %sign3A_432 = arith.extui %sign3A_431 : i1 to i32
        %sign3A_433 = arith.subi %sign3A_429, %sign3A_432 : i32
        %ne3A_434 = arith.cmpi ne, %sign3A_426, %sign3A_433 : i32
        %rem3A_435 = arith.remsi %add3A_194, %jit3A_418 : i32
        %ne3A_436 = arith.constant 0 : i32
        %ne3A_437 = arith.cmpi ne, %rem3A_435, %ne3A_436 : i32
        %and3A_438 = arith.andi %ne3A_434, %ne3A_437 : i1
        %sub3A_439 = arith.constant 1 : i32
        %sub3A_440 = arith.subi %div3A_419, %sub3A_439 : i32
        %select_n3A_441 = arith.select %and3A_438, %sub3A_440, %div3A_419 : i32
        %add3A_442 = arith.constant 2 : i32
        %add3A_443 = arith.addi %select_n3A_441, %add3A_442 : i32
        %mul3A_444 = arith.constant 128 : i32
        %mul3A_445 = arith.muli %add3A_443, %mul3A_444 : i32
        %add3A_446 = arith.addi %multiple_of3A, %mul3A_445 : i32
        %multiple_of3A_447 = tpu.assume_multiple %add3A_446, 128 : i32
        %dma_start3A_448 = arith.constant 0 : i32
        %dma_start3A_449 = tpu.memref_slice %arg3[%dma_start3A_448, %multiple_of3A_447] : memref<2x320000xi32, #tpu.memory_space<hbm>> -> memref<1x128xi32, #tpu.memory_space<hbm>>
        %dma_start3A_450 = tpu.memref_squeeze %dma_start3A_449 : memref<1x128xi32, #tpu.memory_space<hbm>> -> memref<128xi32, #tpu.memory_space<hbm>>
        %dma_start3A_451 = tpu.memref_slice %arg3[%dma_start3A_448, %multiple_of3A_447] : memref<2x320000xi32, #tpu.memory_space<hbm>> -> memref<1x128xi32, #tpu.memory_space<hbm>>
        %dma_start3A_452 = tpu.memref_squeeze %dma_start3A_451 : memref<1x128xi32, #tpu.memory_space<hbm>> -> memref<128xi32, #tpu.memory_space<hbm>>
        tpu.enqueue_dma source(%dma_start3A_452 : memref<128xi32, #tpu.memory_space<hbm>>) target(%arg13 : memref<128xi32, #tpu.memory_space<vmem>>) target_semaphore(%arg21 : memref<!tpu.dma_semaphore, #tpu.memory_space<semaphore_mem>>)
        %dma_start3A_453 = arith.constant 1 : i32
        %dma_start3A_454 = tpu.memref_slice %arg3[%dma_start3A_453, %multiple_of3A_447] : memref<2x320000xi32, #tpu.memory_space<hbm>> -> memref<1x128xi32, #tpu.memory_space<hbm>>
        %dma_start3A_455 = tpu.memref_squeeze %dma_start3A_454 : memref<1x128xi32, #tpu.memory_space<hbm>> -> memref<128xi32, #tpu.memory_space<hbm>>
        %dma_start3A_456 = tpu.memref_slice %arg3[%dma_start3A_453, %multiple_of3A_447] : memref<2x320000xi32, #tpu.memory_space<hbm>> -> memref<1x128xi32, #tpu.memory_space<hbm>>
        %dma_start3A_457 = tpu.memref_squeeze %dma_start3A_456 : memref<1x128xi32, #tpu.memory_space<hbm>> -> memref<128xi32, #tpu.memory_space<hbm>>
        tpu.enqueue_dma source(%dma_start3A_457 : memref<128xi32, #tpu.memory_space<hbm>>) target(%arg15 : memref<128xi32, #tpu.memory_space<vmem>>) target_semaphore(%arg23 : memref<!tpu.dma_semaphore, #tpu.memory_space<semaphore_mem>>)
      } else {
      }
      %add3A_259 = arith.constant 2 : i32
      %add3A_260 = arith.addi %mul3A_107, %add3A_259 : i32
      %dma_wait3A_261 = arith.constant 0 : i32
      %dma_wait3A_262 = tpu.memref_slice %arg14[%dma_wait3A_261] : memref<128xi32, #tpu.memory_space<vmem>> -> memref<64xi32, #tpu.memory_space<vmem>>
      %dma_wait3A_263 = arith.constant 0 : i32
      %dma_wait3A_264 = arith.constant 0 : i32
      %dma_wait3A_265 = tpu.memref_slice %arg2[%dma_wait3A_263, %dma_wait3A_264] : memref<10000x128xf32, #tpu.memory_space<hbm>> -> memref<10000x128xf32, #tpu.memory_space<hbm>>
      tpu.wait_indirect_dma semaphore(%arg19 : memref<!tpu.dma_semaphore, #tpu.memory_space<semaphore_mem>>) src(%dma_wait3A_265 : memref<10000x128xf32, #tpu.memory_space<hbm>>) dst(%arg7 : memref<64x128xf32, #tpu.memory_space<vmem>>)
      %mul3A_266 = arith.constant 64 : i32
      %mul3A_267 = arith.muli %add3A_260, %mul3A_266 : i32
      %add3A_268 = arith.addi %multiple_of3A, %mul3A_267 : i32
      %multiple_of3A_269 = tpu.assume_multiple %add3A_268, 64 : i32
      %dma_wait3A_270 = arith.constant 0 : i32
      %dma_wait3A_271 = tpu.memref_slice %arg4[%multiple_of3A_269, %dma_wait3A_270] : memref<320000x128xf32, #tpu.memory_space<hbm>> -> memref<64x128xf32, #tpu.memory_space<hbm>>
      %dma_wait3A_272 = arith.constant 0 : i32
      %dma_wait3A_273 = tpu.memref_slice %arg4[%multiple_of3A_269, %dma_wait3A_272] : memref<320000x128xf32, #tpu.memory_space<hbm>> -> memref<64x128xf32, #tpu.memory_space<hbm>>
      tpu.wait_dma2 semaphore(%arg19 : memref<!tpu.dma_semaphore, #tpu.memory_space<semaphore_mem>>) src(%dma_wait3A_273 : memref<64x128xf32, #tpu.memory_space<hbm>>) dst(%arg9 : memref<64x128xf32, #tpu.memory_space<vmem>>)
      %ge3A_274 = arith.constant 2 : i32
      %ge3A_275 = arith.cmpi sge, %add3A_260, %ge3A_274 : i32
      %convert_element_type3A_276 = arith.extui %ge3A_275 : i1 to i32
      %cond3A_277 = arith.constant 0 : i32
      %cond3A_278 = arith.cmpi ne, %convert_element_type3A_276, %cond3A_277 : i32
      scf.if %cond3A_278 {
        %dma_wait3A_418 = arith.constant 0 : i32
        %dma_wait3A_419 = arith.constant 0 : i32
        %dma_wait3A_420 = tpu.memref_slice %arg6[%dma_wait3A_418, %dma_wait3A_419] : memref<10000x128xf32, #tpu.memory_space<vmem_shared>> -> memref<10000x128xf32, #tpu.memory_space<vmem_shared>>
        tpu.wait_indirect_dma semaphore(%arg25 : memref<!tpu.dma_semaphore, #tpu.memory_space<semaphore_mem>>) src(%arg11 : memref<64x128xf32, #tpu.memory_space<vmem>>) dst(%dma_wait3A_420 : memref<10000x128xf32, #tpu.memory_space<vmem_shared>>)
      } else {
      }
      %jit3A_279 = arith.constant 2 : i32
      %div3A_280 = arith.divsi %add3A_260, %jit3A_279 : i32
      %sign3A_281 = arith.constant 0 : i32
      %sign3A_282 = arith.cmpi sgt, %add3A_260, %sign3A_281 : i32
      %sign3A_283 = arith.extui %sign3A_282 : i1 to i32
      %sign3A_284 = arith.constant 0 : i32
      %sign3A_285 = arith.cmpi slt, %add3A_260, %sign3A_284 : i32
      %sign3A_286 = arith.extui %sign3A_285 : i1 to i32
      %sign3A_287 = arith.subi %sign3A_283, %sign3A_286 : i32
      %sign3A_288 = arith.constant 0 : i32
      %sign3A_289 = arith.cmpi sgt, %jit3A_279, %sign3A_288 : i32
      %sign3A_290 = arith.extui %sign3A_289 : i1 to i32
      %sign3A_291 = arith.constant 0 : i32
      %sign3A_292 = arith.cmpi slt, %jit3A_279, %sign3A_291 : i32
      %sign3A_293 = arith.extui %sign3A_292 : i1 to i32
      %sign3A_294 = arith.subi %sign3A_290, %sign3A_293 : i32
      %ne3A_295 = arith.cmpi ne, %sign3A_287, %sign3A_294 : i32
      %rem3A_296 = arith.remsi %add3A_260, %jit3A_279 : i32
      %ne3A_297 = arith.constant 0 : i32
      %ne3A_298 = arith.cmpi ne, %rem3A_296, %ne3A_297 : i32
      %and3A_299 = arith.andi %ne3A_295, %ne3A_298 : i1
      %sub3A_300 = arith.constant 1 : i32
      %sub3A_301 = arith.subi %div3A_280, %sub3A_300 : i32
      %select_n3A_302 = arith.select %and3A_299, %sub3A_301, %div3A_280 : i32
      %mul3A_303 = arith.constant 128 : i32
      %mul3A_304 = arith.muli %select_n3A_302, %mul3A_303 : i32
      %add3A_305 = arith.addi %multiple_of3A, %mul3A_304 : i32
      %multiple_of3A_306 = tpu.assume_multiple %add3A_305, 128 : i32
      %dma_wait3A_307 = arith.constant 1 : i32
      %dma_wait3A_308 = tpu.memref_slice %arg3[%dma_wait3A_307, %multiple_of3A_306] : memref<2x320000xi32, #tpu.memory_space<hbm>> -> memref<1x128xi32, #tpu.memory_space<hbm>>
      %dma_wait3A_309 = tpu.memref_squeeze %dma_wait3A_308 : memref<1x128xi32, #tpu.memory_space<hbm>> -> memref<128xi32, #tpu.memory_space<hbm>>
      %dma_wait3A_310 = tpu.memref_slice %arg3[%dma_wait3A_307, %multiple_of3A_306] : memref<2x320000xi32, #tpu.memory_space<hbm>> -> memref<1x128xi32, #tpu.memory_space<hbm>>
      %dma_wait3A_311 = tpu.memref_squeeze %dma_wait3A_310 : memref<1x128xi32, #tpu.memory_space<hbm>> -> memref<128xi32, #tpu.memory_space<hbm>>
      tpu.wait_dma2 semaphore(%arg24 : memref<!tpu.dma_semaphore, #tpu.memory_space<semaphore_mem>>) src(%dma_wait3A_311 : memref<128xi32, #tpu.memory_space<hbm>>) dst(%arg16 : memref<128xi32, #tpu.memory_space<vmem>>)
      %get3A_312 = arith.constant 0 : index
      %get3A_313 = tpu.vector_load %arg16[%get3A_312] {strides = array<i32>} : memref<128xi32, #tpu.memory_space<vmem>>, vector<16xi32>,
      %get3A_314 = vector.shape_cast %get3A_313 : vector<16xi32> to vector<16xi32>
      %swap3A_315 = arith.constant 0 : index
      %swap3A_316 = tpu.vector_load %arg17[%swap3A_315] {strides = array<i32>} : memref<64xi32, #tpu.memory_space<vmem>>, vector<16xi32>,
      %swap3A_317 = vector.shape_cast %swap3A_316 : vector<16xi32> to vector<16xi32>
      %swap3A_318 = vector.shape_cast %get3A_314 : vector<16xi32> to vector<16xi32>
      tpu.vector_store %arg17[%swap3A_315], %swap3A_318 {strides = array<i32>} : memref<64xi32, #tpu.memory_space<vmem>>, vector<16xi32>,
      %get3A_319 = arith.constant 16 : index
      %get3A_320 = tpu.vector_load %arg16[%get3A_319] {strides = array<i32>} : memref<128xi32, #tpu.memory_space<vmem>>, vector<16xi32>,
      %get3A_321 = vector.shape_cast %get3A_320 : vector<16xi32> to vector<16xi32>
      %swap3A_322 = arith.constant 16 : index
      %swap3A_323 = tpu.vector_load %arg17[%swap3A_322] {strides = array<i32>} : memref<64xi32, #tpu.memory_space<vmem>>, vector<16xi32>,
      %swap3A_324 = vector.shape_cast %swap3A_323 : vector<16xi32> to vector<16xi32>
      %swap3A_325 = vector.shape_cast %get3A_321 : vector<16xi32> to vector<16xi32>
      tpu.vector_store %arg17[%swap3A_322], %swap3A_325 {strides = array<i32>} : memref<64xi32, #tpu.memory_space<vmem>>, vector<16xi32>,
      %get3A_326 = arith.constant 32 : index
      %get3A_327 = tpu.vector_load %arg16[%get3A_326] {strides = array<i32>} : memref<128xi32, #tpu.memory_space<vmem>>, vector<16xi32>,
      %get3A_328 = vector.shape_cast %get3A_327 : vector<16xi32> to vector<16xi32>
      %swap3A_329 = arith.constant 32 : index
      %swap3A_330 = tpu.vector_load %arg17[%swap3A_329] {strides = array<i32>} : memref<64xi32, #tpu.memory_space<vmem>>, vector<16xi32>,
      %swap3A_331 = vector.shape_cast %swap3A_330 : vector<16xi32> to vector<16xi32>
      %swap3A_332 = vector.shape_cast %get3A_328 : vector<16xi32> to vector<16xi32>
      tpu.vector_store %arg17[%swap3A_329], %swap3A_332 {strides = array<i32>} : memref<64xi32, #tpu.memory_space<vmem>>, vector<16xi32>,
      %get3A_333 = arith.constant 48 : index
      %get3A_334 = tpu.vector_load %arg16[%get3A_333] {strides = array<i32>} : memref<128xi32, #tpu.memory_space<vmem>>, vector<16xi32>,
      %get3A_335 = vector.shape_cast %get3A_334 : vector<16xi32> to vector<16xi32>
      %swap3A_336 = arith.constant 48 : index
      %swap3A_337 = tpu.vector_load %arg17[%swap3A_336] {strides = array<i32>} : memref<64xi32, #tpu.memory_space<vmem>>, vector<16xi32>,
      %swap3A_338 = vector.shape_cast %swap3A_337 : vector<16xi32> to vector<16xi32>
      %swap3A_339 = vector.shape_cast %get3A_335 : vector<16xi32> to vector<16xi32>
      tpu.vector_store %arg17[%swap3A_336], %swap3A_339 {strides = array<i32>} : memref<64xi32, #tpu.memory_space<vmem>>, vector<16xi32>,
      %parallel_loop3A_340 = arith.constant 0 : i32
      %parallel_loop3A_341 = arith.constant 64 : i32
      %parallel_loop3A_342 = arith.constant 1 : i32
      scf.for %parallel_loop3A_418 = %parallel_loop3A_340 to %parallel_loop3A_341 step %parallel_loop3A_342  : i32 {
        %parallel_loop3A_419 = arith.index_cast %parallel_loop3A_418 : i32 to index
        %parallel_loop3A_420 = arith.constant 0 : index
        %parallel_loop3A_421 = tpu.vector_load %arg7[%parallel_loop3A_419, %parallel_loop3A_420] {strides = array<i32>} : memref<64x128xf32, #tpu.memory_space<vmem>>, vector<1x16xf32>,
        %parallel_loop3A_422 = vector.shape_cast %parallel_loop3A_421 : vector<1x16xf32> to vector<1x16xf32>
        %parallel_loop3A_423 = arith.index_cast %parallel_loop3A_418 : i32 to index
        %parallel_loop3A_424 = arith.constant 0 : index
        %parallel_loop3A_425 = tpu.vector_load %arg9[%parallel_loop3A_423, %parallel_loop3A_424] {strides = array<i32>} : memref<64x128xf32, #tpu.memory_space<vmem>>, vector<1x16xf32>,
        %parallel_loop3A_426 = vector.shape_cast %parallel_loop3A_425 : vector<1x16xf32> to vector<1x16xf32>
        %parallel_loop3A_427 = arith.addf %parallel_loop3A_422, %parallel_loop3A_426 : vector<1x16xf32>
        %parallel_loop3A_428 = arith.constant 0.000000e+00 : f32
        %parallel_loop3A_429 = vector.broadcast %parallel_loop3A_428 : f32 to vector<1x16xf32>
        %parallel_loop3A_430 = arith.maximumf %parallel_loop3A_427, %parallel_loop3A_429 : vector<1x16xf32>
        %parallel_loop3A_431 = arith.index_cast %parallel_loop3A_418 : i32 to index
        %parallel_loop3A_432 = arith.constant 0 : index
        %parallel_loop3A_433 = tpu.vector_load %arg11[%parallel_loop3A_431, %parallel_loop3A_432] {strides = array<i32>} : memref<64x128xf32, #tpu.memory_space<vmem>>, vector<1x16xf32>,
        %parallel_loop3A_434 = vector.shape_cast %parallel_loop3A_433 : vector<1x16xf32> to vector<1x16xf32>
        %parallel_loop3A_435 = vector.shape_cast %parallel_loop3A_430 : vector<1x16xf32> to vector<1x16xf32>
        tpu.vector_store %arg11[%parallel_loop3A_431, %parallel_loop3A_432], %parallel_loop3A_435 {strides = array<i32>} : memref<64x128xf32, #tpu.memory_space<vmem>>, vector<1x16xf32>,
        %parallel_loop3A_436 = arith.index_cast %parallel_loop3A_418 : i32 to index
        %parallel_loop3A_437 = arith.constant 16 : index
        %parallel_loop3A_438 = tpu.vector_load %arg7[%parallel_loop3A_436, %parallel_loop3A_437] {strides = array<i32>} : memref<64x128xf32, #tpu.memory_space<vmem>>, vector<1x16xf32>,
        %parallel_loop3A_439 = vector.shape_cast %parallel_loop3A_438 : vector<1x16xf32> to vector<1x16xf32>
        %parallel_loop3A_440 = arith.index_cast %parallel_loop3A_418 : i32 to index
        %parallel_loop3A_441 = arith.constant 16 : index
        %parallel_loop3A_442 = tpu.vector_load %arg9[%parallel_loop3A_440, %parallel_loop3A_441] {strides = array<i32>} : memref<64x128xf32, #tpu.memory_space<vmem>>, vector<1x16xf32>,
        %parallel_loop3A_443 = vector.shape_cast %parallel_loop3A_442 : vector<1x16xf32> to vector<1x16xf32>
        %parallel_loop3A_444 = arith.addf %parallel_loop3A_439, %parallel_loop3A_443 : vector<1x16xf32>
        %parallel_loop3A_445 = arith.constant 0.000000e+00 : f32
        %parallel_loop3A_446 = vector.broadcast %parallel_loop3A_445 : f32 to vector<1x16xf32>
        %parallel_loop3A_447 = arith.maximumf %parallel_loop3A_444, %parallel_loop3A_446 : vector<1x16xf32>
        %parallel_loop3A_448 = arith.index_cast %parallel_loop3A_418 : i32 to index
        %parallel_loop3A_449 = arith.constant 16 : index
        %parallel_loop3A_450 = tpu.vector_load %arg11[%parallel_loop3A_448, %parallel_loop3A_449] {strides = array<i32>} : memref<64x128xf32, #tpu.memory_space<vmem>>, vector<1x16xf32>,
        %parallel_loop3A_451 = vector.shape_cast %parallel_loop3A_450 : vector<1x16xf32> to vector<1x16xf32>
        %parallel_loop3A_452 = vector.shape_cast %parallel_loop3A_447 : vector<1x16xf32> to vector<1x16xf32>
        tpu.vector_store %arg11[%parallel_loop3A_448, %parallel_loop3A_449], %parallel_loop3A_452 {strides = array<i32>} : memref<64x128xf32, #tpu.memory_space<vmem>>, vector<1x16xf32>,
        %parallel_loop3A_453 = arith.index_cast %parallel_loop3A_418 : i32 to index
        %parallel_loop3A_454 = arith.constant 32 : index
        %parallel_loop3A_455 = tpu.vector_load %arg7[%parallel_loop3A_453, %parallel_loop3A_454] {strides = array<i32>} : memref<64x128xf32, #tpu.memory_space<vmem>>, vector<1x16xf32>,
        %parallel_loop3A_456 = vector.shape_cast %parallel_loop3A_455 : vector<1x16xf32> to vector<1x16xf32>
        %parallel_loop3A_457 = arith.index_cast %parallel_loop3A_418 : i32 to index
        %parallel_loop3A_458 = arith.constant 32 : index
        %parallel_loop3A_459 = tpu.vector_load %arg9[%parallel_loop3A_457, %parallel_loop3A_458] {strides = array<i32>} : memref<64x128xf32, #tpu.memory_space<vmem>>, vector<1x16xf32>,
        %parallel_loop3A_460 = vector.shape_cast %parallel_loop3A_459 : vector<1x16xf32> to vector<1x16xf32>
        %parallel_loop3A_461 = arith.addf %parallel_loop3A_456, %parallel_loop3A_460 : vector<1x16xf32>
        %parallel_loop3A_462 = arith.constant 0.000000e+00 : f32
        %parallel_loop3A_463 = vector.broadcast %parallel_loop3A_462 : f32 to vector<1x16xf32>
        %parallel_loop3A_464 = arith.maximumf %parallel_loop3A_461, %parallel_loop3A_463 : vector<1x16xf32>
        %parallel_loop3A_465 = arith.index_cast %parallel_loop3A_418 : i32 to index
        %parallel_loop3A_466 = arith.constant 32 : index
        %parallel_loop3A_467 = tpu.vector_load %arg11[%parallel_loop3A_465, %parallel_loop3A_466] {strides = array<i32>} : memref<64x128xf32, #tpu.memory_space<vmem>>, vector<1x16xf32>,
        %parallel_loop3A_468 = vector.shape_cast %parallel_loop3A_467 : vector<1x16xf32> to vector<1x16xf32>
        %parallel_loop3A_469 = vector.shape_cast %parallel_loop3A_464 : vector<1x16xf32> to vector<1x16xf32>
        tpu.vector_store %arg11[%parallel_loop3A_465, %parallel_loop3A_466], %parallel_loop3A_469 {strides = array<i32>} : memref<64x128xf32, #tpu.memory_space<vmem>>, vector<1x16xf32>,
        %parallel_loop3A_470 = arith.index_cast %parallel_loop3A_418 : i32 to index
        %parallel_loop3A_471 = arith.constant 48 : index
        %parallel_loop3A_472 = tpu.vector_load %arg7[%parallel_loop3A_470, %parallel_loop3A_471] {strides = array<i32>} : memref<64x128xf32, #tpu.memory_space<vmem>>, vector<1x16xf32>,
        %parallel_loop3A_473 = vector.shape_cast %parallel_loop3A_472 : vector<1x16xf32> to vector<1x16xf32>
        %parallel_loop3A_474 = arith.index_cast %parallel_loop3A_418 : i32 to index
        %parallel_loop3A_475 = arith.constant 48 : index
        %parallel_loop3A_476 = tpu.vector_load %arg9[%parallel_loop3A_474, %parallel_loop3A_475] {strides = array<i32>} : memref<64x128xf32, #tpu.memory_space<vmem>>, vector<1x16xf32>,
        %parallel_loop3A_477 = vector.shape_cast %parallel_loop3A_476 : vector<1x16xf32> to vector<1x16xf32>
        %parallel_loop3A_478 = arith.addf %parallel_loop3A_473, %parallel_loop3A_477 : vector<1x16xf32>
        %parallel_loop3A_479 = arith.constant 0.000000e+00 : f32
        %parallel_loop3A_480 = vector.broadcast %parallel_loop3A_479 : f32 to vector<1x16xf32>
        %parallel_loop3A_481 = arith.maximumf %parallel_loop3A_478, %parallel_loop3A_480 : vector<1x16xf32>
        %parallel_loop3A_482 = arith.index_cast %parallel_loop3A_418 : i32 to index
        %parallel_loop3A_483 = arith.constant 48 : index
        %parallel_loop3A_484 = tpu.vector_load %arg11[%parallel_loop3A_482, %parallel_loop3A_483] {strides = array<i32>} : memref<64x128xf32, #tpu.memory_space<vmem>>, vector<1x16xf32>,
        %parallel_loop3A_485 = vector.shape_cast %parallel_loop3A_484 : vector<1x16xf32> to vector<1x16xf32>
        %parallel_loop3A_486 = vector.shape_cast %parallel_loop3A_481 : vector<1x16xf32> to vector<1x16xf32>
        tpu.vector_store %arg11[%parallel_loop3A_482, %parallel_loop3A_483], %parallel_loop3A_486 {strides = array<i32>} : memref<64x128xf32, #tpu.memory_space<vmem>>, vector<1x16xf32>,
        %parallel_loop3A_487 = arith.index_cast %parallel_loop3A_418 : i32 to index
        %parallel_loop3A_488 = arith.constant 64 : index
        %parallel_loop3A_489 = tpu.vector_load %arg7[%parallel_loop3A_487, %parallel_loop3A_488] {strides = array<i32>} : memref<64x128xf32, #tpu.memory_space<vmem>>, vector<1x16xf32>,
        %parallel_loop3A_490 = vector.shape_cast %parallel_loop3A_489 : vector<1x16xf32> to vector<1x16xf32>
        %parallel_loop3A_491 = arith.index_cast %parallel_loop3A_418 : i32 to index
        %parallel_loop3A_492 = arith.constant 64 : index
        %parallel_loop3A_493 = tpu.vector_load %arg9[%parallel_loop3A_491, %parallel_loop3A_492] {strides = array<i32>} : memref<64x128xf32, #tpu.memory_space<vmem>>, vector<1x16xf32>,
        %parallel_loop3A_494 = vector.shape_cast %parallel_loop3A_493 : vector<1x16xf32> to vector<1x16xf32>
        %parallel_loop3A_495 = arith.addf %parallel_loop3A_490, %parallel_loop3A_494 : vector<1x16xf32>
        %parallel_loop3A_496 = arith.constant 0.000000e+00 : f32
        %parallel_loop3A_497 = vector.broadcast %parallel_loop3A_496 : f32 to vector<1x16xf32>
        %parallel_loop3A_498 = arith.maximumf %parallel_loop3A_495, %parallel_loop3A_497 : vector<1x16xf32>
        %parallel_loop3A_499 = arith.index_cast %parallel_loop3A_418 : i32 to index
        %parallel_loop3A_500 = arith.constant 64 : index
        %parallel_loop3A_501 = tpu.vector_load %arg11[%parallel_loop3A_499, %parallel_loop3A_500] {strides = array<i32>} : memref<64x128xf32, #tpu.memory_space<vmem>>, vector<1x16xf32>,
        %parallel_loop3A_502 = vector.shape_cast %parallel_loop3A_501 : vector<1x16xf32> to vector<1x16xf32>
        %parallel_loop3A_503 = vector.shape_cast %parallel_loop3A_498 : vector<1x16xf32> to vector<1x16xf32>
        tpu.vector_store %arg11[%parallel_loop3A_499, %parallel_loop3A_500], %parallel_loop3A_503 {strides = array<i32>} : memref<64x128xf32, #tpu.memory_space<vmem>>, vector<1x16xf32>,
        %parallel_loop3A_504 = arith.index_cast %parallel_loop3A_418 : i32 to index
        %parallel_loop3A_505 = arith.constant 80 : index
        %parallel_loop3A_506 = tpu.vector_load %arg7[%parallel_loop3A_504, %parallel_loop3A_505] {strides = array<i32>} : memref<64x128xf32, #tpu.memory_space<vmem>>, vector<1x16xf32>,
        %parallel_loop3A_507 = vector.shape_cast %parallel_loop3A_506 : vector<1x16xf32> to vector<1x16xf32>
        %parallel_loop3A_508 = arith.index_cast %parallel_loop3A_418 : i32 to index
        %parallel_loop3A_509 = arith.constant 80 : index
        %parallel_loop3A_510 = tpu.vector_load %arg9[%parallel_loop3A_508, %parallel_loop3A_509] {strides = array<i32>} : memref<64x128xf32, #tpu.memory_space<vmem>>, vector<1x16xf32>,
        %parallel_loop3A_511 = vector.shape_cast %parallel_loop3A_510 : vector<1x16xf32> to vector<1x16xf32>
        %parallel_loop3A_512 = arith.addf %parallel_loop3A_507, %parallel_loop3A_511 : vector<1x16xf32>
        %parallel_loop3A_513 = arith.constant 0.000000e+00 : f32
        %parallel_loop3A_514 = vector.broadcast %parallel_loop3A_513 : f32 to vector<1x16xf32>
        %parallel_loop3A_515 = arith.maximumf %parallel_loop3A_512, %parallel_loop3A_514 : vector<1x16xf32>
        %parallel_loop3A_516 = arith.index_cast %parallel_loop3A_418 : i32 to index
        %parallel_loop3A_517 = arith.constant 80 : index
        %parallel_loop3A_518 = tpu.vector_load %arg11[%parallel_loop3A_516, %parallel_loop3A_517] {strides = array<i32>} : memref<64x128xf32, #tpu.memory_space<vmem>>, vector<1x16xf32>,
        %parallel_loop3A_519 = vector.shape_cast %parallel_loop3A_518 : vector<1x16xf32> to vector<1x16xf32>
        %parallel_loop3A_520 = vector.shape_cast %parallel_loop3A_515 : vector<1x16xf32> to vector<1x16xf32>
        tpu.vector_store %arg11[%parallel_loop3A_516, %parallel_loop3A_517], %parallel_loop3A_520 {strides = array<i32>} : memref<64x128xf32, #tpu.memory_space<vmem>>, vector<1x16xf32>,
        %parallel_loop3A_521 = arith.index_cast %parallel_loop3A_418 : i32 to index
        %parallel_loop3A_522 = arith.constant 96 : index
        %parallel_loop3A_523 = tpu.vector_load %arg7[%parallel_loop3A_521, %parallel_loop3A_522] {strides = array<i32>} : memref<64x128xf32, #tpu.memory_space<vmem>>, vector<1x16xf32>,
        %parallel_loop3A_524 = vector.shape_cast %parallel_loop3A_523 : vector<1x16xf32> to vector<1x16xf32>
        %parallel_loop3A_525 = arith.index_cast %parallel_loop3A_418 : i32 to index
        %parallel_loop3A_526 = arith.constant 96 : index
        %parallel_loop3A_527 = tpu.vector_load %arg9[%parallel_loop3A_525, %parallel_loop3A_526] {strides = array<i32>} : memref<64x128xf32, #tpu.memory_space<vmem>>, vector<1x16xf32>,
        %parallel_loop3A_528 = vector.shape_cast %parallel_loop3A_527 : vector<1x16xf32> to vector<1x16xf32>
        %parallel_loop3A_529 = arith.addf %parallel_loop3A_524, %parallel_loop3A_528 : vector<1x16xf32>
        %parallel_loop3A_530 = arith.constant 0.000000e+00 : f32
        %parallel_loop3A_531 = vector.broadcast %parallel_loop3A_530 : f32 to vector<1x16xf32>
        %parallel_loop3A_532 = arith.maximumf %parallel_loop3A_529, %parallel_loop3A_531 : vector<1x16xf32>
        %parallel_loop3A_533 = arith.index_cast %parallel_loop3A_418 : i32 to index
        %parallel_loop3A_534 = arith.constant 96 : index
        %parallel_loop3A_535 = tpu.vector_load %arg11[%parallel_loop3A_533, %parallel_loop3A_534] {strides = array<i32>} : memref<64x128xf32, #tpu.memory_space<vmem>>, vector<1x16xf32>,
        %parallel_loop3A_536 = vector.shape_cast %parallel_loop3A_535 : vector<1x16xf32> to vector<1x16xf32>
        %parallel_loop3A_537 = vector.shape_cast %parallel_loop3A_532 : vector<1x16xf32> to vector<1x16xf32>
        tpu.vector_store %arg11[%parallel_loop3A_533, %parallel_loop3A_534], %parallel_loop3A_537 {strides = array<i32>} : memref<64x128xf32, #tpu.memory_space<vmem>>, vector<1x16xf32>,
        %parallel_loop3A_538 = arith.index_cast %parallel_loop3A_418 : i32 to index
        %parallel_loop3A_539 = arith.constant 112 : index
        %parallel_loop3A_540 = tpu.vector_load %arg7[%parallel_loop3A_538, %parallel_loop3A_539] {strides = array<i32>} : memref<64x128xf32, #tpu.memory_space<vmem>>, vector<1x16xf32>,
        %parallel_loop3A_541 = vector.shape_cast %parallel_loop3A_540 : vector<1x16xf32> to vector<1x16xf32>
        %parallel_loop3A_542 = arith.index_cast %parallel_loop3A_418 : i32 to index
        %parallel_loop3A_543 = arith.constant 112 : index
        %parallel_loop3A_544 = tpu.vector_load %arg9[%parallel_loop3A_542, %parallel_loop3A_543] {strides = array<i32>} : memref<64x128xf32, #tpu.memory_space<vmem>>, vector<1x16xf32>,
        %parallel_loop3A_545 = vector.shape_cast %parallel_loop3A_544 : vector<1x16xf32> to vector<1x16xf32>
        %parallel_loop3A_546 = arith.addf %parallel_loop3A_541, %parallel_loop3A_545 : vector<1x16xf32>
        %parallel_loop3A_547 = arith.constant 0.000000e+00 : f32
        %parallel_loop3A_548 = vector.broadcast %parallel_loop3A_547 : f32 to vector<1x16xf32>
        %parallel_loop3A_549 = arith.maximumf %parallel_loop3A_546, %parallel_loop3A_548 : vector<1x16xf32>
        %parallel_loop3A_550 = arith.index_cast %parallel_loop3A_418 : i32 to index
        %parallel_loop3A_551 = arith.constant 112 : index
        %parallel_loop3A_552 = tpu.vector_load %arg11[%parallel_loop3A_550, %parallel_loop3A_551] {strides = array<i32>} : memref<64x128xf32, #tpu.memory_space<vmem>>, vector<1x16xf32>,
        %parallel_loop3A_553 = vector.shape_cast %parallel_loop3A_552 : vector<1x16xf32> to vector<1x16xf32>
        %parallel_loop3A_554 = vector.shape_cast %parallel_loop3A_549 : vector<1x16xf32> to vector<1x16xf32>
        tpu.vector_store %arg11[%parallel_loop3A_550, %parallel_loop3A_551], %parallel_loop3A_554 {strides = array<i32>} : memref<64x128xf32, #tpu.memory_space<vmem>>, vector<1x16xf32>,
      } {sc.loop_unroll_factor = 8 : i64, sc.parallel_access}
      %dma_start3A_343 = arith.constant 0 : i32
      %dma_start3A_344 = arith.constant 0 : i32
      %dma_start3A_345 = tpu.memref_slice %arg6[%dma_start3A_343, %dma_start3A_344] : memref<10000x128xf32, #tpu.memory_space<vmem_shared>> -> memref<10000x128xf32, #tpu.memory_space<vmem_shared>>
      tpu.enqueue_indirect_dma source(%arg11 : memref<64x128xf32, #tpu.memory_space<vmem>>) target(%dma_start3A_345 : memref<10000x128xf32, #tpu.memory_space<vmem_shared>>) offsets(%arg17 : memref<64xi32, #tpu.memory_space<vmem>>) semaphore(%arg25 : memref<!tpu.dma_semaphore, #tpu.memory_space<semaphore_mem>>) {add = true}
      %add3A_346 = arith.constant 2 : i32
      %add3A_347 = arith.addi %add3A_260, %add3A_346 : i32
      %lt3A_348 = arith.cmpi slt, %add3A_347, %select_n3A : i32
      %convert_element_type3A_349 = arith.extui %lt3A_348 : i1 to i32
      %cond3A_350 = arith.constant 0 : i32
      %cond3A_351 = arith.cmpi ne, %convert_element_type3A_349, %cond3A_350 : i32
      scf.if %cond3A_351 {
        %jit3A_418 = arith.constant 2 : i32
        %div3A_419 = arith.divsi %add3A_260, %jit3A_418 : i32
        %sign3A_420 = arith.constant 0 : i32
        %sign3A_421 = arith.cmpi sgt, %add3A_260, %sign3A_420 : i32
        %sign3A_422 = arith.extui %sign3A_421 : i1 to i32
        %sign3A_423 = arith.constant 0 : i32
        %sign3A_424 = arith.cmpi slt, %add3A_260, %sign3A_423 : i32
        %sign3A_425 = arith.extui %sign3A_424 : i1 to i32
        %sign3A_426 = arith.subi %sign3A_422, %sign3A_425 : i32
        %sign3A_427 = arith.constant 0 : i32
        %sign3A_428 = arith.cmpi sgt, %jit3A_418, %sign3A_427 : i32
        %sign3A_429 = arith.extui %sign3A_428 : i1 to i32
        %sign3A_430 = arith.constant 0 : i32
        %sign3A_431 = arith.cmpi slt, %jit3A_418, %sign3A_430 : i32
        %sign3A_432 = arith.extui %sign3A_431 : i1 to i32
        %sign3A_433 = arith.subi %sign3A_429, %sign3A_432 : i32
        %ne3A_434 = arith.cmpi ne, %sign3A_426, %sign3A_433 : i32
        %rem3A_435 = arith.remsi %add3A_260, %jit3A_418 : i32
        %ne3A_436 = arith.constant 0 : i32
        %ne3A_437 = arith.cmpi ne, %rem3A_435, %ne3A_436 : i32
        %and3A_438 = arith.andi %ne3A_434, %ne3A_437 : i1
        %sub3A_439 = arith.constant 1 : i32
        %sub3A_440 = arith.subi %div3A_419, %sub3A_439 : i32
        %select_n3A_441 = arith.select %and3A_438, %sub3A_440, %div3A_419 : i32
        %add3A_442 = arith.constant 1 : i32
        %add3A_443 = arith.addi %select_n3A_441, %add3A_442 : i32
        %mul3A_444 = arith.constant 128 : i32
        %mul3A_445 = arith.muli %add3A_443, %mul3A_444 : i32
        %add3A_446 = arith.addi %multiple_of3A, %mul3A_445 : i32
        %multiple_of3A_447 = tpu.assume_multiple %add3A_446, 128 : i32
        %dma_wait3A_448 = arith.constant 0 : i32
        %dma_wait3A_449 = tpu.memref_slice %arg3[%dma_wait3A_448, %multiple_of3A_447] : memref<2x320000xi32, #tpu.memory_space<hbm>> -> memref<1x128xi32, #tpu.memory_space<hbm>>
        %dma_wait3A_450 = tpu.memref_squeeze %dma_wait3A_449 : memref<1x128xi32, #tpu.memory_space<hbm>> -> memref<128xi32, #tpu.memory_space<hbm>>
        %dma_wait3A_451 = tpu.memref_slice %arg3[%dma_wait3A_448, %multiple_of3A_447] : memref<2x320000xi32, #tpu.memory_space<hbm>> -> memref<1x128xi32, #tpu.memory_space<hbm>>
        %dma_wait3A_452 = tpu.memref_squeeze %dma_wait3A_451 : memref<1x128xi32, #tpu.memory_space<hbm>> -> memref<128xi32, #tpu.memory_space<hbm>>
        tpu.wait_dma2 semaphore(%arg21 : memref<!tpu.dma_semaphore, #tpu.memory_space<semaphore_mem>>) src(%dma_wait3A_452 : memref<128xi32, #tpu.memory_space<hbm>>) dst(%arg13 : memref<128xi32, #tpu.memory_space<vmem>>)
        %add3A_453 = arith.constant 2 : i32
        %add3A_454 = arith.addi %add3A_260, %add3A_453 : i32
        %dma_start3A_455 = arith.constant 0 : i32
        %dma_start3A_456 = tpu.memref_slice %arg13[%dma_start3A_455] : memref<128xi32, #tpu.memory_space<vmem>> -> memref<64xi32, #tpu.memory_space<vmem>>
        %dma_start3A_457 = arith.constant 0 : i32
        %dma_start3A_458 = arith.constant 0 : i32
        %dma_start3A_459 = tpu.memref_slice %arg2[%dma_start3A_457, %dma_start3A_458] : memref<10000x128xf32, #tpu.memory_space<hbm>> -> memref<10000x128xf32, #tpu.memory_space<hbm>>
        tpu.enqueue_indirect_dma source(%dma_start3A_459 : memref<10000x128xf32, #tpu.memory_space<hbm>>) target(%arg7 : memref<64x128xf32, #tpu.memory_space<vmem>>) offsets(%dma_start3A_456 : memref<64xi32, #tpu.memory_space<vmem>>) semaphore(%arg19 : memref<!tpu.dma_semaphore, #tpu.memory_space<semaphore_mem>>)
        %mul3A_460 = arith.constant 64 : i32
        %mul3A_461 = arith.muli %add3A_454, %mul3A_460 : i32
        %add3A_462 = arith.addi %multiple_of3A, %mul3A_461 : i32
        %multiple_of3A_463 = tpu.assume_multiple %add3A_462, 64 : i32
        %dma_start3A_464 = arith.constant 0 : i32
        %dma_start3A_465 = tpu.memref_slice %arg4[%multiple_of3A_463, %dma_start3A_464] : memref<320000x128xf32, #tpu.memory_space<hbm>> -> memref<64x128xf32, #tpu.memory_space<hbm>>
        %dma_start3A_466 = arith.constant 0 : i32
        %dma_start3A_467 = tpu.memref_slice %arg4[%multiple_of3A_463, %dma_start3A_466] : memref<320000x128xf32, #tpu.memory_space<hbm>> -> memref<64x128xf32, #tpu.memory_space<hbm>>
        tpu.enqueue_dma source(%dma_start3A_467 : memref<64x128xf32, #tpu.memory_space<hbm>>) target(%arg9 : memref<64x128xf32, #tpu.memory_space<vmem>>) target_semaphore(%arg19 : memref<!tpu.dma_semaphore, #tpu.memory_space<semaphore_mem>>)
      } else {
      }
      %add3A_352 = arith.constant 3 : i32
      %add3A_353 = arith.addi %mul3A_107, %add3A_352 : i32
      %dma_wait3A_354 = arith.constant 64 : i32
      %dma_wait3A_355 = tpu.memref_slice %arg14[%dma_wait3A_354] : memref<128xi32, #tpu.memory_space<vmem>> -> memref<64xi32, #tpu.memory_space<vmem>>
      %dma_wait3A_356 = arith.constant 0 : i32
      %dma_wait3A_357 = arith.constant 0 : i32
      %dma_wait3A_358 = tpu.memref_slice %arg2[%dma_wait3A_356, %dma_wait3A_357] : memref<10000x128xf32, #tpu.memory_space<hbm>> -> memref<10000x128xf32, #tpu.memory_space<hbm>>
      tpu.wait_indirect_dma semaphore(%arg20 : memref<!tpu.dma_semaphore, #tpu.memory_space<semaphore_mem>>) src(%dma_wait3A_358 : memref<10000x128xf32, #tpu.memory_space<hbm>>) dst(%arg8 : memref<64x128xf32, #tpu.memory_space<vmem>>)
      %mul3A_359 = arith.constant 64 : i32
      %mul3A_360 = arith.muli %add3A_353, %mul3A_359 : i32
      %add3A_361 = arith.addi %multiple_of3A, %mul3A_360 : i32
      %multiple_of3A_362 = tpu.assume_multiple %add3A_361, 64 : i32
      %dma_wait3A_363 = arith.constant 0 : i32
      %dma_wait3A_364 = tpu.memref_slice %arg4[%multiple_of3A_362, %dma_wait3A_363] : memref<320000x128xf32, #tpu.memory_space<hbm>> -> memref<64x128xf32, #tpu.memory_space<hbm>>
      %dma_wait3A_365 = arith.constant 0 : i32
      %dma_wait3A_366 = tpu.memref_slice %arg4[%multiple_of3A_362, %dma_wait3A_365] : memref<320000x128xf32, #tpu.memory_space<hbm>> -> memref<64x128xf32, #tpu.memory_space<hbm>>
      tpu.wait_dma2 semaphore(%arg20 : memref<!tpu.dma_semaphore, #tpu.memory_space<semaphore_mem>>) src(%dma_wait3A_366 : memref<64x128xf32, #tpu.memory_space<hbm>>) dst(%arg10 : memref<64x128xf32, #tpu.memory_space<vmem>>)
      %ge3A_367 = arith.constant 2 : i32
      %ge3A_368 = arith.cmpi sge, %add3A_353, %ge3A_367 : i32
      %convert_element_type3A_369 = arith.extui %ge3A_368 : i1 to i32
      %cond3A_370 = arith.constant 0 : i32
      %cond3A_371 = arith.cmpi ne, %convert_element_type3A_369, %cond3A_370 : i32
      scf.if %cond3A_371 {
        %dma_wait3A_418 = arith.constant 0 : i32
        %dma_wait3A_419 = arith.constant 0 : i32
        %dma_wait3A_420 = tpu.memref_slice %arg6[%dma_wait3A_418, %dma_wait3A_419] : memref<10000x128xf32, #tpu.memory_space<vmem_shared>> -> memref<10000x128xf32, #tpu.memory_space<vmem_shared>>
        tpu.wait_indirect_dma semaphore(%arg26 : memref<!tpu.dma_semaphore, #tpu.memory_space<semaphore_mem>>) src(%arg12 : memref<64x128xf32, #tpu.memory_space<vmem>>) dst(%dma_wait3A_420 : memref<10000x128xf32, #tpu.memory_space<vmem_shared>>)
      } else {
      }
      %get3A_372 = arith.constant 64 : index
      %get3A_373 = tpu.vector_load %arg16[%get3A_372] {strides = array<i32>} : memref<128xi32, #tpu.memory_space<vmem>>, vector<16xi32>,
      %get3A_374 = vector.shape_cast %get3A_373 : vector<16xi32> to vector<16xi32>
      %swap3A_375 = arith.constant 0 : index
      %swap3A_376 = tpu.vector_load %arg18[%swap3A_375] {strides = array<i32>} : memref<64xi32, #tpu.memory_space<vmem>>, vector<16xi32>,
      %swap3A_377 = vector.shape_cast %swap3A_376 : vector<16xi32> to vector<16xi32>
      %swap3A_378 = vector.shape_cast %get3A_374 : vector<16xi32> to vector<16xi32>
      tpu.vector_store %arg18[%swap3A_375], %swap3A_378 {strides = array<i32>} : memref<64xi32, #tpu.memory_space<vmem>>, vector<16xi32>,
      %get3A_379 = arith.constant 80 : index
      %get3A_380 = tpu.vector_load %arg16[%get3A_379] {strides = array<i32>} : memref<128xi32, #tpu.memory_space<vmem>>, vector<16xi32>,
      %get3A_381 = vector.shape_cast %get3A_380 : vector<16xi32> to vector<16xi32>
      %swap3A_382 = arith.constant 16 : index
      %swap3A_383 = tpu.vector_load %arg18[%swap3A_382] {strides = array<i32>} : memref<64xi32, #tpu.memory_space<vmem>>, vector<16xi32>,
      %swap3A_384 = vector.shape_cast %swap3A_383 : vector<16xi32> to vector<16xi32>
      %swap3A_385 = vector.shape_cast %get3A_381 : vector<16xi32> to vector<16xi32>
      tpu.vector_store %arg18[%swap3A_382], %swap3A_385 {strides = array<i32>} : memref<64xi32, #tpu.memory_space<vmem>>, vector<16xi32>,
      %get3A_386 = arith.constant 96 : index
      %get3A_387 = tpu.vector_load %arg16[%get3A_386] {strides = array<i32>} : memref<128xi32, #tpu.memory_space<vmem>>, vector<16xi32>,
      %get3A_388 = vector.shape_cast %get3A_387 : vector<16xi32> to vector<16xi32>
      %swap3A_389 = arith.constant 32 : index
      %swap3A_390 = tpu.vector_load %arg18[%swap3A_389] {strides = array<i32>} : memref<64xi32, #tpu.memory_space<vmem>>, vector<16xi32>,
      %swap3A_391 = vector.shape_cast %swap3A_390 : vector<16xi32> to vector<16xi32>
      %swap3A_392 = vector.shape_cast %get3A_388 : vector<16xi32> to vector<16xi32>
      tpu.vector_store %arg18[%swap3A_389], %swap3A_392 {strides = array<i32>} : memref<64xi32, #tpu.memory_space<vmem>>, vector<16xi32>,
      %get3A_393 = arith.constant 112 : index
      %get3A_394 = tpu.vector_load %arg16[%get3A_393] {strides = array<i32>} : memref<128xi32, #tpu.memory_space<vmem>>, vector<16xi32>,
      %get3A_395 = vector.shape_cast %get3A_394 : vector<16xi32> to vector<16xi32>
      %swap3A_396 = arith.constant 48 : index
      %swap3A_397 = tpu.vector_load %arg18[%swap3A_396] {strides = array<i32>} : memref<64xi32, #tpu.memory_space<vmem>>, vector<16xi32>,
      %swap3A_398 = vector.shape_cast %swap3A_397 : vector<16xi32> to vector<16xi32>
      %swap3A_399 = vector.shape_cast %get3A_395 : vector<16xi32> to vector<16xi32>
      tpu.vector_store %arg18[%swap3A_396], %swap3A_399 {strides = array<i32>} : memref<64xi32, #tpu.memory_space<vmem>>, vector<16xi32>,
      %parallel_loop3A_400 = arith.constant 0 : i32
      %parallel_loop3A_401 = arith.constant 64 : i32
      %parallel_loop3A_402 = arith.constant 1 : i32
      scf.for %parallel_loop3A_418 = %parallel_loop3A_400 to %parallel_loop3A_401 step %parallel_loop3A_402  : i32 {
        %parallel_loop3A_419 = arith.index_cast %parallel_loop3A_418 : i32 to index
        %parallel_loop3A_420 = arith.constant 0 : index
        %parallel_loop3A_421 = tpu.vector_load %arg8[%parallel_loop3A_419, %parallel_loop3A_420] {strides = array<i32>} : memref<64x128xf32, #tpu.memory_space<vmem>>, vector<1x16xf32>,
        %parallel_loop3A_422 = vector.shape_cast %parallel_loop3A_421 : vector<1x16xf32> to vector<1x16xf32>
        %parallel_loop3A_423 = arith.index_cast %parallel_loop3A_418 : i32 to index
        %parallel_loop3A_424 = arith.constant 0 : index
        %parallel_loop3A_425 = tpu.vector_load %arg10[%parallel_loop3A_423, %parallel_loop3A_424] {strides = array<i32>} : memref<64x128xf32, #tpu.memory_space<vmem>>, vector<1x16xf32>,
        %parallel_loop3A_426 = vector.shape_cast %parallel_loop3A_425 : vector<1x16xf32> to vector<1x16xf32>
        %parallel_loop3A_427 = arith.addf %parallel_loop3A_422, %parallel_loop3A_426 : vector<1x16xf32>
        %parallel_loop3A_428 = arith.constant 0.000000e+00 : f32
        %parallel_loop3A_429 = vector.broadcast %parallel_loop3A_428 : f32 to vector<1x16xf32>
        %parallel_loop3A_430 = arith.maximumf %parallel_loop3A_427, %parallel_loop3A_429 : vector<1x16xf32>
        %parallel_loop3A_431 = arith.index_cast %parallel_loop3A_418 : i32 to index
        %parallel_loop3A_432 = arith.constant 0 : index
        %parallel_loop3A_433 = tpu.vector_load %arg12[%parallel_loop3A_431, %parallel_loop3A_432] {strides = array<i32>} : memref<64x128xf32, #tpu.memory_space<vmem>>, vector<1x16xf32>,
        %parallel_loop3A_434 = vector.shape_cast %parallel_loop3A_433 : vector<1x16xf32> to vector<1x16xf32>
        %parallel_loop3A_435 = vector.shape_cast %parallel_loop3A_430 : vector<1x16xf32> to vector<1x16xf32>
        tpu.vector_store %arg12[%parallel_loop3A_431, %parallel_loop3A_432], %parallel_loop3A_435 {strides = array<i32>} : memref<64x128xf32, #tpu.memory_space<vmem>>, vector<1x16xf32>,
        %parallel_loop3A_436 = arith.index_cast %parallel_loop3A_418 : i32 to index
        %parallel_loop3A_437 = arith.constant 16 : index
        %parallel_loop3A_438 = tpu.vector_load %arg8[%parallel_loop3A_436, %parallel_loop3A_437] {strides = array<i32>} : memref<64x128xf32, #tpu.memory_space<vmem>>, vector<1x16xf32>,
        %parallel_loop3A_439 = vector.shape_cast %parallel_loop3A_438 : vector<1x16xf32> to vector<1x16xf32>
        %parallel_loop3A_440 = arith.index_cast %parallel_loop3A_418 : i32 to index
        %parallel_loop3A_441 = arith.constant 16 : index
        %parallel_loop3A_442 = tpu.vector_load %arg10[%parallel_loop3A_440, %parallel_loop3A_441] {strides = array<i32>} : memref<64x128xf32, #tpu.memory_space<vmem>>, vector<1x16xf32>,
        %parallel_loop3A_443 = vector.shape_cast %parallel_loop3A_442 : vector<1x16xf32> to vector<1x16xf32>
        %parallel_loop3A_444 = arith.addf %parallel_loop3A_439, %parallel_loop3A_443 : vector<1x16xf32>
        %parallel_loop3A_445 = arith.constant 0.000000e+00 : f32
        %parallel_loop3A_446 = vector.broadcast %parallel_loop3A_445 : f32 to vector<1x16xf32>
        %parallel_loop3A_447 = arith.maximumf %parallel_loop3A_444, %parallel_loop3A_446 : vector<1x16xf32>
        %parallel_loop3A_448 = arith.index_cast %parallel_loop3A_418 : i32 to index
        %parallel_loop3A_449 = arith.constant 16 : index
        %parallel_loop3A_450 = tpu.vector_load %arg12[%parallel_loop3A_448, %parallel_loop3A_449] {strides = array<i32>} : memref<64x128xf32, #tpu.memory_space<vmem>>, vector<1x16xf32>,
        %parallel_loop3A_451 = vector.shape_cast %parallel_loop3A_450 : vector<1x16xf32> to vector<1x16xf32>
        %parallel_loop3A_452 = vector.shape_cast %parallel_loop3A_447 : vector<1x16xf32> to vector<1x16xf32>
        tpu.vector_store %arg12[%parallel_loop3A_448, %parallel_loop3A_449], %parallel_loop3A_452 {strides = array<i32>} : memref<64x128xf32, #tpu.memory_space<vmem>>, vector<1x16xf32>,
        %parallel_loop3A_453 = arith.index_cast %parallel_loop3A_418 : i32 to index
        %parallel_loop3A_454 = arith.constant 32 : index
        %parallel_loop3A_455 = tpu.vector_load %arg8[%parallel_loop3A_453, %parallel_loop3A_454] {strides = array<i32>} : memref<64x128xf32, #tpu.memory_space<vmem>>, vector<1x16xf32>,
        %parallel_loop3A_456 = vector.shape_cast %parallel_loop3A_455 : vector<1x16xf32> to vector<1x16xf32>
        %parallel_loop3A_457 = arith.index_cast %parallel_loop3A_418 : i32 to index
        %parallel_loop3A_458 = arith.constant 32 : index
        %parallel_loop3A_459 = tpu.vector_load %arg10[%parallel_loop3A_457, %parallel_loop3A_458] {strides = array<i32>} : memref<64x128xf32, #tpu.memory_space<vmem>>, vector<1x16xf32>,
        %parallel_loop3A_460 = vector.shape_cast %parallel_loop3A_459 : vector<1x16xf32> to vector<1x16xf32>
        %parallel_loop3A_461 = arith.addf %parallel_loop3A_456, %parallel_loop3A_460 : vector<1x16xf32>
        %parallel_loop3A_462 = arith.constant 0.000000e+00 : f32
        %parallel_loop3A_463 = vector.broadcast %parallel_loop3A_462 : f32 to vector<1x16xf32>
        %parallel_loop3A_464 = arith.maximumf %parallel_loop3A_461, %parallel_loop3A_463 : vector<1x16xf32>
        %parallel_loop3A_465 = arith.index_cast %parallel_loop3A_418 : i32 to index
        %parallel_loop3A_466 = arith.constant 32 : index
        %parallel_loop3A_467 = tpu.vector_load %arg12[%parallel_loop3A_465, %parallel_loop3A_466] {strides = array<i32>} : memref<64x128xf32, #tpu.memory_space<vmem>>, vector<1x16xf32>,
        %parallel_loop3A_468 = vector.shape_cast %parallel_loop3A_467 : vector<1x16xf32> to vector<1x16xf32>
        %parallel_loop3A_469 = vector.shape_cast %parallel_loop3A_464 : vector<1x16xf32> to vector<1x16xf32>
        tpu.vector_store %arg12[%parallel_loop3A_465, %parallel_loop3A_466], %parallel_loop3A_469 {strides = array<i32>} : memref<64x128xf32, #tpu.memory_space<vmem>>, vector<1x16xf32>,
        %parallel_loop3A_470 = arith.index_cast %parallel_loop3A_418 : i32 to index
        %parallel_loop3A_471 = arith.constant 48 : index
        %parallel_loop3A_472 = tpu.vector_load %arg8[%parallel_loop3A_470, %parallel_loop3A_471] {strides = array<i32>} : memref<64x128xf32, #tpu.memory_space<vmem>>, vector<1x16xf32>,
        %parallel_loop3A_473 = vector.shape_cast %parallel_loop3A_472 : vector<1x16xf32> to vector<1x16xf32>
        %parallel_loop3A_474 = arith.index_cast %parallel_loop3A_418 : i32 to index
        %parallel_loop3A_475 = arith.constant 48 : index
        %parallel_loop3A_476 = tpu.vector_load %arg10[%parallel_loop3A_474, %parallel_loop3A_475] {strides = array<i32>} : memref<64x128xf32, #tpu.memory_space<vmem>>, vector<1x16xf32>,
        %parallel_loop3A_477 = vector.shape_cast %parallel_loop3A_476 : vector<1x16xf32> to vector<1x16xf32>
        %parallel_loop3A_478 = arith.addf %parallel_loop3A_473, %parallel_loop3A_477 : vector<1x16xf32>
        %parallel_loop3A_479 = arith.constant 0.000000e+00 : f32
        %parallel_loop3A_480 = vector.broadcast %parallel_loop3A_479 : f32 to vector<1x16xf32>
        %parallel_loop3A_481 = arith.maximumf %parallel_loop3A_478, %parallel_loop3A_480 : vector<1x16xf32>
        %parallel_loop3A_482 = arith.index_cast %parallel_loop3A_418 : i32 to index
        %parallel_loop3A_483 = arith.constant 48 : index
        %parallel_loop3A_484 = tpu.vector_load %arg12[%parallel_loop3A_482, %parallel_loop3A_483] {strides = array<i32>} : memref<64x128xf32, #tpu.memory_space<vmem>>, vector<1x16xf32>,
        %parallel_loop3A_485 = vector.shape_cast %parallel_loop3A_484 : vector<1x16xf32> to vector<1x16xf32>
        %parallel_loop3A_486 = vector.shape_cast %parallel_loop3A_481 : vector<1x16xf32> to vector<1x16xf32>
        tpu.vector_store %arg12[%parallel_loop3A_482, %parallel_loop3A_483], %parallel_loop3A_486 {strides = array<i32>} : memref<64x128xf32, #tpu.memory_space<vmem>>, vector<1x16xf32>,
        %parallel_loop3A_487 = arith.index_cast %parallel_loop3A_418 : i32 to index
        %parallel_loop3A_488 = arith.constant 64 : index
        %parallel_loop3A_489 = tpu.vector_load %arg8[%parallel_loop3A_487, %parallel_loop3A_488] {strides = array<i32>} : memref<64x128xf32, #tpu.memory_space<vmem>>, vector<1x16xf32>,
        %parallel_loop3A_490 = vector.shape_cast %parallel_loop3A_489 : vector<1x16xf32> to vector<1x16xf32>
        %parallel_loop3A_491 = arith.index_cast %parallel_loop3A_418 : i32 to index
        %parallel_loop3A_492 = arith.constant 64 : index
        %parallel_loop3A_493 = tpu.vector_load %arg10[%parallel_loop3A_491, %parallel_loop3A_492] {strides = array<i32>} : memref<64x128xf32, #tpu.memory_space<vmem>>, vector<1x16xf32>,
        %parallel_loop3A_494 = vector.shape_cast %parallel_loop3A_493 : vector<1x16xf32> to vector<1x16xf32>
        %parallel_loop3A_495 = arith.addf %parallel_loop3A_490, %parallel_loop3A_494 : vector<1x16xf32>
        %parallel_loop3A_496 = arith.constant 0.000000e+00 : f32
        %parallel_loop3A_497 = vector.broadcast %parallel_loop3A_496 : f32 to vector<1x16xf32>
        %parallel_loop3A_498 = arith.maximumf %parallel_loop3A_495, %parallel_loop3A_497 : vector<1x16xf32>
        %parallel_loop3A_499 = arith.index_cast %parallel_loop3A_418 : i32 to index
        %parallel_loop3A_500 = arith.constant 64 : index
        %parallel_loop3A_501 = tpu.vector_load %arg12[%parallel_loop3A_499, %parallel_loop3A_500] {strides = array<i32>} : memref<64x128xf32, #tpu.memory_space<vmem>>, vector<1x16xf32>,
        %parallel_loop3A_502 = vector.shape_cast %parallel_loop3A_501 : vector<1x16xf32> to vector<1x16xf32>
        %parallel_loop3A_503 = vector.shape_cast %parallel_loop3A_498 : vector<1x16xf32> to vector<1x16xf32>
        tpu.vector_store %arg12[%parallel_loop3A_499, %parallel_loop3A_500], %parallel_loop3A_503 {strides = array<i32>} : memref<64x128xf32, #tpu.memory_space<vmem>>, vector<1x16xf32>,
        %parallel_loop3A_504 = arith.index_cast %parallel_loop3A_418 : i32 to index
        %parallel_loop3A_505 = arith.constant 80 : index
        %parallel_loop3A_506 = tpu.vector_load %arg8[%parallel_loop3A_504, %parallel_loop3A_505] {strides = array<i32>} : memref<64x128xf32, #tpu.memory_space<vmem>>, vector<1x16xf32>,
        %parallel_loop3A_507 = vector.shape_cast %parallel_loop3A_506 : vector<1x16xf32> to vector<1x16xf32>
        %parallel_loop3A_508 = arith.index_cast %parallel_loop3A_418 : i32 to index
        %parallel_loop3A_509 = arith.constant 80 : index
        %parallel_loop3A_510 = tpu.vector_load %arg10[%parallel_loop3A_508, %parallel_loop3A_509] {strides = array<i32>} : memref<64x128xf32, #tpu.memory_space<vmem>>, vector<1x16xf32>,
        %parallel_loop3A_511 = vector.shape_cast %parallel_loop3A_510 : vector<1x16xf32> to vector<1x16xf32>
        %parallel_loop3A_512 = arith.addf %parallel_loop3A_507, %parallel_loop3A_511 : vector<1x16xf32>
        %parallel_loop3A_513 = arith.constant 0.000000e+00 : f32
        %parallel_loop3A_514 = vector.broadcast %parallel_loop3A_513 : f32 to vector<1x16xf32>
        %parallel_loop3A_515 = arith.maximumf %parallel_loop3A_512, %parallel_loop3A_514 : vector<1x16xf32>
        %parallel_loop3A_516 = arith.index_cast %parallel_loop3A_418 : i32 to index
        %parallel_loop3A_517 = arith.constant 80 : index
        %parallel_loop3A_518 = tpu.vector_load %arg12[%parallel_loop3A_516, %parallel_loop3A_517] {strides = array<i32>} : memref<64x128xf32, #tpu.memory_space<vmem>>, vector<1x16xf32>,
        %parallel_loop3A_519 = vector.shape_cast %parallel_loop3A_518 : vector<1x16xf32> to vector<1x16xf32>
        %parallel_loop3A_520 = vector.shape_cast %parallel_loop3A_515 : vector<1x16xf32> to vector<1x16xf32>
        tpu.vector_store %arg12[%parallel_loop3A_516, %parallel_loop3A_517], %parallel_loop3A_520 {strides = array<i32>} : memref<64x128xf32, #tpu.memory_space<vmem>>, vector<1x16xf32>,
        %parallel_loop3A_521 = arith.index_cast %parallel_loop3A_418 : i32 to index
        %parallel_loop3A_522 = arith.constant 96 : index
        %parallel_loop3A_523 = tpu.vector_load %arg8[%parallel_loop3A_521, %parallel_loop3A_522] {strides = array<i32>} : memref<64x128xf32, #tpu.memory_space<vmem>>, vector<1x16xf32>,
        %parallel_loop3A_524 = vector.shape_cast %parallel_loop3A_523 : vector<1x16xf32> to vector<1x16xf32>
        %parallel_loop3A_525 = arith.index_cast %parallel_loop3A_418 : i32 to index
        %parallel_loop3A_526 = arith.constant 96 : index
        %parallel_loop3A_527 = tpu.vector_load %arg10[%parallel_loop3A_525, %parallel_loop3A_526] {strides = array<i32>} : memref<64x128xf32, #tpu.memory_space<vmem>>, vector<1x16xf32>,
        %parallel_loop3A_528 = vector.shape_cast %parallel_loop3A_527 : vector<1x16xf32> to vector<1x16xf32>
        %parallel_loop3A_529 = arith.addf %parallel_loop3A_524, %parallel_loop3A_528 : vector<1x16xf32>
        %parallel_loop3A_530 = arith.constant 0.000000e+00 : f32
        %parallel_loop3A_531 = vector.broadcast %parallel_loop3A_530 : f32 to vector<1x16xf32>
        %parallel_loop3A_532 = arith.maximumf %parallel_loop3A_529, %parallel_loop3A_531 : vector<1x16xf32>
        %parallel_loop3A_533 = arith.index_cast %parallel_loop3A_418 : i32 to index
        %parallel_loop3A_534 = arith.constant 96 : index
        %parallel_loop3A_535 = tpu.vector_load %arg12[%parallel_loop3A_533, %parallel_loop3A_534] {strides = array<i32>} : memref<64x128xf32, #tpu.memory_space<vmem>>, vector<1x16xf32>,
        %parallel_loop3A_536 = vector.shape_cast %parallel_loop3A_535 : vector<1x16xf32> to vector<1x16xf32>
        %parallel_loop3A_537 = vector.shape_cast %parallel_loop3A_532 : vector<1x16xf32> to vector<1x16xf32>
        tpu.vector_store %arg12[%parallel_loop3A_533, %parallel_loop3A_534], %parallel_loop3A_537 {strides = array<i32>} : memref<64x128xf32, #tpu.memory_space<vmem>>, vector<1x16xf32>,
        %parallel_loop3A_538 = arith.index_cast %parallel_loop3A_418 : i32 to index
        %parallel_loop3A_539 = arith.constant 112 : index
        %parallel_loop3A_540 = tpu.vector_load %arg8[%parallel_loop3A_538, %parallel_loop3A_539] {strides = array<i32>} : memref<64x128xf32, #tpu.memory_space<vmem>>, vector<1x16xf32>,
        %parallel_loop3A_541 = vector.shape_cast %parallel_loop3A_540 : vector<1x16xf32> to vector<1x16xf32>
        %parallel_loop3A_542 = arith.index_cast %parallel_loop3A_418 : i32 to index
        %parallel_loop3A_543 = arith.constant 112 : index
        %parallel_loop3A_544 = tpu.vector_load %arg10[%parallel_loop3A_542, %parallel_loop3A_543] {strides = array<i32>} : memref<64x128xf32, #tpu.memory_space<vmem>>, vector<1x16xf32>,
        %parallel_loop3A_545 = vector.shape_cast %parallel_loop3A_544 : vector<1x16xf32> to vector<1x16xf32>
        %parallel_loop3A_546 = arith.addf %parallel_loop3A_541, %parallel_loop3A_545 : vector<1x16xf32>
        %parallel_loop3A_547 = arith.constant 0.000000e+00 : f32
        %parallel_loop3A_548 = vector.broadcast %parallel_loop3A_547 : f32 to vector<1x16xf32>
        %parallel_loop3A_549 = arith.maximumf %parallel_loop3A_546, %parallel_loop3A_548 : vector<1x16xf32>
        %parallel_loop3A_550 = arith.index_cast %parallel_loop3A_418 : i32 to index
        %parallel_loop3A_551 = arith.constant 112 : index
        %parallel_loop3A_552 = tpu.vector_load %arg12[%parallel_loop3A_550, %parallel_loop3A_551] {strides = array<i32>} : memref<64x128xf32, #tpu.memory_space<vmem>>, vector<1x16xf32>,
        %parallel_loop3A_553 = vector.shape_cast %parallel_loop3A_552 : vector<1x16xf32> to vector<1x16xf32>
        %parallel_loop3A_554 = vector.shape_cast %parallel_loop3A_549 : vector<1x16xf32> to vector<1x16xf32>
        tpu.vector_store %arg12[%parallel_loop3A_550, %parallel_loop3A_551], %parallel_loop3A_554 {strides = array<i32>} : memref<64x128xf32, #tpu.memory_space<vmem>>, vector<1x16xf32>,
      } {sc.loop_unroll_factor = 8 : i64, sc.parallel_access}
      %dma_start3A_403 = arith.constant 0 : i32
      %dma_start3A_404 = arith.constant 0 : i32
      %dma_start3A_405 = tpu.memref_slice %arg6[%dma_start3A_403, %dma_start3A_404] : memref<10000x128xf32, #tpu.memory_space<vmem_shared>> -> memref<10000x128xf32, #tpu.memory_space<vmem_shared>>
      tpu.enqueue_indirect_dma source(%arg12 : memref<64x128xf32, #tpu.memory_space<vmem>>) target(%dma_start3A_405 : memref<10000x128xf32, #tpu.memory_space<vmem_shared>>) offsets(%arg18 : memref<64xi32, #tpu.memory_space<vmem>>) semaphore(%arg26 : memref<!tpu.dma_semaphore, #tpu.memory_space<semaphore_mem>>) {add = true}
      %add3A_406 = arith.constant 2 : i32
      %add3A_407 = arith.addi %add3A_353, %add3A_406 : i32
      %lt3A_408 = arith.cmpi slt, %add3A_407, %select_n3A : i32
      %convert_element_type3A_409 = arith.extui %lt3A_408 : i1 to i32
      %cond3A_410 = arith.constant 0 : i32
      %cond3A_411 = arith.cmpi ne, %convert_element_type3A_409, %cond3A_410 : i32
      scf.if %cond3A_411 {
        %add3A_418 = arith.constant 2 : i32
        %add3A_419 = arith.addi %add3A_353, %add3A_418 : i32
        %dma_start3A_420 = arith.constant 64 : i32
        %dma_start3A_421 = tpu.memref_slice %arg13[%dma_start3A_420] : memref<128xi32, #tpu.memory_space<vmem>> -> memref<64xi32, #tpu.memory_space<vmem>>
        %dma_start3A_422 = arith.constant 0 : i32
        %dma_start3A_423 = arith.constant 0 : i32
        %dma_start3A_424 = tpu.memref_slice %arg2[%dma_start3A_422, %dma_start3A_423] : memref<10000x128xf32, #tpu.memory_space<hbm>> -> memref<10000x128xf32, #tpu.memory_space<hbm>>
        tpu.enqueue_indirect_dma source(%dma_start3A_424 : memref<10000x128xf32, #tpu.memory_space<hbm>>) target(%arg8 : memref<64x128xf32, #tpu.memory_space<vmem>>) offsets(%dma_start3A_421 : memref<64xi32, #tpu.memory_space<vmem>>) semaphore(%arg20 : memref<!tpu.dma_semaphore, #tpu.memory_space<semaphore_mem>>)
        %mul3A_425 = arith.constant 64 : i32
        %mul3A_426 = arith.muli %add3A_419, %mul3A_425 : i32
        %add3A_427 = arith.addi %multiple_of3A, %mul3A_426 : i32
        %multiple_of3A_428 = tpu.assume_multiple %add3A_427, 64 : i32
        %dma_start3A_429 = arith.constant 0 : i32
        %dma_start3A_430 = tpu.memref_slice %arg4[%multiple_of3A_428, %dma_start3A_429] : memref<320000x128xf32, #tpu.memory_space<hbm>> -> memref<64x128xf32, #tpu.memory_space<hbm>>
        %dma_start3A_431 = arith.constant 0 : i32
        %dma_start3A_432 = tpu.memref_slice %arg4[%multiple_of3A_428, %dma_start3A_431] : memref<320000x128xf32, #tpu.memory_space<hbm>> -> memref<64x128xf32, #tpu.memory_space<hbm>>
        tpu.enqueue_dma source(%dma_start3A_432 : memref<64x128xf32, #tpu.memory_space<hbm>>) target(%arg10 : memref<64x128xf32, #tpu.memory_space<vmem>>) target_semaphore(%arg20 : memref<!tpu.dma_semaphore, #tpu.memory_space<semaphore_mem>>)
      } else {
      }
      %add3A_412 = arith.constant 3 : i32
      %add3A_413 = arith.addi %add3A_353, %add3A_412 : i32
      %lt3A_414 = arith.cmpi slt, %add3A_413, %select_n3A : i32
      %convert_element_type3A_415 = arith.extui %lt3A_414 : i1 to i32
      %cond3A_416 = arith.constant 0 : i32
      %cond3A_417 = arith.cmpi ne, %convert_element_type3A_415, %cond3A_416 : i32
      scf.if %cond3A_417 {
        %jit3A_418 = arith.constant 2 : i32
        %div3A_419 = arith.divsi %add3A_353, %jit3A_418 : i32
        %sign3A_420 = arith.constant 0 : i32
        %sign3A_421 = arith.cmpi sgt, %add3A_353, %sign3A_420 : i32
        %sign3A_422 = arith.extui %sign3A_421 : i1 to i32
        %sign3A_423 = arith.constant 0 : i32
        %sign3A_424 = arith.cmpi slt, %add3A_353, %sign3A_423 : i32
        %sign3A_425 = arith.extui %sign3A_424 : i1 to i32
        %sign3A_426 = arith.subi %sign3A_422, %sign3A_425 : i32
        %sign3A_427 = arith.constant 0 : i32
        %sign3A_428 = arith.cmpi sgt, %jit3A_418, %sign3A_427 : i32
        %sign3A_429 = arith.extui %sign3A_428 : i1 to i32
        %sign3A_430 = arith.constant 0 : i32
        %sign3A_431 = arith.cmpi slt, %jit3A_418, %sign3A_430 : i32
        %sign3A_432 = arith.extui %sign3A_431 : i1 to i32
        %sign3A_433 = arith.subi %sign3A_429, %sign3A_432 : i32
        %ne3A_434 = arith.cmpi ne, %sign3A_426, %sign3A_433 : i32
        %rem3A_435 = arith.remsi %add3A_353, %jit3A_418 : i32
        %ne3A_436 = arith.constant 0 : i32
        %ne3A_437 = arith.cmpi ne, %rem3A_435, %ne3A_436 : i32
        %and3A_438 = arith.andi %ne3A_434, %ne3A_437 : i1
        %sub3A_439 = arith.constant 1 : i32
        %sub3A_440 = arith.subi %div3A_419, %sub3A_439 : i32
        %select_n3A_441 = arith.select %and3A_438, %sub3A_440, %div3A_419 : i32
        %add3A_442 = arith.constant 2 : i32
        %add3A_443 = arith.addi %select_n3A_441, %add3A_442 : i32
        %mul3A_444 = arith.constant 128 : i32
        %mul3A_445 = arith.muli %add3A_443, %mul3A_444 : i32
        %add3A_446 = arith.addi %multiple_of3A, %mul3A_445 : i32
        %multiple_of3A_447 = tpu.assume_multiple %add3A_446, 128 : i32
        %dma_start3A_448 = arith.constant 0 : i32
        %dma_start3A_449 = tpu.memref_slice %arg3[%dma_start3A_448, %multiple_of3A_447] : memref<2x320000xi32, #tpu.memory_space<hbm>> -> memref<1x128xi32, #tpu.memory_space<hbm>>
        %dma_start3A_450 = tpu.memref_squeeze %dma_start3A_449 : memref<1x128xi32, #tpu.memory_space<hbm>> -> memref<128xi32, #tpu.memory_space<hbm>>
        %dma_start3A_451 = tpu.memref_slice %arg3[%dma_start3A_448, %multiple_of3A_447] : memref<2x320000xi32, #tpu.memory_space<hbm>> -> memref<1x128xi32, #tpu.memory_space<hbm>>
        %dma_start3A_452 = tpu.memref_squeeze %dma_start3A_451 : memref<1x128xi32, #tpu.memory_space<hbm>> -> memref<128xi32, #tpu.memory_space<hbm>>
        tpu.enqueue_dma source(%dma_start3A_452 : memref<128xi32, #tpu.memory_space<hbm>>) target(%arg14 : memref<128xi32, #tpu.memory_space<vmem>>) target_semaphore(%arg22 : memref<!tpu.dma_semaphore, #tpu.memory_space<semaphore_mem>>)
        %dma_start3A_453 = arith.constant 1 : i32
        %dma_start3A_454 = tpu.memref_slice %arg3[%dma_start3A_453, %multiple_of3A_447] : memref<2x320000xi32, #tpu.memory_space<hbm>> -> memref<1x128xi32, #tpu.memory_space<hbm>>
        %dma_start3A_455 = tpu.memref_squeeze %dma_start3A_454 : memref<1x128xi32, #tpu.memory_space<hbm>> -> memref<128xi32, #tpu.memory_space<hbm>>
        %dma_start3A_456 = tpu.memref_slice %arg3[%dma_start3A_453, %multiple_of3A_447] : memref<2x320000xi32, #tpu.memory_space<hbm>> -> memref<1x128xi32, #tpu.memory_space<hbm>>
        %dma_start3A_457 = tpu.memref_squeeze %dma_start3A_456 : memref<1x128xi32, #tpu.memory_space<hbm>> -> memref<128xi32, #tpu.memory_space<hbm>>
        tpu.enqueue_dma source(%dma_start3A_457 : memref<128xi32, #tpu.memory_space<hbm>>) target(%arg16 : memref<128xi32, #tpu.memory_space<vmem>>) target_semaphore(%arg24 : memref<!tpu.dma_semaphore, #tpu.memory_space<semaphore_mem>>)
      } else {
      }
    }
    %scan3A_78 = arith.constant 39 : i32
    %ge3A_79 = arith.constant 28 : i32
    %ge3A_80 = arith.cmpi sge, %add3A, %ge3A_79 : i32
    %convert_element_type3A_81 = arith.extui %ge3A_80 : i1 to i32
    %cond3A_82 = arith.constant 0 : i32
    %cond3A_83 = arith.cmpi ne, %convert_element_type3A_81, %cond3A_82 : i32
    scf.if %cond3A_83 {
      %dma_wait3A_101 = arith.constant 0 : i32
      %dma_wait3A_102 = tpu.memref_slice %arg13[%dma_wait3A_101] : memref<128xi32, #tpu.memory_space<vmem>> -> memref<64xi32, #tpu.memory_space<vmem>>
      %dma_wait3A_103 = arith.constant 0 : i32
      %dma_wait3A_104 = arith.constant 0 : i32
      %dma_wait3A_105 = tpu.memref_slice %arg2[%dma_wait3A_103, %dma_wait3A_104] : memref<10000x128xf32, #tpu.memory_space<hbm>> -> memref<10000x128xf32, #tpu.memory_space<hbm>>
      tpu.wait_indirect_dma semaphore(%arg19 : memref<!tpu.dma_semaphore, #tpu.memory_space<semaphore_mem>>) src(%dma_wait3A_105 : memref<10000x128xf32, #tpu.memory_space<hbm>>) dst(%arg7 : memref<64x128xf32, #tpu.memory_space<vmem>>)
      %add3A_106 = arith.constant 9984 : i32
      %add3A_107 = arith.addi %multiple_of3A, %add3A_106 : i32
      %multiple_of3A_108 = tpu.assume_multiple %add3A_107, 64 : i32
      %dma_wait3A_109 = arith.constant 0 : i32
      %dma_wait3A_110 = tpu.memref_slice %arg4[%multiple_of3A_108, %dma_wait3A_109] : memref<320000x128xf32, #tpu.memory_space<hbm>> -> memref<64x128xf32, #tpu.memory_space<hbm>>
      %dma_wait3A_111 = arith.constant 0 : i32
      %dma_wait3A_112 = tpu.memref_slice %arg4[%multiple_of3A_108, %dma_wait3A_111] : memref<320000x128xf32, #tpu.memory_space<hbm>> -> memref<64x128xf32, #tpu.memory_space<hbm>>
      tpu.wait_dma2 semaphore(%arg19 : memref<!tpu.dma_semaphore, #tpu.memory_space<semaphore_mem>>) src(%dma_wait3A_112 : memref<64x128xf32, #tpu.memory_space<hbm>>) dst(%arg9 : memref<64x128xf32, #tpu.memory_space<vmem>>)
      %dma_wait3A_113 = arith.constant 0 : i32
      %dma_wait3A_114 = arith.constant 0 : i32
      %dma_wait3A_115 = tpu.memref_slice %arg6[%dma_wait3A_113, %dma_wait3A_114] : memref<10000x128xf32, #tpu.memory_space<vmem_shared>> -> memref<10000x128xf32, #tpu.memory_space<vmem_shared>>
      tpu.wait_indirect_dma semaphore(%arg25 : memref<!tpu.dma_semaphore, #tpu.memory_space<semaphore_mem>>) src(%arg11 : memref<64x128xf32, #tpu.memory_space<vmem>>) dst(%dma_wait3A_115 : memref<10000x128xf32, #tpu.memory_space<vmem_shared>>)
      %add3A_116 = arith.constant 9984 : i32
      %add3A_117 = arith.addi %multiple_of3A, %add3A_116 : i32
      %multiple_of3A_118 = tpu.assume_multiple %add3A_117, 128 : i32
      %dma_wait3A_119 = arith.constant 1 : i32
      %dma_wait3A_120 = tpu.memref_slice %arg3[%dma_wait3A_119, %multiple_of3A_118] : memref<2x320000xi32, #tpu.memory_space<hbm>> -> memref<1x128xi32, #tpu.memory_space<hbm>>
      %dma_wait3A_121 = tpu.memref_squeeze %dma_wait3A_120 : memref<1x128xi32, #tpu.memory_space<hbm>> -> memref<128xi32, #tpu.memory_space<hbm>>
      %dma_wait3A_122 = tpu.memref_slice %arg3[%dma_wait3A_119, %multiple_of3A_118] : memref<2x320000xi32, #tpu.memory_space<hbm>> -> memref<1x128xi32, #tpu.memory_space<hbm>>
      %dma_wait3A_123 = tpu.memref_squeeze %dma_wait3A_122 : memref<1x128xi32, #tpu.memory_space<hbm>> -> memref<128xi32, #tpu.memory_space<hbm>>
      tpu.wait_dma2 semaphore(%arg23 : memref<!tpu.dma_semaphore, #tpu.memory_space<semaphore_mem>>) src(%dma_wait3A_123 : memref<128xi32, #tpu.memory_space<hbm>>) dst(%arg15 : memref<128xi32, #tpu.memory_space<vmem>>)
      %get3A = arith.constant 0 : index
      %get3A_124 = tpu.vector_load %arg15[%get3A] {strides = array<i32>} : memref<128xi32, #tpu.memory_space<vmem>>, vector<16xi32>,
      %get3A_125 = vector.shape_cast %get3A_124 : vector<16xi32> to vector<16xi32>
      %swap3A = arith.constant 0 : index
      %swap3A_126 = tpu.vector_load %arg17[%swap3A] {strides = array<i32>} : memref<64xi32, #tpu.memory_space<vmem>>, vector<16xi32>,
      %swap3A_127 = vector.shape_cast %swap3A_126 : vector<16xi32> to vector<16xi32>
      %swap3A_128 = vector.shape_cast %get3A_125 : vector<16xi32> to vector<16xi32>
      tpu.vector_store %arg17[%swap3A], %swap3A_128 {strides = array<i32>} : memref<64xi32, #tpu.memory_space<vmem>>, vector<16xi32>,
      %get3A_129 = arith.constant 16 : index
      %get3A_130 = tpu.vector_load %arg15[%get3A_129] {strides = array<i32>} : memref<128xi32, #tpu.memory_space<vmem>>, vector<16xi32>,
      %get3A_131 = vector.shape_cast %get3A_130 : vector<16xi32> to vector<16xi32>
      %swap3A_132 = arith.constant 16 : index
      %swap3A_133 = tpu.vector_load %arg17[%swap3A_132] {strides = array<i32>} : memref<64xi32, #tpu.memory_space<vmem>>, vector<16xi32>,
      %swap3A_134 = vector.shape_cast %swap3A_133 : vector<16xi32> to vector<16xi32>
      %swap3A_135 = vector.shape_cast %get3A_131 : vector<16xi32> to vector<16xi32>
      tpu.vector_store %arg17[%swap3A_132], %swap3A_135 {strides = array<i32>} : memref<64xi32, #tpu.memory_space<vmem>>, vector<16xi32>,
      %get3A_136 = arith.constant 32 : index
      %get3A_137 = tpu.vector_load %arg15[%get3A_136] {strides = array<i32>} : memref<128xi32, #tpu.memory_space<vmem>>, vector<16xi32>,
      %get3A_138 = vector.shape_cast %get3A_137 : vector<16xi32> to vector<16xi32>
      %swap3A_139 = arith.constant 32 : index
      %swap3A_140 = tpu.vector_load %arg17[%swap3A_139] {strides = array<i32>} : memref<64xi32, #tpu.memory_space<vmem>>, vector<16xi32>,
      %swap3A_141 = vector.shape_cast %swap3A_140 : vector<16xi32> to vector<16xi32>
      %swap3A_142 = vector.shape_cast %get3A_138 : vector<16xi32> to vector<16xi32>
      tpu.vector_store %arg17[%swap3A_139], %swap3A_142 {strides = array<i32>} : memref<64xi32, #tpu.memory_space<vmem>>, vector<16xi32>,
      %get3A_143 = arith.constant 48 : index
      %get3A_144 = tpu.vector_load %arg15[%get3A_143] {strides = array<i32>} : memref<128xi32, #tpu.memory_space<vmem>>, vector<16xi32>,
      %get3A_145 = vector.shape_cast %get3A_144 : vector<16xi32> to vector<16xi32>
      %swap3A_146 = arith.constant 48 : index
      %swap3A_147 = tpu.vector_load %arg17[%swap3A_146] {strides = array<i32>} : memref<64xi32, #tpu.memory_space<vmem>>, vector<16xi32>,
      %swap3A_148 = vector.shape_cast %swap3A_147 : vector<16xi32> to vector<16xi32>
      %swap3A_149 = vector.shape_cast %get3A_145 : vector<16xi32> to vector<16xi32>
      tpu.vector_store %arg17[%swap3A_146], %swap3A_149 {strides = array<i32>} : memref<64xi32, #tpu.memory_space<vmem>>, vector<16xi32>,
      %parallel_loop3A = arith.constant 0 : i32
      %parallel_loop3A_150 = arith.constant 64 : i32
      %parallel_loop3A_151 = arith.constant 1 : i32
      scf.for %parallel_loop3A_218 = %parallel_loop3A to %parallel_loop3A_150 step %parallel_loop3A_151  : i32 {
        %parallel_loop3A_219 = arith.index_cast %parallel_loop3A_218 : i32 to index
        %parallel_loop3A_220 = arith.constant 0 : index
        %parallel_loop3A_221 = tpu.vector_load %arg7[%parallel_loop3A_219, %parallel_loop3A_220] {strides = array<i32>} : memref<64x128xf32, #tpu.memory_space<vmem>>, vector<1x16xf32>,
        %parallel_loop3A_222 = vector.shape_cast %parallel_loop3A_221 : vector<1x16xf32> to vector<1x16xf32>
        %parallel_loop3A_223 = arith.index_cast %parallel_loop3A_218 : i32 to index
        %parallel_loop3A_224 = arith.constant 0 : index
        %parallel_loop3A_225 = tpu.vector_load %arg9[%parallel_loop3A_223, %parallel_loop3A_224] {strides = array<i32>} : memref<64x128xf32, #tpu.memory_space<vmem>>, vector<1x16xf32>,
        %parallel_loop3A_226 = vector.shape_cast %parallel_loop3A_225 : vector<1x16xf32> to vector<1x16xf32>
        %parallel_loop3A_227 = arith.addf %parallel_loop3A_222, %parallel_loop3A_226 : vector<1x16xf32>
        %parallel_loop3A_228 = arith.constant 0.000000e+00 : f32
        %parallel_loop3A_229 = vector.broadcast %parallel_loop3A_228 : f32 to vector<1x16xf32>
        %parallel_loop3A_230 = arith.maximumf %parallel_loop3A_227, %parallel_loop3A_229 : vector<1x16xf32>
        %parallel_loop3A_231 = arith.index_cast %parallel_loop3A_218 : i32 to index
        %parallel_loop3A_232 = arith.constant 0 : index
        %parallel_loop3A_233 = tpu.vector_load %arg11[%parallel_loop3A_231, %parallel_loop3A_232] {strides = array<i32>} : memref<64x128xf32, #tpu.memory_space<vmem>>, vector<1x16xf32>,
        %parallel_loop3A_234 = vector.shape_cast %parallel_loop3A_233 : vector<1x16xf32> to vector<1x16xf32>
        %parallel_loop3A_235 = vector.shape_cast %parallel_loop3A_230 : vector<1x16xf32> to vector<1x16xf32>
        tpu.vector_store %arg11[%parallel_loop3A_231, %parallel_loop3A_232], %parallel_loop3A_235 {strides = array<i32>} : memref<64x128xf32, #tpu.memory_space<vmem>>, vector<1x16xf32>,
        %parallel_loop3A_236 = arith.index_cast %parallel_loop3A_218 : i32 to index
        %parallel_loop3A_237 = arith.constant 16 : index
        %parallel_loop3A_238 = tpu.vector_load %arg7[%parallel_loop3A_236, %parallel_loop3A_237] {strides = array<i32>} : memref<64x128xf32, #tpu.memory_space<vmem>>, vector<1x16xf32>,
        %parallel_loop3A_239 = vector.shape_cast %parallel_loop3A_238 : vector<1x16xf32> to vector<1x16xf32>
        %parallel_loop3A_240 = arith.index_cast %parallel_loop3A_218 : i32 to index
        %parallel_loop3A_241 = arith.constant 16 : index
        %parallel_loop3A_242 = tpu.vector_load %arg9[%parallel_loop3A_240, %parallel_loop3A_241] {strides = array<i32>} : memref<64x128xf32, #tpu.memory_space<vmem>>, vector<1x16xf32>,
        %parallel_loop3A_243 = vector.shape_cast %parallel_loop3A_242 : vector<1x16xf32> to vector<1x16xf32>
        %parallel_loop3A_244 = arith.addf %parallel_loop3A_239, %parallel_loop3A_243 : vector<1x16xf32>
        %parallel_loop3A_245 = arith.constant 0.000000e+00 : f32
        %parallel_loop3A_246 = vector.broadcast %parallel_loop3A_245 : f32 to vector<1x16xf32>
        %parallel_loop3A_247 = arith.maximumf %parallel_loop3A_244, %parallel_loop3A_246 : vector<1x16xf32>
        %parallel_loop3A_248 = arith.index_cast %parallel_loop3A_218 : i32 to index
        %parallel_loop3A_249 = arith.constant 16 : index
        %parallel_loop3A_250 = tpu.vector_load %arg11[%parallel_loop3A_248, %parallel_loop3A_249] {strides = array<i32>} : memref<64x128xf32, #tpu.memory_space<vmem>>, vector<1x16xf32>,
        %parallel_loop3A_251 = vector.shape_cast %parallel_loop3A_250 : vector<1x16xf32> to vector<1x16xf32>
        %parallel_loop3A_252 = vector.shape_cast %parallel_loop3A_247 : vector<1x16xf32> to vector<1x16xf32>
        tpu.vector_store %arg11[%parallel_loop3A_248, %parallel_loop3A_249], %parallel_loop3A_252 {strides = array<i32>} : memref<64x128xf32, #tpu.memory_space<vmem>>, vector<1x16xf32>,
        %parallel_loop3A_253 = arith.index_cast %parallel_loop3A_218 : i32 to index
        %parallel_loop3A_254 = arith.constant 32 : index
        %parallel_loop3A_255 = tpu.vector_load %arg7[%parallel_loop3A_253, %parallel_loop3A_254] {strides = array<i32>} : memref<64x128xf32, #tpu.memory_space<vmem>>, vector<1x16xf32>,
        %parallel_loop3A_256 = vector.shape_cast %parallel_loop3A_255 : vector<1x16xf32> to vector<1x16xf32>
        %parallel_loop3A_257 = arith.index_cast %parallel_loop3A_218 : i32 to index
        %parallel_loop3A_258 = arith.constant 32 : index
        %parallel_loop3A_259 = tpu.vector_load %arg9[%parallel_loop3A_257, %parallel_loop3A_258] {strides = array<i32>} : memref<64x128xf32, #tpu.memory_space<vmem>>, vector<1x16xf32>,
        %parallel_loop3A_260 = vector.shape_cast %parallel_loop3A_259 : vector<1x16xf32> to vector<1x16xf32>
        %parallel_loop3A_261 = arith.addf %parallel_loop3A_256, %parallel_loop3A_260 : vector<1x16xf32>
        %parallel_loop3A_262 = arith.constant 0.000000e+00 : f32
        %parallel_loop3A_263 = vector.broadcast %parallel_loop3A_262 : f32 to vector<1x16xf32>
        %parallel_loop3A_264 = arith.maximumf %parallel_loop3A_261, %parallel_loop3A_263 : vector<1x16xf32>
        %parallel_loop3A_265 = arith.index_cast %parallel_loop3A_218 : i32 to index
        %parallel_loop3A_266 = arith.constant 32 : index
        %parallel_loop3A_267 = tpu.vector_load %arg11[%parallel_loop3A_265, %parallel_loop3A_266] {strides = array<i32>} : memref<64x128xf32, #tpu.memory_space<vmem>>, vector<1x16xf32>,
        %parallel_loop3A_268 = vector.shape_cast %parallel_loop3A_267 : vector<1x16xf32> to vector<1x16xf32>
        %parallel_loop3A_269 = vector.shape_cast %parallel_loop3A_264 : vector<1x16xf32> to vector<1x16xf32>
        tpu.vector_store %arg11[%parallel_loop3A_265, %parallel_loop3A_266], %parallel_loop3A_269 {strides = array<i32>} : memref<64x128xf32, #tpu.memory_space<vmem>>, vector<1x16xf32>,
        %parallel_loop3A_270 = arith.index_cast %parallel_loop3A_218 : i32 to index
        %parallel_loop3A_271 = arith.constant 48 : index
        %parallel_loop3A_272 = tpu.vector_load %arg7[%parallel_loop3A_270, %parallel_loop3A_271] {strides = array<i32>} : memref<64x128xf32, #tpu.memory_space<vmem>>, vector<1x16xf32>,
        %parallel_loop3A_273 = vector.shape_cast %parallel_loop3A_272 : vector<1x16xf32> to vector<1x16xf32>
        %parallel_loop3A_274 = arith.index_cast %parallel_loop3A_218 : i32 to index
        %parallel_loop3A_275 = arith.constant 48 : index
        %parallel_loop3A_276 = tpu.vector_load %arg9[%parallel_loop3A_274, %parallel_loop3A_275] {strides = array<i32>} : memref<64x128xf32, #tpu.memory_space<vmem>>, vector<1x16xf32>,
        %parallel_loop3A_277 = vector.shape_cast %parallel_loop3A_276 : vector<1x16xf32> to vector<1x16xf32>
        %parallel_loop3A_278 = arith.addf %parallel_loop3A_273, %parallel_loop3A_277 : vector<1x16xf32>
        %parallel_loop3A_279 = arith.constant 0.000000e+00 : f32
        %parallel_loop3A_280 = vector.broadcast %parallel_loop3A_279 : f32 to vector<1x16xf32>
        %parallel_loop3A_281 = arith.maximumf %parallel_loop3A_278, %parallel_loop3A_280 : vector<1x16xf32>
        %parallel_loop3A_282 = arith.index_cast %parallel_loop3A_218 : i32 to index
        %parallel_loop3A_283 = arith.constant 48 : index
        %parallel_loop3A_284 = tpu.vector_load %arg11[%parallel_loop3A_282, %parallel_loop3A_283] {strides = array<i32>} : memref<64x128xf32, #tpu.memory_space<vmem>>, vector<1x16xf32>,
        %parallel_loop3A_285 = vector.shape_cast %parallel_loop3A_284 : vector<1x16xf32> to vector<1x16xf32>
        %parallel_loop3A_286 = vector.shape_cast %parallel_loop3A_281 : vector<1x16xf32> to vector<1x16xf32>
        tpu.vector_store %arg11[%parallel_loop3A_282, %parallel_loop3A_283], %parallel_loop3A_286 {strides = array<i32>} : memref<64x128xf32, #tpu.memory_space<vmem>>, vector<1x16xf32>,
        %parallel_loop3A_287 = arith.index_cast %parallel_loop3A_218 : i32 to index
        %parallel_loop3A_288 = arith.constant 64 : index
        %parallel_loop3A_289 = tpu.vector_load %arg7[%parallel_loop3A_287, %parallel_loop3A_288] {strides = array<i32>} : memref<64x128xf32, #tpu.memory_space<vmem>>, vector<1x16xf32>,
        %parallel_loop3A_290 = vector.shape_cast %parallel_loop3A_289 : vector<1x16xf32> to vector<1x16xf32>
        %parallel_loop3A_291 = arith.index_cast %parallel_loop3A_218 : i32 to index
        %parallel_loop3A_292 = arith.constant 64 : index
        %parallel_loop3A_293 = tpu.vector_load %arg9[%parallel_loop3A_291, %parallel_loop3A_292] {strides = array<i32>} : memref<64x128xf32, #tpu.memory_space<vmem>>, vector<1x16xf32>,
        %parallel_loop3A_294 = vector.shape_cast %parallel_loop3A_293 : vector<1x16xf32> to vector<1x16xf32>
        %parallel_loop3A_295 = arith.addf %parallel_loop3A_290, %parallel_loop3A_294 : vector<1x16xf32>
        %parallel_loop3A_296 = arith.constant 0.000000e+00 : f32
        %parallel_loop3A_297 = vector.broadcast %parallel_loop3A_296 : f32 to vector<1x16xf32>
        %parallel_loop3A_298 = arith.maximumf %parallel_loop3A_295, %parallel_loop3A_297 : vector<1x16xf32>
        %parallel_loop3A_299 = arith.index_cast %parallel_loop3A_218 : i32 to index
        %parallel_loop3A_300 = arith.constant 64 : index
        %parallel_loop3A_301 = tpu.vector_load %arg11[%parallel_loop3A_299, %parallel_loop3A_300] {strides = array<i32>} : memref<64x128xf32, #tpu.memory_space<vmem>>, vector<1x16xf32>,
        %parallel_loop3A_302 = vector.shape_cast %parallel_loop3A_301 : vector<1x16xf32> to vector<1x16xf32>
        %parallel_loop3A_303 = vector.shape_cast %parallel_loop3A_298 : vector<1x16xf32> to vector<1x16xf32>
        tpu.vector_store %arg11[%parallel_loop3A_299, %parallel_loop3A_300], %parallel_loop3A_303 {strides = array<i32>} : memref<64x128xf32, #tpu.memory_space<vmem>>, vector<1x16xf32>,
        %parallel_loop3A_304 = arith.index_cast %parallel_loop3A_218 : i32 to index
        %parallel_loop3A_305 = arith.constant 80 : index
        %parallel_loop3A_306 = tpu.vector_load %arg7[%parallel_loop3A_304, %parallel_loop3A_305] {strides = array<i32>} : memref<64x128xf32, #tpu.memory_space<vmem>>, vector<1x16xf32>,
        %parallel_loop3A_307 = vector.shape_cast %parallel_loop3A_306 : vector<1x16xf32> to vector<1x16xf32>
        %parallel_loop3A_308 = arith.index_cast %parallel_loop3A_218 : i32 to index
        %parallel_loop3A_309 = arith.constant 80 : index
        %parallel_loop3A_310 = tpu.vector_load %arg9[%parallel_loop3A_308, %parallel_loop3A_309] {strides = array<i32>} : memref<64x128xf32, #tpu.memory_space<vmem>>, vector<1x16xf32>,
        %parallel_loop3A_311 = vector.shape_cast %parallel_loop3A_310 : vector<1x16xf32> to vector<1x16xf32>
        %parallel_loop3A_312 = arith.addf %parallel_loop3A_307, %parallel_loop3A_311 : vector<1x16xf32>
        %parallel_loop3A_313 = arith.constant 0.000000e+00 : f32
        %parallel_loop3A_314 = vector.broadcast %parallel_loop3A_313 : f32 to vector<1x16xf32>
        %parallel_loop3A_315 = arith.maximumf %parallel_loop3A_312, %parallel_loop3A_314 : vector<1x16xf32>
        %parallel_loop3A_316 = arith.index_cast %parallel_loop3A_218 : i32 to index
        %parallel_loop3A_317 = arith.constant 80 : index
        %parallel_loop3A_318 = tpu.vector_load %arg11[%parallel_loop3A_316, %parallel_loop3A_317] {strides = array<i32>} : memref<64x128xf32, #tpu.memory_space<vmem>>, vector<1x16xf32>,
        %parallel_loop3A_319 = vector.shape_cast %parallel_loop3A_318 : vector<1x16xf32> to vector<1x16xf32>
        %parallel_loop3A_320 = vector.shape_cast %parallel_loop3A_315 : vector<1x16xf32> to vector<1x16xf32>
        tpu.vector_store %arg11[%parallel_loop3A_316, %parallel_loop3A_317], %parallel_loop3A_320 {strides = array<i32>} : memref<64x128xf32, #tpu.memory_space<vmem>>, vector<1x16xf32>,
        %parallel_loop3A_321 = arith.index_cast %parallel_loop3A_218 : i32 to index
        %parallel_loop3A_322 = arith.constant 96 : index
        %parallel_loop3A_323 = tpu.vector_load %arg7[%parallel_loop3A_321, %parallel_loop3A_322] {strides = array<i32>} : memref<64x128xf32, #tpu.memory_space<vmem>>, vector<1x16xf32>,
        %parallel_loop3A_324 = vector.shape_cast %parallel_loop3A_323 : vector<1x16xf32> to vector<1x16xf32>
        %parallel_loop3A_325 = arith.index_cast %parallel_loop3A_218 : i32 to index
        %parallel_loop3A_326 = arith.constant 96 : index
        %parallel_loop3A_327 = tpu.vector_load %arg9[%parallel_loop3A_325, %parallel_loop3A_326] {strides = array<i32>} : memref<64x128xf32, #tpu.memory_space<vmem>>, vector<1x16xf32>,
        %parallel_loop3A_328 = vector.shape_cast %parallel_loop3A_327 : vector<1x16xf32> to vector<1x16xf32>
        %parallel_loop3A_329 = arith.addf %parallel_loop3A_324, %parallel_loop3A_328 : vector<1x16xf32>
        %parallel_loop3A_330 = arith.constant 0.000000e+00 : f32
        %parallel_loop3A_331 = vector.broadcast %parallel_loop3A_330 : f32 to vector<1x16xf32>
        %parallel_loop3A_332 = arith.maximumf %parallel_loop3A_329, %parallel_loop3A_331 : vector<1x16xf32>
        %parallel_loop3A_333 = arith.index_cast %parallel_loop3A_218 : i32 to index
        %parallel_loop3A_334 = arith.constant 96 : index
        %parallel_loop3A_335 = tpu.vector_load %arg11[%parallel_loop3A_333, %parallel_loop3A_334] {strides = array<i32>} : memref<64x128xf32, #tpu.memory_space<vmem>>, vector<1x16xf32>,
        %parallel_loop3A_336 = vector.shape_cast %parallel_loop3A_335 : vector<1x16xf32> to vector<1x16xf32>
        %parallel_loop3A_337 = vector.shape_cast %parallel_loop3A_332 : vector<1x16xf32> to vector<1x16xf32>
        tpu.vector_store %arg11[%parallel_loop3A_333, %parallel_loop3A_334], %parallel_loop3A_337 {strides = array<i32>} : memref<64x128xf32, #tpu.memory_space<vmem>>, vector<1x16xf32>,
        %parallel_loop3A_338 = arith.index_cast %parallel_loop3A_218 : i32 to index
        %parallel_loop3A_339 = arith.constant 112 : index
        %parallel_loop3A_340 = tpu.vector_load %arg7[%parallel_loop3A_338, %parallel_loop3A_339] {strides = array<i32>} : memref<64x128xf32, #tpu.memory_space<vmem>>, vector<1x16xf32>,
        %parallel_loop3A_341 = vector.shape_cast %parallel_loop3A_340 : vector<1x16xf32> to vector<1x16xf32>
        %parallel_loop3A_342 = arith.index_cast %parallel_loop3A_218 : i32 to index
        %parallel_loop3A_343 = arith.constant 112 : index
        %parallel_loop3A_344 = tpu.vector_load %arg9[%parallel_loop3A_342, %parallel_loop3A_343] {strides = array<i32>} : memref<64x128xf32, #tpu.memory_space<vmem>>, vector<1x16xf32>,
        %parallel_loop3A_345 = vector.shape_cast %parallel_loop3A_344 : vector<1x16xf32> to vector<1x16xf32>
        %parallel_loop3A_346 = arith.addf %parallel_loop3A_341, %parallel_loop3A_345 : vector<1x16xf32>
        %parallel_loop3A_347 = arith.constant 0.000000e+00 : f32
        %parallel_loop3A_348 = vector.broadcast %parallel_loop3A_347 : f32 to vector<1x16xf32>
        %parallel_loop3A_349 = arith.maximumf %parallel_loop3A_346, %parallel_loop3A_348 : vector<1x16xf32>
        %parallel_loop3A_350 = arith.index_cast %parallel_loop3A_218 : i32 to index
        %parallel_loop3A_351 = arith.constant 112 : index
        %parallel_loop3A_352 = tpu.vector_load %arg11[%parallel_loop3A_350, %parallel_loop3A_351] {strides = array<i32>} : memref<64x128xf32, #tpu.memory_space<vmem>>, vector<1x16xf32>,
        %parallel_loop3A_353 = vector.shape_cast %parallel_loop3A_352 : vector<1x16xf32> to vector<1x16xf32>
        %parallel_loop3A_354 = vector.shape_cast %parallel_loop3A_349 : vector<1x16xf32> to vector<1x16xf32>
        tpu.vector_store %arg11[%parallel_loop3A_350, %parallel_loop3A_351], %parallel_loop3A_354 {strides = array<i32>} : memref<64x128xf32, #tpu.memory_space<vmem>>, vector<1x16xf32>,
      } {sc.loop_unroll_factor = 8 : i64, sc.parallel_access}
      %dma_start3A_152 = arith.constant 0 : i32
      %dma_start3A_153 = arith.constant 0 : i32
      %dma_start3A_154 = tpu.memref_slice %arg6[%dma_start3A_152, %dma_start3A_153] : memref<10000x128xf32, #tpu.memory_space<vmem_shared>> -> memref<10000x128xf32, #tpu.memory_space<vmem_shared>>
      tpu.enqueue_indirect_dma source(%arg11 : memref<64x128xf32, #tpu.memory_space<vmem>>) target(%dma_start3A_154 : memref<10000x128xf32, #tpu.memory_space<vmem_shared>>) offsets(%arg17 : memref<64xi32, #tpu.memory_space<vmem>>) semaphore(%arg25 : memref<!tpu.dma_semaphore, #tpu.memory_space<semaphore_mem>>) {add = true}
      %gt3A = arith.constant 158 : i32
      %gt3A_155 = arith.cmpi sgt, %select_n3A, %gt3A : i32
      %convert_element_type3A_156 = arith.extui %gt3A_155 : i1 to i32
      %cond3A_157 = arith.constant 0 : i32
      %cond3A_158 = arith.cmpi ne, %convert_element_type3A_156, %cond3A_157 : i32
      scf.if %cond3A_158 {
        %add3A_218 = arith.constant 10112 : i32
        %add3A_219 = arith.addi %multiple_of3A, %add3A_218 : i32
        %multiple_of3A_220 = tpu.assume_multiple %add3A_219, 128 : i32
        %dma_wait3A_221 = arith.constant 0 : i32
        %dma_wait3A_222 = tpu.memref_slice %arg3[%dma_wait3A_221, %multiple_of3A_220] : memref<2x320000xi32, #tpu.memory_space<hbm>> -> memref<1x128xi32, #tpu.memory_space<hbm>>
        %dma_wait3A_223 = tpu.memref_squeeze %dma_wait3A_222 : memref<1x128xi32, #tpu.memory_space<hbm>> -> memref<128xi32, #tpu.memory_space<hbm>>
        %dma_wait3A_224 = tpu.memref_slice %arg3[%dma_wait3A_221, %multiple_of3A_220] : memref<2x320000xi32, #tpu.memory_space<hbm>> -> memref<1x128xi32, #tpu.memory_space<hbm>>
        %dma_wait3A_225 = tpu.memref_squeeze %dma_wait3A_224 : memref<1x128xi32, #tpu.memory_space<hbm>> -> memref<128xi32, #tpu.memory_space<hbm>>
        tpu.wait_dma2 semaphore(%arg22 : memref<!tpu.dma_semaphore, #tpu.memory_space<semaphore_mem>>) src(%dma_wait3A_225 : memref<128xi32, #tpu.memory_space<hbm>>) dst(%arg14 : memref<128xi32, #tpu.memory_space<vmem>>)
        %dma_start3A_226 = arith.constant 0 : i32
        %dma_start3A_227 = tpu.memref_slice %arg14[%dma_start3A_226] : memref<128xi32, #tpu.memory_space<vmem>> -> memref<64xi32, #tpu.memory_space<vmem>>
        %dma_start3A_228 = arith.constant 0 : i32
        %dma_start3A_229 = arith.constant 0 : i32
        %dma_start3A_230 = tpu.memref_slice %arg2[%dma_start3A_228, %dma_start3A_229] : memref<10000x128xf32, #tpu.memory_space<hbm>> -> memref<10000x128xf32, #tpu.memory_space<hbm>>
        tpu.enqueue_indirect_dma source(%dma_start3A_230 : memref<10000x128xf32, #tpu.memory_space<hbm>>) target(%arg7 : memref<64x128xf32, #tpu.memory_space<vmem>>) offsets(%dma_start3A_227 : memref<64xi32, #tpu.memory_space<vmem>>) semaphore(%arg19 : memref<!tpu.dma_semaphore, #tpu.memory_space<semaphore_mem>>)
        %add3A_231 = arith.constant 10112 : i32
        %add3A_232 = arith.addi %multiple_of3A, %add3A_231 : i32
        %multiple_of3A_233 = tpu.assume_multiple %add3A_232, 64 : i32
        %dma_start3A_234 = arith.constant 0 : i32
        %dma_start3A_235 = tpu.memref_slice %arg4[%multiple_of3A_233, %dma_start3A_234] : memref<320000x128xf32, #tpu.memory_space<hbm>> -> memref<64x128xf32, #tpu.memory_space<hbm>>
        %dma_start3A_236 = arith.constant 0 : i32
        %dma_start3A_237 = tpu.memref_slice %arg4[%multiple_of3A_233, %dma_start3A_236] : memref<320000x128xf32, #tpu.memory_space<hbm>> -> memref<64x128xf32, #tpu.memory_space<hbm>>
        tpu.enqueue_dma source(%dma_start3A_237 : memref<64x128xf32, #tpu.memory_space<hbm>>) target(%arg9 : memref<64x128xf32, #tpu.memory_space<vmem>>) target_semaphore(%arg19 : memref<!tpu.dma_semaphore, #tpu.memory_space<semaphore_mem>>)
      } else {
      }
      %dma_wait3A_159 = arith.constant 64 : i32
      %dma_wait3A_160 = tpu.memref_slice %arg13[%dma_wait3A_159] : memref<128xi32, #tpu.memory_space<vmem>> -> memref<64xi32, #tpu.memory_space<vmem>>
      %dma_wait3A_161 = arith.constant 0 : i32
      %dma_wait3A_162 = arith.constant 0 : i32
      %dma_wait3A_163 = tpu.memref_slice %arg2[%dma_wait3A_161, %dma_wait3A_162] : memref<10000x128xf32, #tpu.memory_space<hbm>> -> memref<10000x128xf32, #tpu.memory_space<hbm>>
      tpu.wait_indirect_dma semaphore(%arg20 : memref<!tpu.dma_semaphore, #tpu.memory_space<semaphore_mem>>) src(%dma_wait3A_163 : memref<10000x128xf32, #tpu.memory_space<hbm>>) dst(%arg8 : memref<64x128xf32, #tpu.memory_space<vmem>>)
      %add3A_164 = arith.constant 10048 : i32
      %add3A_165 = arith.addi %multiple_of3A, %add3A_164 : i32
      %multiple_of3A_166 = tpu.assume_multiple %add3A_165, 64 : i32
      %dma_wait3A_167 = arith.constant 0 : i32
      %dma_wait3A_168 = tpu.memref_slice %arg4[%multiple_of3A_166, %dma_wait3A_167] : memref<320000x128xf32, #tpu.memory_space<hbm>> -> memref<64x128xf32, #tpu.memory_space<hbm>>
      %dma_wait3A_169 = arith.constant 0 : i32
      %dma_wait3A_170 = tpu.memref_slice %arg4[%multiple_of3A_166, %dma_wait3A_169] : memref<320000x128xf32, #tpu.memory_space<hbm>> -> memref<64x128xf32, #tpu.memory_space<hbm>>
      tpu.wait_dma2 semaphore(%arg20 : memref<!tpu.dma_semaphore, #tpu.memory_space<semaphore_mem>>) src(%dma_wait3A_170 : memref<64x128xf32, #tpu.memory_space<hbm>>) dst(%arg10 : memref<64x128xf32, #tpu.memory_space<vmem>>)
      %dma_wait3A_171 = arith.constant 0 : i32
      %dma_wait3A_172 = arith.constant 0 : i32
      %dma_wait3A_173 = tpu.memref_slice %arg6[%dma_wait3A_171, %dma_wait3A_172] : memref<10000x128xf32, #tpu.memory_space<vmem_shared>> -> memref<10000x128xf32, #tpu.memory_space<vmem_shared>>
      tpu.wait_indirect_dma semaphore(%arg26 : memref<!tpu.dma_semaphore, #tpu.memory_space<semaphore_mem>>) src(%arg12 : memref<64x128xf32, #tpu.memory_space<vmem>>) dst(%dma_wait3A_173 : memref<10000x128xf32, #tpu.memory_space<vmem_shared>>)
      %get3A_174 = arith.constant 64 : index
      %get3A_175 = tpu.vector_load %arg15[%get3A_174] {strides = array<i32>} : memref<128xi32, #tpu.memory_space<vmem>>, vector<16xi32>,
      %get3A_176 = vector.shape_cast %get3A_175 : vector<16xi32> to vector<16xi32>
      %swap3A_177 = arith.constant 0 : index
      %swap3A_178 = tpu.vector_load %arg18[%swap3A_177] {strides = array<i32>} : memref<64xi32, #tpu.memory_space<vmem>>, vector<16xi32>,
      %swap3A_179 = vector.shape_cast %swap3A_178 : vector<16xi32> to vector<16xi32>
      %swap3A_180 = vector.shape_cast %get3A_176 : vector<16xi32> to vector<16xi32>
      tpu.vector_store %arg18[%swap3A_177], %swap3A_180 {strides = array<i32>} : memref<64xi32, #tpu.memory_space<vmem>>, vector<16xi32>,
      %get3A_181 = arith.constant 80 : index
      %get3A_182 = tpu.vector_load %arg15[%get3A_181] {strides = array<i32>} : memref<128xi32, #tpu.memory_space<vmem>>, vector<16xi32>,
      %get3A_183 = vector.shape_cast %get3A_182 : vector<16xi32> to vector<16xi32>
      %swap3A_184 = arith.constant 16 : index
      %swap3A_185 = tpu.vector_load %arg18[%swap3A_184] {strides = array<i32>} : memref<64xi32, #tpu.memory_space<vmem>>, vector<16xi32>,
      %swap3A_186 = vector.shape_cast %swap3A_185 : vector<16xi32> to vector<16xi32>
      %swap3A_187 = vector.shape_cast %get3A_183 : vector<16xi32> to vector<16xi32>
      tpu.vector_store %arg18[%swap3A_184], %swap3A_187 {strides = array<i32>} : memref<64xi32, #tpu.memory_space<vmem>>, vector<16xi32>,
      %get3A_188 = arith.constant 96 : index
      %get3A_189 = tpu.vector_load %arg15[%get3A_188] {strides = array<i32>} : memref<128xi32, #tpu.memory_space<vmem>>, vector<16xi32>,
      %get3A_190 = vector.shape_cast %get3A_189 : vector<16xi32> to vector<16xi32>
      %swap3A_191 = arith.constant 32 : index
      %swap3A_192 = tpu.vector_load %arg18[%swap3A_191] {strides = array<i32>} : memref<64xi32, #tpu.memory_space<vmem>>, vector<16xi32>,
      %swap3A_193 = vector.shape_cast %swap3A_192 : vector<16xi32> to vector<16xi32>
      %swap3A_194 = vector.shape_cast %get3A_190 : vector<16xi32> to vector<16xi32>
      tpu.vector_store %arg18[%swap3A_191], %swap3A_194 {strides = array<i32>} : memref<64xi32, #tpu.memory_space<vmem>>, vector<16xi32>,
      %get3A_195 = arith.constant 112 : index
      %get3A_196 = tpu.vector_load %arg15[%get3A_195] {strides = array<i32>} : memref<128xi32, #tpu.memory_space<vmem>>, vector<16xi32>,
      %get3A_197 = vector.shape_cast %get3A_196 : vector<16xi32> to vector<16xi32>
      %swap3A_198 = arith.constant 48 : index
      %swap3A_199 = tpu.vector_load %arg18[%swap3A_198] {strides = array<i32>} : memref<64xi32, #tpu.memory_space<vmem>>, vector<16xi32>,
      %swap3A_200 = vector.shape_cast %swap3A_199 : vector<16xi32> to vector<16xi32>
      %swap3A_201 = vector.shape_cast %get3A_197 : vector<16xi32> to vector<16xi32>
      tpu.vector_store %arg18[%swap3A_198], %swap3A_201 {strides = array<i32>} : memref<64xi32, #tpu.memory_space<vmem>>, vector<16xi32>,
      %parallel_loop3A_202 = arith.constant 0 : i32
      %parallel_loop3A_203 = arith.constant 64 : i32
      %parallel_loop3A_204 = arith.constant 1 : i32
      scf.for %parallel_loop3A_218 = %parallel_loop3A_202 to %parallel_loop3A_203 step %parallel_loop3A_204  : i32 {
        %parallel_loop3A_219 = arith.index_cast %parallel_loop3A_218 : i32 to index
        %parallel_loop3A_220 = arith.constant 0 : index
        %parallel_loop3A_221 = tpu.vector_load %arg8[%parallel_loop3A_219, %parallel_loop3A_220] {strides = array<i32>} : memref<64x128xf32, #tpu.memory_space<vmem>>, vector<1x16xf32>,
        %parallel_loop3A_222 = vector.shape_cast %parallel_loop3A_221 : vector<1x16xf32> to vector<1x16xf32>
        %parallel_loop3A_223 = arith.index_cast %parallel_loop3A_218 : i32 to index
        %parallel_loop3A_224 = arith.constant 0 : index
        %parallel_loop3A_225 = tpu.vector_load %arg10[%parallel_loop3A_223, %parallel_loop3A_224] {strides = array<i32>} : memref<64x128xf32, #tpu.memory_space<vmem>>, vector<1x16xf32>,
        %parallel_loop3A_226 = vector.shape_cast %parallel_loop3A_225 : vector<1x16xf32> to vector<1x16xf32>
        %parallel_loop3A_227 = arith.addf %parallel_loop3A_222, %parallel_loop3A_226 : vector<1x16xf32>
        %parallel_loop3A_228 = arith.constant 0.000000e+00 : f32
        %parallel_loop3A_229 = vector.broadcast %parallel_loop3A_228 : f32 to vector<1x16xf32>
        %parallel_loop3A_230 = arith.maximumf %parallel_loop3A_227, %parallel_loop3A_229 : vector<1x16xf32>
        %parallel_loop3A_231 = arith.index_cast %parallel_loop3A_218 : i32 to index
        %parallel_loop3A_232 = arith.constant 0 : index
        %parallel_loop3A_233 = tpu.vector_load %arg12[%parallel_loop3A_231, %parallel_loop3A_232] {strides = array<i32>} : memref<64x128xf32, #tpu.memory_space<vmem>>, vector<1x16xf32>,
        %parallel_loop3A_234 = vector.shape_cast %parallel_loop3A_233 : vector<1x16xf32> to vector<1x16xf32>
        %parallel_loop3A_235 = vector.shape_cast %parallel_loop3A_230 : vector<1x16xf32> to vector<1x16xf32>
        tpu.vector_store %arg12[%parallel_loop3A_231, %parallel_loop3A_232], %parallel_loop3A_235 {strides = array<i32>} : memref<64x128xf32, #tpu.memory_space<vmem>>, vector<1x16xf32>,
        %parallel_loop3A_236 = arith.index_cast %parallel_loop3A_218 : i32 to index
        %parallel_loop3A_237 = arith.constant 16 : index
        %parallel_loop3A_238 = tpu.vector_load %arg8[%parallel_loop3A_236, %parallel_loop3A_237] {strides = array<i32>} : memref<64x128xf32, #tpu.memory_space<vmem>>, vector<1x16xf32>,
        %parallel_loop3A_239 = vector.shape_cast %parallel_loop3A_238 : vector<1x16xf32> to vector<1x16xf32>
        %parallel_loop3A_240 = arith.index_cast %parallel_loop3A_218 : i32 to index
        %parallel_loop3A_241 = arith.constant 16 : index
        %parallel_loop3A_242 = tpu.vector_load %arg10[%parallel_loop3A_240, %parallel_loop3A_241] {strides = array<i32>} : memref<64x128xf32, #tpu.memory_space<vmem>>, vector<1x16xf32>,
        %parallel_loop3A_243 = vector.shape_cast %parallel_loop3A_242 : vector<1x16xf32> to vector<1x16xf32>
        %parallel_loop3A_244 = arith.addf %parallel_loop3A_239, %parallel_loop3A_243 : vector<1x16xf32>
        %parallel_loop3A_245 = arith.constant 0.000000e+00 : f32
        %parallel_loop3A_246 = vector.broadcast %parallel_loop3A_245 : f32 to vector<1x16xf32>
        %parallel_loop3A_247 = arith.maximumf %parallel_loop3A_244, %parallel_loop3A_246 : vector<1x16xf32>
        %parallel_loop3A_248 = arith.index_cast %parallel_loop3A_218 : i32 to index
        %parallel_loop3A_249 = arith.constant 16 : index
        %parallel_loop3A_250 = tpu.vector_load %arg12[%parallel_loop3A_248, %parallel_loop3A_249] {strides = array<i32>} : memref<64x128xf32, #tpu.memory_space<vmem>>, vector<1x16xf32>,
        %parallel_loop3A_251 = vector.shape_cast %parallel_loop3A_250 : vector<1x16xf32> to vector<1x16xf32>
        %parallel_loop3A_252 = vector.shape_cast %parallel_loop3A_247 : vector<1x16xf32> to vector<1x16xf32>
        tpu.vector_store %arg12[%parallel_loop3A_248, %parallel_loop3A_249], %parallel_loop3A_252 {strides = array<i32>} : memref<64x128xf32, #tpu.memory_space<vmem>>, vector<1x16xf32>,
        %parallel_loop3A_253 = arith.index_cast %parallel_loop3A_218 : i32 to index
        %parallel_loop3A_254 = arith.constant 32 : index
        %parallel_loop3A_255 = tpu.vector_load %arg8[%parallel_loop3A_253, %parallel_loop3A_254] {strides = array<i32>} : memref<64x128xf32, #tpu.memory_space<vmem>>, vector<1x16xf32>,
        %parallel_loop3A_256 = vector.shape_cast %parallel_loop3A_255 : vector<1x16xf32> to vector<1x16xf32>
        %parallel_loop3A_257 = arith.index_cast %parallel_loop3A_218 : i32 to index
        %parallel_loop3A_258 = arith.constant 32 : index
        %parallel_loop3A_259 = tpu.vector_load %arg10[%parallel_loop3A_257, %parallel_loop3A_258] {strides = array<i32>} : memref<64x128xf32, #tpu.memory_space<vmem>>, vector<1x16xf32>,
        %parallel_loop3A_260 = vector.shape_cast %parallel_loop3A_259 : vector<1x16xf32> to vector<1x16xf32>
        %parallel_loop3A_261 = arith.addf %parallel_loop3A_256, %parallel_loop3A_260 : vector<1x16xf32>
        %parallel_loop3A_262 = arith.constant 0.000000e+00 : f32
        %parallel_loop3A_263 = vector.broadcast %parallel_loop3A_262 : f32 to vector<1x16xf32>
        %parallel_loop3A_264 = arith.maximumf %parallel_loop3A_261, %parallel_loop3A_263 : vector<1x16xf32>
        %parallel_loop3A_265 = arith.index_cast %parallel_loop3A_218 : i32 to index
        %parallel_loop3A_266 = arith.constant 32 : index
        %parallel_loop3A_267 = tpu.vector_load %arg12[%parallel_loop3A_265, %parallel_loop3A_266] {strides = array<i32>} : memref<64x128xf32, #tpu.memory_space<vmem>>, vector<1x16xf32>,
        %parallel_loop3A_268 = vector.shape_cast %parallel_loop3A_267 : vector<1x16xf32> to vector<1x16xf32>
        %parallel_loop3A_269 = vector.shape_cast %parallel_loop3A_264 : vector<1x16xf32> to vector<1x16xf32>
        tpu.vector_store %arg12[%parallel_loop3A_265, %parallel_loop3A_266], %parallel_loop3A_269 {strides = array<i32>} : memref<64x128xf32, #tpu.memory_space<vmem>>, vector<1x16xf32>,
        %parallel_loop3A_270 = arith.index_cast %parallel_loop3A_218 : i32 to index
        %parallel_loop3A_271 = arith.constant 48 : index
        %parallel_loop3A_272 = tpu.vector_load %arg8[%parallel_loop3A_270, %parallel_loop3A_271] {strides = array<i32>} : memref<64x128xf32, #tpu.memory_space<vmem>>, vector<1x16xf32>,
        %parallel_loop3A_273 = vector.shape_cast %parallel_loop3A_272 : vector<1x16xf32> to vector<1x16xf32>
        %parallel_loop3A_274 = arith.index_cast %parallel_loop3A_218 : i32 to index
        %parallel_loop3A_275 = arith.constant 48 : index
        %parallel_loop3A_276 = tpu.vector_load %arg10[%parallel_loop3A_274, %parallel_loop3A_275] {strides = array<i32>} : memref<64x128xf32, #tpu.memory_space<vmem>>, vector<1x16xf32>,
        %parallel_loop3A_277 = vector.shape_cast %parallel_loop3A_276 : vector<1x16xf32> to vector<1x16xf32>
        %parallel_loop3A_278 = arith.addf %parallel_loop3A_273, %parallel_loop3A_277 : vector<1x16xf32>
        %parallel_loop3A_279 = arith.constant 0.000000e+00 : f32
        %parallel_loop3A_280 = vector.broadcast %parallel_loop3A_279 : f32 to vector<1x16xf32>
        %parallel_loop3A_281 = arith.maximumf %parallel_loop3A_278, %parallel_loop3A_280 : vector<1x16xf32>
        %parallel_loop3A_282 = arith.index_cast %parallel_loop3A_218 : i32 to index
        %parallel_loop3A_283 = arith.constant 48 : index
        %parallel_loop3A_284 = tpu.vector_load %arg12[%parallel_loop3A_282, %parallel_loop3A_283] {strides = array<i32>} : memref<64x128xf32, #tpu.memory_space<vmem>>, vector<1x16xf32>,
        %parallel_loop3A_285 = vector.shape_cast %parallel_loop3A_284 : vector<1x16xf32> to vector<1x16xf32>
        %parallel_loop3A_286 = vector.shape_cast %parallel_loop3A_281 : vector<1x16xf32> to vector<1x16xf32>
        tpu.vector_store %arg12[%parallel_loop3A_282, %parallel_loop3A_283], %parallel_loop3A_286 {strides = array<i32>} : memref<64x128xf32, #tpu.memory_space<vmem>>, vector<1x16xf32>,
        %parallel_loop3A_287 = arith.index_cast %parallel_loop3A_218 : i32 to index
        %parallel_loop3A_288 = arith.constant 64 : index
        %parallel_loop3A_289 = tpu.vector_load %arg8[%parallel_loop3A_287, %parallel_loop3A_288] {strides = array<i32>} : memref<64x128xf32, #tpu.memory_space<vmem>>, vector<1x16xf32>,
        %parallel_loop3A_290 = vector.shape_cast %parallel_loop3A_289 : vector<1x16xf32> to vector<1x16xf32>
        %parallel_loop3A_291 = arith.index_cast %parallel_loop3A_218 : i32 to index
        %parallel_loop3A_292 = arith.constant 64 : index
        %parallel_loop3A_293 = tpu.vector_load %arg10[%parallel_loop3A_291, %parallel_loop3A_292] {strides = array<i32>} : memref<64x128xf32, #tpu.memory_space<vmem>>, vector<1x16xf32>,
        %parallel_loop3A_294 = vector.shape_cast %parallel_loop3A_293 : vector<1x16xf32> to vector<1x16xf32>
        %parallel_loop3A_295 = arith.addf %parallel_loop3A_290, %parallel_loop3A_294 : vector<1x16xf32>
        %parallel_loop3A_296 = arith.constant 0.000000e+00 : f32
        %parallel_loop3A_297 = vector.broadcast %parallel_loop3A_296 : f32 to vector<1x16xf32>
        %parallel_loop3A_298 = arith.maximumf %parallel_loop3A_295, %parallel_loop3A_297 : vector<1x16xf32>
        %parallel_loop3A_299 = arith.index_cast %parallel_loop3A_218 : i32 to index
        %parallel_loop3A_300 = arith.constant 64 : index
        %parallel_loop3A_301 = tpu.vector_load %arg12[%parallel_loop3A_299, %parallel_loop3A_300] {strides = array<i32>} : memref<64x128xf32, #tpu.memory_space<vmem>>, vector<1x16xf32>,
        %parallel_loop3A_302 = vector.shape_cast %parallel_loop3A_301 : vector<1x16xf32> to vector<1x16xf32>
        %parallel_loop3A_303 = vector.shape_cast %parallel_loop3A_298 : vector<1x16xf32> to vector<1x16xf32>
        tpu.vector_store %arg12[%parallel_loop3A_299, %parallel_loop3A_300], %parallel_loop3A_303 {strides = array<i32>} : memref<64x128xf32, #tpu.memory_space<vmem>>, vector<1x16xf32>,
        %parallel_loop3A_304 = arith.index_cast %parallel_loop3A_218 : i32 to index
        %parallel_loop3A_305 = arith.constant 80 : index
        %parallel_loop3A_306 = tpu.vector_load %arg8[%parallel_loop3A_304, %parallel_loop3A_305] {strides = array<i32>} : memref<64x128xf32, #tpu.memory_space<vmem>>, vector<1x16xf32>,
        %parallel_loop3A_307 = vector.shape_cast %parallel_loop3A_306 : vector<1x16xf32> to vector<1x16xf32>
        %parallel_loop3A_308 = arith.index_cast %parallel_loop3A_218 : i32 to index
        %parallel_loop3A_309 = arith.constant 80 : index
        %parallel_loop3A_310 = tpu.vector_load %arg10[%parallel_loop3A_308, %parallel_loop3A_309] {strides = array<i32>} : memref<64x128xf32, #tpu.memory_space<vmem>>, vector<1x16xf32>,
        %parallel_loop3A_311 = vector.shape_cast %parallel_loop3A_310 : vector<1x16xf32> to vector<1x16xf32>
        %parallel_loop3A_312 = arith.addf %parallel_loop3A_307, %parallel_loop3A_311 : vector<1x16xf32>
        %parallel_loop3A_313 = arith.constant 0.000000e+00 : f32
        %parallel_loop3A_314 = vector.broadcast %parallel_loop3A_313 : f32 to vector<1x16xf32>
        %parallel_loop3A_315 = arith.maximumf %parallel_loop3A_312, %parallel_loop3A_314 : vector<1x16xf32>
        %parallel_loop3A_316 = arith.index_cast %parallel_loop3A_218 : i32 to index
        %parallel_loop3A_317 = arith.constant 80 : index
        %parallel_loop3A_318 = tpu.vector_load %arg12[%parallel_loop3A_316, %parallel_loop3A_317] {strides = array<i32>} : memref<64x128xf32, #tpu.memory_space<vmem>>, vector<1x16xf32>,
        %parallel_loop3A_319 = vector.shape_cast %parallel_loop3A_318 : vector<1x16xf32> to vector<1x16xf32>
        %parallel_loop3A_320 = vector.shape_cast %parallel_loop3A_315 : vector<1x16xf32> to vector<1x16xf32>
        tpu.vector_store %arg12[%parallel_loop3A_316, %parallel_loop3A_317], %parallel_loop3A_320 {strides = array<i32>} : memref<64x128xf32, #tpu.memory_space<vmem>>, vector<1x16xf32>,
        %parallel_loop3A_321 = arith.index_cast %parallel_loop3A_218 : i32 to index
        %parallel_loop3A_322 = arith.constant 96 : index
        %parallel_loop3A_323 = tpu.vector_load %arg8[%parallel_loop3A_321, %parallel_loop3A_322] {strides = array<i32>} : memref<64x128xf32, #tpu.memory_space<vmem>>, vector<1x16xf32>,
        %parallel_loop3A_324 = vector.shape_cast %parallel_loop3A_323 : vector<1x16xf32> to vector<1x16xf32>
        %parallel_loop3A_325 = arith.index_cast %parallel_loop3A_218 : i32 to index
        %parallel_loop3A_326 = arith.constant 96 : index
        %parallel_loop3A_327 = tpu.vector_load %arg10[%parallel_loop3A_325, %parallel_loop3A_326] {strides = array<i32>} : memref<64x128xf32, #tpu.memory_space<vmem>>, vector<1x16xf32>,
        %parallel_loop3A_328 = vector.shape_cast %parallel_loop3A_327 : vector<1x16xf32> to vector<1x16xf32>
        %parallel_loop3A_329 = arith.addf %parallel_loop3A_324, %parallel_loop3A_328 : vector<1x16xf32>
        %parallel_loop3A_330 = arith.constant 0.000000e+00 : f32
        %parallel_loop3A_331 = vector.broadcast %parallel_loop3A_330 : f32 to vector<1x16xf32>
        %parallel_loop3A_332 = arith.maximumf %parallel_loop3A_329, %parallel_loop3A_331 : vector<1x16xf32>
        %parallel_loop3A_333 = arith.index_cast %parallel_loop3A_218 : i32 to index
        %parallel_loop3A_334 = arith.constant 96 : index
        %parallel_loop3A_335 = tpu.vector_load %arg12[%parallel_loop3A_333, %parallel_loop3A_334] {strides = array<i32>} : memref<64x128xf32, #tpu.memory_space<vmem>>, vector<1x16xf32>,
        %parallel_loop3A_336 = vector.shape_cast %parallel_loop3A_335 : vector<1x16xf32> to vector<1x16xf32>
        %parallel_loop3A_337 = vector.shape_cast %parallel_loop3A_332 : vector<1x16xf32> to vector<1x16xf32>
        tpu.vector_store %arg12[%parallel_loop3A_333, %parallel_loop3A_334], %parallel_loop3A_337 {strides = array<i32>} : memref<64x128xf32, #tpu.memory_space<vmem>>, vector<1x16xf32>,
        %parallel_loop3A_338 = arith.index_cast %parallel_loop3A_218 : i32 to index
        %parallel_loop3A_339 = arith.constant 112 : index
        %parallel_loop3A_340 = tpu.vector_load %arg8[%parallel_loop3A_338, %parallel_loop3A_339] {strides = array<i32>} : memref<64x128xf32, #tpu.memory_space<vmem>>, vector<1x16xf32>,
        %parallel_loop3A_341 = vector.shape_cast %parallel_loop3A_340 : vector<1x16xf32> to vector<1x16xf32>
        %parallel_loop3A_342 = arith.index_cast %parallel_loop3A_218 : i32 to index
        %parallel_loop3A_343 = arith.constant 112 : index
        %parallel_loop3A_344 = tpu.vector_load %arg10[%parallel_loop3A_342, %parallel_loop3A_343] {strides = array<i32>} : memref<64x128xf32, #tpu.memory_space<vmem>>, vector<1x16xf32>,
        %parallel_loop3A_345 = vector.shape_cast %parallel_loop3A_344 : vector<1x16xf32> to vector<1x16xf32>
        %parallel_loop3A_346 = arith.addf %parallel_loop3A_341, %parallel_loop3A_345 : vector<1x16xf32>
        %parallel_loop3A_347 = arith.constant 0.000000e+00 : f32
        %parallel_loop3A_348 = vector.broadcast %parallel_loop3A_347 : f32 to vector<1x16xf32>
        %parallel_loop3A_349 = arith.maximumf %parallel_loop3A_346, %parallel_loop3A_348 : vector<1x16xf32>
        %parallel_loop3A_350 = arith.index_cast %parallel_loop3A_218 : i32 to index
        %parallel_loop3A_351 = arith.constant 112 : index
        %parallel_loop3A_352 = tpu.vector_load %arg12[%parallel_loop3A_350, %parallel_loop3A_351] {strides = array<i32>} : memref<64x128xf32, #tpu.memory_space<vmem>>, vector<1x16xf32>,
        %parallel_loop3A_353 = vector.shape_cast %parallel_loop3A_352 : vector<1x16xf32> to vector<1x16xf32>
        %parallel_loop3A_354 = vector.shape_cast %parallel_loop3A_349 : vector<1x16xf32> to vector<1x16xf32>
        tpu.vector_store %arg12[%parallel_loop3A_350, %parallel_loop3A_351], %parallel_loop3A_354 {strides = array<i32>} : memref<64x128xf32, #tpu.memory_space<vmem>>, vector<1x16xf32>,
      } {sc.loop_unroll_factor = 8 : i64, sc.parallel_access}
      %dma_start3A_205 = arith.constant 0 : i32
      %dma_start3A_206 = arith.constant 0 : i32
      %dma_start3A_207 = tpu.memref_slice %arg6[%dma_start3A_205, %dma_start3A_206] : memref<10000x128xf32, #tpu.memory_space<vmem_shared>> -> memref<10000x128xf32, #tpu.memory_space<vmem_shared>>
      tpu.enqueue_indirect_dma source(%arg12 : memref<64x128xf32, #tpu.memory_space<vmem>>) target(%dma_start3A_207 : memref<10000x128xf32, #tpu.memory_space<vmem_shared>>) offsets(%arg18 : memref<64xi32, #tpu.memory_space<vmem>>) semaphore(%arg26 : memref<!tpu.dma_semaphore, #tpu.memory_space<semaphore_mem>>) {add = true}
      %gt3A_208 = arith.constant 159 : i32
      %gt3A_209 = arith.cmpi sgt, %select_n3A, %gt3A_208 : i32
      %convert_element_type3A_210 = arith.extui %gt3A_209 : i1 to i32
      %cond3A_211 = arith.constant 0 : i32
      %cond3A_212 = arith.cmpi ne, %convert_element_type3A_210, %cond3A_211 : i32
      scf.if %cond3A_212 {
        %dma_start3A_218 = arith.constant 64 : i32
        %dma_start3A_219 = tpu.memref_slice %arg14[%dma_start3A_218] : memref<128xi32, #tpu.memory_space<vmem>> -> memref<64xi32, #tpu.memory_space<vmem>>
        %dma_start3A_220 = arith.constant 0 : i32
        %dma_start3A_221 = arith.constant 0 : i32
        %dma_start3A_222 = tpu.memref_slice %arg2[%dma_start3A_220, %dma_start3A_221] : memref<10000x128xf32, #tpu.memory_space<hbm>> -> memref<10000x128xf32, #tpu.memory_space<hbm>>
        tpu.enqueue_indirect_dma source(%dma_start3A_222 : memref<10000x128xf32, #tpu.memory_space<hbm>>) target(%arg8 : memref<64x128xf32, #tpu.memory_space<vmem>>) offsets(%dma_start3A_219 : memref<64xi32, #tpu.memory_space<vmem>>) semaphore(%arg20 : memref<!tpu.dma_semaphore, #tpu.memory_space<semaphore_mem>>)
        %add3A_223 = arith.constant 10176 : i32
        %add3A_224 = arith.addi %multiple_of3A, %add3A_223 : i32
        %multiple_of3A_225 = tpu.assume_multiple %add3A_224, 64 : i32
        %dma_start3A_226 = arith.constant 0 : i32
        %dma_start3A_227 = tpu.memref_slice %arg4[%multiple_of3A_225, %dma_start3A_226] : memref<320000x128xf32, #tpu.memory_space<hbm>> -> memref<64x128xf32, #tpu.memory_space<hbm>>
        %dma_start3A_228 = arith.constant 0 : i32
        %dma_start3A_229 = tpu.memref_slice %arg4[%multiple_of3A_225, %dma_start3A_228] : memref<320000x128xf32, #tpu.memory_space<hbm>> -> memref<64x128xf32, #tpu.memory_space<hbm>>
        tpu.enqueue_dma source(%dma_start3A_229 : memref<64x128xf32, #tpu.memory_space<hbm>>) target(%arg10 : memref<64x128xf32, #tpu.memory_space<vmem>>) target_semaphore(%arg20 : memref<!tpu.dma_semaphore, #tpu.memory_space<semaphore_mem>>)
      } else {
      }
      %gt3A_213 = arith.constant 160 : i32
      %gt3A_214 = arith.cmpi sgt, %select_n3A, %gt3A_213 : i32
      %convert_element_type3A_215 = arith.extui %gt3A_214 : i1 to i32
      %cond3A_216 = arith.constant 0 : i32
      %cond3A_217 = arith.cmpi ne, %convert_element_type3A_215, %cond3A_216 : i32
      scf.if %cond3A_217 {
        %add3A_218 = arith.constant 10240 : i32
        %add3A_219 = arith.addi %multiple_of3A, %add3A_218 : i32
        %multiple_of3A_220 = tpu.assume_multiple %add3A_219, 128 : i32
        %dma_start3A_221 = arith.constant 0 : i32
        %dma_start3A_222 = tpu.memref_slice %arg3[%dma_start3A_221, %multiple_of3A_220] : memref<2x320000xi32, #tpu.memory_space<hbm>> -> memref<1x128xi32, #tpu.memory_space<hbm>>
        %dma_start3A_223 = tpu.memref_squeeze %dma_start3A_222 : memref<1x128xi32, #tpu.memory_space<hbm>> -> memref<128xi32, #tpu.memory_space<hbm>>
        %dma_start3A_224 = tpu.memref_slice %arg3[%dma_start3A_221, %multiple_of3A_220] : memref<2x320000xi32, #tpu.memory_space<hbm>> -> memref<1x128xi32, #tpu.memory_space<hbm>>
        %dma_start3A_225 = tpu.memref_squeeze %dma_start3A_224 : memref<1x128xi32, #tpu.memory_space<hbm>> -> memref<128xi32, #tpu.memory_space<hbm>>
        tpu.enqueue_dma source(%dma_start3A_225 : memref<128xi32, #tpu.memory_space<hbm>>) target(%arg13 : memref<128xi32, #tpu.memory_space<vmem>>) target_semaphore(%arg21 : memref<!tpu.dma_semaphore, #tpu.memory_space<semaphore_mem>>)
        %dma_start3A_226 = arith.constant 1 : i32
        %dma_start3A_227 = tpu.memref_slice %arg3[%dma_start3A_226, %multiple_of3A_220] : memref<2x320000xi32, #tpu.memory_space<hbm>> -> memref<1x128xi32, #tpu.memory_space<hbm>>
        %dma_start3A_228 = tpu.memref_squeeze %dma_start3A_227 : memref<1x128xi32, #tpu.memory_space<hbm>> -> memref<128xi32, #tpu.memory_space<hbm>>
        %dma_start3A_229 = tpu.memref_slice %arg3[%dma_start3A_226, %multiple_of3A_220] : memref<2x320000xi32, #tpu.memory_space<hbm>> -> memref<1x128xi32, #tpu.memory_space<hbm>>
        %dma_start3A_230 = tpu.memref_squeeze %dma_start3A_229 : memref<1x128xi32, #tpu.memory_space<hbm>> -> memref<128xi32, #tpu.memory_space<hbm>>
        tpu.enqueue_dma source(%dma_start3A_230 : memref<128xi32, #tpu.memory_space<hbm>>) target(%arg15 : memref<128xi32, #tpu.memory_space<vmem>>) target_semaphore(%arg23 : memref<!tpu.dma_semaphore, #tpu.memory_space<semaphore_mem>>)
      } else {
      }
    } else {
    }
    %dma_wait3A_84 = arith.constant 0 : i32
    %dma_wait3A_85 = arith.constant 0 : i32
    %dma_wait3A_86 = tpu.memref_slice %arg6[%dma_wait3A_84, %dma_wait3A_85] : memref<10000x128xf32, #tpu.memory_space<vmem_shared>> -> memref<10000x128xf32, #tpu.memory_space<vmem_shared>>
    tpu.wait_indirect_dma semaphore(%arg25 : memref<!tpu.dma_semaphore, #tpu.memory_space<semaphore_mem>>) src(%arg11 : memref<64x128xf32, #tpu.memory_space<vmem>>) dst(%dma_wait3A_86 : memref<10000x128xf32, #tpu.memory_space<vmem_shared>>)
    %dma_wait3A_87 = arith.constant 0 : i32
    %dma_wait3A_88 = arith.constant 0 : i32
    %dma_wait3A_89 = tpu.memref_slice %arg6[%dma_wait3A_87, %dma_wait3A_88] : memref<10000x128xf32, #tpu.memory_space<vmem_shared>> -> memref<10000x128xf32, #tpu.memory_space<vmem_shared>>
    tpu.wait_indirect_dma semaphore(%arg26 : memref<!tpu.dma_semaphore, #tpu.memory_space<semaphore_mem>>) src(%arg12 : memref<64x128xf32, #tpu.memory_space<vmem>>) dst(%dma_wait3A_89 : memref<10000x128xf32, #tpu.memory_space<vmem_shared>>)
    %barrier3A_90 = arith.constant 0 : index
    tpu.barrier barrier_id(%barrier3A_90)
    %lt3A_91 = arith.constant 15 : i32
    %lt3A_92 = arith.cmpi slt, %arg1, %lt3A_91 : i32
    %convert_element_type3A_93 = arith.extui %lt3A_92 : i1 to i32
    %cond3A_94 = arith.constant 0 : i32
    %cond3A_95 = arith.cmpi ne, %convert_element_type3A_93, %cond3A_94 : i32
    scf.if %cond3A_95 {
      "tpu.region"() ({
        %run_scoped3A = tpu.sem_alloc : memref<!tpu.dma_semaphore, #tpu.memory_space<semaphore_mem>>
        %dma_start3A_101 = arith.constant 0 : i32
        %dma_start3A_102 = tpu.memref_slice %arg5[%arg0, %multiple_of3A_12, %dma_start3A_101] : memref<2x10000x128xf32, #tpu.memory_space<hbm>> -> memref<1x632x128xf32, #tpu.memory_space<hbm>>
        %dma_start3A_103 = tpu.memref_squeeze %dma_start3A_102 : memref<1x632x128xf32, #tpu.memory_space<hbm>> -> memref<632x128xf32, #tpu.memory_space<hbm>>
        %dma_start3A_104 = arith.constant 0 : i32
        %dma_start3A_105 = tpu.memref_slice %arg6[%multiple_of3A_12, %dma_start3A_104] : memref<10000x128xf32, #tpu.memory_space<vmem_shared>> -> memref<632x128xf32, #tpu.memory_space<vmem_shared>>
        tpu.enqueue_dma source(%dma_start3A_105 : memref<632x128xf32, #tpu.memory_space<vmem_shared>>) target(%dma_start3A_103 : memref<632x128xf32, #tpu.memory_space<hbm>>) target_semaphore(%run_scoped3A : memref<!tpu.dma_semaphore, #tpu.memory_space<semaphore_mem>>)
        %dma_wait3A_106 = arith.constant 0 : i32
        %dma_wait3A_107 = tpu.memref_slice %arg5[%arg0, %multiple_of3A_12, %dma_wait3A_106] : memref<2x10000x128xf32, #tpu.memory_space<hbm>> -> memref<1x632x128xf32, #tpu.memory_space<hbm>>
        %dma_wait3A_108 = tpu.memref_squeeze %dma_wait3A_107 : memref<1x632x128xf32, #tpu.memory_space<hbm>> -> memref<632x128xf32, #tpu.memory_space<hbm>>
        %dma_wait3A_109 = arith.constant 0 : i32
        %dma_wait3A_110 = tpu.memref_slice %arg6[%multiple_of3A_12, %dma_wait3A_109] : memref<10000x128xf32, #tpu.memory_space<vmem_shared>> -> memref<632x128xf32, #tpu.memory_space<vmem_shared>>
        tpu.wait_dma2 semaphore(%run_scoped3A : memref<!tpu.dma_semaphore, #tpu.memory_space<semaphore_mem>>) src(%dma_wait3A_110 : memref<632x128xf32, #tpu.memory_space<vmem_shared>>) dst(%dma_wait3A_108 : memref<632x128xf32, #tpu.memory_space<hbm>>)
        tpu.yield
      }) : () -> ()
    } else {
    }
    %eq3A_96 = arith.constant 15 : i32
    %eq3A_97 = arith.cmpi eq, %arg1, %eq3A_96 : i32
    %convert_element_type3A_98 = arith.extui %eq3A_97 : i1 to i32
    %cond3A_99 = arith.constant 0 : i32
    %cond3A_100 = arith.cmpi ne, %convert_element_type3A_98, %cond3A_99 : i32
    scf.if %cond3A_100 {
      "tpu.region"() ({
        %run_scoped3A = tpu.sem_alloc : memref<!tpu.dma_semaphore, #tpu.memory_space<semaphore_mem>>
        %dma_start3A_101 = arith.constant 9480 : i32
        %dma_start3A_102 = arith.constant 0 : i32
        %dma_start3A_103 = tpu.memref_slice %arg5[%arg0, %dma_start3A_101, %dma_start3A_102] : memref<2x10000x128xf32, #tpu.memory_space<hbm>> -> memref<1x520x128xf32, #tpu.memory_space<hbm>>
        %dma_start3A_104 = tpu.memref_squeeze %dma_start3A_103 : memref<1x520x128xf32, #tpu.memory_space<hbm>> -> memref<520x128xf32, #tpu.memory_space<hbm>>
        %dma_start3A_105 = arith.constant 9480 : i32
        %dma_start3A_106 = arith.constant 0 : i32
        %dma_start3A_107 = tpu.memref_slice %arg6[%dma_start3A_105, %dma_start3A_106] : memref<10000x128xf32, #tpu.memory_space<vmem_shared>> -> memref<520x128xf32, #tpu.memory_space<vmem_shared>>
        tpu.enqueue_dma source(%dma_start3A_107 : memref<520x128xf32, #tpu.memory_space<vmem_shared>>) target(%dma_start3A_104 : memref<520x128xf32, #tpu.memory_space<hbm>>) target_semaphore(%run_scoped3A : memref<!tpu.dma_semaphore, #tpu.memory_space<semaphore_mem>>)
        %dma_wait3A_108 = arith.constant 9480 : i32
        %dma_wait3A_109 = arith.constant 0 : i32
        %dma_wait3A_110 = tpu.memref_slice %arg5[%arg0, %dma_wait3A_108, %dma_wait3A_109] : memref<2x10000x128xf32, #tpu.memory_space<hbm>> -> memref<1x520x128xf32, #tpu.memory_space<hbm>>
        %dma_wait3A_111 = tpu.memref_squeeze %dma_wait3A_110 : memref<1x520x128xf32, #tpu.memory_space<hbm>> -> memref<520x128xf32, #tpu.memory_space<hbm>>
        %dma_wait3A_112 = arith.constant 9480 : i32
        %dma_wait3A_113 = arith.constant 0 : i32
        %dma_wait3A_114 = tpu.memref_slice %arg6[%dma_wait3A_112, %dma_wait3A_113] : memref<10000x128xf32, #tpu.memory_space<vmem_shared>> -> memref<520x128xf32, #tpu.memory_space<vmem_shared>>
        tpu.wait_dma2 semaphore(%run_scoped3A : memref<!tpu.dma_semaphore, #tpu.memory_space<semaphore_mem>>) src(%dma_wait3A_114 : memref<520x128xf32, #tpu.memory_space<vmem_shared>>) dst(%dma_wait3A_111 : memref<520x128xf32, #tpu.memory_space<hbm>>)
        tpu.yield
      }) : () -> ()
    } else {
    }
    return
  }
}

module attributes {stable_mosaic.version = 14 : i64} {
  func.func @_mlp_body(%arg0: i32, %arg1: memref<1000x128xf32, #tpu.memory_space<vmem>>, %arg2: memref<2x1000x128xf32, #tpu.memory_space<vmem>>, %arg3: memref<128x128xf32, #tpu.memory_space<vmem>>, %arg4: memref<1x128xf32, #tpu.memory_space<vmem>>, %arg5: memref<128x128xf32, #tpu.memory_space<vmem>>, %arg6: memref<1x128xf32, #tpu.memory_space<vmem>>, %arg7: memref<128x128xf32, #tpu.memory_space<vmem>>, %arg8: memref<1x128xf32, #tpu.memory_space<vmem>>, %arg9: memref<1000x128xf32, #tpu.memory_space<vmem>>) attributes {dimension_semantics = [#tpu.dimension_semantics<arbitrary>], iteration_bounds = array<i64: 10>, scalar_prefetch = 0 : i64, scratch_operands = 0 : i64, tpu.core_type = #tpu.core_type<tc>, window_params = [{transform_indices = @transform_0, window_bounds = array<i64: 1000, 128>}, {transform_indices = @transform_1, window_bounds = array<i64: 2, 1000, 128>}, {pipeline_mode = #tpu.pipeline_mode<synchronous>, transform_indices = @transform_2, window_bounds = array<i64: 128, 128>}, {pipeline_mode = #tpu.pipeline_mode<synchronous>, transform_indices = @transform_3, window_bounds = array<i64: 1, 128>}, {pipeline_mode = #tpu.pipeline_mode<synchronous>, transform_indices = @transform_4, window_bounds = array<i64: 128, 128>}, {pipeline_mode = #tpu.pipeline_mode<synchronous>, transform_indices = @transform_5, window_bounds = array<i64: 1, 128>}, {pipeline_mode = #tpu.pipeline_mode<synchronous>, transform_indices = @transform_6, window_bounds = array<i64: 128, 128>}, {pipeline_mode = #tpu.pipeline_mode<synchronous>, transform_indices = @transform_7, window_bounds = array<i64: 1, 128>}, {transform_indices = @transform_8, window_bounds = array<i64: 1000, 128>}]} {
    %get3A = arith.constant 0 : index
    %get3A_0 = arith.constant 0 : index
    %get3A_1 = arith.constant 0 : index
    %get3A_2 = vector.load %arg2[%get3A, %get3A_0, %get3A_1] : memref<2x1000x128xf32, #tpu.memory_space<vmem>>, vector<1x1000x128xf32>
    %get3A_3 = vector.shape_cast %get3A_2 : vector<1x1000x128xf32> to vector<1000x128xf32>
    %get3A_4 = arith.constant 1 : index
    %get3A_5 = arith.constant 0 : index
    %get3A_6 = arith.constant 0 : index
    %get3A_7 = vector.load %arg2[%get3A_4, %get3A_5, %get3A_6] : memref<2x1000x128xf32, #tpu.memory_space<vmem>>, vector<1x1000x128xf32>
    %get3A_8 = vector.shape_cast %get3A_7 : vector<1x1000x128xf32> to vector<1000x128xf32>
    %add3A = arith.addf %get3A_3, %get3A_8 : vector<1000x128xf32>
    %get3A_9 = arith.constant 0 : index
    %get3A_10 = arith.constant 0 : index
    %get3A_11 = vector.load %arg1[%get3A_9, %get3A_10] : memref<1000x128xf32, #tpu.memory_space<vmem>>, vector<1000x128xf32>
    %sub3A = arith.subf %add3A, %get3A_11 : vector<1000x128xf32>
    %get3A_12 = arith.constant 0 : index
    %get3A_13 = arith.constant 0 : index
    %get3A_14 = vector.load %arg3[%get3A_12, %get3A_13] : memref<128x128xf32, #tpu.memory_space<vmem>>, vector<128x128xf32>
    %dot_general3A = arith.constant dense<0.000000e+00> : vector<1000x128xf32>
    %dot_general3A_15 = tpu.matmul %sub3A, %get3A_14, %dot_general3A {dimension_numbers = #tpu.dot_dimension_numbers<[1], [0], [0], [1], [0, 0, 1, 1], [], []>, transpose_lhs_hint = false} : vector<1000x128xf32>, vector<128x128xf32>, vector<1000x128xf32> -> vector<1000x128xf32>
    %get3A_16 = arith.constant 0 : index
    %get3A_17 = arith.constant 0 : index
    %get3A_18 = vector.load %arg4[%get3A_16, %get3A_17] : memref<1x128xf32, #tpu.memory_space<vmem>>, vector<1x128xf32>
    %add3A_19 = vector.broadcast %get3A_18 : vector<1x128xf32> to vector<1000x128xf32>
    %add3A_20 = arith.addf %dot_general3A_15, %add3A_19 : vector<1000x128xf32>
    %max3A = arith.constant 0.000000e+00 : f32
    %max3A_21 = vector.broadcast %max3A : f32 to vector<1000x128xf32>
    %max3A_22 = arith.maximumf %add3A_20, %max3A_21 : vector<1000x128xf32>
    %get3A_23 = arith.constant 0 : index
    %get3A_24 = arith.constant 0 : index
    %get3A_25 = vector.load %arg5[%get3A_23, %get3A_24] : memref<128x128xf32, #tpu.memory_space<vmem>>, vector<128x128xf32>
    %dot_general3A_26 = arith.constant dense<0.000000e+00> : vector<1000x128xf32>
    %dot_general3A_27 = tpu.matmul %max3A_22, %get3A_25, %dot_general3A_26 {dimension_numbers = #tpu.dot_dimension_numbers<[1], [0], [0], [1], [0, 0, 1, 1], [], []>, transpose_lhs_hint = false} : vector<1000x128xf32>, vector<128x128xf32>, vector<1000x128xf32> -> vector<1000x128xf32>
    %get3A_28 = arith.constant 0 : index
    %get3A_29 = arith.constant 0 : index
    %get3A_30 = vector.load %arg6[%get3A_28, %get3A_29] : memref<1x128xf32, #tpu.memory_space<vmem>>, vector<1x128xf32>
    %add3A_31 = vector.broadcast %get3A_30 : vector<1x128xf32> to vector<1000x128xf32>
    %add3A_32 = arith.addf %dot_general3A_27, %add3A_31 : vector<1000x128xf32>
    %max3A_33 = arith.constant 0.000000e+00 : f32
    %max3A_34 = vector.broadcast %max3A_33 : f32 to vector<1000x128xf32>
    %max3A_35 = arith.maximumf %add3A_32, %max3A_34 : vector<1000x128xf32>
    %get3A_36 = arith.constant 0 : index
    %get3A_37 = arith.constant 0 : index
    %get3A_38 = vector.load %arg7[%get3A_36, %get3A_37] : memref<128x128xf32, #tpu.memory_space<vmem>>, vector<128x128xf32>
    %dot_general3A_39 = arith.constant dense<0.000000e+00> : vector<1000x128xf32>
    %dot_general3A_40 = tpu.matmul %max3A_35, %get3A_38, %dot_general3A_39 {dimension_numbers = #tpu.dot_dimension_numbers<[1], [0], [0], [1], [0, 0, 1, 1], [], []>, transpose_lhs_hint = false} : vector<1000x128xf32>, vector<128x128xf32>, vector<1000x128xf32> -> vector<1000x128xf32>
    %get3A_41 = arith.constant 0 : index
    %get3A_42 = arith.constant 0 : index
    %get3A_43 = vector.load %arg8[%get3A_41, %get3A_42] : memref<1x128xf32, #tpu.memory_space<vmem>>, vector<1x128xf32>
    %add3A_44 = vector.broadcast %get3A_43 : vector<1x128xf32> to vector<1000x128xf32>
    %add3A_45 = arith.addf %dot_general3A_40, %add3A_44 : vector<1000x128xf32>
    %swap3A = arith.constant 0 : index
    %swap3A_46 = arith.constant 0 : index
    %swap3A_47 = vector.load %arg9[%swap3A, %swap3A_46] : memref<1000x128xf32, #tpu.memory_space<vmem>>, vector<1000x128xf32>
    tpu.vector_store %arg9[%swap3A, %swap3A_46], %add3A_45 {strides = array<i32>} : memref<1000x128xf32, #tpu.memory_space<vmem>>, vector<1000x128xf32>,
    return
  }
  func.func @transform_0(%arg0: i32) -> (i32, i32) {
    %c0_i32 = arith.constant 0 : i32
    %c0_i32_0 = arith.constant 0 : i32
    return %arg0, %c0_i32 : i32, i32
  }
  func.func @transform_1(%arg0: i32) -> (i32, i32, i32) {
    %c0_i32 = arith.constant 0 : i32
    %c0_i32_0 = arith.constant 0 : i32
    %c0_i32_1 = arith.constant 0 : i32
    return %c0_i32, %arg0, %c0_i32_0 : i32, i32, i32
  }
  func.func @transform_2(%arg0: i32) -> (i32, i32) {
    %c0_i32 = arith.constant 0 : i32
    %c0_i32_0 = arith.constant 0 : i32
    %c0_i32_1 = arith.constant 0 : i32
    return %c0_i32, %c0_i32_0 : i32, i32
  }
  func.func @transform_3(%arg0: i32) -> (i32, i32) {
    %c0_i32 = arith.constant 0 : i32
    %c0_i32_0 = arith.constant 0 : i32
    %c0_i32_1 = arith.constant 0 : i32
    return %c0_i32, %c0_i32_0 : i32, i32
  }
  func.func @transform_4(%arg0: i32) -> (i32, i32) {
    %c0_i32 = arith.constant 0 : i32
    %c0_i32_0 = arith.constant 0 : i32
    %c0_i32_1 = arith.constant 0 : i32
    return %c0_i32, %c0_i32_0 : i32, i32
  }
  func.func @transform_5(%arg0: i32) -> (i32, i32) {
    %c0_i32 = arith.constant 0 : i32
    %c0_i32_0 = arith.constant 0 : i32
    %c0_i32_1 = arith.constant 0 : i32
    return %c0_i32, %c0_i32_0 : i32, i32
  }
  func.func @transform_6(%arg0: i32) -> (i32, i32) {
    %c0_i32 = arith.constant 0 : i32
    %c0_i32_0 = arith.constant 0 : i32
    %c0_i32_1 = arith.constant 0 : i32
    return %c0_i32, %c0_i32_0 : i32, i32
  }
  func.func @transform_7(%arg0: i32) -> (i32, i32) {
    %c0_i32 = arith.constant 0 : i32
    %c0_i32_0 = arith.constant 0 : i32
    %c0_i32_1 = arith.constant 0 : i32
    return %c0_i32, %c0_i32_0 : i32, i32
  }
  func.func @transform_8(%arg0: i32) -> (i32, i32) {
    %c0_i32 = arith.constant 0 : i32
    %c0_i32_0 = arith.constant 0 : i32
    return %arg0, %c0_i32 : i32, i32
  }
}

</mosaic_0001>

<sc_bundles>
// kernel: kernel.4.cloned.1.call-start
scs
__scs_entry_jumppad:
0x0: {  	(pc) =	sbr.rel $0x88, $3  }
0x1: {  	(tag) =	ssettag $0x0;
	lr =	simm.s32 $0x1  }
0x2: {  	[smem:$0x3F98] =	sst lr;
	_ =	strace $0xD0000000  }
0x3: {  	_ = 	snop  }
0x4: {  	_ = 	snop  }
0x5: {  	_ = 	snop  }
0x6: {  	_ = 	snop  }
0x7: {  	_ = 	snop  }
__scs_overlays_trampoline_lowered:
0x8: {  	[smem:$0x3FA7] =	sst s0  }
0x9: {  	[smem:$0x3FA8] =	sst s1  }
0xa: {  	[smem:$0x3FA9] =	sst s2  }
0xb: {  	[smem:$0x3FAA] =	sst s3  }
0xc: {  	[smem:$0x3FAB] =	sst s4  }
0xd: {  	[smem:$0x3FAC] =	sst s5  }
0xe: {  	[smem:$0x3FAD] =	sst s6  }
0xf: {  	[smem:$0x3FAE] =	sst s7  }
0x10: {  	[smem:$0x3FAF] =	sst s8  }
0x11: {  	[smem:$0x3FB0] =	sst s9;
	s0 =	simm.s32 @!p0 $0x0  }
0x12: {  	s1 =	sld [smem:$0x3F96];
	s0 =	simm.s32 @p0 $0x1  }
0x13: {  	[smem:$0x3FB1] =	sst s0;
	s0 =	simm.s32 @!p1 $0x0  }
0x14: {  	s2 =	sld [smem:$0x3F95];
	s0 =	simm.s32 @p1 $0x1  }
0x15: {  	[smem:$0x3FB2] =	sst s0;
	s0 =	simm.s32 @!p2 $0x0  }
0x16: {  	s3 =	sld [smem:$0x3FDB];
	s0 =	simm.s32 @p2 $0x1  }
0x17: {  	s4 =	simm.s32 $0x1BF5;
	[smem:$0x3FB4] =	sst s0  }
0x18: {  	s0 =	sld [smem:$0x3F97];
	_ =	swait.ge [sflag:s4], $0x0  }
0x19: {  	s7 =	sld [smem:$0x3F98]  }
0x1a: {  	s8 =	sadd.s32 $0xFFFFE003, lr  }
0x1b: {  	s9 =	sadd.s32 $0xFFFFFEF7, lr;
	s5 =	simm.s32 $0xFFFFFFFF;
	p2 =	slt.u32 s8, $0xFFFFF086  }
0x1c: {  	p1 =	slt.u32 s9, $0xF7A;
	s5 =	simm.s32 @!p2 $0x0  }
0x1d: {  	s5 =	simm.s32 @p1 $0x1;
	p0 =	seq.s32 s7, s2  }
0x1e: {  	s7 =	smul.u32 @!p0 $0xF7A, s2;
	p2 =	seq.s32 @!p0 s5, $0x0  }
0x1f: {  	s9 =	smul.u32 $0xF7A, s1;
	s8 =	simm.s32 @!p0 $0x1BF5;
	p2 =	por !p2, p0  }
0x20: {  	[sflag:s8] =	ssyncset.s32 @!p0 $0xFFFFF086;
	s6 =	sadd.s32 @!p0 s3, s7;
	s7 =	simm.s32 @!p0 $0x108  }
0x21: {  	s3 =	sadd.s32 s3, s9;
	s6 =	sadd.s32 @!p0 $0x88, s6;
	s7 =	simm.s32 @p2 $0x1082  }
0x22: {  	[simem:s7], [sflag:s8] =	dma.local @!p0 [hbm:s6], $0xF7A  }
0x23: {  	s9 =	sor.u32 $0xD0000000, s2;
	s6 =	simm.s32 $0x108;
	_ =	swait.ge @!p0 [sflag:s8], $0x0  }
0x24: {  	s3 =	sadd.s32 $0x88, s3;
	s6 =	simm.s32 @!p1 $0x1082;
	[sflag:s4] =	ssyncset.s32 $0xFFFFF086  }
0x25: {  	[simem:s6], [sflag:s4] =	dma.local [hbm:s3], $0xF7A  }
0x26: {  	[smem:$0x3F98] =	sst s1;
	(tag) =	ssettag s2;
	_ =	strace s9  }
0x27: {  	s1 =	sld [smem:$0x3FA8]  }
0x28: {  	s2 =	sld [smem:$0x3FA9]  }
0x29: {  	s4 =	sld [smem:$0x3FAB]  }
0x2a: {  	p0 =	seq.s32 s5, $0x0;
	s5 =	sld [smem:$0x3FAC]  }
0x2b: {  	s6 =	sld [smem:$0x3FAD]  }
0x2c: {  	s7 =	sld [smem:$0x3FAE]  }
0x2d: {  	s3 =	simm.s32 $0x108;
	s8 =	sld [smem:$0x3FAF]  }
0x2e: {  	s3 =	simm.s32 @!p0 $0x1082;
	s9 =	sld [smem:$0x3FB0]  }
0x2f: {  	lr =	sadd.s32 s0, s3;
	s0 =	sld [smem:$0x3FA7]  }
0x30: {  	s3 =	sld [smem:$0x3FAA]  }
0x31: {  	[smem:$0x3FB3] =	sst s10  }
0x32: {  	s10 =	sld [smem:$0x3FB1];
	_ =	sdelay $0x3  }
0x33: {  	p0 =	seq.s32 s10, $0x1;
	s10 =	sld [smem:$0x3FB3];
	_ =	sdelay $0x3  }
0x34: {  	[smem:$0x3FB3] =	sst s10  }
0x35: {  	s10 =	sld [smem:$0x3FB2];
	_ =	sdelay $0x3  }
0x36: {  	p1 =	seq.s32 s10, $0x1;
	s10 =	sld [smem:$0x3FB3];
	_ =	sdelay $0x3  }
0x37: {  	[smem:$0x3FB3] =	sst s10  }
0x38: {  	s10 =	sld [smem:$0x3FB4]  }
0x39: {  	_ = 	snop;
	(pc) =	sbr.ind lr, $3  }
0x3a: {  	_ = 	snop  }
0x3b: {  	_ = 	snop  }
0x3c: {  	p2 =	seq.s32 s10, $0x1;
	s10 =	sld [smem:$0x3FB3]  }
0x3d: {  	_ =	shalt  }
0x3e: {  	_ =	shalt  }
0x3f: {  	_ =	shalt  }
0x40: {  	_ =	shalt  }
0x41: {  	_ =	shalt  }
0x42: {  	_ =	shalt  }
0x43: {  	_ =	shalt  }
0x44: {  	_ =	shalt  }
0x45: {  	_ =	shalt  }
0x46: {  	_ =	shalt  }
0x47: {  	_ =	shalt  }
0x48: {  	_ =	shalt  }
0x49: {  	_ =	shalt  }
0x4a: {  	_ =	shalt  }
0x4b: {  	_ =	shalt  }
0x4c: {  	_ =	shalt  }
0x4d: {  	_ =	shalt  }
0x4e: {  	_ =	shalt  }
0x4f: {  	_ =	shalt  }
0x50: {  	_ =	shalt  }
0x51: {  	_ =	shalt  }
0x52: {  	_ =	shalt  }
0x53: {  	_ =	shalt  }
0x54: {  	_ =	shalt  }
0x55: {  	_ =	shalt  }
0x56: {  	_ =	shalt  }
0x57: {  	_ =	shalt  }
0x58: {  	_ =	shalt  }
0x59: {  	_ =	shalt  }
0x5a: {  	_ =	shalt  }
0x5b: {  	_ =	shalt  }
0x5c: {  	_ =	shalt  }
0x5d: {  	_ =	shalt  }
0x5e: {  	_ =	shalt  }
0x5f: {  	_ =	shalt  }
0x60: {  	_ =	shalt  }
0x61: {  	_ =	shalt  }
0x62: {  	_ =	shalt  }
0x63: {  	_ =	shalt  }
0x64: {  	_ =	shalt  }
0x65: {  	_ =	shalt  }
0x66: {  	_ =	shalt  }
0x67: {  	_ =	shalt  }
0x68: {  	_ =	shalt  }
0x69: {  	_ =	shalt  }
0x6a: {  	_ =	shalt  }
0x6b: {  	_ =	shalt  }
0x6c: {  	_ =	shalt  }
0x6d: {  	_ =	shalt  }
0x6e: {  	_ =	shalt  }
0x6f: {  	_ =	shalt  }
0x70: {  	_ =	shalt  }
0x71: {  	_ =	shalt  }
0x72: {  	_ =	shalt  }
0x73: {  	_ =	shalt  }
0x74: {  	_ =	shalt  }
0x75: {  	_ =	shalt  }
0x76: {  	_ =	shalt  }
0x77: {  	_ =	shalt  }
0x78: {  	_ =	shalt  }
0x79: {  	_ =	shalt  }
0x7a: {  	_ =	shalt  }
0x7b: {  	_ =	shalt  }
0x7c: {  	_ =	shalt  }
0x7d: {  	_ =	shalt  }
0x7e: {  	_ =	shalt  }
0x7f: {  	_ =	shalt  }
0x80: {  	_ =	shalt  }
0x81: {  	_ =	shalt  }
0x82: {  	_ =	shalt  }
0x83: {  	_ =	shalt  }
0x84: {  	_ =	shalt  }
0x85: {  	_ =	shalt  }
0x86: {  	_ =	shalt  }
0x87: {  	_ =	shalt  }
.Lfunc_end0:
.L_simem_size_0:
called_computation_lowered:
.L_overlay_start_0:
0x88: {  	s2 =	sld [smem:$0x3FD9]  }
0x89: {  	s3 =	sld [smem:$0x3FFE];
	_ =	sdelay $0x1  }
0x8a: {  	s1 =	srdreg.scid  }
0x8b: {  	s0 =	sand.u32 $0x1, s1  }
0x8c: {  	s17 =	sshll.u32 s0, $0xA;
	s2 =	sadd.s32 s3, s2  }
0x8d: {  	s2 =	sadd.s32 s2, s17  }
0x8e: {  	[smem:$0x3FBF] =	sst s2  }
0x8f: {  	_ = 	snop  }
0x90: {  	s2 =	sld [smem:$0x3FC9]  }
0x91: {  	s18 =	sld [smem:$0x3FC8]  }
0x92: {  	s4 =	sld [smem:$0x3FC7];
	(tm) =	ssettm $0x1  }
0x93: {  	s5 =	sld [smem:$0x3FFB];
	_ =	sdelay $0x3  }
0x94: {  	_ =	strace s5  }
0x95: {  	s5 =	sld [smem:$0x3FFC];
	_ =	sdelay $0x3  }
0x96: {  	_ =	strace s5  }
0x97: {  	s5 =	sld [smem:$0x3FFD];
	_ =	sdelay $0x3  }
0x98: {  	_ =	strace s5  }
0x99: {  	_ =	strace $0x8FFFFFFF  }
0x9a: {  	s19 =	sld [smem:$0x3FDB];
	_ =	sdelay $0x1  }
0x9b: {  	s6 =	simm.s32 $_scs_section_size  }
0x9c: {  	s7 =	simm.s32 $_size__tile_overlayer_lowered;
	s8 =	simm.s32 $_tile_overlayer_lowered  }
0x9d: {  	s22 =	simm.s32 $0x1BFF;
	s21 =	sshll.u32 s8, $0x1;
	s5 =	sadd.s32 s6, s19  }
0x9e: {  	s9 =	simm.s32 $0x0;
	s20 =	sshll.u32 s7, $0x1;
	s7 =	sadd.s32 s21, s5  }
0x9f: {  	[timem:s9], [sflag:s22] =	dma.local [hbm:s7], s20  }
0xa0: {  	_ =	swait.ge [sflag:s22], s20  }
0xa1: {  	s6 =	ssub.s32 $0x0, s20;
	[sflag:s22] =	ssyncset.done $0x0  }
0xa2: {  	[sflag:s22] =	ssyncadd.s32 s6;
	_ =	sdelay $0x1  }
0xa3: {  	s23 =	simm.s32 $0x1B8B  }
0xa4: {  	_ =	swait.ge [sflag:s23], $0x1  }
0xa5: {  	[sflag:s23] =	ssyncset.done $0x0  }
0xa6: {  	s25 =	simm.s32 $0x1B8E;
	s24 =	sld [smem:$0x3FFE];
	[sflag:s23] =	ssyncadd.s32 $0xFFFFFFFF  }
0xa7: {  	s26 =	simm.s32 $execute0_lowered;
	[smem:$0x3FD2] =	sst s25  }
0xa8: {  	s7 =	sshll.u32 s26, $0x1;
	_ =	strace $0x80000046;
	[dreg:$0x1] =	wrdreg $0xFFFFFFFF  }
0xa9: {  	s28 =	simm.s32 $_size_execute0_lowered;
	s5 =	sadd.s32 s5, s7;
	[dreg:$0x0] =	wrdreg $0x0  }
0xaa: {  	s7 =	sshll.u32 s28, $0x1;
	[dreg:$0x2] =	wrdreg s5  }
0xab: {  	[dreg:$0x3] =	wrdreg s7  }
0xac: {  	[dreg:$0x4] =	wrdreg $0xC0  }
0xad: {  	_ =	task [dreg:s9], $0x5FFFF  }
0xae: {  	[dreg:$0x1] =	wrdreg $0xFFFFFFFF  }
0xaf: {  	[dreg:$0x0] =	wrdreg $0x60  }
0xb0: {  	[dreg:$0x2] =	wrdreg s2  }
0xb1: {  	[dreg:$0x3] =	wrdreg s18  }
0xb2: {  	[dreg:$0x4] =	wrdreg s4  }
0xb3: {  	[dreg:$0x5] =	wrdreg s24  }
0xb4: {  	[dreg:$0x6] =	wrdreg $0x0  }
0xb5: {  	[dreg:$0x7] =	wrdreg $0x9  }
0xb6: {  	_ =	task.clear_ibuf [dreg:s9], $0x8FFFF;
	_ =	strace $0x90000046  }
0xb7: {  	s29 =	simm.s32 $0x9;
	_ =	strace $0x80000048  }
0xb8: {  	_ =	swait.ge [sflag:s29], $0x1  }
0xb9: {  	[sflag:s29] =	ssyncadd.s32 $0xFFFFFFFF  }
0xba: {  	_ =	strace $0x90000048  }
0xbb: {  	_ =	sfence  }
0xbc: {  	s30 =	sld [smem:$0x0];
	_ =	sdelay $0x2  }
0xbd: {  	s31 =	sshll.u32 s1, $0xD;
	s1 =	sshrl.u32 s1, $0x2  }
0xbe: {  	s3 =	sand.u32 $0x4000, s31;
	s1 =	sadd.s32 s1, s30  }
0xbf: {  	s0 =	sor.u32 s3, s0;
	s1 =	sshll.u32 s1, $0x11  }
0xc0: {  	s0 =	sor.u32 s1, s0  }
0xc1: {  	s0 =	sadd.s32 $0x8F2B, s0  }
0xc2: {  	[sflag:s0] =	ssyncadd.remote.s32 $0x1  }
0xc3: {  	_ =	sfence.sel $0xFFFF  }
0xc4: {  	[dreg:$0x0] =	wrdreg $0xFFFFFFFF;
	(pc) =	sbr.abs _section_cstart, $3  }
0xc5: {  	[dreg:$0x1] =	wrdreg $0xFFFFFFFF  }
0xc6: {  	_ =	task.clear_ibuf [dreg:s9], $0x2FFFF;
	_ =	strace $0x9FFFFFFF  }
0xc7: {  	(tm) =	ssettm $0x7FFFFFFF  }
tec
execute0_lowered:
.L_overlay_start_1:
0x0: {  	(tag) =	ssettag $0x1  }
0x1: {  	s0 =	rddreg [dreg:$0x0]  }
0x2: {  	s1 =	rddreg [dreg:$0x1]  }
0x3: {  	s2 =	rddreg [dreg:$0x2]  }
0x4: {  	s4 =	rddreg [dreg:$0x3]  }
0x5: {  	s3 =	srdreg.scid;
	s5 =	rddreg [dreg:$0x4]  }
0x6: {  	s18 =	stileid.u32;
	s6 =	simm.s32 $0x0;
	s31 =	simm.s32 $0x40  }
0x7: {  	s3 =	sand.u32 $0x1, s3;
	[smem:$0x7FF] =	sst s6;
	s21 =	smul.u32 $0x4F000, s18  }
0x8: {  	s4 =	sadd.s32 $0x1400, s4;
	s16 =	smul.u32 $0x2780, s18;
	s26 =	sadd.s32 $0x128400, s5  }
0x9: {  	s29 =	sadd.s32 $0x25080, s0;
	s7 =	sshll.u32 s3, $0x4;
	_ =	strace $0x80000047  }
0xa: {  	s10 =	ssub.s32 $0x2, s3;
	s3 =	smul.u32 $0x138800, s3;
	[dreg:$0xe] =	wrdreg s26  }
0xb: {  	[dreg:$0xf] =	wrdreg s29;
	s8 =	sor.u32 s18, s7;
	s11 =	sshrl.u32 s10, $0x1  }
0xc: {  	s25 =	sadd.s32 s0, s16;
	s7 =	smul.u32 $0x2700, s8;
	s9 =	smax.u32 s8, $0x1C  }
0xd: {  	p0 =	sgt.u32 s8, $0x1B;
	s10 =	ssub.s32 s10, s11;
	[dreg:$0xd] =	wrdreg s25  }
0xe: {  	p1 =	slt.u32 s8, $0x1C;
	s25 =	simm.s32 $0x1;
	s8 =	simm.s32 $0x5  }
0xf: {  	s9 =	sshll.u32 s9, $0x7;
	s30 =	smax.u32 s10, $0x1;
	s10 =	simm.s32 $0x1FA80  }
0x10: {  	s12 =	sadd.s32 s9, s7;
	s7 =	simm.s32 $0x9E;
	s9 =	sadd.s32 $0x10, s1  }
0x11: {  	[dreg:$0x12] =	wrdreg s30;
	s13 =	sadd.s32 $0xFFFFF200, s12;
	s7 =	simm.s32 @!p0 $0x9C  }
0x12: {  	p0 =	seq.s32 s18, $0xF;
	s17 =	sshrl.u32 s13, $0x2;
	s22 =	sshll.u32 s13, $0x4  }
0x13: {  	s19 =	sadd.s32 s1, s17;
	s14 =	sand.u32 $0x1FFFFFE0, s17;
	s11 =	sadd.s32 s17, s9  }
0x14: {  	s23 =	sand.u32 $0x1FFFF800, s22;
	s17 =	smul.u32 $0x13C00, s18;
	[dreg:$0x6] =	wrdreg s19  }
0x15: {  	s18 =	simm.s32 $0x6;
	[dreg:$0x7] =	wrdreg s11;
	s20 =	sadd.s32 s1, s14  }
0x16: {  	s14 =	sshrl.u32 s21, $0x2;
	s21 =	sshll.u32 s13, $0x7;
	s13 =	simm.s32 $0x2  }
0x17: {  	s19 =	simm.s32 $0x8;
	s15 =	sadd.s32 $0x20, s20;
	s11 =	sadd.s32 $0x30, s20  }
0x18: {  	s24 =	sadd.s32 s14, s5;
	s28 =	sadd.s32 s17, s3;
	s3 =	sshrl.u32 s3, $0x3  }
0x19: {  	s20 =	sadd.s32 $0xFFFFFFFA, s7;
	s14 =	simm.s32 $0x1FB00;
	[dreg:$0x8] =	wrdreg s15  }
0x1a: {  	s17 =	simm.s32 $0x7;
	[dreg:$0x9] =	wrdreg s11;
	s11 =	sadd.s32 s23, s2  }
0x1b: {  	s15 =	sadd.s32 s2, s22;
	[dreg:$0xc] =	wrdreg s24;
	s3 =	sadd.s32 s4, s3  }
.Ltmp0:
0x1c: {  	s22 =	sadd.s32 $0xFFFFF300, s12;
	s12 =	simm.s32 $0x4;
	(pc) =	sbr.rel .LBB2_1-.Ltmp0, $4  }
0x1d: {  	s23 =	simm.s32 $0x0;
	[dreg:$0xa] =	wrdreg s15;
	s11 =	sadd.s32 $0x400, s11  }
0x1e: {  	s3 =	sadd.s32 $0x25080, s3;
	[dreg:$0xb] =	wrdreg s11;
	s11 =	sshrl.u32 s28, $0x3  }
0x1f: {  	s15 =	simm.s32 $0x1D880;
	[dreg:$0x11] =	wrdreg s3;
	s11 =	sadd.s32 s4, s11  }
0x20: {  	s4 =	simm.s32 $0x19880;
	[dreg:$0x10] =	wrdreg s11;
	s11 =	simm.s32 $0x1B880  }
.LBB2_17:
0x21: {  	_ =	swait.ge [sflag:s17], $0x2000  }
0x22: {  	[sflag:s17] =	ssyncset.done $0x0  }
0x23: {  	[sflag:s17] =	ssyncadd.s32 $0xFFFFE000  }
0x24: {  	_ =	swait.ge [sflag:s19], $0x2000  }
0x25: {  	[sflag:s19] =	ssyncset.done $0x0  }
0x26: {  	[sflag:s19] =	ssyncadd.s32 $0xFFFFE000  }
0x27: {  	[bflag:$0x0] =	sbarrier.arrive $0xFFFF  }
0x28: {  	s16 =	rddreg [dreg:$0x11]  }
0x29: {  	s3 =	simm.s32 @p0 $0x1FC9;
	s24 =	rddreg [dreg:$0x14]  }
0x2a: {  	[hbm:s16], [sflag:s3] =	dma.local @p0 [spmem:s24], $0x2080  }
0x2b: {  	s3 =	simm.s32 @p0 $0x9  }
0x2c: {  	_ =	swait.ge @p0 [sflag:s3], $0x2080  }
0x2d: {  	s16 =	rddreg [dreg:$0x15]  }
0x2e: {  	[sflag:s3] =	ssyncset.done @p0 $0x0;
	s24 =	rddreg [dreg:$0x16]  }
0x2f: {  	[sflag:s3] =	ssyncadd.s32 @p0 $0xFFFFDF80;
	s3 =	rddreg [dreg:$0x10]  }
0x30: {  	[hbm:s3], [sflag:s16] =	dma.local @!p0 [spmem:s24], $0x2780  }
0x31: {  	s3 =	simm.s32 @!p0 $0x9  }
0x32: {  	_ =	swait.ge @!p0 [sflag:s3], $0x2780  }
0x33: {  	s23 =	sadd.s32 $0x1, s23;
	s30 =	rddreg [dreg:$0x12]  }
0x34: {  	p2 =	sne.s32 s23, s30  }
.Ltmp1:
0x35: {  	_ = 	snop;
	(pc) =	sbr.rel @!p2 .LBB2_18-.Ltmp1, $3  }
0x36: {  	_ =	sdelay $0x1  }
0x37: {  	[sflag:s3] =	ssyncset.done @!p0 $0x0  }
0x38: {  	[sflag:s3] =	ssyncadd.s32 @!p0 $0xFFFFD880  }
.LBB2_1:
0x39: {  	[dreg:$0x13] =	wrdreg s23  }
0x3a: {  	s3 =	rddreg [dreg:$0x6];
	s16 =	simm.s32 $0x1F880  }
0x3b: {  	[tilespmem:s16], [sflag:$0x3] =	stream.linear.gather [hbm4b:s3+s6], $0x80, $0x38;
	[tilespmem:$0x1FB80] =	vst v63  }
0x3c: {  	s24 =	rddreg [dreg:$0x7];
	s26 =	simm.s32 $0x1F980  }
0x3d: {  	[tilespmem:s26], [sflag:$0x5] =	stream.linear.gather [hbm4b:s24+s6], $0x80, $0x38;
	[tilespmem:$0x1FB80] =	vst v63  }
0x3e: {  	s28 =	rddreg [dreg:$0x8];
	s29 =	simm.s32 $0x1F900  }
0x3f: {  	[tilespmem:s29], [sflag:$0x4] =	stream.linear.gather [hbm4b:s28+s6], $0x80, $0x38;
	[tilespmem:$0x1FB80] =	vst v63  }
0x40: {  	s24 =	rddreg [dreg:$0x9];
	s26 =	simm.s32 $0x1FA00;
	s28 =	simm.s32 $0x3  }
0x41: {  	[tilespmem:s26], [sflag:$0x6] =	stream.linear.gather [hbm4b:s24+s6], $0x80, $0x38;
	[tilespmem:$0x1FB80] =	vst v63  }
0x42: {  	_ =	swait.ge [sflag:s28], $0x80  }
0x43: {  	[sflag:s28] =	ssyncset.done $0x0;
	s23 =	rddreg [dreg:$0xa]  }
0x44: {  	s29 =	simm.s32 $0x13880;
	s3 =	rddreg [dreg:$0xe];
	[sflag:s28] =	ssyncadd.s32 $0xFFFFFF80  }
0x45: {  	[tilespmem:s29], [sflag:$0x1] =	stream.indirect.gather [hbm4b:s0+s31], $0x80, s16, s31, $0xb8;
	[tilespmem:$0x1FB80] =	vst v63  }
0x46: {  	s24 =	simm.s32 $0x17880;
	s26 =	simm.s32 $0x1F8C0;
	s29 =	rddreg [dreg:$0xb]  }
0x47: {  	[tilespmem:s24], [sflag:$0x1] =	stream.linear.gather [hbm4b:s23+s6], $0x2000, $0x38;
	[tilespmem:$0x1FB80] =	vst v63  }
0x48: {  	s28 =	simm.s32 $0x15880;
	s16 =	rddreg [dreg:$0xf];
	s23 =	sshrl.u32 @p0 s3, $0x3  }
0x49: {  	[tilespmem:s28], [sflag:$0x2] =	stream.indirect.gather [hbm4b:s0+s31], $0x80, s26, s31, $0xb8;
	[tilespmem:$0x1FB80] =	vst v63  }
0x4a: {  	s3 =	simm.s32 @p0 $0x1FC9;
	[dreg:$0x14] =	wrdreg s23  }
0x4b: {  	[tilespmem:s4], [sflag:$0x2] =	stream.linear.gather [hbm4b:s29+s6], $0x2000, $0x38;
	[tilespmem:$0x1FB80] =	vst v63  }
0x4c: {  	[spmem:s23], [sflag:s3] =	dma.local @p0 [hbm:s16], $0x2080  }
0x4d: {  	s3 =	simm.s32 @p0 $0x9  }
0x4e: {  	s16 =	stileid.u32;
	_ =	swait.ge @p0 [sflag:s3], $0x2080  }
0x4f: {  	s16 =	sshll.u32 @!p0 s16, $0x6;
	[sflag:s3] =	ssyncset.done @p0 $0x0  }
0x50: {  	s16 =	sor.u32 @!p0 $0x1C09, s16;
	[sflag:s3] =	ssyncadd.s32 @p0 $0xFFFFDF80;
	s3 =	rddreg [dreg:$0xc]  }
0x51: {  	[dreg:$0x15] =	wrdreg s16  }
0x52: {  	s23 =	sshrl.u32 @!p0 s3, $0x3;
	s3 =	rddreg [dreg:$0xd]  }
0x53: {  	[dreg:$0x16] =	wrdreg s23  }
0x54: {  	[spmem:s23], [sflag:s16] =	dma.local @!p0 [hbm:s3], $0x2780  }
0x55: {  	s3 =	simm.s32 @!p0 $0x9  }
0x56: {  	_ =	swait.ge @!p0 [sflag:s3], $0x2780  }
0x57: {  	[sflag:s3] =	ssyncset.done @!p0 $0x0  }
0x58: {  	[sflag:s3] =	ssyncadd.s32 @!p0 $0xFFFFD880  }
0x59: {  	s30 =	simm.s32 $0x0;
	[bflag:$0x0] =	sbarrier.arrive $0xFFFF  }
.LBB2_2:
0x5a: {  	_ =	swait.ge [sflag:s25], $0x2000  }
0x5b: {  	[sflag:s25] =	ssyncset.done $0x0  }
0x5c: {  	[sflag:s25] =	ssyncadd.s32 $0xFFFFE000  }
0x5d: {  	_ =	swait.ge [sflag:s25], $0x2000  }
0x5e: {  	p2 =	seq.s32 s30, $0x0;
	[sflag:s25] =	ssyncset.done $0x0  }
0x5f: {  	s3 =	simm.s32 @!p2 $0x7;
	[sflag:s25] =	ssyncadd.s32 $0xFFFFE000  }
0x60: {  	_ =	swait.ge @!p2 [sflag:s3], $0x2000  }
0x61: {  	[sflag:s3] =	ssyncset.done @!p2 $0x0  }
0x62: {  	[sflag:s3] =	ssyncadd.s32 @!p2 $0xFFFFE000  }
0x63: {  	_ =	swait.ge [sflag:s8], $0x80  }
0x64: {  	[sflag:s8] =	ssyncset.done $0x0  }
0x65: {  	[sflag:s8] =	ssyncadd.s32 $0xFFFFFF80  }
0x66: {  	v0 =	vld [tilespmem:$0x1F980]  }
0x67: {  	v1 =	vld [tilespmem:$0x1F990]  }
0x68: {  	v2 =	vld [tilespmem:$0x1F9A0]  }
0x69: {  	v3 =	vld [tilespmem:$0x1F9B0];
	_ =	sdelay $0x1  }
0x6a: {  	[tilespmem:$0x1FA80] =	vst v0  }
0x6b: {  	[tilespmem:$0x1FA90] =	vst v1  }
0x6c: {  	[tilespmem:$0x1FAA0] =	vst v2  }
0x6d: {  	s29 =	simm.s32 $0x13A80;
	[tilespmem:$0x1FAB0] =	vst v3  }
0x6e: {  	s23 =	simm.s32 $0x17A80;
	v0 =	vld [tilespmem:s29+$0x180]  }
0x6f: {  	v1 =	vld [tilespmem:s23+$0x180]  }
0x70: {  	v2 =	vld [tilespmem:s23+$0xFFFFFE00]  }
0x71: {  	v3 =	vld [tilespmem:s29+$0xFFFFFE80]  }
0x72: {  	v4 =	vld [tilespmem:s23+$0xFFFFFE80]  }
0x73: {  	v5 =	vld [tilespmem:s29+$0xFFFFFF00]  }
0x74: {  	v6 =	vld [tilespmem:s23+$0xFFFFFF00]  }
0x75: {  	v7 =	vld [tilespmem:s23+$0xFFFFFF80]  }
0x76: {  	v8 =	vld [tilespmem:s29+$0x0]  }
0x77: {  	v10 =	vld [tilespmem:s23+$0x0];
	v0 =	vadd.f32 v1, v0  }
0x78: {  	v11 =	vld [tilespmem:s29+$0x80];
	v3 =	vadd.f32 v4, v3  }
0x79: {  	s16 =	simm.s32 $0x1BA80;
	v12 =	vld [tilespmem:s29+$0x100];
	v0 =	vmax.f32 v0, $0.0e+00  }
0x7a: {  	v1 =	vld [tilespmem:s29+$0xFFFFFF80];
	v3 =	vmax.f32 v3, $0.0e+00;
	[tilespmem:s16+$0x180] =	vst v0  }
0x7b: {  	[tilespmem:s16+$0xFFFFFE80] =	vst v3;
	v3 =	vld [tilespmem:s29+$0xFFFFFE00]  }
0x7c: {  	v0 =	vld [tilespmem:s29+$0x190]  }
0x7d: {  	v5 =	vadd.f32 v6, v5;
	v9 =	vld [tilespmem:s23+$0x190]  }
0x7e: {  	v31 =	vld [tilespmem:s23+$0x100]  }
0x7f: {  	v4 =	vld [tilespmem:s23+$0x80];
	v5 =	vmax.f32 v5, $0.0e+00;
	v1 =	vadd.f32 v7, v1  }
0x80: {  	[tilespmem:s16+$0xFFFFFF00] =	vst v5;
	v6 =	vld [tilespmem:s29+$0xFFFFFE90]  }
0x81: {  	v1 =	vmax.f32 v1, $0.0e+00;
	v2 =	vadd.f32 v2, v3;
	v3 =	vld [tilespmem:s29+$0xFFFFFF10]  }
0x82: {  	[tilespmem:s16+$0xFFFFFF80] =	vst v1;
	v1 =	vld [tilespmem:s23+$0xFFFFFF10];
	v0 =	vadd.f32 v9, v0  }
0x83: {  	v32 =	vld [tilespmem:s29+$0xFFFFFF90];
	v2 =	vmax.f32 v2, $0.0e+00  }
0x84: {  	v8 =	vadd.f32 v10, v8;
	v0 =	vmax.f32 v0, $0.0e+00;
	[tilespmem:s16+$0xFFFFFE00] =	vst v2;
	v2 =	vld [tilespmem:s23+$0xFFFFFF90]  }
0x85: {  	v4 =	vadd.f32 v4, v11;
	[tilespmem:s16+$0x190] =	vst v0;
	v0 =	vld [tilespmem:s23+$0xFFFFFE90]  }
0x86: {  	v8 =	vmax.f32 v8, $0.0e+00;
	v7 =	vld [tilespmem:s29+$0x1A0]  }
0x87: {  	[tilespmem:s16+$0x0] =	vst v8;
	v4 =	vmax.f32 v4, $0.0e+00;
	v5 =	vld [tilespmem:s23+$0x1A0];
	v1 =	vadd.f32 v1, v3  }
0x88: {  	v33 =	vld [tilespmem:s29+$0x10];
	[tilespmem:s16+$0x80] =	vst v4  }
0x89: {  	v35 =	vld [tilespmem:s23+$0x90];
	v1 =	vmax.f32 v1, $0.0e+00  }
0x8a: {  	v8 =	vld [tilespmem:s23+$0xFFFFFE10];
	v2 =	vadd.f32 v2, v32;
	[tilespmem:s16+$0xFFFFFF10] =	vst v1  }
0x8b: {  	v0 =	vadd.f32 v0, v6;
	v38 =	vld [tilespmem:s29+$0xFFFFFF20]  }
0x8c: {  	v5 =	vadd.f32 v5, v7;
	v7 =	vld [tilespmem:s29+$0xFFFFFE10];
	v2 =	vmax.f32 v2, $0.0e+00  }
0x8d: {  	v0 =	vmax.f32 v0, $0.0e+00;
	[tilespmem:s16+$0xFFFFFF90] =	vst v2;
	v2 =	vld [tilespmem:s23+$0xFFFFFF20]  }
0x8e: {  	v5 =	vmax.f32 v5, $0.0e+00;
	[tilespmem:s16+$0xFFFFFE90] =	vst v0;
	v39 =	vld [tilespmem:s29+$0xFFFFFFA0]  }
0x8f: {  	[tilespmem:s16+$0x1A0] =	vst v5;
	v5 =	vld [tilespmem:s23+$0x10]  }
0x90: {  	v9 =	vadd.f32 v31, v12;
	v3 =	vld [tilespmem:s29+$0xFFFFFEA0]  }
0x91: {  	v34 =	vld [tilespmem:s29+$0x1B0]  }
0x92: {  	v9 =	vmax.f32 v9, $0.0e+00;
	v4 =	vld [tilespmem:s23+$0x1B0];
	v7 =	vadd.f32 v8, v7  }
0x93: {  	[tilespmem:s16+$0x100] =	vst v9;
	v8 =	vld [tilespmem:s29+$0x90]  }
0x94: {  	v2 =	vadd.f32 v2, v38;
	v6 =	vmax.f32 v7, $0.0e+00;
	v7 =	vld [tilespmem:s29+$0x110]  }
0x95: {  	[tilespmem:s16+$0xFFFFFE10] =	vst v6;
	v6 =	vld [tilespmem:s23+$0x110]  }
0x96: {  	v5 =	vadd.f32 v5, v33;
	v2 =	vmax.f32 v2, $0.0e+00;
	v36 =	vld [tilespmem:s29+$0xFFFFFE20]  }
0x97: {  	v4 =	vadd.f32 v4, v34;
	v0 =	vld [tilespmem:s23+$0xFFFFFE20];
	[tilespmem:s16+$0xFFFFFF20] =	vst v2  }
0x98: {  	v5 =	vmax.f32 v5, $0.0e+00;
	v44 =	vld [tilespmem:s29+$0xFFFFFF30]  }
0x99: {  	v4 =	vmax.f32 v4, $0.0e+00;
	[tilespmem:s16+$0x10] =	vst v5;
	v5 =	vld [tilespmem:s23+$0xFFFFFFA0]  }
0x9a: {  	[tilespmem:s16+$0x1B0] =	vst v4;
	v4 =	vld [tilespmem:s23+$0xFFFFFEA0]  }
0x9b: {  	v8 =	vadd.f32 v35, v8;
	v37 =	vld [tilespmem:s29+$0x1C0]  }
0x9c: {  	v1 =	vld [tilespmem:s23+$0x1C0];
	v6 =	vadd.f32 v6, v7  }
0x9d: {  	v8 =	vmax.f32 v8, $0.0e+00;
	v40 =	vld [tilespmem:s29+$0x20]  }
0x9e: {  	[tilespmem:s16+$0x90] =	vst v8;
	v8 =	vld [tilespmem:s23+$0x20];
	v0 =	vadd.f32 v0, v36;
	v6 =	vmax.f32 v6, $0.0e+00  }
0x9f: {  	v7 =	vld [tilespmem:s29+$0xA0];
	[tilespmem:s16+$0x110] =	vst v6  }
0xa0: {  	v0 =	vmax.f32 v0, $0.0e+00;
	v3 =	vadd.f32 v4, v3;
	v4 =	vld [tilespmem:s29+$0x120]  }
0xa1: {  	[tilespmem:s16+$0xFFFFFE20] =	vst v0;
	v0 =	vld [tilespmem:s23+$0x120];
	v1 =	vadd.f32 v1, v37  }
0xa2: {  	v42 =	vld [tilespmem:s29+$0xFFFFFE30];
	v3 =	vmax.f32 v3, $0.0e+00  }
0xa3: {  	v1 =	vmax.f32 v1, $0.0e+00;
	[tilespmem:s16+$0xFFFFFEA0] =	vst v3;
	v3 =	vld [tilespmem:s23+$0xFFFFFE30]  }
0xa4: {  	[tilespmem:s16+$0x1C0] =	vst v1;
	v1 =	vld [tilespmem:s23+$0xA0]  }
0xa5: {  	v5 =	vadd.f32 v5, v39;
	v43 =	vld [tilespmem:s29+$0xFFFFFEB0]  }
0xa6: {  	v8 =	vadd.f32 v8, v40;
	v2 =	vld [tilespmem:s23+$0xFFFFFEB0]  }
0xa7: {  	v5 =	vmax.f32 v5, $0.0e+00;
	v41 =	vld [tilespmem:s29+$0x1D0]  }
0xa8: {  	[tilespmem:s16+$0xFFFFFFA0] =	vst v5;
	v8 =	vmax.f32 v8, $0.0e+00;
	v6 =	vld [tilespmem:s23+$0x1D0];
	v0 =	vadd.f32 v0, v4  }
0xa9: {  	[tilespmem:s16+$0x20] =	vst v8;
	v8 =	vld [tilespmem:s23+$0xFFFFFFB0];
	v3 =	vadd.f32 v3, v42  }
0xaa: {  	v4 =	vld [tilespmem:s29+$0x30];
	v0 =	vmax.f32 v0, $0.0e+00;
	v1 =	vadd.f32 v1, v7  }
0xab: {  	[tilespmem:s16+$0x120] =	vst v0;
	v7 =	vld [tilespmem:s29+$0xFFFFFFB0];
	v3 =	vmax.f32 v3, $0.0e+00  }
0xac: {  	v47 =	vld [tilespmem:s29+$0x130];
	v2 =	vadd.f32 v2, v43;
	v1 =	vmax.f32 v1, $0.0e+00;
	[tilespmem:s16+$0xFFFFFE30] =	vst v3  }
0xad: {  	v6 =	vadd.f32 v6, v41;
	[tilespmem:s16+$0xA0] =	vst v1;
	v1 =	vld [tilespmem:s23+$0x30]  }
0xae: {  	v2 =	vmax.f32 v2, $0.0e+00;
	v49 =	vld [tilespmem:s29+$0xFFFFFE40]  }
0xaf: {  	v6 =	vmax.f32 v6, $0.0e+00;
	[tilespmem:s16+$0xFFFFFEB0] =	vst v2;
	v2 =	vld [tilespmem:s23+$0xFFFFFE40]  }
0xb0: {  	[tilespmem:s16+$0x1D0] =	vst v6;
	v6 =	vld [tilespmem:s23+$0xFFFFFF30]  }
0xb1: {  	v45 =	vld [tilespmem:s29+$0x1E0]  }
0xb2: {  	v5 =	vld [tilespmem:s23+$0x1E0];
	v7 =	vadd.f32 v8, v7  }
0xb3: {  	v46 =	vld [tilespmem:s29+$0xB0]  }
0xb4: {  	v0 =	vld [tilespmem:s23+$0xB0];
	v7 =	vmax.f32 v7, $0.0e+00;
	v1 =	vadd.f32 v1, v4  }
0xb5: {  	v8 =	vld [tilespmem:s29+$0xFFFFFEC0];
	[tilespmem:s16+$0xFFFFFFB0] =	vst v7;
	v6 =	vadd.f32 v6, v44  }
0xb6: {  	v50 =	vld [tilespmem:s29+$0xFFFFFFC0];
	v1 =	vmax.f32 v1, $0.0e+00  }
0xb7: {  	v5 =	vadd.f32 v5, v45;
	v6 =	vmax.f32 v6, $0.0e+00;
	[tilespmem:s16+$0x30] =	vst v1;
	v1 =	vld [tilespmem:s23+$0xFFFFFFC0]  }
0xb8: {  	[tilespmem:s16+$0xFFFFFF30] =	vst v6;
	v6 =	vld [tilespmem:s23+$0xFFFFFEC0]  }
0xb9: {  	v5 =	vmax.f32 v5, $0.0e+00;
	v51 =	vld [tilespmem:s29+$0x40]  }
0xba: {  	v0 =	vadd.f32 v0, v46;
	[tilespmem:s16+$0x1E0] =	vst v5;
	v5 =	vld [tilespmem:s23+$0x130]  }
0xbb: {  	v4 =	vld [tilespmem:s29+$0xFFFFFF40]  }
0xbc: {  	v0 =	vmax.f32 v0, $0.0e+00;
	v7 =	vld [tilespmem:s23+$0xFFFFFF40]  }
0xbd: {  	v2 =	vadd.f32 v2, v49;
	[tilespmem:s16+$0xB0] =	vst v0;
	v0 =	vld [tilespmem:s23+$0x40]  }
0xbe: {  	v52 =	vld [tilespmem:s29+$0xC0]  }
0xbf: {  	v2 =	vmax.f32 v2, $0.0e+00;
	v48 =	vld [tilespmem:s29+$0x1F0];
	v6 =	vadd.f32 v6, v8  }
0xc0: {  	[tilespmem:s16+$0xFFFFFE40] =	vst v2;
	v3 =	vld [tilespmem:s23+$0x1F0];
	v5 =	vadd.f32 v5, v47  }
0xc1: {  	v4 =	vadd.f32 v7, v4;
	v7 =	vld [tilespmem:s29+$0xFFFFFE50];
	v6 =	vmax.f32 v6, $0.0e+00  }
0xc2: {  	v5 =	vmax.f32 v5, $0.0e+00;
	[tilespmem:s16+$0xFFFFFEC0] =	vst v6;
	v6 =	vld [tilespmem:s23+$0xFFFFFE50]  }
0xc3: {  	[tilespmem:s16+$0x130] =	vst v5;
	v5 =	vld [tilespmem:s23+$0xC0]  }
0xc4: {  	v1 =	vadd.f32 v1, v50;
	v4 =	vmax.f32 v4, $0.0e+00;
	v53 =	vld [tilespmem:s29+$0xFFFFFED0]  }
0xc5: {  	[tilespmem:s16+$0xFFFFFF40] =	vst v4;
	v4 =	vld [tilespmem:s23+$0xFFFFFED0]  }
0xc6: {  	v0 =	vadd.f32 v0, v51;
	v1 =	vmax.f32 v1, $0.0e+00;
	v8 =	vld [tilespmem:s29+$0x140]  }
0xc7: {  	[tilespmem:s16+$0xFFFFFFC0] =	vst v1;
	v2 =	vld [tilespmem:s23+$0x140]  }
0xc8: {  	v0 =	vmax.f32 v0, $0.0e+00;
	v55 =	vld [tilespmem:s29+$0xFFFFFFD0]  }
0xc9: {  	[tilespmem:s16+$0x40] =	vst v0;
	v0 =	vld [tilespmem:s23+$0xFFFFFFD0];
	v6 =	vadd.f32 v6, v7  }
0xca: {  	v54 =	vld [tilespmem:s29+$0xFFFFFF50];
	v5 =	vadd.f32 v5, v52  }
0xcb: {  	v1 =	vld [tilespmem:s23+$0xFFFFFF50];
	v6 =	vmax.f32 v6, $0.0e+00  }
0xcc: {  	v4 =	vadd.f32 v4, v53;
	v2 =	vadd.f32 v2, v8;
	v8 =	vld [tilespmem:s29+$0x50];
	v5 =	vmax.f32 v5, $0.0e+00;
	[tilespmem:s16+$0xFFFFFE50] =	vst v6  }
0xcd: {  	[tilespmem:s16+$0xC0] =	vst v5;
	v5 =	vld [tilespmem:s23+$0x50]  }
0xce: {  	v4 =	vmax.f32 v4, $0.0e+00;
	v57 =	vld [tilespmem:s29+$0xFFFFFE60]  }
0xcf: {  	[tilespmem:s16+$0xFFFFFED0] =	vst v4;
	v4 =	vld [tilespmem:s23+$0xFFFFFE60]  }
0xd0: {  	v1 =	vadd.f32 v1, v54;
	v2 =	vmax.f32 v2, $0.0e+00;
	v7 =	vld [tilespmem:s29+$0xD0]  }
0xd1: {  	[tilespmem:s16+$0x140] =	vst v2;
	v2 =	vld [tilespmem:s23+$0xD0]  }
0xd2: {  	v1 =	vmax.f32 v1, $0.0e+00;
	v58 =	vld [tilespmem:s29+$0xFFFFFEE0]  }
0xd3: {  	v0 =	vadd.f32 v0, v55;
	[tilespmem:s16+$0xFFFFFF50] =	vst v1;
	v1 =	vld [tilespmem:s23+$0xFFFFFEE0]  }
0xd4: {  	v56 =	vld [tilespmem:s29+$0x150]  }
0xd5: {  	v0 =	vmax.f32 v0, $0.0e+00;
	v6 =	vld [tilespmem:s23+$0x150]  }
0xd6: {  	[tilespmem:s16+$0xFFFFFFD0] =	vst v0;
	v0 =	vld [tilespmem:s23+$0xFFFFFF60];
	v5 =	vadd.f32 v5, v8  }
0xd7: {  	v8 =	vld [tilespmem:s29+$0xFFFFFF60];
	v4 =	vadd.f32 v4, v57  }
0xd8: {  	v2 =	vadd.f32 v2, v7;
	v7 =	vld [tilespmem:s29+$0xFFFFFFE0];
	v5 =	vmax.f32 v5, $0.0e+00  }
0xd9: {  	v1 =	vadd.f32 v1, v58;
	v4 =	vmax.f32 v4, $0.0e+00;
	[tilespmem:s16+$0x50] =	vst v5;
	v5 =	vld [tilespmem:s23+$0xFFFFFFE0]  }
0xda: {  	v2 =	vmax.f32 v2, $0.0e+00;
	[tilespmem:s16+$0xFFFFFE60] =	vst v4;
	v59 =	vld [tilespmem:s29+$0x60]  }
0xdb: {  	v6 =	vadd.f32 v6, v56;
	v1 =	vmax.f32 v1, $0.0e+00;
	[tilespmem:s16+$0xD0] =	vst v2;
	v2 =	vld [tilespmem:s23+$0x60]  }
0xdc: {  	[tilespmem:s16+$0xFFFFFEE0] =	vst v1;
	v1 =	vld [tilespmem:s23+$0xFFFFFE70]  }
0xdd: {  	v6 =	vmax.f32 v6, $0.0e+00;
	v60 =	vld [tilespmem:s29+$0xE0]  }
0xde: {  	[tilespmem:s16+$0x150] =	vst v6;
	v6 =	vld [tilespmem:s23+$0xE0]  }
0xdf: {  	v0 =	vadd.f32 v0, v8;
	v8 =	vld [tilespmem:s29+$0xFFFFFE70]  }
0xe0: {  	v13 =	vld [tilespmem:s23+$0xFFFFFEF0]  }
0xe1: {  	v61 =	vld [tilespmem:s29+$0x160]  }
0xe2: {  	v4 =	vld [tilespmem:s23+$0x160];
	v0 =	vmax.f32 v0, $0.0e+00;
	v5 =	vadd.f32 v5, v7  }
0xe3: {  	v7 =	vld [tilespmem:s29+$0xFFFFFEF0];
	[tilespmem:s16+$0xFFFFFF60] =	vst v0  }
0xe4: {  	v2 =	vadd.f32 v2, v59;
	v62 =	vld [tilespmem:s23+$0xFFFFFF70];
	v0 =	vmax.f32 v5, $0.0e+00  }
0xe5: {  	v3 =	vadd.f32 v3, v48;
	v5 =	vld [tilespmem:s29+$0xFFFFFF70];
	[tilespmem:s16+$0xFFFFFFE0] =	vst v0  }
0xe6: {  	v0 =	vmax.f32 v2, $0.0e+00;
	v2 =	vadd.f32 v6, v60;
	v6 =	vld [tilespmem:s29+$0xFFFFFFF0]  }
0xe7: {  	[tilespmem:s16+$0x60] =	vst v0;
	v0 =	vmax.f32 v3, $0.0e+00;
	v3 =	vadd.f32 v4, v61;
	v63 =	vld [tilespmem:s23+$0xFFFFFFF0]  }
0xe8: {  	v1 =	vadd.f32 v1, v8;
	[tilespmem:s16+$0x1F0] =	vst v0;
	v2 =	vmax.f32 v2, $0.0e+00;
	v0 =	vld [tilespmem:s29+$0x70]  }
0xe9: {  	v4 =	vadd.f32 v13, v7;
	[tilespmem:s16+$0xE0] =	vst v2;
	v3 =	vmax.f32 v3, $0.0e+00;
	v2 =	vld [tilespmem:s23+$0x70]  }
0xea: {  	[tilespmem:s16+$0x160] =	vst v3;
	v3 =	vmax.f32 v1, $0.0e+00;
	v5 =	vadd.f32 v62, v5;
	v1 =	vld [tilespmem:s29+$0xF0]  }
0xeb: {  	[tilespmem:s16+$0xFFFFFE70] =	vst v3;
	v3 =	vmax.f32 v4, $0.0e+00;
	v4 =	vld [tilespmem:s23+$0xF0]  }
0xec: {  	[tilespmem:s16+$0xFFFFFEF0] =	vst v3;
	v5 =	vmax.f32 v5, $0.0e+00;
	v3 =	vld [tilespmem:s29+$0x170];
	v6 =	vadd.f32 v63, v6  }
0xed: {  	s24 =	sshll.u32 s30, $0x2;
	s26 =	simm.s32 $0x13E80;
	s3 =	simm.s32 $0x0;
	[tilespmem:s16+$0xFFFFFF70] =	vst v5;
	v5 =	vld [tilespmem:s23+$0x170]  }
.LBB2_3:
0xee: {  	v7 =	vld [tilespmem:s26+$0x180];
	v6 =	vmax.f32 v6, $0.0e+00;
	v0 =	vadd.f32 v2, v0;
	s23 =	sadd.s32 $0x400, s23  }
0xef: {  	v2 =	vld [tilespmem:s23+$0x180];
	[tilespmem:s16+$0xFFFFFFF0] =	vst v6  }
0xf0: {  	v6 =	vld [tilespmem:s23+$0xFFFFFE00];
	v0 =	vmax.f32 v0, $0.0e+00;
	v1 =	vadd.f32 v4, v1  }
0xf1: {  	v4 =	vld [tilespmem:s26+$0xFFFFFE80];
	[tilespmem:s16+$0x70] =	vst v0  }
0xf2: {  	v0 =	vld [tilespmem:s23+$0xFFFFFE80];
	v1 =	vmax.f32 v1, $0.0e+00;
	v3 =	vadd.f32 v5, v3  }
0xf3: {  	v5 =	vld [tilespmem:s26+$0xFFFFFF00];
	[tilespmem:s16+$0xF0] =	vst v1  }
0xf4: {  	v1 =	vld [tilespmem:s23+$0xFFFFFF00];
	v2 =	vadd.f32 v2, v7;
	v3 =	vmax.f32 v3, $0.0e+00  }
0xf5: {  	v7 =	vld [tilespmem:s26+$0xFFFFFF80];
	[tilespmem:s16+$0x170] =	vst v3  }
0xf6: {  	s3 =	sadd.s32 $0x8, s3;
	s16 =	sadd.s32 $0x400, s16;
	v3 =	vld [tilespmem:s23+$0xFFFFFF80];
	v2 =	vmax.f32 v2, $0.0e+00  }
0xf7: {  	p3 =	slt.u32 s3, $0x38;
	v0 =	vadd.f32 v0, v4;
	v4 =	vld [tilespmem:s26+$0x0];
	[tilespmem:s16+$0x180] =	vst v2  }
0xf8: {  	v2 =	vld [tilespmem:s26+$0x190]  }
0xf9: {  	v0 =	vmax.f32 v0, $0.0e+00;
	v1 =	vadd.f32 v1, v5;
	v5 =	vld [tilespmem:s23+$0x190]  }
0xfa: {  	[tilespmem:s16+$0xFFFFFE80] =	vst v0;
	v0 =	vld [tilespmem:s23+$0x0]  }
0xfb: {  	v1 =	vmax.f32 v1, $0.0e+00;
	v3 =	vadd.f32 v3, v7;
	v7 =	vld [tilespmem:s26+$0x80]  }
0xfc: {  	[tilespmem:s16+$0xFFFFFF00] =	vst v1;
	v1 =	vld [tilespmem:s23+$0x80]  }
0xfd: {  	v3 =	vmax.f32 v3, $0.0e+00;
	v8 =	vld [tilespmem:s26+$0x100]  }
0xfe: {  	[tilespmem:s16+$0xFFFFFF80] =	vst v3;
	v3 =	vld [tilespmem:s23+$0x100];
	v2 =	vadd.f32 v5, v2  }
0xff: {  	v5 =	vld [tilespmem:s26+$0xFFFFFE00];
	v0 =	vadd.f32 v0, v4  }
0x100: {  	v4 =	vld [tilespmem:s26+$0xFFFFFE90];
	v2 =	vmax.f32 v2, $0.0e+00  }
0x101: {  	v9 =	vld [tilespmem:s23+$0xFFFFFE90];
	v0 =	vmax.f32 v0, $0.0e+00;
	v1 =	vadd.f32 v1, v7;
	[tilespmem:s16+$0x190] =	vst v2  }
0x102: {  	[tilespmem:s16+$0x0] =	vst v0;
	v0 =	vld [tilespmem:s26+$0x1A0]  }
0x103: {  	v1 =	vmax.f32 v1, $0.0e+00;
	v2 =	vadd.f32 v3, v8;
	v3 =	vld [tilespmem:s23+$0x1A0]  }
0x104: {  	v5 =	vadd.f32 v6, v5;
	v6 =	vld [tilespmem:s26+$0xFFFFFF10];
	[tilespmem:s16+$0x80] =	vst v1  }
0x105: {  	v1 =	vld [tilespmem:s23+$0xFFFFFF10];
	v2 =	vmax.f32 v2, $0.0e+00  }
0x106: {  	v5 =	vmax.f32 v5, $0.0e+00;
	v4 =	vadd.f32 v9, v4;
	v7 =	vld [tilespmem:s26+$0xFFFFFF90];
	[tilespmem:s16+$0x100] =	vst v2  }
0x107: {  	[tilespmem:s16+$0xFFFFFE00] =	vst v5;
	v2 =	vld [tilespmem:s23+$0xFFFFFF90]  }
0x108: {  	v5 =	vld [tilespmem:s26+$0xFFFFFE10];
	v4 =	vmax.f32 v4, $0.0e+00;
	v0 =	vadd.f32 v3, v0  }
0x109: {  	v3 =	vld [tilespmem:s23+$0xFFFFFE10];
	[tilespmem:s16+$0xFFFFFE90] =	vst v4  }
0x10a: {  	v1 =	vadd.f32 v1, v6;
	v4 =	vld [tilespmem:s26+$0x10];
	v0 =	vmax.f32 v0, $0.0e+00  }
0x10b: {  	v6 =	vld [tilespmem:s23+$0x10];
	[tilespmem:s16+$0x1A0] =	vst v0  }
0x10c: {  	v0 =	vmax.f32 v1, $0.0e+00;
	v1 =	vadd.f32 v2, v7;
	v2 =	vld [tilespmem:s26+$0x1B0]  }
0x10d: {  	[tilespmem:s16+$0xFFFFFF10] =	vst v0;
	v0 =	vld [tilespmem:s23+$0x1B0]  }
0x10e: {  	v3 =	vadd.f32 v3, v5;
	v1 =	vmax.f32 v1, $0.0e+00;
	v5 =	vld [tilespmem:s26+$0x90]  }
0x10f: {  	[tilespmem:s16+$0xFFFFFF90] =	vst v1;
	v1 =	vld [tilespmem:s23+$0x90]  }
0x110: {  	v3 =	vmax.f32 v3, $0.0e+00;
	v4 =	vadd.f32 v6, v4;
	v6 =	vld [tilespmem:s26+$0x110]  }
0x111: {  	[tilespmem:s16+$0xFFFFFE10] =	vst v3;
	v3 =	vld [tilespmem:s23+$0x110]  }
0x112: {  	v7 =	vld [tilespmem:s26+$0xFFFFFE20];
	v4 =	vmax.f32 v4, $0.0e+00;
	v0 =	vadd.f32 v0, v2  }
0x113: {  	v2 =	vld [tilespmem:s23+$0xFFFFFE20];
	[tilespmem:s16+$0x10] =	vst v4  }
0x114: {  	v4 =	vld [tilespmem:s26+$0xFFFFFEA0];
	v1 =	vadd.f32 v1, v5;
	v0 =	vmax.f32 v0, $0.0e+00  }
0x115: {  	v5 =	vld [tilespmem:s23+$0xFFFFFEA0];
	[tilespmem:s16+$0x1B0] =	vst v0  }
0x116: {  	v0 =	vmax.f32 v1, $0.0e+00;
	v1 =	vadd.f32 v3, v6;
	v3 =	vld [tilespmem:s26+$0x1C0]  }
0x117: {  	[tilespmem:s16+$0x90] =	vst v0;
	v0 =	vld [tilespmem:s23+$0x1C0]  }
0x118: {  	v2 =	vadd.f32 v2, v7;
	v6 =	vld [tilespmem:s26+$0xFFFFFF20];
	v1 =	vmax.f32 v1, $0.0e+00  }
0x119: {  	v7 =	vld [tilespmem:s23+$0xFFFFFF20];
	[tilespmem:s16+$0x110] =	vst v1  }
0x11a: {  	v1 =	vmax.f32 v2, $0.0e+00;
	v2 =	vadd.f32 v5, v4;
	v4 =	vld [tilespmem:s26+$0xFFFFFFA0]  }
0x11b: {  	[tilespmem:s16+$0xFFFFFE20] =	vst v1;
	v1 =	vld [tilespmem:s23+$0xFFFFFFA0]  }
0x11c: {  	v2 =	vmax.f32 v2, $0.0e+00;
	v5 =	vld [tilespmem:s26+$0x20];
	v0 =	vadd.f32 v0, v3  }
0x11d: {  	[tilespmem:s16+$0xFFFFFEA0] =	vst v2;
	v2 =	vld [tilespmem:s23+$0x20]  }
0x11e: {  	v3 =	vadd.f32 v7, v6;
	v6 =	vld [tilespmem:s26+$0xA0];
	v0 =	vmax.f32 v0, $0.0e+00  }
0x11f: {  	v7 =	vld [tilespmem:s23+$0xA0];
	[tilespmem:s16+$0x1C0] =	vst v0  }
0x120: {  	v0 =	vmax.f32 v3, $0.0e+00;
	v1 =	vadd.f32 v1, v4;
	v3 =	vld [tilespmem:s26+$0x1D0]  }
0x121: {  	[tilespmem:s16+$0xFFFFFF20] =	vst v0;
	v0 =	vld [tilespmem:s23+$0x1D0]  }
0x122: {  	v1 =	vmax.f32 v1, $0.0e+00;
	v2 =	vadd.f32 v2, v5;
	v4 =	vld [tilespmem:s26+$0x120]  }
0x123: {  	[tilespmem:s16+$0xFFFFFFA0] =	vst v1;
	v1 =	vld [tilespmem:s23+$0x120]  }
0x124: {  	v5 =	vld [tilespmem:s26+$0xFFFFFE30];
	v2 =	vmax.f32 v2, $0.0e+00;
	v6 =	vadd.f32 v7, v6  }
0x125: {  	v7 =	vld [tilespmem:s23+$0xFFFFFE30];
	[tilespmem:s16+$0x20] =	vst v2  }
0x126: {  	v2 =	vld [tilespmem:s26+$0xFFFFFEB0];
	v6 =	vmax.f32 v6, $0.0e+00;
	v0 =	vadd.f32 v0, v3  }
0x127: {  	v3 =	vld [tilespmem:s23+$0xFFFFFEB0];
	[tilespmem:s16+$0xA0] =	vst v6  }
0x128: {  	v6 =	vld [tilespmem:s26+$0xFFFFFF30];
	v1 =	vadd.f32 v1, v4;
	v0 =	vmax.f32 v0, $0.0e+00  }
0x129: {  	v4 =	vld [tilespmem:s23+$0xFFFFFF30];
	[tilespmem:s16+$0x1D0] =	vst v0  }
0x12a: {  	v0 =	vadd.f32 v7, v5;
	v1 =	vmax.f32 v1, $0.0e+00;
	v5 =	vld [tilespmem:s26+$0x1E0]  }
0x12b: {  	[tilespmem:s16+$0x120] =	vst v1;
	v1 =	vld [tilespmem:s23+$0x1E0]  }
0x12c: {  	v0 =	vmax.f32 v0, $0.0e+00;
	v2 =	vadd.f32 v3, v2;
	v3 =	vld [tilespmem:s26+$0xFFFFFFB0]  }
0x12d: {  	[tilespmem:s16+$0xFFFFFE30] =	vst v0;
	v0 =	vld [tilespmem:s23+$0xFFFFFFB0]  }
0x12e: {  	v2 =	vmax.f32 v2, $0.0e+00;
	v4 =	vadd.f32 v4, v6;
	v6 =	vld [tilespmem:s26+$0x30]  }
0x12f: {  	[tilespmem:s16+$0xFFFFFEB0] =	vst v2;
	v2 =	vld [tilespmem:s23+$0x30]  }
0x130: {  	v4 =	vmax.f32 v4, $0.0e+00;
	v7 =	vld [tilespmem:s26+$0xB0];
	v1 =	vadd.f32 v1, v5  }
0x131: {  	[tilespmem:s16+$0xFFFFFF30] =	vst v4;
	v4 =	vld [tilespmem:s23+$0xB0]  }
0x132: {  	v0 =	vadd.f32 v0, v3;
	v3 =	vld [tilespmem:s26+$0x130];
	v1 =	vmax.f32 v1, $0.0e+00  }
0x133: {  	v5 =	vld [tilespmem:s23+$0x130];
	[tilespmem:s16+$0x1E0] =	vst v1  }
0x134: {  	v0 =	vmax.f32 v0, $0.0e+00;
	v1 =	vadd.f32 v2, v6;
	v2 =	vld [tilespmem:s26+$0x1F0]  }
0x135: {  	[tilespmem:s16+$0xFFFFFFB0] =	vst v0;
	v0 =	vld [tilespmem:s23+$0x1F0]  }
0x136: {  	v6 =	vld [tilespmem:s26+$0xFFFFFE40];
	v1 =	vmax.f32 v1, $0.0e+00;
	v4 =	vadd.f32 v4, v7  }
0x137: {  	v7 =	vld [tilespmem:s23+$0xFFFFFE40];
	[tilespmem:s16+$0x30] =	vst v1  }
0x138: {  	v1 =	vld [tilespmem:s26+$0xFFFFFEC0];
	v4 =	vmax.f32 v4, $0.0e+00;
	v3 =	vadd.f32 v5, v3  }
0x139: {  	v5 =	vld [tilespmem:s23+$0xFFFFFEC0];
	[tilespmem:s16+$0xB0] =	vst v4  }
0x13a: {  	v4 =	vld [tilespmem:s26+$0xFFFFFF40];
	v3 =	vmax.f32 v3, $0.0e+00;
	v0 =	vadd.f32 v0, v2  }
0x13b: {  	v2 =	vld [tilespmem:s23+$0xFFFFFF40];
	[tilespmem:s16+$0x130] =	vst v3  }
0x13c: {  	v3 =	vadd.f32 v7, v6;
	v6 =	vld [tilespmem:s26+$0xFFFFFFC0];
	v0 =	vmax.f32 v0, $0.0e+00  }
0x13d: {  	v7 =	vld [tilespmem:s23+$0xFFFFFFC0];
	[tilespmem:s16+$0x1F0] =	vst v0  }
0x13e: {  	v0 =	vmax.f32 v3, $0.0e+00;
	v1 =	vadd.f32 v5, v1;
	v3 =	vld [tilespmem:s26+$0x40]  }
0x13f: {  	[tilespmem:s16+$0xFFFFFE40] =	vst v0;
	v0 =	vld [tilespmem:s23+$0x40]  }
0x140: {  	v1 =	vmax.f32 v1, $0.0e+00;
	v2 =	vadd.f32 v2, v4;
	v4 =	vld [tilespmem:s26+$0xC0]  }
0x141: {  	[tilespmem:s16+$0xFFFFFEC0] =	vst v1;
	v1 =	vld [tilespmem:s23+$0xC0]  }
0x142: {  	v2 =	vmax.f32 v2, $0.0e+00;
	v5 =	vadd.f32 v7, v6;
	v6 =	vld [tilespmem:s26+$0x140]  }
0x143: {  	[tilespmem:s16+$0xFFFFFF40] =	vst v2;
	v2 =	vld [tilespmem:s23+$0x140]  }
0x144: {  	v7 =	vld [tilespmem:s26+$0xFFFFFE50];
	v5 =	vmax.f32 v5, $0.0e+00;
	v0 =	vadd.f32 v0, v3  }
0x145: {  	v3 =	vld [tilespmem:s23+$0xFFFFFE50];
	[tilespmem:s16+$0xFFFFFFC0] =	vst v5  }
0x146: {  	v5 =	vld [tilespmem:s26+$0xFFFFFED0];
	v0 =	vmax.f32 v0, $0.0e+00;
	v1 =	vadd.f32 v1, v4  }
0x147: {  	v4 =	vld [tilespmem:s23+$0xFFFFFED0];
	[tilespmem:s16+$0x40] =	vst v0  }
0x148: {  	v0 =	vld [tilespmem:s26+$0xFFFFFF50];
	v1 =	vmax.f32 v1, $0.0e+00;
	v2 =	vadd.f32 v2, v6  }
0x149: {  	v6 =	vld [tilespmem:s23+$0xFFFFFF50];
	[tilespmem:s16+$0xC0] =	vst v1  }
0x14a: {  	v1 =	vadd.f32 v3, v7;
	v3 =	vld [tilespmem:s26+$0xFFFFFFD0];
	v2 =	vmax.f32 v2, $0.0e+00  }
0x14b: {  	v7 =	vld [tilespmem:s23+$0xFFFFFFD0];
	[tilespmem:s16+$0x140] =	vst v2  }
0x14c: {  	v1 =	vmax.f32 v1, $0.0e+00;
	v2 =	vadd.f32 v4, v5;
	v4 =	vld [tilespmem:s26+$0x50]  }
0x14d: {  	[tilespmem:s16+$0xFFFFFE50] =	vst v1;
	v1 =	vld [tilespmem:s23+$0x50]  }
0x14e: {  	v2 =	vmax.f32 v2, $0.0e+00;
	v0 =	vadd.f32 v6, v0;
	v5 =	vld [tilespmem:s26+$0xD0]  }
0x14f: {  	[tilespmem:s16+$0xFFFFFED0] =	vst v2;
	v2 =	vld [tilespmem:s23+$0xD0]  }
0x150: {  	v0 =	vmax.f32 v0, $0.0e+00;
	v3 =	vadd.f32 v7, v3;
	v6 =	vld [tilespmem:s26+$0x150]  }
0x151: {  	[tilespmem:s16+$0xFFFFFF50] =	vst v0;
	v0 =	vld [tilespmem:s23+$0x150]  }
0x152: {  	v7 =	vld [tilespmem:s26+$0xFFFFFE60];
	v3 =	vmax.f32 v3, $0.0e+00;
	v1 =	vadd.f32 v1, v4  }
0x153: {  	v4 =	vld [tilespmem:s23+$0xFFFFFE60];
	[tilespmem:s16+$0xFFFFFFD0] =	vst v3  }
0x154: {  	v3 =	vld [tilespmem:s26+$0xFFFFFEE0];
	v1 =	vmax.f32 v1, $0.0e+00;
	v2 =	vadd.f32 v2, v5  }
0x155: {  	v5 =	vld [tilespmem:s23+$0xFFFFFEE0];
	[tilespmem:s16+$0x50] =	vst v1  }
0x156: {  	v1 =	vld [tilespmem:s26+$0xFFFFFF60];
	v2 =	vmax.f32 v2, $0.0e+00;
	v0 =	vadd.f32 v0, v6  }
0x157: {  	v6 =	vld [tilespmem:s23+$0xFFFFFF60];
	[tilespmem:s16+$0xD0] =	vst v2  }
0x158: {  	v2 =	vadd.f32 v4, v7;
	v4 =	vld [tilespmem:s26+$0xFFFFFFE0];
	v0 =	vmax.f32 v0, $0.0e+00  }
0x159: {  	v7 =	vld [tilespmem:s23+$0xFFFFFFE0];
	[tilespmem:s16+$0x150] =	vst v0  }
0x15a: {  	v0 =	vmax.f32 v2, $0.0e+00;
	v2 =	vadd.f32 v5, v3;
	v3 =	vld [tilespmem:s26+$0x60]  }
0x15b: {  	[tilespmem:s16+$0xFFFFFE60] =	vst v0;
	v0 =	vld [tilespmem:s23+$0x60]  }
0x15c: {  	v2 =	vmax.f32 v2, $0.0e+00;
	v1 =	vadd.f32 v6, v1;
	v5 =	vld [tilespmem:s26+$0xE0]  }
0x15d: {  	[tilespmem:s16+$0xFFFFFEE0] =	vst v2;
	v2 =	vld [tilespmem:s23+$0xE0]  }
0x15e: {  	v1 =	vmax.f32 v1, $0.0e+00;
	v4 =	vadd.f32 v7, v4;
	v6 =	vld [tilespmem:s26+$0x160]  }
0x15f: {  	[tilespmem:s16+$0xFFFFFF60] =	vst v1;
	v1 =	vld [tilespmem:s23+$0x160]  }
0x160: {  	v7 =	vld [tilespmem:s26+$0xFFFFFE70];
	v4 =	vmax.f32 v4, $0.0e+00;
	v0 =	vadd.f32 v0, v3  }
0x161: {  	v3 =	vld [tilespmem:s23+$0xFFFFFE70];
	[tilespmem:s16+$0xFFFFFFE0] =	vst v4  }
0x162: {  	v4 =	vld [tilespmem:s26+$0xFFFFFEF0];
	v0 =	vmax.f32 v0, $0.0e+00;
	v2 =	vadd.f32 v2, v5  }
0x163: {  	v5 =	vld [tilespmem:s23+$0xFFFFFEF0];
	[tilespmem:s16+$0x60] =	vst v0  }
0x164: {  	v8 =	vld [tilespmem:s26+$0xFFFFFF70];
	v0 =	vmax.f32 v2, $0.0e+00;
	v1 =	vadd.f32 v1, v6  }
0x165: {  	v6 =	vld [tilespmem:s23+$0xFFFFFF70];
	[tilespmem:s16+$0xE0] =	vst v0  }
0x166: {  	v0 =	vadd.f32 v3, v7;
	v3 =	vld [tilespmem:s26+$0xFFFFFFF0];
	v1 =	vmax.f32 v1, $0.0e+00  }
0x167: {  	v7 =	vld [tilespmem:s23+$0xFFFFFFF0];
	[tilespmem:s16+$0x160] =	vst v1  }
0x168: {  	v1 =	vmax.f32 v0, $0.0e+00;
	v4 =	vadd.f32 v5, v4;
	v0 =	vld [tilespmem:s26+$0x70]  }
.Ltmp2:
0x169: {  	[tilespmem:s16+$0xFFFFFE70] =	vst v1;
	v2 =	vld [tilespmem:s23+$0x70];
	(pc) =	sbr.rel @p3 .LBB2_3-.Ltmp2, $4  }
0x16a: {  	v4 =	vmax.f32 v4, $0.0e+00;
	v5 =	vadd.f32 v6, v8;
	v1 =	vld [tilespmem:s26+$0xF0]  }
0x16b: {  	[tilespmem:s16+$0xFFFFFEF0] =	vst v4;
	v4 =	vld [tilespmem:s23+$0xF0]  }
0x16c: {  	v5 =	vmax.f32 v5, $0.0e+00;
	v6 =	vadd.f32 v7, v3;
	v3 =	vld [tilespmem:s26+$0x170]  }
0x16d: {  	s26 =	sadd.s32 $0x400, s26;
	[tilespmem:s16+$0xFFFFFF70] =	vst v5;
	v5 =	vld [tilespmem:s23+$0x170]  }
0x16e: {  	_ =	sdelay $0x1  }
0x16f: {  	v0 =	vadd.f32 v2, v0  }
0x170: {  	v2 =	vmax.f32 v6, $0.0e+00;
	v1 =	vadd.f32 v4, v1  }
0x171: {  	[tilespmem:s16+$0xFFFFFFF0] =	vst v2;
	v0 =	vmax.f32 v0, $0.0e+00;
	v2 =	vadd.f32 v5, v3  }
0x172: {  	[tilespmem:s16+$0x70] =	vst v0;
	v0 =	vmax.f32 v1, $0.0e+00  }
0x173: {  	[tilespmem:s16+$0xF0] =	vst v0;
	v0 =	vmax.f32 v2, $0.0e+00  }
0x174: {  	[tilespmem:s16+$0x170] =	vst v0  }
0x175: {  	[spmem:s5] =	stream.indirect.scatter.add.f32 [tilespmem:s11], [sflag:$0x7], $0x80, s10, s31, $0xb8;
	[tilespmem:$0x1FB80] =	vst v63  }
0x176: {  	_ =	swait.ge [sflag:s12], $0x80  }
0x177: {  	s3 =	simm.s32 $0x1F900;
	[sflag:s12] =	ssyncset.done $0x0  }
0x178: {  	s23 =	simm.s32 $0x13880;
	s26 =	sshll.u32 s30, $0xF;
	[sflag:s12] =	ssyncadd.s32 $0xFFFFFF80  }
0x179: {  	[tilespmem:s23], [sflag:$0x1] =	stream.indirect.gather [hbm4b:s0+s31], $0x80, s3, s31, $0xb8;
	[tilespmem:$0x1FB80] =	vst v63  }
0x17a: {  	s3 =	sadd.s32 s26, s21  }
0x17b: {  	s3 =	sadd.s32 $0x4000, s3  }
0x17c: {  	s3 =	sshrl.u32 s3, $0x3  }
0x17d: {  	s28 =	simm.s32 $0x17880;
	s3 =	sadd.s32 s2, s3  }
0x17e: {  	[tilespmem:s28], [sflag:$0x1] =	stream.linear.gather [hbm4b:s3+s6], $0x2000, $0x38;
	[tilespmem:$0x1FB80] =	vst v63  }
0x17f: {  	_ =	swait.ge [sflag:s13], $0x2000  }
0x180: {  	[sflag:s13] =	ssyncset.done $0x0  }
0x181: {  	[sflag:s13] =	ssyncadd.s32 $0xFFFFE000  }
0x182: {  	_ =	swait.ge [sflag:s13], $0x2000  }
0x183: {  	[sflag:s13] =	ssyncset.done $0x0  }
0x184: {  	s3 =	simm.s32 @!p2 $0x8;
	[sflag:s13] =	ssyncadd.s32 $0xFFFFE000  }
0x185: {  	_ =	swait.ge @!p2 [sflag:s3], $0x2000  }
0x186: {  	[sflag:s3] =	ssyncset.done @!p2 $0x0  }
0x187: {  	[sflag:s3] =	ssyncadd.s32 @!p2 $0xFFFFE000  }
0x188: {  	v0 =	vld [tilespmem:$0x1F9C0]  }
0x189: {  	v1 =	vld [tilespmem:$0x1F9D0]  }
0x18a: {  	v2 =	vld [tilespmem:$0x1F9E0]  }
0x18b: {  	v3 =	vld [tilespmem:$0x1F9F0];
	_ =	sdelay $0x1  }
0x18c: {  	[tilespmem:$0x1FB00] =	vst v0  }
0x18d: {  	[tilespmem:$0x1FB10] =	vst v1  }
0x18e: {  	[tilespmem:$0x1FB20] =	vst v2  }
0x18f: {  	s29 =	simm.s32 $0x15A80;
	[tilespmem:$0x1FB30] =	vst v3  }
0x190: {  	s23 =	simm.s32 $0x19A80;
	v0 =	vld [tilespmem:s29+$0x180]  }
0x191: {  	v1 =	vld [tilespmem:s23+$0x180]  }
0x192: {  	v2 =	vld [tilespmem:s23+$0xFFFFFE00]  }
0x193: {  	v3 =	vld [tilespmem:s29+$0xFFFFFE80]  }
0x194: {  	v4 =	vld [tilespmem:s23+$0xFFFFFE80]  }
0x195: {  	v5 =	vld [tilespmem:s29+$0xFFFFFF00]  }
0x196: {  	v6 =	vld [tilespmem:s23+$0xFFFFFF00]  }
0x197: {  	v7 =	vld [tilespmem:s23+$0xFFFFFF80]  }
0x198: {  	v8 =	vld [tilespmem:s29+$0x0]  }
0x199: {  	v10 =	vld [tilespmem:s23+$0x0];
	v0 =	vadd.f32 v1, v0  }
0x19a: {  	v11 =	vld [tilespmem:s29+$0x80];
	v3 =	vadd.f32 v4, v3  }
0x19b: {  	s16 =	simm.s32 $0x1DA80;
	v12 =	vld [tilespmem:s29+$0x100];
	v0 =	vmax.f32 v0, $0.0e+00  }
0x19c: {  	v1 =	vld [tilespmem:s29+$0xFFFFFF80];
	v3 =	vmax.f32 v3, $0.0e+00;
	[tilespmem:s16+$0x180] =	vst v0  }
0x19d: {  	[tilespmem:s16+$0xFFFFFE80] =	vst v3;
	v3 =	vld [tilespmem:s29+$0xFFFFFE00]  }
0x19e: {  	v0 =	vld [tilespmem:s29+$0x190]  }
0x19f: {  	v5 =	vadd.f32 v6, v5;
	v9 =	vld [tilespmem:s23+$0x190]  }
0x1a0: {  	v31 =	vld [tilespmem:s23+$0x100]  }
0x1a1: {  	v4 =	vld [tilespmem:s23+$0x80];
	v5 =	vmax.f32 v5, $0.0e+00;
	v1 =	vadd.f32 v7, v1  }
0x1a2: {  	[tilespmem:s16+$0xFFFFFF00] =	vst v5;
	v6 =	vld [tilespmem:s29+$0xFFFFFE90]  }
0x1a3: {  	v1 =	vmax.f32 v1, $0.0e+00;
	v2 =	vadd.f32 v2, v3;
	v3 =	vld [tilespmem:s29+$0xFFFFFF10]  }
0x1a4: {  	[tilespmem:s16+$0xFFFFFF80] =	vst v1;
	v1 =	vld [tilespmem:s23+$0xFFFFFF10];
	v0 =	vadd.f32 v9, v0  }
0x1a5: {  	v32 =	vld [tilespmem:s29+$0xFFFFFF90];
	v2 =	vmax.f32 v2, $0.0e+00  }
0x1a6: {  	v8 =	vadd.f32 v10, v8;
	v0 =	vmax.f32 v0, $0.0e+00;
	[tilespmem:s16+$0xFFFFFE00] =	vst v2;
	v2 =	vld [tilespmem:s23+$0xFFFFFF90]  }
0x1a7: {  	v4 =	vadd.f32 v4, v11;
	[tilespmem:s16+$0x190] =	vst v0;
	v0 =	vld [tilespmem:s23+$0xFFFFFE90]  }
0x1a8: {  	v8 =	vmax.f32 v8, $0.0e+00;
	v7 =	vld [tilespmem:s29+$0x1A0]  }
0x1a9: {  	[tilespmem:s16+$0x0] =	vst v8;
	v4 =	vmax.f32 v4, $0.0e+00;
	v5 =	vld [tilespmem:s23+$0x1A0];
	v1 =	vadd.f32 v1, v3  }
0x1aa: {  	v33 =	vld [tilespmem:s29+$0x10];
	[tilespmem:s16+$0x80] =	vst v4  }
0x1ab: {  	v35 =	vld [tilespmem:s23+$0x90];
	v1 =	vmax.f32 v1, $0.0e+00  }
0x1ac: {  	v8 =	vld [tilespmem:s23+$0xFFFFFE10];
	v2 =	vadd.f32 v2, v32;
	[tilespmem:s16+$0xFFFFFF10] =	vst v1  }
0x1ad: {  	v0 =	vadd.f32 v0, v6;
	v38 =	vld [tilespmem:s29+$0xFFFFFF20]  }
0x1ae: {  	v5 =	vadd.f32 v5, v7;
	v7 =	vld [tilespmem:s29+$0xFFFFFE10];
	v2 =	vmax.f32 v2, $0.0e+00  }
0x1af: {  	v0 =	vmax.f32 v0, $0.0e+00;
	[tilespmem:s16+$0xFFFFFF90] =	vst v2;
	v2 =	vld [tilespmem:s23+$0xFFFFFF20]  }
0x1b0: {  	v5 =	vmax.f32 v5, $0.0e+00;
	[tilespmem:s16+$0xFFFFFE90] =	vst v0;
	v39 =	vld [tilespmem:s29+$0xFFFFFFA0]  }
0x1b1: {  	[tilespmem:s16+$0x1A0] =	vst v5;
	v5 =	vld [tilespmem:s23+$0x10]  }
0x1b2: {  	v9 =	vadd.f32 v31, v12;
	v3 =	vld [tilespmem:s29+$0xFFFFFEA0]  }
0x1b3: {  	v34 =	vld [tilespmem:s29+$0x1B0]  }
0x1b4: {  	v9 =	vmax.f32 v9, $0.0e+00;
	v4 =	vld [tilespmem:s23+$0x1B0];
	v7 =	vadd.f32 v8, v7  }
0x1b5: {  	[tilespmem:s16+$0x100] =	vst v9;
	v8 =	vld [tilespmem:s29+$0x90]  }
0x1b6: {  	v2 =	vadd.f32 v2, v38;
	v6 =	vmax.f32 v7, $0.0e+00;
	v7 =	vld [tilespmem:s29+$0x110]  }
0x1b7: {  	[tilespmem:s16+$0xFFFFFE10] =	vst v6;
	v6 =	vld [tilespmem:s23+$0x110]  }
0x1b8: {  	v5 =	vadd.f32 v5, v33;
	v2 =	vmax.f32 v2, $0.0e+00;
	v36 =	vld [tilespmem:s29+$0xFFFFFE20]  }
0x1b9: {  	v4 =	vadd.f32 v4, v34;
	v0 =	vld [tilespmem:s23+$0xFFFFFE20];
	[tilespmem:s16+$0xFFFFFF20] =	vst v2  }
0x1ba: {  	v5 =	vmax.f32 v5, $0.0e+00;
	v44 =	vld [tilespmem:s29+$0xFFFFFF30]  }
0x1bb: {  	v4 =	vmax.f32 v4, $0.0e+00;
	[tilespmem:s16+$0x10] =	vst v5;
	v5 =	vld [tilespmem:s23+$0xFFFFFFA0]  }
0x1bc: {  	[tilespmem:s16+$0x1B0] =	vst v4;
	v4 =	vld [tilespmem:s23+$0xFFFFFEA0]  }
0x1bd: {  	v8 =	vadd.f32 v35, v8;
	v37 =	vld [tilespmem:s29+$0x1C0]  }
0x1be: {  	v1 =	vld [tilespmem:s23+$0x1C0];
	v6 =	vadd.f32 v6, v7  }
0x1bf: {  	v8 =	vmax.f32 v8, $0.0e+00;
	v40 =	vld [tilespmem:s29+$0x20]  }
0x1c0: {  	[tilespmem:s16+$0x90] =	vst v8;
	v8 =	vld [tilespmem:s23+$0x20];
	v0 =	vadd.f32 v0, v36;
	v6 =	vmax.f32 v6, $0.0e+00  }
0x1c1: {  	v7 =	vld [tilespmem:s29+$0xA0];
	[tilespmem:s16+$0x110] =	vst v6  }
0x1c2: {  	v0 =	vmax.f32 v0, $0.0e+00;
	v3 =	vadd.f32 v4, v3;
	v4 =	vld [tilespmem:s29+$0x120]  }
0x1c3: {  	[tilespmem:s16+$0xFFFFFE20] =	vst v0;
	v0 =	vld [tilespmem:s23+$0x120];
	v1 =	vadd.f32 v1, v37  }
0x1c4: {  	v42 =	vld [tilespmem:s29+$0xFFFFFE30];
	v3 =	vmax.f32 v3, $0.0e+00  }
0x1c5: {  	v1 =	vmax.f32 v1, $0.0e+00;
	[tilespmem:s16+$0xFFFFFEA0] =	vst v3;
	v3 =	vld [tilespmem:s23+$0xFFFFFE30]  }
0x1c6: {  	[tilespmem:s16+$0x1C0] =	vst v1;
	v1 =	vld [tilespmem:s23+$0xA0]  }
0x1c7: {  	v5 =	vadd.f32 v5, v39;
	v43 =	vld [tilespmem:s29+$0xFFFFFEB0]  }
0x1c8: {  	v8 =	vadd.f32 v8, v40;
	v2 =	vld [tilespmem:s23+$0xFFFFFEB0]  }
0x1c9: {  	v5 =	vmax.f32 v5, $0.0e+00;
	v41 =	vld [tilespmem:s29+$0x1D0]  }
0x1ca: {  	[tilespmem:s16+$0xFFFFFFA0] =	vst v5;
	v8 =	vmax.f32 v8, $0.0e+00;
	v6 =	vld [tilespmem:s23+$0x1D0];
	v0 =	vadd.f32 v0, v4  }
0x1cb: {  	[tilespmem:s16+$0x20] =	vst v8;
	v8 =	vld [tilespmem:s23+$0xFFFFFFB0];
	v3 =	vadd.f32 v3, v42  }
0x1cc: {  	v4 =	vld [tilespmem:s29+$0x30];
	v0 =	vmax.f32 v0, $0.0e+00;
	v1 =	vadd.f32 v1, v7  }
0x1cd: {  	[tilespmem:s16+$0x120] =	vst v0;
	v7 =	vld [tilespmem:s29+$0xFFFFFFB0];
	v3 =	vmax.f32 v3, $0.0e+00  }
0x1ce: {  	v47 =	vld [tilespmem:s29+$0x130];
	v2 =	vadd.f32 v2, v43;
	v1 =	vmax.f32 v1, $0.0e+00;
	[tilespmem:s16+$0xFFFFFE30] =	vst v3  }
0x1cf: {  	v6 =	vadd.f32 v6, v41;
	[tilespmem:s16+$0xA0] =	vst v1;
	v1 =	vld [tilespmem:s23+$0x30]  }
0x1d0: {  	v2 =	vmax.f32 v2, $0.0e+00;
	v49 =	vld [tilespmem:s29+$0xFFFFFE40]  }
0x1d1: {  	v6 =	vmax.f32 v6, $0.0e+00;
	[tilespmem:s16+$0xFFFFFEB0] =	vst v2;
	v2 =	vld [tilespmem:s23+$0xFFFFFE40]  }
0x1d2: {  	[tilespmem:s16+$0x1D0] =	vst v6;
	v6 =	vld [tilespmem:s23+$0xFFFFFF30]  }
0x1d3: {  	v45 =	vld [tilespmem:s29+$0x1E0]  }
0x1d4: {  	v5 =	vld [tilespmem:s23+$0x1E0];
	v7 =	vadd.f32 v8, v7  }
0x1d5: {  	v46 =	vld [tilespmem:s29+$0xB0]  }
0x1d6: {  	v0 =	vld [tilespmem:s23+$0xB0];
	v7 =	vmax.f32 v7, $0.0e+00;
	v1 =	vadd.f32 v1, v4  }
0x1d7: {  	v8 =	vld [tilespmem:s29+$0xFFFFFEC0];
	[tilespmem:s16+$0xFFFFFFB0] =	vst v7;
	v6 =	vadd.f32 v6, v44  }
0x1d8: {  	v50 =	vld [tilespmem:s29+$0xFFFFFFC0];
	v1 =	vmax.f32 v1, $0.0e+00  }
0x1d9: {  	v5 =	vadd.f32 v5, v45;
	v6 =	vmax.f32 v6, $0.0e+00;
	[tilespmem:s16+$0x30] =	vst v1;
	v1 =	vld [tilespmem:s23+$0xFFFFFFC0]  }
0x1da: {  	[tilespmem:s16+$0xFFFFFF30] =	vst v6;
	v6 =	vld [tilespmem:s23+$0xFFFFFEC0]  }
0x1db: {  	v5 =	vmax.f32 v5, $0.0e+00;
	v51 =	vld [tilespmem:s29+$0x40]  }
0x1dc: {  	v0 =	vadd.f32 v0, v46;
	[tilespmem:s16+$0x1E0] =	vst v5;
	v5 =	vld [tilespmem:s23+$0x130]  }
0x1dd: {  	v4 =	vld [tilespmem:s29+$0xFFFFFF40]  }
0x1de: {  	v0 =	vmax.f32 v0, $0.0e+00;
	v7 =	vld [tilespmem:s23+$0xFFFFFF40]  }
0x1df: {  	v2 =	vadd.f32 v2, v49;
	[tilespmem:s16+$0xB0] =	vst v0;
	v0 =	vld [tilespmem:s23+$0x40]  }
0x1e0: {  	v52 =	vld [tilespmem:s29+$0xC0]  }
0x1e1: {  	v2 =	vmax.f32 v2, $0.0e+00;
	v48 =	vld [tilespmem:s29+$0x1F0];
	v6 =	vadd.f32 v6, v8  }
0x1e2: {  	[tilespmem:s16+$0xFFFFFE40] =	vst v2;
	v3 =	vld [tilespmem:s23+$0x1F0];
	v5 =	vadd.f32 v5, v47  }
0x1e3: {  	v4 =	vadd.f32 v7, v4;
	v7 =	vld [tilespmem:s29+$0xFFFFFE50];
	v6 =	vmax.f32 v6, $0.0e+00  }
0x1e4: {  	v5 =	vmax.f32 v5, $0.0e+00;
	[tilespmem:s16+$0xFFFFFEC0] =	vst v6;
	v6 =	vld [tilespmem:s23+$0xFFFFFE50]  }
0x1e5: {  	[tilespmem:s16+$0x130] =	vst v5;
	v5 =	vld [tilespmem:s23+$0xC0]  }
0x1e6: {  	v1 =	vadd.f32 v1, v50;
	v4 =	vmax.f32 v4, $0.0e+00;
	v53 =	vld [tilespmem:s29+$0xFFFFFED0]  }
0x1e7: {  	[tilespmem:s16+$0xFFFFFF40] =	vst v4;
	v4 =	vld [tilespmem:s23+$0xFFFFFED0]  }
0x1e8: {  	v0 =	vadd.f32 v0, v51;
	v1 =	vmax.f32 v1, $0.0e+00;
	v8 =	vld [tilespmem:s29+$0x140]  }
0x1e9: {  	[tilespmem:s16+$0xFFFFFFC0] =	vst v1;
	v2 =	vld [tilespmem:s23+$0x140]  }
0x1ea: {  	v0 =	vmax.f32 v0, $0.0e+00;
	v55 =	vld [tilespmem:s29+$0xFFFFFFD0]  }
0x1eb: {  	[tilespmem:s16+$0x40] =	vst v0;
	v0 =	vld [tilespmem:s23+$0xFFFFFFD0];
	v6 =	vadd.f32 v6, v7  }
0x1ec: {  	v54 =	vld [tilespmem:s29+$0xFFFFFF50];
	v5 =	vadd.f32 v5, v52  }
0x1ed: {  	v1 =	vld [tilespmem:s23+$0xFFFFFF50];
	v6 =	vmax.f32 v6, $0.0e+00  }
0x1ee: {  	v4 =	vadd.f32 v4, v53;
	v2 =	vadd.f32 v2, v8;
	v8 =	vld [tilespmem:s29+$0x50];
	v5 =	vmax.f32 v5, $0.0e+00;
	[tilespmem:s16+$0xFFFFFE50] =	vst v6  }
0x1ef: {  	[tilespmem:s16+$0xC0] =	vst v5;
	v5 =	vld [tilespmem:s23+$0x50]  }
0x1f0: {  	v4 =	vmax.f32 v4, $0.0e+00;
	v57 =	vld [tilespmem:s29+$0xFFFFFE60]  }
0x1f1: {  	[tilespmem:s16+$0xFFFFFED0] =	vst v4;
	v4 =	vld [tilespmem:s23+$0xFFFFFE60]  }
0x1f2: {  	v1 =	vadd.f32 v1, v54;
	v2 =	vmax.f32 v2, $0.0e+00;
	v7 =	vld [tilespmem:s29+$0xD0]  }
0x1f3: {  	[tilespmem:s16+$0x140] =	vst v2;
	v2 =	vld [tilespmem:s23+$0xD0]  }
0x1f4: {  	v1 =	vmax.f32 v1, $0.0e+00;
	v58 =	vld [tilespmem:s29+$0xFFFFFEE0]  }
0x1f5: {  	v0 =	vadd.f32 v0, v55;
	[tilespmem:s16+$0xFFFFFF50] =	vst v1;
	v1 =	vld [tilespmem:s23+$0xFFFFFEE0]  }
0x1f6: {  	v56 =	vld [tilespmem:s29+$0x150]  }
0x1f7: {  	v0 =	vmax.f32 v0, $0.0e+00;
	v6 =	vld [tilespmem:s23+$0x150]  }
0x1f8: {  	[tilespmem:s16+$0xFFFFFFD0] =	vst v0;
	v0 =	vld [tilespmem:s23+$0xFFFFFF60];
	v5 =	vadd.f32 v5, v8  }
0x1f9: {  	v8 =	vld [tilespmem:s29+$0xFFFFFF60];
	v4 =	vadd.f32 v4, v57  }
0x1fa: {  	v2 =	vadd.f32 v2, v7;
	v7 =	vld [tilespmem:s29+$0xFFFFFFE0];
	v5 =	vmax.f32 v5, $0.0e+00  }
0x1fb: {  	v1 =	vadd.f32 v1, v58;
	v4 =	vmax.f32 v4, $0.0e+00;
	[tilespmem:s16+$0x50] =	vst v5;
	v5 =	vld [tilespmem:s23+$0xFFFFFFE0]  }
0x1fc: {  	v2 =	vmax.f32 v2, $0.0e+00;
	[tilespmem:s16+$0xFFFFFE60] =	vst v4;
	v59 =	vld [tilespmem:s29+$0x60]  }
0x1fd: {  	v6 =	vadd.f32 v6, v56;
	v1 =	vmax.f32 v1, $0.0e+00;
	[tilespmem:s16+$0xD0] =	vst v2;
	v2 =	vld [tilespmem:s23+$0x60]  }
0x1fe: {  	[tilespmem:s16+$0xFFFFFEE0] =	vst v1;
	v1 =	vld [tilespmem:s23+$0xFFFFFE70]  }
0x1ff: {  	v6 =	vmax.f32 v6, $0.0e+00;
	v60 =	vld [tilespmem:s29+$0xE0]  }
0x200: {  	[tilespmem:s16+$0x150] =	vst v6;
	v6 =	vld [tilespmem:s23+$0xE0]  }
0x201: {  	v0 =	vadd.f32 v0, v8;
	v8 =	vld [tilespmem:s29+$0xFFFFFE70]  }
0x202: {  	v13 =	vld [tilespmem:s23+$0xFFFFFEF0]  }
0x203: {  	v61 =	vld [tilespmem:s29+$0x160]  }
0x204: {  	v4 =	vld [tilespmem:s23+$0x160];
	v0 =	vmax.f32 v0, $0.0e+00;
	v5 =	vadd.f32 v5, v7  }
0x205: {  	v7 =	vld [tilespmem:s29+$0xFFFFFEF0];
	[tilespmem:s16+$0xFFFFFF60] =	vst v0  }
0x206: {  	v2 =	vadd.f32 v2, v59;
	v62 =	vld [tilespmem:s23+$0xFFFFFF70];
	v0 =	vmax.f32 v5, $0.0e+00  }
0x207: {  	v3 =	vadd.f32 v3, v48;
	v5 =	vld [tilespmem:s29+$0xFFFFFF70];
	[tilespmem:s16+$0xFFFFFFE0] =	vst v0  }
0x208: {  	v0 =	vmax.f32 v2, $0.0e+00;
	v2 =	vadd.f32 v6, v60;
	v6 =	vld [tilespmem:s29+$0xFFFFFFF0]  }
0x209: {  	[tilespmem:s16+$0x60] =	vst v0;
	v0 =	vmax.f32 v3, $0.0e+00;
	v3 =	vadd.f32 v4, v61;
	v63 =	vld [tilespmem:s23+$0xFFFFFFF0]  }
0x20a: {  	v1 =	vadd.f32 v1, v8;
	[tilespmem:s16+$0x1F0] =	vst v0;
	v2 =	vmax.f32 v2, $0.0e+00;
	v0 =	vld [tilespmem:s29+$0x70]  }
0x20b: {  	v4 =	vadd.f32 v13, v7;
	[tilespmem:s16+$0xE0] =	vst v2;
	v3 =	vmax.f32 v3, $0.0e+00;
	v2 =	vld [tilespmem:s23+$0x70]  }
0x20c: {  	[tilespmem:s16+$0x160] =	vst v3;
	v3 =	vmax.f32 v1, $0.0e+00;
	v5 =	vadd.f32 v62, v5;
	v1 =	vld [tilespmem:s29+$0xF0]  }
0x20d: {  	[tilespmem:s16+$0xFFFFFE70] =	vst v3;
	v3 =	vmax.f32 v4, $0.0e+00;
	v4 =	vld [tilespmem:s23+$0xF0]  }
0x20e: {  	[tilespmem:s16+$0xFFFFFEF0] =	vst v3;
	v5 =	vmax.f32 v5, $0.0e+00;
	v3 =	vld [tilespmem:s29+$0x170];
	v6 =	vadd.f32 v63, v6  }
0x20f: {  	s26 =	simm.s32 $0x15E80;
	s3 =	simm.s32 $0x0;
	[tilespmem:s16+$0xFFFFFF70] =	vst v5;
	v5 =	vld [tilespmem:s23+$0x170]  }
.LBB2_5:
0x210: {  	v7 =	vld [tilespmem:s26+$0x180];
	v6 =	vmax.f32 v6, $0.0e+00;
	v0 =	vadd.f32 v2, v0;
	s23 =	sadd.s32 $0x400, s23  }
0x211: {  	v2 =	vld [tilespmem:s23+$0x180];
	[tilespmem:s16+$0xFFFFFFF0] =	vst v6  }
0x212: {  	v6 =	vld [tilespmem:s23+$0xFFFFFE00];
	v0 =	vmax.f32 v0, $0.0e+00;
	v1 =	vadd.f32 v4, v1  }
0x213: {  	v4 =	vld [tilespmem:s26+$0xFFFFFE80];
	[tilespmem:s16+$0x70] =	vst v0  }
0x214: {  	v0 =	vld [tilespmem:s23+$0xFFFFFE80];
	v1 =	vmax.f32 v1, $0.0e+00;
	v3 =	vadd.f32 v5, v3  }
0x215: {  	v5 =	vld [tilespmem:s26+$0xFFFFFF00];
	[tilespmem:s16+$0xF0] =	vst v1  }
0x216: {  	v1 =	vld [tilespmem:s23+$0xFFFFFF00];
	v2 =	vadd.f32 v2, v7;
	v3 =	vmax.f32 v3, $0.0e+00  }
0x217: {  	v7 =	vld [tilespmem:s26+$0xFFFFFF80];
	[tilespmem:s16+$0x170] =	vst v3  }
0x218: {  	s3 =	sadd.s32 $0x8, s3;
	s16 =	sadd.s32 $0x400, s16;
	v3 =	vld [tilespmem:s23+$0xFFFFFF80];
	v2 =	vmax.f32 v2, $0.0e+00  }
0x219: {  	p2 =	slt.u32 s3, $0x38;
	v0 =	vadd.f32 v0, v4;
	v4 =	vld [tilespmem:s26+$0x0];
	[tilespmem:s16+$0x180] =	vst v2  }
0x21a: {  	v2 =	vld [tilespmem:s26+$0x190]  }
0x21b: {  	v0 =	vmax.f32 v0, $0.0e+00;
	v1 =	vadd.f32 v1, v5;
	v5 =	vld [tilespmem:s23+$0x190]  }
0x21c: {  	[tilespmem:s16+$0xFFFFFE80] =	vst v0;
	v0 =	vld [tilespmem:s23+$0x0]  }
0x21d: {  	v1 =	vmax.f32 v1, $0.0e+00;
	v3 =	vadd.f32 v3, v7;
	v7 =	vld [tilespmem:s26+$0x80]  }
0x21e: {  	[tilespmem:s16+$0xFFFFFF00] =	vst v1;
	v1 =	vld [tilespmem:s23+$0x80]  }
0x21f: {  	v3 =	vmax.f32 v3, $0.0e+00;
	v8 =	vld [tilespmem:s26+$0x100]  }
0x220: {  	[tilespmem:s16+$0xFFFFFF80] =	vst v3;
	v3 =	vld [tilespmem:s23+$0x100];
	v2 =	vadd.f32 v5, v2  }
0x221: {  	v5 =	vld [tilespmem:s26+$0xFFFFFE00];
	v0 =	vadd.f32 v0, v4  }
0x222: {  	v4 =	vld [tilespmem:s26+$0xFFFFFE90];
	v2 =	vmax.f32 v2, $0.0e+00  }
0x223: {  	v9 =	vld [tilespmem:s23+$0xFFFFFE90];
	v0 =	vmax.f32 v0, $0.0e+00;
	v1 =	vadd.f32 v1, v7;
	[tilespmem:s16+$0x190] =	vst v2  }
0x224: {  	[tilespmem:s16+$0x0] =	vst v0;
	v0 =	vld [tilespmem:s26+$0x1A0]  }
0x225: {  	v1 =	vmax.f32 v1, $0.0e+00;
	v2 =	vadd.f32 v3, v8;
	v3 =	vld [tilespmem:s23+$0x1A0]  }
0x226: {  	v5 =	vadd.f32 v6, v5;
	v6 =	vld [tilespmem:s26+$0xFFFFFF10];
	[tilespmem:s16+$0x80] =	vst v1  }
0x227: {  	v1 =	vld [tilespmem:s23+$0xFFFFFF10];
	v2 =	vmax.f32 v2, $0.0e+00  }
0x228: {  	v5 =	vmax.f32 v5, $0.0e+00;
	v4 =	vadd.f32 v9, v4;
	v7 =	vld [tilespmem:s26+$0xFFFFFF90];
	[tilespmem:s16+$0x100] =	vst v2  }
0x229: {  	[tilespmem:s16+$0xFFFFFE00] =	vst v5;
	v2 =	vld [tilespmem:s23+$0xFFFFFF90]  }
0x22a: {  	v5 =	vld [tilespmem:s26+$0xFFFFFE10];
	v4 =	vmax.f32 v4, $0.0e+00;
	v0 =	vadd.f32 v3, v0  }
0x22b: {  	v3 =	vld [tilespmem:s23+$0xFFFFFE10];
	[tilespmem:s16+$0xFFFFFE90] =	vst v4  }
0x22c: {  	v1 =	vadd.f32 v1, v6;
	v4 =	vld [tilespmem:s26+$0x10];
	v0 =	vmax.f32 v0, $0.0e+00  }
0x22d: {  	v6 =	vld [tilespmem:s23+$0x10];
	[tilespmem:s16+$0x1A0] =	vst v0  }
0x22e: {  	v0 =	vmax.f32 v1, $0.0e+00;
	v1 =	vadd.f32 v2, v7;
	v2 =	vld [tilespmem:s26+$0x1B0]  }
0x22f: {  	[tilespmem:s16+$0xFFFFFF10] =	vst v0;
	v0 =	vld [tilespmem:s23+$0x1B0]  }
0x230: {  	v3 =	vadd.f32 v3, v5;
	v1 =	vmax.f32 v1, $0.0e+00;
	v5 =	vld [tilespmem:s26+$0x90]  }
0x231: {  	[tilespmem:s16+$0xFFFFFF90] =	vst v1;
	v1 =	vld [tilespmem:s23+$0x90]  }
0x232: {  	v3 =	vmax.f32 v3, $0.0e+00;
	v4 =	vadd.f32 v6, v4;
	v6 =	vld [tilespmem:s26+$0x110]  }
0x233: {  	[tilespmem:s16+$0xFFFFFE10] =	vst v3;
	v3 =	vld [tilespmem:s23+$0x110]  }
0x234: {  	v7 =	vld [tilespmem:s26+$0xFFFFFE20];
	v4 =	vmax.f32 v4, $0.0e+00;
	v0 =	vadd.f32 v0, v2  }
0x235: {  	v2 =	vld [tilespmem:s23+$0xFFFFFE20];
	[tilespmem:s16+$0x10] =	vst v4  }
0x236: {  	v4 =	vld [tilespmem:s26+$0xFFFFFEA0];
	v1 =	vadd.f32 v1, v5;
	v0 =	vmax.f32 v0, $0.0e+00  }
0x237: {  	v5 =	vld [tilespmem:s23+$0xFFFFFEA0];
	[tilespmem:s16+$0x1B0] =	vst v0  }
0x238: {  	v0 =	vmax.f32 v1, $0.0e+00;
	v1 =	vadd.f32 v3, v6;
	v3 =	vld [tilespmem:s26+$0x1C0]  }
0x239: {  	[tilespmem:s16+$0x90] =	vst v0;
	v0 =	vld [tilespmem:s23+$0x1C0]  }
0x23a: {  	v2 =	vadd.f32 v2, v7;
	v6 =	vld [tilespmem:s26+$0xFFFFFF20];
	v1 =	vmax.f32 v1, $0.0e+00  }
0x23b: {  	v7 =	vld [tilespmem:s23+$0xFFFFFF20];
	[tilespmem:s16+$0x110] =	vst v1  }
0x23c: {  	v1 =	vmax.f32 v2, $0.0e+00;
	v2 =	vadd.f32 v5, v4;
	v4 =	vld [tilespmem:s26+$0xFFFFFFA0]  }
0x23d: {  	[tilespmem:s16+$0xFFFFFE20] =	vst v1;
	v1 =	vld [tilespmem:s23+$0xFFFFFFA0]  }
0x23e: {  	v2 =	vmax.f32 v2, $0.0e+00;
	v5 =	vld [tilespmem:s26+$0x20];
	v0 =	vadd.f32 v0, v3  }
0x23f: {  	[tilespmem:s16+$0xFFFFFEA0] =	vst v2;
	v2 =	vld [tilespmem:s23+$0x20]  }
0x240: {  	v3 =	vadd.f32 v7, v6;
	v6 =	vld [tilespmem:s26+$0xA0];
	v0 =	vmax.f32 v0, $0.0e+00  }
0x241: {  	v7 =	vld [tilespmem:s23+$0xA0];
	[tilespmem:s16+$0x1C0] =	vst v0  }
0x242: {  	v0 =	vmax.f32 v3, $0.0e+00;
	v1 =	vadd.f32 v1, v4;
	v3 =	vld [tilespmem:s26+$0x1D0]  }
0x243: {  	[tilespmem:s16+$0xFFFFFF20] =	vst v0;
	v0 =	vld [tilespmem:s23+$0x1D0]  }
0x244: {  	v1 =	vmax.f32 v1, $0.0e+00;
	v2 =	vadd.f32 v2, v5;
	v4 =	vld [tilespmem:s26+$0x120]  }
0x245: {  	[tilespmem:s16+$0xFFFFFFA0] =	vst v1;
	v1 =	vld [tilespmem:s23+$0x120]  }
0x246: {  	v5 =	vld [tilespmem:s26+$0xFFFFFE30];
	v2 =	vmax.f32 v2, $0.0e+00;
	v6 =	vadd.f32 v7, v6  }
0x247: {  	v7 =	vld [tilespmem:s23+$0xFFFFFE30];
	[tilespmem:s16+$0x20] =	vst v2  }
0x248: {  	v2 =	vld [tilespmem:s26+$0xFFFFFEB0];
	v6 =	vmax.f32 v6, $0.0e+00;
	v0 =	vadd.f32 v0, v3  }
0x249: {  	v3 =	vld [tilespmem:s23+$0xFFFFFEB0];
	[tilespmem:s16+$0xA0] =	vst v6  }
0x24a: {  	v6 =	vld [tilespmem:s26+$0xFFFFFF30];
	v1 =	vadd.f32 v1, v4;
	v0 =	vmax.f32 v0, $0.0e+00  }
0x24b: {  	v4 =	vld [tilespmem:s23+$0xFFFFFF30];
	[tilespmem:s16+$0x1D0] =	vst v0  }
0x24c: {  	v0 =	vadd.f32 v7, v5;
	v1 =	vmax.f32 v1, $0.0e+00;
	v5 =	vld [tilespmem:s26+$0x1E0]  }
0x24d: {  	[tilespmem:s16+$0x120] =	vst v1;
	v1 =	vld [tilespmem:s23+$0x1E0]  }
0x24e: {  	v0 =	vmax.f32 v0, $0.0e+00;
	v2 =	vadd.f32 v3, v2;
	v3 =	vld [tilespmem:s26+$0xFFFFFFB0]  }
0x24f: {  	[tilespmem:s16+$0xFFFFFE30] =	vst v0;
	v0 =	vld [tilespmem:s23+$0xFFFFFFB0]  }
0x250: {  	v2 =	vmax.f32 v2, $0.0e+00;
	v4 =	vadd.f32 v4, v6;
	v6 =	vld [tilespmem:s26+$0x30]  }
0x251: {  	[tilespmem:s16+$0xFFFFFEB0] =	vst v2;
	v2 =	vld [tilespmem:s23+$0x30]  }
0x252: {  	v4 =	vmax.f32 v4, $0.0e+00;
	v7 =	vld [tilespmem:s26+$0xB0];
	v1 =	vadd.f32 v1, v5  }
0x253: {  	[tilespmem:s16+$0xFFFFFF30] =	vst v4;
	v4 =	vld [tilespmem:s23+$0xB0]  }
0x254: {  	v0 =	vadd.f32 v0, v3;
	v3 =	vld [tilespmem:s26+$0x130];
	v1 =	vmax.f32 v1, $0.0e+00  }
0x255: {  	v5 =	vld [tilespmem:s23+$0x130];
	[tilespmem:s16+$0x1E0] =	vst v1  }
0x256: {  	v0 =	vmax.f32 v0, $0.0e+00;
	v1 =	vadd.f32 v2, v6;
	v2 =	vld [tilespmem:s26+$0x1F0]  }
0x257: {  	[tilespmem:s16+$0xFFFFFFB0] =	vst v0;
	v0 =	vld [tilespmem:s23+$0x1F0]  }
0x258: {  	v6 =	vld [tilespmem:s26+$0xFFFFFE40];
	v1 =	vmax.f32 v1, $0.0e+00;
	v4 =	vadd.f32 v4, v7  }
0x259: {  	v7 =	vld [tilespmem:s23+$0xFFFFFE40];
	[tilespmem:s16+$0x30] =	vst v1  }
0x25a: {  	v1 =	vld [tilespmem:s26+$0xFFFFFEC0];
	v4 =	vmax.f32 v4, $0.0e+00;
	v3 =	vadd.f32 v5, v3  }
0x25b: {  	v5 =	vld [tilespmem:s23+$0xFFFFFEC0];
	[tilespmem:s16+$0xB0] =	vst v4  }
0x25c: {  	v4 =	vld [tilespmem:s26+$0xFFFFFF40];
	v3 =	vmax.f32 v3, $0.0e+00;
	v0 =	vadd.f32 v0, v2  }
0x25d: {  	v2 =	vld [tilespmem:s23+$0xFFFFFF40];
	[tilespmem:s16+$0x130] =	vst v3  }
0x25e: {  	v3 =	vadd.f32 v7, v6;
	v6 =	vld [tilespmem:s26+$0xFFFFFFC0];
	v0 =	vmax.f32 v0, $0.0e+00  }
0x25f: {  	v7 =	vld [tilespmem:s23+$0xFFFFFFC0];
	[tilespmem:s16+$0x1F0] =	vst v0  }
0x260: {  	v0 =	vmax.f32 v3, $0.0e+00;
	v1 =	vadd.f32 v5, v1;
	v3 =	vld [tilespmem:s26+$0x40]  }
0x261: {  	[tilespmem:s16+$0xFFFFFE40] =	vst v0;
	v0 =	vld [tilespmem:s23+$0x40]  }
0x262: {  	v1 =	vmax.f32 v1, $0.0e+00;
	v2 =	vadd.f32 v2, v4;
	v4 =	vld [tilespmem:s26+$0xC0]  }
0x263: {  	[tilespmem:s16+$0xFFFFFEC0] =	vst v1;
	v1 =	vld [tilespmem:s23+$0xC0]  }
0x264: {  	v2 =	vmax.f32 v2, $0.0e+00;
	v5 =	vadd.f32 v7, v6;
	v6 =	vld [tilespmem:s26+$0x140]  }
0x265: {  	[tilespmem:s16+$0xFFFFFF40] =	vst v2;
	v2 =	vld [tilespmem:s23+$0x140]  }
0x266: {  	v7 =	vld [tilespmem:s26+$0xFFFFFE50];
	v5 =	vmax.f32 v5, $0.0e+00;
	v0 =	vadd.f32 v0, v3  }
0x267: {  	v3 =	vld [tilespmem:s23+$0xFFFFFE50];
	[tilespmem:s16+$0xFFFFFFC0] =	vst v5  }
0x268: {  	v5 =	vld [tilespmem:s26+$0xFFFFFED0];
	v0 =	vmax.f32 v0, $0.0e+00;
	v1 =	vadd.f32 v1, v4  }
0x269: {  	v4 =	vld [tilespmem:s23+$0xFFFFFED0];
	[tilespmem:s16+$0x40] =	vst v0  }
0x26a: {  	v0 =	vld [tilespmem:s26+$0xFFFFFF50];
	v1 =	vmax.f32 v1, $0.0e+00;
	v2 =	vadd.f32 v2, v6  }
0x26b: {  	v6 =	vld [tilespmem:s23+$0xFFFFFF50];
	[tilespmem:s16+$0xC0] =	vst v1  }
0x26c: {  	v1 =	vadd.f32 v3, v7;
	v3 =	vld [tilespmem:s26+$0xFFFFFFD0];
	v2 =	vmax.f32 v2, $0.0e+00  }
0x26d: {  	v7 =	vld [tilespmem:s23+$0xFFFFFFD0];
	[tilespmem:s16+$0x140] =	vst v2  }
0x26e: {  	v1 =	vmax.f32 v1, $0.0e+00;
	v2 =	vadd.f32 v4, v5;
	v4 =	vld [tilespmem:s26+$0x50]  }
0x26f: {  	[tilespmem:s16+$0xFFFFFE50] =	vst v1;
	v1 =	vld [tilespmem:s23+$0x50]  }
0x270: {  	v2 =	vmax.f32 v2, $0.0e+00;
	v0 =	vadd.f32 v6, v0;
	v5 =	vld [tilespmem:s26+$0xD0]  }
0x271: {  	[tilespmem:s16+$0xFFFFFED0] =	vst v2;
	v2 =	vld [tilespmem:s23+$0xD0]  }
0x272: {  	v0 =	vmax.f32 v0, $0.0e+00;
	v3 =	vadd.f32 v7, v3;
	v6 =	vld [tilespmem:s26+$0x150]  }
0x273: {  	[tilespmem:s16+$0xFFFFFF50] =	vst v0;
	v0 =	vld [tilespmem:s23+$0x150]  }
0x274: {  	v7 =	vld [tilespmem:s26+$0xFFFFFE60];
	v3 =	vmax.f32 v3, $0.0e+00;
	v1 =	vadd.f32 v1, v4  }
0x275: {  	v4 =	vld [tilespmem:s23+$0xFFFFFE60];
	[tilespmem:s16+$0xFFFFFFD0] =	vst v3  }
0x276: {  	v3 =	vld [tilespmem:s26+$0xFFFFFEE0];
	v1 =	vmax.f32 v1, $0.0e+00;
	v2 =	vadd.f32 v2, v5  }
0x277: {  	v5 =	vld [tilespmem:s23+$0xFFFFFEE0];
	[tilespmem:s16+$0x50] =	vst v1  }
0x278: {  	v1 =	vld [tilespmem:s26+$0xFFFFFF60];
	v2 =	vmax.f32 v2, $0.0e+00;
	v0 =	vadd.f32 v0, v6  }
0x279: {  	v6 =	vld [tilespmem:s23+$0xFFFFFF60];
	[tilespmem:s16+$0xD0] =	vst v2  }
0x27a: {  	v2 =	vadd.f32 v4, v7;
	v4 =	vld [tilespmem:s26+$0xFFFFFFE0];
	v0 =	vmax.f32 v0, $0.0e+00  }
0x27b: {  	v7 =	vld [tilespmem:s23+$0xFFFFFFE0];
	[tilespmem:s16+$0x150] =	vst v0  }
0x27c: {  	v0 =	vmax.f32 v2, $0.0e+00;
	v2 =	vadd.f32 v5, v3;
	v3 =	vld [tilespmem:s26+$0x60]  }
0x27d: {  	[tilespmem:s16+$0xFFFFFE60] =	vst v0;
	v0 =	vld [tilespmem:s23+$0x60]  }
0x27e: {  	v2 =	vmax.f32 v2, $0.0e+00;
	v1 =	vadd.f32 v6, v1;
	v5 =	vld [tilespmem:s26+$0xE0]  }
0x27f: {  	[tilespmem:s16+$0xFFFFFEE0] =	vst v2;
	v2 =	vld [tilespmem:s23+$0xE0]  }
0x280: {  	v1 =	vmax.f32 v1, $0.0e+00;
	v4 =	vadd.f32 v7, v4;
	v6 =	vld [tilespmem:s26+$0x160]  }
0x281: {  	[tilespmem:s16+$0xFFFFFF60] =	vst v1;
	v1 =	vld [tilespmem:s23+$0x160]  }
0x282: {  	v7 =	vld [tilespmem:s26+$0xFFFFFE70];
	v4 =	vmax.f32 v4, $0.0e+00;
	v0 =	vadd.f32 v0, v3  }
0x283: {  	v3 =	vld [tilespmem:s23+$0xFFFFFE70];
	[tilespmem:s16+$0xFFFFFFE0] =	vst v4  }
0x284: {  	v4 =	vld [tilespmem:s26+$0xFFFFFEF0];
	v0 =	vmax.f32 v0, $0.0e+00;
	v2 =	vadd.f32 v2, v5  }
0x285: {  	v5 =	vld [tilespmem:s23+$0xFFFFFEF0];
	[tilespmem:s16+$0x60] =	vst v0  }
0x286: {  	v8 =	vld [tilespmem:s26+$0xFFFFFF70];
	v0 =	vmax.f32 v2, $0.0e+00;
	v1 =	vadd.f32 v1, v6  }
0x287: {  	v6 =	vld [tilespmem:s23+$0xFFFFFF70];
	[tilespmem:s16+$0xE0] =	vst v0  }
0x288: {  	v0 =	vadd.f32 v3, v7;
	v3 =	vld [tilespmem:s26+$0xFFFFFFF0];
	v1 =	vmax.f32 v1, $0.0e+00  }
0x289: {  	v7 =	vld [tilespmem:s23+$0xFFFFFFF0];
	[tilespmem:s16+$0x160] =	vst v1  }
0x28a: {  	v1 =	vmax.f32 v0, $0.0e+00;
	v4 =	vadd.f32 v5, v4;
	v0 =	vld [tilespmem:s26+$0x70]  }
.Ltmp3:
0x28b: {  	[tilespmem:s16+$0xFFFFFE70] =	vst v1;
	v2 =	vld [tilespmem:s23+$0x70];
	(pc) =	sbr.rel @p2 .LBB2_5-.Ltmp3, $4  }
0x28c: {  	v4 =	vmax.f32 v4, $0.0e+00;
	v5 =	vadd.f32 v6, v8;
	v1 =	vld [tilespmem:s26+$0xF0]  }
0x28d: {  	[tilespmem:s16+$0xFFFFFEF0] =	vst v4;
	v4 =	vld [tilespmem:s23+$0xF0]  }
0x28e: {  	v5 =	vmax.f32 v5, $0.0e+00;
	v6 =	vadd.f32 v7, v3;
	v3 =	vld [tilespmem:s26+$0x170]  }
0x28f: {  	s26 =	sadd.s32 $0x400, s26;
	[tilespmem:s16+$0xFFFFFF70] =	vst v5;
	v5 =	vld [tilespmem:s23+$0x170]  }
0x290: {  	_ =	sdelay $0x1  }
0x291: {  	v0 =	vadd.f32 v2, v0  }
0x292: {  	v2 =	vmax.f32 v6, $0.0e+00;
	v1 =	vadd.f32 v4, v1  }
0x293: {  	[tilespmem:s16+$0xFFFFFFF0] =	vst v2;
	v0 =	vmax.f32 v0, $0.0e+00;
	v2 =	vadd.f32 v5, v3  }
0x294: {  	[tilespmem:s16+$0x70] =	vst v0;
	v0 =	vmax.f32 v1, $0.0e+00  }
0x295: {  	[tilespmem:s16+$0xF0] =	vst v0;
	v0 =	vmax.f32 v2, $0.0e+00  }
0x296: {  	[tilespmem:s16+$0x170] =	vst v0  }
0x297: {  	[spmem:s5] =	stream.indirect.scatter.add.f32 [tilespmem:s15], [sflag:$0x8], $0x80, s14, s31, $0xb8;
	[tilespmem:$0x1FB80] =	vst v63  }
0x298: {  	s23 =	sor.u32 $0x3, s24;
	s3 =	simm.s32 $0x15880;
	s26 =	simm.s32 $0x1F940  }
0x299: {  	[tilespmem:s3], [sflag:$0x2] =	stream.indirect.gather [hbm4b:s0+s31], $0x80, s26, s31, $0xb8;
	[tilespmem:$0x1FB80] =	vst v63  }
0x29a: {  	s26 =	sshll.u32 s23, $0xD  }
0x29b: {  	s3 =	sadd.s32 s21, s26  }
0x29c: {  	s16 =	sadd.s32 $0x4, s24;
	s3 =	sshrl.u32 s3, $0x3  }
0x29d: {  	p2 =	sge.u32 s16, s7;
	s3 =	sadd.s32 s2, s3  }
0x29e: {  	[tilespmem:s4], [sflag:$0x2] =	stream.linear.gather [hbm4b:s3+s6], $0x2000, $0x38;
	[tilespmem:$0x1FB80] =	vst v63  }
0x29f: {  	s3 =	sshll.u32 @!p2 s30, $0x8  }
0x2a0: {  	s3 =	sadd.s32 @!p2 s3, s22  }
0x2a1: {  	s3 =	sshrl.u32 @!p2 s3, $0x2  }
0x2a2: {  	s28 =	simm.s32 @!p2 $0x0;
	s29 =	simm.s32 @!p2 $0x1F880;
	s26 =	sadd.s32 @!p2 s1, s3  }
0x2a3: {  	[tilespmem:s29], [sflag:$0x3] =	stream.linear.gather @!p2 [hbm4b:s26+s28], $0x80, $0x38;
	[tilespmem:$0x1FB80] =	vst v63  }
0x2a4: {  	s3 =	sadd.s32 @!p2 s3, s9;
	s26 =	simm.s32 @!p2 $0x1F980  }
0x2a5: {  	[tilespmem:s26], [sflag:$0x5] =	stream.linear.gather @!p2 [hbm4b:s3+s28], $0x80, $0x38;
	[tilespmem:$0x1FB80] =	vst v63  }
0x2a6: {  	_ =	swait.ge [sflag:s25], $0x2000  }
0x2a7: {  	[sflag:s25] =	ssyncset.done $0x0  }
0x2a8: {  	[sflag:s25] =	ssyncadd.s32 $0xFFFFE000  }
0x2a9: {  	_ =	swait.ge [sflag:s25], $0x2000  }
0x2aa: {  	[sflag:s25] =	ssyncset.done $0x0  }
0x2ab: {  	[sflag:s25] =	ssyncadd.s32 $0xFFFFE000  }
0x2ac: {  	_ =	swait.ge [sflag:s17], $0x2000  }
0x2ad: {  	[sflag:s17] =	ssyncset.done $0x0  }
0x2ae: {  	[sflag:s17] =	ssyncadd.s32 $0xFFFFE000  }
0x2af: {  	_ =	swait.ge [sflag:s18], $0x80  }
0x2b0: {  	[sflag:s18] =	ssyncset.done $0x0  }
0x2b1: {  	[sflag:s18] =	ssyncadd.s32 $0xFFFFFF80  }
0x2b2: {  	v0 =	vld [tilespmem:$0x1FA00]  }
0x2b3: {  	v1 =	vld [tilespmem:$0x1FA10]  }
0x2b4: {  	v2 =	vld [tilespmem:$0x1FA20]  }
0x2b5: {  	v3 =	vld [tilespmem:$0x1FA30];
	_ =	sdelay $0x1  }
0x2b6: {  	[tilespmem:$0x1FA80] =	vst v0  }
0x2b7: {  	[tilespmem:$0x1FA90] =	vst v1  }
0x2b8: {  	[tilespmem:$0x1FAA0] =	vst v2  }
0x2b9: {  	s26 =	simm.s32 $0x13A80;
	[tilespmem:$0x1FAB0] =	vst v3  }
0x2ba: {  	s3 =	simm.s32 $0x17A80;
	v0 =	vld [tilespmem:s26+$0x180]  }
0x2bb: {  	v1 =	vld [tilespmem:s3+$0x180]  }
0x2bc: {  	v2 =	vld [tilespmem:s3+$0xFFFFFE00]  }
0x2bd: {  	v3 =	vld [tilespmem:s26+$0xFFFFFE80]  }
0x2be: {  	v4 =	vld [tilespmem:s3+$0xFFFFFE80]  }
0x2bf: {  	v5 =	vld [tilespmem:s26+$0xFFFFFF00]  }
0x2c0: {  	v6 =	vld [tilespmem:s3+$0xFFFFFF00]  }
0x2c1: {  	v7 =	vld [tilespmem:s3+$0xFFFFFF80]  }
0x2c2: {  	v8 =	vld [tilespmem:s26+$0x0]  }
0x2c3: {  	v10 =	vld [tilespmem:s3+$0x0];
	v0 =	vadd.f32 v1, v0  }
0x2c4: {  	v11 =	vld [tilespmem:s26+$0x80];
	v3 =	vadd.f32 v4, v3  }
0x2c5: {  	s28 =	simm.s32 $0x1BA80;
	v12 =	vld [tilespmem:s26+$0x100];
	v0 =	vmax.f32 v0, $0.0e+00  }
0x2c6: {  	v1 =	vld [tilespmem:s26+$0xFFFFFF80];
	v3 =	vmax.f32 v3, $0.0e+00;
	[tilespmem:s28+$0x180] =	vst v0  }
0x2c7: {  	[tilespmem:s28+$0xFFFFFE80] =	vst v3;
	v3 =	vld [tilespmem:s26+$0xFFFFFE00]  }
0x2c8: {  	v0 =	vld [tilespmem:s26+$0x190]  }
0x2c9: {  	v5 =	vadd.f32 v6, v5;
	v9 =	vld [tilespmem:s3+$0x190]  }
0x2ca: {  	v31 =	vld [tilespmem:s3+$0x100]  }
0x2cb: {  	v4 =	vld [tilespmem:s3+$0x80];
	v5 =	vmax.f32 v5, $0.0e+00;
	v1 =	vadd.f32 v7, v1  }
0x2cc: {  	[tilespmem:s28+$0xFFFFFF00] =	vst v5;
	v6 =	vld [tilespmem:s26+$0xFFFFFE90]  }
0x2cd: {  	v1 =	vmax.f32 v1, $0.0e+00;
	v2 =	vadd.f32 v2, v3;
	v3 =	vld [tilespmem:s26+$0xFFFFFF10]  }
0x2ce: {  	[tilespmem:s28+$0xFFFFFF80] =	vst v1;
	v1 =	vld [tilespmem:s3+$0xFFFFFF10];
	v0 =	vadd.f32 v9, v0  }
0x2cf: {  	v32 =	vld [tilespmem:s26+$0xFFFFFF90];
	v2 =	vmax.f32 v2, $0.0e+00  }
0x2d0: {  	v8 =	vadd.f32 v10, v8;
	v0 =	vmax.f32 v0, $0.0e+00;
	[tilespmem:s28+$0xFFFFFE00] =	vst v2;
	v2 =	vld [tilespmem:s3+$0xFFFFFF90]  }
0x2d1: {  	v4 =	vadd.f32 v4, v11;
	[tilespmem:s28+$0x190] =	vst v0;
	v0 =	vld [tilespmem:s3+$0xFFFFFE90]  }
0x2d2: {  	v8 =	vmax.f32 v8, $0.0e+00;
	v7 =	vld [tilespmem:s26+$0x1A0]  }
0x2d3: {  	[tilespmem:s28+$0x0] =	vst v8;
	v4 =	vmax.f32 v4, $0.0e+00;
	v5 =	vld [tilespmem:s3+$0x1A0];
	v1 =	vadd.f32 v1, v3  }
0x2d4: {  	v33 =	vld [tilespmem:s26+$0x10];
	[tilespmem:s28+$0x80] =	vst v4  }
0x2d5: {  	v35 =	vld [tilespmem:s3+$0x90];
	v1 =	vmax.f32 v1, $0.0e+00  }
0x2d6: {  	v8 =	vld [tilespmem:s3+$0xFFFFFE10];
	v2 =	vadd.f32 v2, v32;
	[tilespmem:s28+$0xFFFFFF10] =	vst v1  }
0x2d7: {  	v0 =	vadd.f32 v0, v6;
	v38 =	vld [tilespmem:s26+$0xFFFFFF20]  }
0x2d8: {  	v5 =	vadd.f32 v5, v7;
	v7 =	vld [tilespmem:s26+$0xFFFFFE10];
	v2 =	vmax.f32 v2, $0.0e+00  }
0x2d9: {  	v0 =	vmax.f32 v0, $0.0e+00;
	[tilespmem:s28+$0xFFFFFF90] =	vst v2;
	v2 =	vld [tilespmem:s3+$0xFFFFFF20]  }
0x2da: {  	v5 =	vmax.f32 v5, $0.0e+00;
	[tilespmem:s28+$0xFFFFFE90] =	vst v0;
	v39 =	vld [tilespmem:s26+$0xFFFFFFA0]  }
0x2db: {  	[tilespmem:s28+$0x1A0] =	vst v5;
	v5 =	vld [tilespmem:s3+$0x10]  }
0x2dc: {  	v9 =	vadd.f32 v31, v12;
	v3 =	vld [tilespmem:s26+$0xFFFFFEA0]  }
0x2dd: {  	v34 =	vld [tilespmem:s26+$0x1B0]  }
0x2de: {  	v9 =	vmax.f32 v9, $0.0e+00;
	v4 =	vld [tilespmem:s3+$0x1B0];
	v7 =	vadd.f32 v8, v7  }
0x2df: {  	[tilespmem:s28+$0x100] =	vst v9;
	v8 =	vld [tilespmem:s26+$0x90]  }
0x2e0: {  	v2 =	vadd.f32 v2, v38;
	v6 =	vmax.f32 v7, $0.0e+00;
	v7 =	vld [tilespmem:s26+$0x110]  }
0x2e1: {  	[tilespmem:s28+$0xFFFFFE10] =	vst v6;
	v6 =	vld [tilespmem:s3+$0x110]  }
0x2e2: {  	v5 =	vadd.f32 v5, v33;
	v2 =	vmax.f32 v2, $0.0e+00;
	v36 =	vld [tilespmem:s26+$0xFFFFFE20]  }
0x2e3: {  	v4 =	vadd.f32 v4, v34;
	v0 =	vld [tilespmem:s3+$0xFFFFFE20];
	[tilespmem:s28+$0xFFFFFF20] =	vst v2  }
0x2e4: {  	v5 =	vmax.f32 v5, $0.0e+00;
	v44 =	vld [tilespmem:s26+$0xFFFFFF30]  }
0x2e5: {  	v4 =	vmax.f32 v4, $0.0e+00;
	[tilespmem:s28+$0x10] =	vst v5;
	v5 =	vld [tilespmem:s3+$0xFFFFFFA0]  }
0x2e6: {  	[tilespmem:s28+$0x1B0] =	vst v4;
	v4 =	vld [tilespmem:s3+$0xFFFFFEA0]  }
0x2e7: {  	v8 =	vadd.f32 v35, v8;
	v37 =	vld [tilespmem:s26+$0x1C0]  }
0x2e8: {  	v1 =	vld [tilespmem:s3+$0x1C0];
	v6 =	vadd.f32 v6, v7  }
0x2e9: {  	v8 =	vmax.f32 v8, $0.0e+00;
	v40 =	vld [tilespmem:s26+$0x20]  }
0x2ea: {  	[tilespmem:s28+$0x90] =	vst v8;
	v8 =	vld [tilespmem:s3+$0x20];
	v0 =	vadd.f32 v0, v36;
	v6 =	vmax.f32 v6, $0.0e+00  }
0x2eb: {  	v7 =	vld [tilespmem:s26+$0xA0];
	[tilespmem:s28+$0x110] =	vst v6  }
0x2ec: {  	v0 =	vmax.f32 v0, $0.0e+00;
	v3 =	vadd.f32 v4, v3;
	v4 =	vld [tilespmem:s26+$0x120]  }
0x2ed: {  	[tilespmem:s28+$0xFFFFFE20] =	vst v0;
	v0 =	vld [tilespmem:s3+$0x120];
	v1 =	vadd.f32 v1, v37  }
0x2ee: {  	v42 =	vld [tilespmem:s26+$0xFFFFFE30];
	v3 =	vmax.f32 v3, $0.0e+00  }
0x2ef: {  	v1 =	vmax.f32 v1, $0.0e+00;
	[tilespmem:s28+$0xFFFFFEA0] =	vst v3;
	v3 =	vld [tilespmem:s3+$0xFFFFFE30]  }
0x2f0: {  	[tilespmem:s28+$0x1C0] =	vst v1;
	v1 =	vld [tilespmem:s3+$0xA0]  }
0x2f1: {  	v5 =	vadd.f32 v5, v39;
	v43 =	vld [tilespmem:s26+$0xFFFFFEB0]  }
0x2f2: {  	v8 =	vadd.f32 v8, v40;
	v2 =	vld [tilespmem:s3+$0xFFFFFEB0]  }
0x2f3: {  	v5 =	vmax.f32 v5, $0.0e+00;
	v41 =	vld [tilespmem:s26+$0x1D0]  }
0x2f4: {  	[tilespmem:s28+$0xFFFFFFA0] =	vst v5;
	v8 =	vmax.f32 v8, $0.0e+00;
	v6 =	vld [tilespmem:s3+$0x1D0];
	v0 =	vadd.f32 v0, v4  }
0x2f5: {  	[tilespmem:s28+$0x20] =	vst v8;
	v8 =	vld [tilespmem:s3+$0xFFFFFFB0];
	v3 =	vadd.f32 v3, v42  }
0x2f6: {  	v4 =	vld [tilespmem:s26+$0x30];
	v0 =	vmax.f32 v0, $0.0e+00;
	v1 =	vadd.f32 v1, v7  }
0x2f7: {  	[tilespmem:s28+$0x120] =	vst v0;
	v7 =	vld [tilespmem:s26+$0xFFFFFFB0];
	v3 =	vmax.f32 v3, $0.0e+00  }
0x2f8: {  	v47 =	vld [tilespmem:s26+$0x130];
	v2 =	vadd.f32 v2, v43;
	v1 =	vmax.f32 v1, $0.0e+00;
	[tilespmem:s28+$0xFFFFFE30] =	vst v3  }
0x2f9: {  	v6 =	vadd.f32 v6, v41;
	[tilespmem:s28+$0xA0] =	vst v1;
	v1 =	vld [tilespmem:s3+$0x30]  }
0x2fa: {  	v2 =	vmax.f32 v2, $0.0e+00;
	v49 =	vld [tilespmem:s26+$0xFFFFFE40]  }
0x2fb: {  	v6 =	vmax.f32 v6, $0.0e+00;
	[tilespmem:s28+$0xFFFFFEB0] =	vst v2;
	v2 =	vld [tilespmem:s3+$0xFFFFFE40]  }
0x2fc: {  	[tilespmem:s28+$0x1D0] =	vst v6;
	v6 =	vld [tilespmem:s3+$0xFFFFFF30]  }
0x2fd: {  	v45 =	vld [tilespmem:s26+$0x1E0]  }
0x2fe: {  	v5 =	vld [tilespmem:s3+$0x1E0];
	v7 =	vadd.f32 v8, v7  }
0x2ff: {  	v46 =	vld [tilespmem:s26+$0xB0]  }
0x300: {  	v0 =	vld [tilespmem:s3+$0xB0];
	v7 =	vmax.f32 v7, $0.0e+00;
	v1 =	vadd.f32 v1, v4  }
0x301: {  	v8 =	vld [tilespmem:s26+$0xFFFFFEC0];
	[tilespmem:s28+$0xFFFFFFB0] =	vst v7;
	v6 =	vadd.f32 v6, v44  }
0x302: {  	v50 =	vld [tilespmem:s26+$0xFFFFFFC0];
	v1 =	vmax.f32 v1, $0.0e+00  }
0x303: {  	v5 =	vadd.f32 v5, v45;
	v6 =	vmax.f32 v6, $0.0e+00;
	[tilespmem:s28+$0x30] =	vst v1;
	v1 =	vld [tilespmem:s3+$0xFFFFFFC0]  }
0x304: {  	[tilespmem:s28+$0xFFFFFF30] =	vst v6;
	v6 =	vld [tilespmem:s3+$0xFFFFFEC0]  }
0x305: {  	v5 =	vmax.f32 v5, $0.0e+00;
	v51 =	vld [tilespmem:s26+$0x40]  }
0x306: {  	v0 =	vadd.f32 v0, v46;
	[tilespmem:s28+$0x1E0] =	vst v5;
	v5 =	vld [tilespmem:s3+$0x130]  }
0x307: {  	v4 =	vld [tilespmem:s26+$0xFFFFFF40]  }
0x308: {  	v0 =	vmax.f32 v0, $0.0e+00;
	v7 =	vld [tilespmem:s3+$0xFFFFFF40]  }
0x309: {  	v2 =	vadd.f32 v2, v49;
	[tilespmem:s28+$0xB0] =	vst v0;
	v0 =	vld [tilespmem:s3+$0x40]  }
0x30a: {  	v52 =	vld [tilespmem:s26+$0xC0]  }
0x30b: {  	v2 =	vmax.f32 v2, $0.0e+00;
	v48 =	vld [tilespmem:s26+$0x1F0];
	v6 =	vadd.f32 v6, v8  }
0x30c: {  	[tilespmem:s28+$0xFFFFFE40] =	vst v2;
	v3 =	vld [tilespmem:s3+$0x1F0];
	v5 =	vadd.f32 v5, v47  }
0x30d: {  	v4 =	vadd.f32 v7, v4;
	v7 =	vld [tilespmem:s26+$0xFFFFFE50];
	v6 =	vmax.f32 v6, $0.0e+00  }
0x30e: {  	v5 =	vmax.f32 v5, $0.0e+00;
	[tilespmem:s28+$0xFFFFFEC0] =	vst v6;
	v6 =	vld [tilespmem:s3+$0xFFFFFE50]  }
0x30f: {  	[tilespmem:s28+$0x130] =	vst v5;
	v5 =	vld [tilespmem:s3+$0xC0]  }
0x310: {  	v1 =	vadd.f32 v1, v50;
	v4 =	vmax.f32 v4, $0.0e+00;
	v53 =	vld [tilespmem:s26+$0xFFFFFED0]  }
0x311: {  	[tilespmem:s28+$0xFFFFFF40] =	vst v4;
	v4 =	vld [tilespmem:s3+$0xFFFFFED0]  }
0x312: {  	v0 =	vadd.f32 v0, v51;
	v1 =	vmax.f32 v1, $0.0e+00;
	v8 =	vld [tilespmem:s26+$0x140]  }
0x313: {  	[tilespmem:s28+$0xFFFFFFC0] =	vst v1;
	v2 =	vld [tilespmem:s3+$0x140]  }
0x314: {  	v0 =	vmax.f32 v0, $0.0e+00;
	v55 =	vld [tilespmem:s26+$0xFFFFFFD0]  }
0x315: {  	[tilespmem:s28+$0x40] =	vst v0;
	v0 =	vld [tilespmem:s3+$0xFFFFFFD0];
	v6 =	vadd.f32 v6, v7  }
0x316: {  	v54 =	vld [tilespmem:s26+$0xFFFFFF50];
	v5 =	vadd.f32 v5, v52  }
0x317: {  	v1 =	vld [tilespmem:s3+$0xFFFFFF50];
	v6 =	vmax.f32 v6, $0.0e+00  }
0x318: {  	v4 =	vadd.f32 v4, v53;
	v2 =	vadd.f32 v2, v8;
	v8 =	vld [tilespmem:s26+$0x50];
	v5 =	vmax.f32 v5, $0.0e+00;
	[tilespmem:s28+$0xFFFFFE50] =	vst v6  }
0x319: {  	[tilespmem:s28+$0xC0] =	vst v5;
	v5 =	vld [tilespmem:s3+$0x50]  }
0x31a: {  	v4 =	vmax.f32 v4, $0.0e+00;
	v57 =	vld [tilespmem:s26+$0xFFFFFE60]  }
0x31b: {  	[tilespmem:s28+$0xFFFFFED0] =	vst v4;
	v4 =	vld [tilespmem:s3+$0xFFFFFE60]  }
0x31c: {  	v1 =	vadd.f32 v1, v54;
	v2 =	vmax.f32 v2, $0.0e+00;
	v7 =	vld [tilespmem:s26+$0xD0]  }
0x31d: {  	[tilespmem:s28+$0x140] =	vst v2;
	v2 =	vld [tilespmem:s3+$0xD0]  }
0x31e: {  	v1 =	vmax.f32 v1, $0.0e+00;
	v58 =	vld [tilespmem:s26+$0xFFFFFEE0]  }
0x31f: {  	v0 =	vadd.f32 v0, v55;
	[tilespmem:s28+$0xFFFFFF50] =	vst v1;
	v1 =	vld [tilespmem:s3+$0xFFFFFEE0]  }
0x320: {  	v56 =	vld [tilespmem:s26+$0x150]  }
0x321: {  	v0 =	vmax.f32 v0, $0.0e+00;
	v6 =	vld [tilespmem:s3+$0x150]  }
0x322: {  	[tilespmem:s28+$0xFFFFFFD0] =	vst v0;
	v0 =	vld [tilespmem:s3+$0xFFFFFF60];
	v5 =	vadd.f32 v5, v8  }
0x323: {  	v8 =	vld [tilespmem:s26+$0xFFFFFF60];
	v4 =	vadd.f32 v4, v57  }
0x324: {  	v2 =	vadd.f32 v2, v7;
	v7 =	vld [tilespmem:s26+$0xFFFFFFE0];
	v5 =	vmax.f32 v5, $0.0e+00  }
0x325: {  	v1 =	vadd.f32 v1, v58;
	v4 =	vmax.f32 v4, $0.0e+00;
	[tilespmem:s28+$0x50] =	vst v5;
	v5 =	vld [tilespmem:s3+$0xFFFFFFE0]  }
0x326: {  	v2 =	vmax.f32 v2, $0.0e+00;
	[tilespmem:s28+$0xFFFFFE60] =	vst v4;
	v59 =	vld [tilespmem:s26+$0x60]  }
0x327: {  	v6 =	vadd.f32 v6, v56;
	v1 =	vmax.f32 v1, $0.0e+00;
	[tilespmem:s28+$0xD0] =	vst v2;
	v2 =	vld [tilespmem:s3+$0x60]  }
0x328: {  	[tilespmem:s28+$0xFFFFFEE0] =	vst v1;
	v1 =	vld [tilespmem:s3+$0xFFFFFE70]  }
0x329: {  	v6 =	vmax.f32 v6, $0.0e+00;
	v60 =	vld [tilespmem:s26+$0xE0]  }
0x32a: {  	[tilespmem:s28+$0x150] =	vst v6;
	v6 =	vld [tilespmem:s3+$0xE0]  }
0x32b: {  	v0 =	vadd.f32 v0, v8;
	v8 =	vld [tilespmem:s26+$0xFFFFFE70]  }
0x32c: {  	v13 =	vld [tilespmem:s3+$0xFFFFFEF0]  }
0x32d: {  	v61 =	vld [tilespmem:s26+$0x160]  }
0x32e: {  	v4 =	vld [tilespmem:s3+$0x160];
	v0 =	vmax.f32 v0, $0.0e+00;
	v5 =	vadd.f32 v5, v7  }
0x32f: {  	v7 =	vld [tilespmem:s26+$0xFFFFFEF0];
	[tilespmem:s28+$0xFFFFFF60] =	vst v0  }
0x330: {  	v2 =	vadd.f32 v2, v59;
	v62 =	vld [tilespmem:s3+$0xFFFFFF70];
	v0 =	vmax.f32 v5, $0.0e+00  }
0x331: {  	v3 =	vadd.f32 v3, v48;
	v5 =	vld [tilespmem:s26+$0xFFFFFF70];
	[tilespmem:s28+$0xFFFFFFE0] =	vst v0  }
0x332: {  	v0 =	vmax.f32 v2, $0.0e+00;
	v2 =	vadd.f32 v6, v60;
	v6 =	vld [tilespmem:s26+$0xFFFFFFF0]  }
0x333: {  	[tilespmem:s28+$0x60] =	vst v0;
	v0 =	vmax.f32 v3, $0.0e+00;
	v3 =	vadd.f32 v4, v61;
	v63 =	vld [tilespmem:s3+$0xFFFFFFF0]  }
0x334: {  	v1 =	vadd.f32 v1, v8;
	[tilespmem:s28+$0x1F0] =	vst v0;
	v2 =	vmax.f32 v2, $0.0e+00;
	v0 =	vld [tilespmem:s26+$0x70]  }
0x335: {  	v4 =	vadd.f32 v13, v7;
	[tilespmem:s28+$0xE0] =	vst v2;
	v3 =	vmax.f32 v3, $0.0e+00;
	v2 =	vld [tilespmem:s3+$0x70]  }
0x336: {  	[tilespmem:s28+$0x160] =	vst v3;
	v3 =	vmax.f32 v1, $0.0e+00;
	v5 =	vadd.f32 v62, v5;
	v1 =	vld [tilespmem:s26+$0xF0]  }
0x337: {  	[tilespmem:s28+$0xFFFFFE70] =	vst v3;
	v3 =	vmax.f32 v4, $0.0e+00;
	v4 =	vld [tilespmem:s3+$0xF0]  }
0x338: {  	[tilespmem:s28+$0xFFFFFEF0] =	vst v3;
	v5 =	vmax.f32 v5, $0.0e+00;
	v3 =	vld [tilespmem:s26+$0x170];
	v6 =	vadd.f32 v63, v6  }
0x339: {  	s29 =	simm.s32 $0x13E80;
	s26 =	simm.s32 $0x0;
	[tilespmem:s28+$0xFFFFFF70] =	vst v5;
	v5 =	vld [tilespmem:s3+$0x170]  }
.LBB2_7:
0x33a: {  	v7 =	vld [tilespmem:s29+$0x180];
	v6 =	vmax.f32 v6, $0.0e+00;
	v0 =	vadd.f32 v2, v0;
	s3 =	sadd.s32 $0x400, s3  }
0x33b: {  	v2 =	vld [tilespmem:s3+$0x180];
	[tilespmem:s28+$0xFFFFFFF0] =	vst v6  }
0x33c: {  	v6 =	vld [tilespmem:s3+$0xFFFFFE00];
	v0 =	vmax.f32 v0, $0.0e+00;
	v1 =	vadd.f32 v4, v1  }
0x33d: {  	v4 =	vld [tilespmem:s29+$0xFFFFFE80];
	[tilespmem:s28+$0x70] =	vst v0  }
0x33e: {  	v0 =	vld [tilespmem:s3+$0xFFFFFE80];
	v1 =	vmax.f32 v1, $0.0e+00;
	v3 =	vadd.f32 v5, v3  }
0x33f: {  	v5 =	vld [tilespmem:s29+$0xFFFFFF00];
	[tilespmem:s28+$0xF0] =	vst v1  }
0x340: {  	v1 =	vld [tilespmem:s3+$0xFFFFFF00];
	v2 =	vadd.f32 v2, v7;
	v3 =	vmax.f32 v3, $0.0e+00  }
0x341: {  	v7 =	vld [tilespmem:s29+$0xFFFFFF80];
	[tilespmem:s28+$0x170] =	vst v3  }
0x342: {  	s26 =	sadd.s32 $0x8, s26;
	s28 =	sadd.s32 $0x400, s28;
	v3 =	vld [tilespmem:s3+$0xFFFFFF80];
	v2 =	vmax.f32 v2, $0.0e+00  }
0x343: {  	p3 =	slt.u32 s26, $0x38;
	v0 =	vadd.f32 v0, v4;
	v4 =	vld [tilespmem:s29+$0x0];
	[tilespmem:s28+$0x180] =	vst v2  }
0x344: {  	v2 =	vld [tilespmem:s29+$0x190]  }
0x345: {  	v0 =	vmax.f32 v0, $0.0e+00;
	v1 =	vadd.f32 v1, v5;
	v5 =	vld [tilespmem:s3+$0x190]  }
0x346: {  	[tilespmem:s28+$0xFFFFFE80] =	vst v0;
	v0 =	vld [tilespmem:s3+$0x0]  }
0x347: {  	v1 =	vmax.f32 v1, $0.0e+00;
	v3 =	vadd.f32 v3, v7;
	v7 =	vld [tilespmem:s29+$0x80]  }
0x348: {  	[tilespmem:s28+$0xFFFFFF00] =	vst v1;
	v1 =	vld [tilespmem:s3+$0x80]  }
0x349: {  	v3 =	vmax.f32 v3, $0.0e+00;
	v8 =	vld [tilespmem:s29+$0x100]  }
0x34a: {  	[tilespmem:s28+$0xFFFFFF80] =	vst v3;
	v3 =	vld [tilespmem:s3+$0x100];
	v2 =	vadd.f32 v5, v2  }
0x34b: {  	v5 =	vld [tilespmem:s29+$0xFFFFFE00];
	v0 =	vadd.f32 v0, v4  }
0x34c: {  	v4 =	vld [tilespmem:s29+$0xFFFFFE90];
	v2 =	vmax.f32 v2, $0.0e+00  }
0x34d: {  	v9 =	vld [tilespmem:s3+$0xFFFFFE90];
	v0 =	vmax.f32 v0, $0.0e+00;
	v1 =	vadd.f32 v1, v7;
	[tilespmem:s28+$0x190] =	vst v2  }
0x34e: {  	[tilespmem:s28+$0x0] =	vst v0;
	v0 =	vld [tilespmem:s29+$0x1A0]  }
0x34f: {  	v1 =	vmax.f32 v1, $0.0e+00;
	v2 =	vadd.f32 v3, v8;
	v3 =	vld [tilespmem:s3+$0x1A0]  }
0x350: {  	v5 =	vadd.f32 v6, v5;
	v6 =	vld [tilespmem:s29+$0xFFFFFF10];
	[tilespmem:s28+$0x80] =	vst v1  }
0x351: {  	v1 =	vld [tilespmem:s3+$0xFFFFFF10];
	v2 =	vmax.f32 v2, $0.0e+00  }
0x352: {  	v5 =	vmax.f32 v5, $0.0e+00;
	v4 =	vadd.f32 v9, v4;
	v7 =	vld [tilespmem:s29+$0xFFFFFF90];
	[tilespmem:s28+$0x100] =	vst v2  }
0x353: {  	[tilespmem:s28+$0xFFFFFE00] =	vst v5;
	v2 =	vld [tilespmem:s3+$0xFFFFFF90]  }
0x354: {  	v5 =	vld [tilespmem:s29+$0xFFFFFE10];
	v4 =	vmax.f32 v4, $0.0e+00;
	v0 =	vadd.f32 v3, v0  }
0x355: {  	v3 =	vld [tilespmem:s3+$0xFFFFFE10];
	[tilespmem:s28+$0xFFFFFE90] =	vst v4  }
0x356: {  	v1 =	vadd.f32 v1, v6;
	v4 =	vld [tilespmem:s29+$0x10];
	v0 =	vmax.f32 v0, $0.0e+00  }
0x357: {  	v6 =	vld [tilespmem:s3+$0x10];
	[tilespmem:s28+$0x1A0] =	vst v0  }
0x358: {  	v0 =	vmax.f32 v1, $0.0e+00;
	v1 =	vadd.f32 v2, v7;
	v2 =	vld [tilespmem:s29+$0x1B0]  }
0x359: {  	[tilespmem:s28+$0xFFFFFF10] =	vst v0;
	v0 =	vld [tilespmem:s3+$0x1B0]  }
0x35a: {  	v3 =	vadd.f32 v3, v5;
	v1 =	vmax.f32 v1, $0.0e+00;
	v5 =	vld [tilespmem:s29+$0x90]  }
0x35b: {  	[tilespmem:s28+$0xFFFFFF90] =	vst v1;
	v1 =	vld [tilespmem:s3+$0x90]  }
0x35c: {  	v3 =	vmax.f32 v3, $0.0e+00;
	v4 =	vadd.f32 v6, v4;
	v6 =	vld [tilespmem:s29+$0x110]  }
0x35d: {  	[tilespmem:s28+$0xFFFFFE10] =	vst v3;
	v3 =	vld [tilespmem:s3+$0x110]  }
0x35e: {  	v7 =	vld [tilespmem:s29+$0xFFFFFE20];
	v4 =	vmax.f32 v4, $0.0e+00;
	v0 =	vadd.f32 v0, v2  }
0x35f: {  	v2 =	vld [tilespmem:s3+$0xFFFFFE20];
	[tilespmem:s28+$0x10] =	vst v4  }
0x360: {  	v4 =	vld [tilespmem:s29+$0xFFFFFEA0];
	v1 =	vadd.f32 v1, v5;
	v0 =	vmax.f32 v0, $0.0e+00  }
0x361: {  	v5 =	vld [tilespmem:s3+$0xFFFFFEA0];
	[tilespmem:s28+$0x1B0] =	vst v0  }
0x362: {  	v0 =	vmax.f32 v1, $0.0e+00;
	v1 =	vadd.f32 v3, v6;
	v3 =	vld [tilespmem:s29+$0x1C0]  }
0x363: {  	[tilespmem:s28+$0x90] =	vst v0;
	v0 =	vld [tilespmem:s3+$0x1C0]  }
0x364: {  	v2 =	vadd.f32 v2, v7;
	v6 =	vld [tilespmem:s29+$0xFFFFFF20];
	v1 =	vmax.f32 v1, $0.0e+00  }
0x365: {  	v7 =	vld [tilespmem:s3+$0xFFFFFF20];
	[tilespmem:s28+$0x110] =	vst v1  }
0x366: {  	v1 =	vmax.f32 v2, $0.0e+00;
	v2 =	vadd.f32 v5, v4;
	v4 =	vld [tilespmem:s29+$0xFFFFFFA0]  }
0x367: {  	[tilespmem:s28+$0xFFFFFE20] =	vst v1;
	v1 =	vld [tilespmem:s3+$0xFFFFFFA0]  }
0x368: {  	v2 =	vmax.f32 v2, $0.0e+00;
	v5 =	vld [tilespmem:s29+$0x20];
	v0 =	vadd.f32 v0, v3  }
0x369: {  	[tilespmem:s28+$0xFFFFFEA0] =	vst v2;
	v2 =	vld [tilespmem:s3+$0x20]  }
0x36a: {  	v3 =	vadd.f32 v7, v6;
	v6 =	vld [tilespmem:s29+$0xA0];
	v0 =	vmax.f32 v0, $0.0e+00  }
0x36b: {  	v7 =	vld [tilespmem:s3+$0xA0];
	[tilespmem:s28+$0x1C0] =	vst v0  }
0x36c: {  	v0 =	vmax.f32 v3, $0.0e+00;
	v1 =	vadd.f32 v1, v4;
	v3 =	vld [tilespmem:s29+$0x1D0]  }
0x36d: {  	[tilespmem:s28+$0xFFFFFF20] =	vst v0;
	v0 =	vld [tilespmem:s3+$0x1D0]  }
0x36e: {  	v1 =	vmax.f32 v1, $0.0e+00;
	v2 =	vadd.f32 v2, v5;
	v4 =	vld [tilespmem:s29+$0x120]  }
0x36f: {  	[tilespmem:s28+$0xFFFFFFA0] =	vst v1;
	v1 =	vld [tilespmem:s3+$0x120]  }
0x370: {  	v5 =	vld [tilespmem:s29+$0xFFFFFE30];
	v2 =	vmax.f32 v2, $0.0e+00;
	v6 =	vadd.f32 v7, v6  }
0x371: {  	v7 =	vld [tilespmem:s3+$0xFFFFFE30];
	[tilespmem:s28+$0x20] =	vst v2  }
0x372: {  	v2 =	vld [tilespmem:s29+$0xFFFFFEB0];
	v6 =	vmax.f32 v6, $0.0e+00;
	v0 =	vadd.f32 v0, v3  }
0x373: {  	v3 =	vld [tilespmem:s3+$0xFFFFFEB0];
	[tilespmem:s28+$0xA0] =	vst v6  }
0x374: {  	v6 =	vld [tilespmem:s29+$0xFFFFFF30];
	v1 =	vadd.f32 v1, v4;
	v0 =	vmax.f32 v0, $0.0e+00  }
0x375: {  	v4 =	vld [tilespmem:s3+$0xFFFFFF30];
	[tilespmem:s28+$0x1D0] =	vst v0  }
0x376: {  	v0 =	vadd.f32 v7, v5;
	v1 =	vmax.f32 v1, $0.0e+00;
	v5 =	vld [tilespmem:s29+$0x1E0]  }
0x377: {  	[tilespmem:s28+$0x120] =	vst v1;
	v1 =	vld [tilespmem:s3+$0x1E0]  }
0x378: {  	v0 =	vmax.f32 v0, $0.0e+00;
	v2 =	vadd.f32 v3, v2;
	v3 =	vld [tilespmem:s29+$0xFFFFFFB0]  }
0x379: {  	[tilespmem:s28+$0xFFFFFE30] =	vst v0;
	v0 =	vld [tilespmem:s3+$0xFFFFFFB0]  }
0x37a: {  	v2 =	vmax.f32 v2, $0.0e+00;
	v4 =	vadd.f32 v4, v6;
	v6 =	vld [tilespmem:s29+$0x30]  }
0x37b: {  	[tilespmem:s28+$0xFFFFFEB0] =	vst v2;
	v2 =	vld [tilespmem:s3+$0x30]  }
0x37c: {  	v4 =	vmax.f32 v4, $0.0e+00;
	v7 =	vld [tilespmem:s29+$0xB0];
	v1 =	vadd.f32 v1, v5  }
0x37d: {  	[tilespmem:s28+$0xFFFFFF30] =	vst v4;
	v4 =	vld [tilespmem:s3+$0xB0]  }
0x37e: {  	v0 =	vadd.f32 v0, v3;
	v3 =	vld [tilespmem:s29+$0x130];
	v1 =	vmax.f32 v1, $0.0e+00  }
0x37f: {  	v5 =	vld [tilespmem:s3+$0x130];
	[tilespmem:s28+$0x1E0] =	vst v1  }
0x380: {  	v0 =	vmax.f32 v0, $0.0e+00;
	v1 =	vadd.f32 v2, v6;
	v2 =	vld [tilespmem:s29+$0x1F0]  }
0x381: {  	[tilespmem:s28+$0xFFFFFFB0] =	vst v0;
	v0 =	vld [tilespmem:s3+$0x1F0]  }
0x382: {  	v6 =	vld [tilespmem:s29+$0xFFFFFE40];
	v1 =	vmax.f32 v1, $0.0e+00;
	v4 =	vadd.f32 v4, v7  }
0x383: {  	v7 =	vld [tilespmem:s3+$0xFFFFFE40];
	[tilespmem:s28+$0x30] =	vst v1  }
0x384: {  	v1 =	vld [tilespmem:s29+$0xFFFFFEC0];
	v4 =	vmax.f32 v4, $0.0e+00;
	v3 =	vadd.f32 v5, v3  }
0x385: {  	v5 =	vld [tilespmem:s3+$0xFFFFFEC0];
	[tilespmem:s28+$0xB0] =	vst v4  }
0x386: {  	v4 =	vld [tilespmem:s29+$0xFFFFFF40];
	v3 =	vmax.f32 v3, $0.0e+00;
	v0 =	vadd.f32 v0, v2  }
0x387: {  	v2 =	vld [tilespmem:s3+$0xFFFFFF40];
	[tilespmem:s28+$0x130] =	vst v3  }
0x388: {  	v3 =	vadd.f32 v7, v6;
	v6 =	vld [tilespmem:s29+$0xFFFFFFC0];
	v0 =	vmax.f32 v0, $0.0e+00  }
0x389: {  	v7 =	vld [tilespmem:s3+$0xFFFFFFC0];
	[tilespmem:s28+$0x1F0] =	vst v0  }
0x38a: {  	v0 =	vmax.f32 v3, $0.0e+00;
	v1 =	vadd.f32 v5, v1;
	v3 =	vld [tilespmem:s29+$0x40]  }
0x38b: {  	[tilespmem:s28+$0xFFFFFE40] =	vst v0;
	v0 =	vld [tilespmem:s3+$0x40]  }
0x38c: {  	v1 =	vmax.f32 v1, $0.0e+00;
	v2 =	vadd.f32 v2, v4;
	v4 =	vld [tilespmem:s29+$0xC0]  }
0x38d: {  	[tilespmem:s28+$0xFFFFFEC0] =	vst v1;
	v1 =	vld [tilespmem:s3+$0xC0]  }
0x38e: {  	v2 =	vmax.f32 v2, $0.0e+00;
	v5 =	vadd.f32 v7, v6;
	v6 =	vld [tilespmem:s29+$0x140]  }
0x38f: {  	[tilespmem:s28+$0xFFFFFF40] =	vst v2;
	v2 =	vld [tilespmem:s3+$0x140]  }
0x390: {  	v7 =	vld [tilespmem:s29+$0xFFFFFE50];
	v5 =	vmax.f32 v5, $0.0e+00;
	v0 =	vadd.f32 v0, v3  }
0x391: {  	v3 =	vld [tilespmem:s3+$0xFFFFFE50];
	[tilespmem:s28+$0xFFFFFFC0] =	vst v5  }
0x392: {  	v5 =	vld [tilespmem:s29+$0xFFFFFED0];
	v0 =	vmax.f32 v0, $0.0e+00;
	v1 =	vadd.f32 v1, v4  }
0x393: {  	v4 =	vld [tilespmem:s3+$0xFFFFFED0];
	[tilespmem:s28+$0x40] =	vst v0  }
0x394: {  	v0 =	vld [tilespmem:s29+$0xFFFFFF50];
	v1 =	vmax.f32 v1, $0.0e+00;
	v2 =	vadd.f32 v2, v6  }
0x395: {  	v6 =	vld [tilespmem:s3+$0xFFFFFF50];
	[tilespmem:s28+$0xC0] =	vst v1  }
0x396: {  	v1 =	vadd.f32 v3, v7;
	v3 =	vld [tilespmem:s29+$0xFFFFFFD0];
	v2 =	vmax.f32 v2, $0.0e+00  }
0x397: {  	v7 =	vld [tilespmem:s3+$0xFFFFFFD0];
	[tilespmem:s28+$0x140] =	vst v2  }
0x398: {  	v1 =	vmax.f32 v1, $0.0e+00;
	v2 =	vadd.f32 v4, v5;
	v4 =	vld [tilespmem:s29+$0x50]  }
0x399: {  	[tilespmem:s28+$0xFFFFFE50] =	vst v1;
	v1 =	vld [tilespmem:s3+$0x50]  }
0x39a: {  	v2 =	vmax.f32 v2, $0.0e+00;
	v0 =	vadd.f32 v6, v0;
	v5 =	vld [tilespmem:s29+$0xD0]  }
0x39b: {  	[tilespmem:s28+$0xFFFFFED0] =	vst v2;
	v2 =	vld [tilespmem:s3+$0xD0]  }
0x39c: {  	v0 =	vmax.f32 v0, $0.0e+00;
	v3 =	vadd.f32 v7, v3;
	v6 =	vld [tilespmem:s29+$0x150]  }
0x39d: {  	[tilespmem:s28+$0xFFFFFF50] =	vst v0;
	v0 =	vld [tilespmem:s3+$0x150]  }
0x39e: {  	v7 =	vld [tilespmem:s29+$0xFFFFFE60];
	v3 =	vmax.f32 v3, $0.0e+00;
	v1 =	vadd.f32 v1, v4  }
0x39f: {  	v4 =	vld [tilespmem:s3+$0xFFFFFE60];
	[tilespmem:s28+$0xFFFFFFD0] =	vst v3  }
0x3a0: {  	v3 =	vld [tilespmem:s29+$0xFFFFFEE0];
	v1 =	vmax.f32 v1, $0.0e+00;
	v2 =	vadd.f32 v2, v5  }
0x3a1: {  	v5 =	vld [tilespmem:s3+$0xFFFFFEE0];
	[tilespmem:s28+$0x50] =	vst v1  }
0x3a2: {  	v1 =	vld [tilespmem:s29+$0xFFFFFF60];
	v2 =	vmax.f32 v2, $0.0e+00;
	v0 =	vadd.f32 v0, v6  }
0x3a3: {  	v6 =	vld [tilespmem:s3+$0xFFFFFF60];
	[tilespmem:s28+$0xD0] =	vst v2  }
0x3a4: {  	v2 =	vadd.f32 v4, v7;
	v4 =	vld [tilespmem:s29+$0xFFFFFFE0];
	v0 =	vmax.f32 v0, $0.0e+00  }
0x3a5: {  	v7 =	vld [tilespmem:s3+$0xFFFFFFE0];
	[tilespmem:s28+$0x150] =	vst v0  }
0x3a6: {  	v0 =	vmax.f32 v2, $0.0e+00;
	v2 =	vadd.f32 v5, v3;
	v3 =	vld [tilespmem:s29+$0x60]  }
0x3a7: {  	[tilespmem:s28+$0xFFFFFE60] =	vst v0;
	v0 =	vld [tilespmem:s3+$0x60]  }
0x3a8: {  	v2 =	vmax.f32 v2, $0.0e+00;
	v1 =	vadd.f32 v6, v1;
	v5 =	vld [tilespmem:s29+$0xE0]  }
0x3a9: {  	[tilespmem:s28+$0xFFFFFEE0] =	vst v2;
	v2 =	vld [tilespmem:s3+$0xE0]  }
0x3aa: {  	v1 =	vmax.f32 v1, $0.0e+00;
	v4 =	vadd.f32 v7, v4;
	v6 =	vld [tilespmem:s29+$0x160]  }
0x3ab: {  	[tilespmem:s28+$0xFFFFFF60] =	vst v1;
	v1 =	vld [tilespmem:s3+$0x160]  }
0x3ac: {  	v7 =	vld [tilespmem:s29+$0xFFFFFE70];
	v4 =	vmax.f32 v4, $0.0e+00;
	v0 =	vadd.f32 v0, v3  }
0x3ad: {  	v3 =	vld [tilespmem:s3+$0xFFFFFE70];
	[tilespmem:s28+$0xFFFFFFE0] =	vst v4  }
0x3ae: {  	v4 =	vld [tilespmem:s29+$0xFFFFFEF0];
	v0 =	vmax.f32 v0, $0.0e+00;
	v2 =	vadd.f32 v2, v5  }
0x3af: {  	v5 =	vld [tilespmem:s3+$0xFFFFFEF0];
	[tilespmem:s28+$0x60] =	vst v0  }
0x3b0: {  	v8 =	vld [tilespmem:s29+$0xFFFFFF70];
	v0 =	vmax.f32 v2, $0.0e+00;
	v1 =	vadd.f32 v1, v6  }
0x3b1: {  	v6 =	vld [tilespmem:s3+$0xFFFFFF70];
	[tilespmem:s28+$0xE0] =	vst v0  }
0x3b2: {  	v0 =	vadd.f32 v3, v7;
	v3 =	vld [tilespmem:s29+$0xFFFFFFF0];
	v1 =	vmax.f32 v1, $0.0e+00  }
0x3b3: {  	v7 =	vld [tilespmem:s3+$0xFFFFFFF0];
	[tilespmem:s28+$0x160] =	vst v1  }
0x3b4: {  	v1 =	vmax.f32 v0, $0.0e+00;
	v4 =	vadd.f32 v5, v4;
	v0 =	vld [tilespmem:s29+$0x70]  }
.Ltmp4:
0x3b5: {  	[tilespmem:s28+$0xFFFFFE70] =	vst v1;
	v2 =	vld [tilespmem:s3+$0x70];
	(pc) =	sbr.rel @p3 .LBB2_7-.Ltmp4, $4  }
0x3b6: {  	v4 =	vmax.f32 v4, $0.0e+00;
	v5 =	vadd.f32 v6, v8;
	v1 =	vld [tilespmem:s29+$0xF0]  }
0x3b7: {  	[tilespmem:s28+$0xFFFFFEF0] =	vst v4;
	v4 =	vld [tilespmem:s3+$0xF0]  }
0x3b8: {  	v5 =	vmax.f32 v5, $0.0e+00;
	v6 =	vadd.f32 v7, v3;
	v3 =	vld [tilespmem:s29+$0x170]  }
0x3b9: {  	s29 =	sadd.s32 $0x400, s29;
	[tilespmem:s28+$0xFFFFFF70] =	vst v5;
	v5 =	vld [tilespmem:s3+$0x170]  }
0x3ba: {  	_ =	sdelay $0x1  }
0x3bb: {  	v0 =	vadd.f32 v2, v0  }
0x3bc: {  	v2 =	vmax.f32 v6, $0.0e+00;
	v1 =	vadd.f32 v4, v1  }
0x3bd: {  	[tilespmem:s28+$0xFFFFFFF0] =	vst v2;
	v0 =	vmax.f32 v0, $0.0e+00;
	v2 =	vadd.f32 v5, v3  }
0x3be: {  	[tilespmem:s28+$0x70] =	vst v0;
	v0 =	vmax.f32 v1, $0.0e+00  }
0x3bf: {  	[tilespmem:s28+$0xF0] =	vst v0;
	v0 =	vmax.f32 v2, $0.0e+00  }
0x3c0: {  	s3 =	simm.s32 @!p2 $0x3;
	[tilespmem:s28+$0x170] =	vst v0  }
0x3c1: {  	[spmem:s5] =	stream.indirect.scatter.add.f32 [tilespmem:s11], [sflag:$0x7], $0x80, s10, s31, $0xb8;
	[tilespmem:$0x1FB80] =	vst v63  }
0x3c2: {  	_ =	swait.ge @!p2 [sflag:s3], $0x80  }
0x3c3: {  	s26 =	simm.s32 @!p2 $0x1F880;
	[sflag:s3] =	ssyncset.done @!p2 $0x0  }
0x3c4: {  	s28 =	simm.s32 @!p2 $0x13880;
	[sflag:s3] =	ssyncadd.s32 @!p2 $0xFFFFFF80;
	s3 =	simm.s32 @!p2 $0x40  }
0x3c5: {  	[tilespmem:s28], [sflag:$0x1] =	stream.indirect.gather @!p2 [hbm4b:s0+s3], $0x80, s26, s3, $0xb8;
	[tilespmem:$0x1FB80] =	vst v63  }
0x3c6: {  	s3 =	sshll.u32 @!p2 s16, $0xD  }
0x3c7: {  	s3 =	sadd.s32 @!p2 s21, s3  }
0x3c8: {  	s3 =	sshrl.u32 @!p2 s3, $0x3  }
0x3c9: {  	s16 =	simm.s32 @!p2 $0x0;
	s26 =	simm.s32 @!p2 $0x17880;
	s3 =	sadd.s32 @!p2 s2, s3  }
0x3ca: {  	[tilespmem:s26], [sflag:$0x1] =	stream.linear.gather @!p2 [hbm4b:s3+s16], $0x2000, $0x38;
	[tilespmem:$0x1FB80] =	vst v63  }
0x3cb: {  	_ =	swait.ge [sflag:s13], $0x2000  }
0x3cc: {  	[sflag:s13] =	ssyncset.done $0x0  }
0x3cd: {  	[sflag:s13] =	ssyncadd.s32 $0xFFFFE000  }
0x3ce: {  	_ =	swait.ge [sflag:s13], $0x2000  }
0x3cf: {  	[sflag:s13] =	ssyncset.done $0x0  }
0x3d0: {  	[sflag:s13] =	ssyncadd.s32 $0xFFFFE000  }
0x3d1: {  	_ =	swait.ge [sflag:s19], $0x2000  }
0x3d2: {  	[sflag:s19] =	ssyncset.done $0x0  }
0x3d3: {  	[sflag:s19] =	ssyncadd.s32 $0xFFFFE000  }
0x3d4: {  	v0 =	vld [tilespmem:$0x1FA40]  }
0x3d5: {  	v1 =	vld [tilespmem:$0x1FA50]  }
0x3d6: {  	v2 =	vld [tilespmem:$0x1FA60]  }
0x3d7: {  	v3 =	vld [tilespmem:$0x1FA70];
	_ =	sdelay $0x1  }
0x3d8: {  	[tilespmem:$0x1FB00] =	vst v0  }
0x3d9: {  	[tilespmem:$0x1FB10] =	vst v1  }
0x3da: {  	[tilespmem:$0x1FB20] =	vst v2  }
0x3db: {  	s29 =	simm.s32 $0x15A80;
	[tilespmem:$0x1FB30] =	vst v3  }
0x3dc: {  	s3 =	simm.s32 $0x19A80;
	v0 =	vld [tilespmem:s29+$0x180]  }
0x3dd: {  	v1 =	vld [tilespmem:s3+$0x180]  }
0x3de: {  	v2 =	vld [tilespmem:s3+$0xFFFFFE00]  }
0x3df: {  	v3 =	vld [tilespmem:s29+$0xFFFFFE80]  }
0x3e0: {  	v4 =	vld [tilespmem:s3+$0xFFFFFE80]  }
0x3e1: {  	v5 =	vld [tilespmem:s29+$0xFFFFFF00]  }
0x3e2: {  	v6 =	vld [tilespmem:s3+$0xFFFFFF00]  }
0x3e3: {  	v7 =	vld [tilespmem:s3+$0xFFFFFF80]  }
0x3e4: {  	v8 =	vld [tilespmem:s29+$0x0]  }
0x3e5: {  	v10 =	vld [tilespmem:s3+$0x0];
	v0 =	vadd.f32 v1, v0  }
0x3e6: {  	v11 =	vld [tilespmem:s29+$0x80];
	v3 =	vadd.f32 v4, v3  }
0x3e7: {  	s16 =	simm.s32 $0x1DA80;
	v12 =	vld [tilespmem:s29+$0x100];
	v0 =	vmax.f32 v0, $0.0e+00  }
0x3e8: {  	v1 =	vld [tilespmem:s29+$0xFFFFFF80];
	v3 =	vmax.f32 v3, $0.0e+00;
	[tilespmem:s16+$0x180] =	vst v0  }
0x3e9: {  	[tilespmem:s16+$0xFFFFFE80] =	vst v3;
	v3 =	vld [tilespmem:s29+$0xFFFFFE00]  }
0x3ea: {  	v0 =	vld [tilespmem:s29+$0x190]  }
0x3eb: {  	v5 =	vadd.f32 v6, v5;
	v9 =	vld [tilespmem:s3+$0x190]  }
0x3ec: {  	v31 =	vld [tilespmem:s3+$0x100]  }
0x3ed: {  	v4 =	vld [tilespmem:s3+$0x80];
	v5 =	vmax.f32 v5, $0.0e+00;
	v1 =	vadd.f32 v7, v1  }
0x3ee: {  	[tilespmem:s16+$0xFFFFFF00] =	vst v5;
	v6 =	vld [tilespmem:s29+$0xFFFFFE90]  }
0x3ef: {  	v1 =	vmax.f32 v1, $0.0e+00;
	v2 =	vadd.f32 v2, v3;
	v3 =	vld [tilespmem:s29+$0xFFFFFF10]  }
0x3f0: {  	[tilespmem:s16+$0xFFFFFF80] =	vst v1;
	v1 =	vld [tilespmem:s3+$0xFFFFFF10];
	v0 =	vadd.f32 v9, v0  }
0x3f1: {  	v32 =	vld [tilespmem:s29+$0xFFFFFF90];
	v2 =	vmax.f32 v2, $0.0e+00  }
0x3f2: {  	v8 =	vadd.f32 v10, v8;
	v0 =	vmax.f32 v0, $0.0e+00;
	[tilespmem:s16+$0xFFFFFE00] =	vst v2;
	v2 =	vld [tilespmem:s3+$0xFFFFFF90]  }
0x3f3: {  	v4 =	vadd.f32 v4, v11;
	[tilespmem:s16+$0x190] =	vst v0;
	v0 =	vld [tilespmem:s3+$0xFFFFFE90]  }
0x3f4: {  	v8 =	vmax.f32 v8, $0.0e+00;
	v7 =	vld [tilespmem:s29+$0x1A0]  }
0x3f5: {  	[tilespmem:s16+$0x0] =	vst v8;
	v4 =	vmax.f32 v4, $0.0e+00;
	v5 =	vld [tilespmem:s3+$0x1A0];
	v1 =	vadd.f32 v1, v3  }
0x3f6: {  	v33 =	vld [tilespmem:s29+$0x10];
	[tilespmem:s16+$0x80] =	vst v4  }
0x3f7: {  	v35 =	vld [tilespmem:s3+$0x90];
	v1 =	vmax.f32 v1, $0.0e+00  }
0x3f8: {  	v8 =	vld [tilespmem:s3+$0xFFFFFE10];
	v2 =	vadd.f32 v2, v32;
	[tilespmem:s16+$0xFFFFFF10] =	vst v1  }
0x3f9: {  	v0 =	vadd.f32 v0, v6;
	v38 =	vld [tilespmem:s29+$0xFFFFFF20]  }
0x3fa: {  	v5 =	vadd.f32 v5, v7;
	v7 =	vld [tilespmem:s29+$0xFFFFFE10];
	v2 =	vmax.f32 v2, $0.0e+00  }
0x3fb: {  	v0 =	vmax.f32 v0, $0.0e+00;
	[tilespmem:s16+$0xFFFFFF90] =	vst v2;
	v2 =	vld [tilespmem:s3+$0xFFFFFF20]  }
0x3fc: {  	v5 =	vmax.f32 v5, $0.0e+00;
	[tilespmem:s16+$0xFFFFFE90] =	vst v0;
	v39 =	vld [tilespmem:s29+$0xFFFFFFA0]  }
0x3fd: {  	[tilespmem:s16+$0x1A0] =	vst v5;
	v5 =	vld [tilespmem:s3+$0x10]  }
0x3fe: {  	v9 =	vadd.f32 v31, v12;
	v3 =	vld [tilespmem:s29+$0xFFFFFEA0]  }
0x3ff: {  	v34 =	vld [tilespmem:s29+$0x1B0]  }
0x400: {  	v9 =	vmax.f32 v9, $0.0e+00;
	v4 =	vld [tilespmem:s3+$0x1B0];
	v7 =	vadd.f32 v8, v7  }
0x401: {  	[tilespmem:s16+$0x100] =	vst v9;
	v8 =	vld [tilespmem:s29+$0x90]  }
0x402: {  	v2 =	vadd.f32 v2, v38;
	v6 =	vmax.f32 v7, $0.0e+00;
	v7 =	vld [tilespmem:s29+$0x110]  }
0x403: {  	[tilespmem:s16+$0xFFFFFE10] =	vst v6;
	v6 =	vld [tilespmem:s3+$0x110]  }
0x404: {  	v5 =	vadd.f32 v5, v33;
	v2 =	vmax.f32 v2, $0.0e+00;
	v36 =	vld [tilespmem:s29+$0xFFFFFE20]  }
0x405: {  	v4 =	vadd.f32 v4, v34;
	v0 =	vld [tilespmem:s3+$0xFFFFFE20];
	[tilespmem:s16+$0xFFFFFF20] =	vst v2  }
0x406: {  	v5 =	vmax.f32 v5, $0.0e+00;
	v44 =	vld [tilespmem:s29+$0xFFFFFF30]  }
0x407: {  	v4 =	vmax.f32 v4, $0.0e+00;
	[tilespmem:s16+$0x10] =	vst v5;
	v5 =	vld [tilespmem:s3+$0xFFFFFFA0]  }
0x408: {  	[tilespmem:s16+$0x1B0] =	vst v4;
	v4 =	vld [tilespmem:s3+$0xFFFFFEA0]  }
0x409: {  	v8 =	vadd.f32 v35, v8;
	v37 =	vld [tilespmem:s29+$0x1C0]  }
0x40a: {  	v1 =	vld [tilespmem:s3+$0x1C0];
	v6 =	vadd.f32 v6, v7  }
0x40b: {  	v8 =	vmax.f32 v8, $0.0e+00;
	v40 =	vld [tilespmem:s29+$0x20]  }
0x40c: {  	[tilespmem:s16+$0x90] =	vst v8;
	v8 =	vld [tilespmem:s3+$0x20];
	v0 =	vadd.f32 v0, v36;
	v6 =	vmax.f32 v6, $0.0e+00  }
0x40d: {  	v7 =	vld [tilespmem:s29+$0xA0];
	[tilespmem:s16+$0x110] =	vst v6  }
0x40e: {  	v0 =	vmax.f32 v0, $0.0e+00;
	v3 =	vadd.f32 v4, v3;
	v4 =	vld [tilespmem:s29+$0x120]  }
0x40f: {  	[tilespmem:s16+$0xFFFFFE20] =	vst v0;
	v0 =	vld [tilespmem:s3+$0x120];
	v1 =	vadd.f32 v1, v37  }
0x410: {  	v42 =	vld [tilespmem:s29+$0xFFFFFE30];
	v3 =	vmax.f32 v3, $0.0e+00  }
0x411: {  	v1 =	vmax.f32 v1, $0.0e+00;
	[tilespmem:s16+$0xFFFFFEA0] =	vst v3;
	v3 =	vld [tilespmem:s3+$0xFFFFFE30]  }
0x412: {  	[tilespmem:s16+$0x1C0] =	vst v1;
	v1 =	vld [tilespmem:s3+$0xA0]  }
0x413: {  	v5 =	vadd.f32 v5, v39;
	v43 =	vld [tilespmem:s29+$0xFFFFFEB0]  }
0x414: {  	v8 =	vadd.f32 v8, v40;
	v2 =	vld [tilespmem:s3+$0xFFFFFEB0]  }
0x415: {  	v5 =	vmax.f32 v5, $0.0e+00;
	v41 =	vld [tilespmem:s29+$0x1D0]  }
0x416: {  	[tilespmem:s16+$0xFFFFFFA0] =	vst v5;
	v8 =	vmax.f32 v8, $0.0e+00;
	v6 =	vld [tilespmem:s3+$0x1D0];
	v0 =	vadd.f32 v0, v4  }
0x417: {  	[tilespmem:s16+$0x20] =	vst v8;
	v8 =	vld [tilespmem:s3+$0xFFFFFFB0];
	v3 =	vadd.f32 v3, v42  }
0x418: {  	v4 =	vld [tilespmem:s29+$0x30];
	v0 =	vmax.f32 v0, $0.0e+00;
	v1 =	vadd.f32 v1, v7  }
0x419: {  	[tilespmem:s16+$0x120] =	vst v0;
	v7 =	vld [tilespmem:s29+$0xFFFFFFB0];
	v3 =	vmax.f32 v3, $0.0e+00  }
0x41a: {  	v47 =	vld [tilespmem:s29+$0x130];
	v2 =	vadd.f32 v2, v43;
	v1 =	vmax.f32 v1, $0.0e+00;
	[tilespmem:s16+$0xFFFFFE30] =	vst v3  }
0x41b: {  	v6 =	vadd.f32 v6, v41;
	[tilespmem:s16+$0xA0] =	vst v1;
	v1 =	vld [tilespmem:s3+$0x30]  }
0x41c: {  	v2 =	vmax.f32 v2, $0.0e+00;
	v49 =	vld [tilespmem:s29+$0xFFFFFE40]  }
0x41d: {  	v6 =	vmax.f32 v6, $0.0e+00;
	[tilespmem:s16+$0xFFFFFEB0] =	vst v2;
	v2 =	vld [tilespmem:s3+$0xFFFFFE40]  }
0x41e: {  	[tilespmem:s16+$0x1D0] =	vst v6;
	v6 =	vld [tilespmem:s3+$0xFFFFFF30]  }
0x41f: {  	v45 =	vld [tilespmem:s29+$0x1E0]  }
0x420: {  	v5 =	vld [tilespmem:s3+$0x1E0];
	v7 =	vadd.f32 v8, v7  }
0x421: {  	v46 =	vld [tilespmem:s29+$0xB0]  }
0x422: {  	v0 =	vld [tilespmem:s3+$0xB0];
	v7 =	vmax.f32 v7, $0.0e+00;
	v1 =	vadd.f32 v1, v4  }
0x423: {  	v8 =	vld [tilespmem:s29+$0xFFFFFEC0];
	[tilespmem:s16+$0xFFFFFFB0] =	vst v7;
	v6 =	vadd.f32 v6, v44  }
0x424: {  	v50 =	vld [tilespmem:s29+$0xFFFFFFC0];
	v1 =	vmax.f32 v1, $0.0e+00  }
0x425: {  	v5 =	vadd.f32 v5, v45;
	v6 =	vmax.f32 v6, $0.0e+00;
	[tilespmem:s16+$0x30] =	vst v1;
	v1 =	vld [tilespmem:s3+$0xFFFFFFC0]  }
0x426: {  	[tilespmem:s16+$0xFFFFFF30] =	vst v6;
	v6 =	vld [tilespmem:s3+$0xFFFFFEC0]  }
0x427: {  	v5 =	vmax.f32 v5, $0.0e+00;
	v51 =	vld [tilespmem:s29+$0x40]  }
0x428: {  	v0 =	vadd.f32 v0, v46;
	[tilespmem:s16+$0x1E0] =	vst v5;
	v5 =	vld [tilespmem:s3+$0x130]  }
0x429: {  	v4 =	vld [tilespmem:s29+$0xFFFFFF40]  }
0x42a: {  	v0 =	vmax.f32 v0, $0.0e+00;
	v7 =	vld [tilespmem:s3+$0xFFFFFF40]  }
0x42b: {  	v2 =	vadd.f32 v2, v49;
	[tilespmem:s16+$0xB0] =	vst v0;
	v0 =	vld [tilespmem:s3+$0x40]  }
0x42c: {  	v52 =	vld [tilespmem:s29+$0xC0]  }
0x42d: {  	v2 =	vmax.f32 v2, $0.0e+00;
	v48 =	vld [tilespmem:s29+$0x1F0];
	v6 =	vadd.f32 v6, v8  }
0x42e: {  	[tilespmem:s16+$0xFFFFFE40] =	vst v2;
	v3 =	vld [tilespmem:s3+$0x1F0];
	v5 =	vadd.f32 v5, v47  }
0x42f: {  	v4 =	vadd.f32 v7, v4;
	v7 =	vld [tilespmem:s29+$0xFFFFFE50];
	v6 =	vmax.f32 v6, $0.0e+00  }
0x430: {  	v5 =	vmax.f32 v5, $0.0e+00;
	[tilespmem:s16+$0xFFFFFEC0] =	vst v6;
	v6 =	vld [tilespmem:s3+$0xFFFFFE50]  }
0x431: {  	[tilespmem:s16+$0x130] =	vst v5;
	v5 =	vld [tilespmem:s3+$0xC0]  }
0x432: {  	v1 =	vadd.f32 v1, v50;
	v4 =	vmax.f32 v4, $0.0e+00;
	v53 =	vld [tilespmem:s29+$0xFFFFFED0]  }
0x433: {  	[tilespmem:s16+$0xFFFFFF40] =	vst v4;
	v4 =	vld [tilespmem:s3+$0xFFFFFED0]  }
0x434: {  	v0 =	vadd.f32 v0, v51;
	v1 =	vmax.f32 v1, $0.0e+00;
	v8 =	vld [tilespmem:s29+$0x140]  }
0x435: {  	[tilespmem:s16+$0xFFFFFFC0] =	vst v1;
	v2 =	vld [tilespmem:s3+$0x140]  }
0x436: {  	v0 =	vmax.f32 v0, $0.0e+00;
	v55 =	vld [tilespmem:s29+$0xFFFFFFD0]  }
0x437: {  	[tilespmem:s16+$0x40] =	vst v0;
	v0 =	vld [tilespmem:s3+$0xFFFFFFD0];
	v6 =	vadd.f32 v6, v7  }
0x438: {  	v54 =	vld [tilespmem:s29+$0xFFFFFF50];
	v5 =	vadd.f32 v5, v52  }
0x439: {  	v1 =	vld [tilespmem:s3+$0xFFFFFF50];
	v6 =	vmax.f32 v6, $0.0e+00  }
0x43a: {  	v4 =	vadd.f32 v4, v53;
	v2 =	vadd.f32 v2, v8;
	v8 =	vld [tilespmem:s29+$0x50];
	v5 =	vmax.f32 v5, $0.0e+00;
	[tilespmem:s16+$0xFFFFFE50] =	vst v6  }
0x43b: {  	[tilespmem:s16+$0xC0] =	vst v5;
	v5 =	vld [tilespmem:s3+$0x50]  }
0x43c: {  	v4 =	vmax.f32 v4, $0.0e+00;
	v57 =	vld [tilespmem:s29+$0xFFFFFE60]  }
0x43d: {  	[tilespmem:s16+$0xFFFFFED0] =	vst v4;
	v4 =	vld [tilespmem:s3+$0xFFFFFE60]  }
0x43e: {  	v1 =	vadd.f32 v1, v54;
	v2 =	vmax.f32 v2, $0.0e+00;
	v7 =	vld [tilespmem:s29+$0xD0]  }
0x43f: {  	[tilespmem:s16+$0x140] =	vst v2;
	v2 =	vld [tilespmem:s3+$0xD0]  }
0x440: {  	v1 =	vmax.f32 v1, $0.0e+00;
	v58 =	vld [tilespmem:s29+$0xFFFFFEE0]  }
0x441: {  	v0 =	vadd.f32 v0, v55;
	[tilespmem:s16+$0xFFFFFF50] =	vst v1;
	v1 =	vld [tilespmem:s3+$0xFFFFFEE0]  }
0x442: {  	v56 =	vld [tilespmem:s29+$0x150]  }
0x443: {  	v0 =	vmax.f32 v0, $0.0e+00;
	v6 =	vld [tilespmem:s3+$0x150]  }
0x444: {  	[tilespmem:s16+$0xFFFFFFD0] =	vst v0;
	v0 =	vld [tilespmem:s3+$0xFFFFFF60];
	v5 =	vadd.f32 v5, v8  }
0x445: {  	v8 =	vld [tilespmem:s29+$0xFFFFFF60];
	v4 =	vadd.f32 v4, v57  }
0x446: {  	v2 =	vadd.f32 v2, v7;
	v7 =	vld [tilespmem:s29+$0xFFFFFFE0];
	v5 =	vmax.f32 v5, $0.0e+00  }
0x447: {  	v1 =	vadd.f32 v1, v58;
	v4 =	vmax.f32 v4, $0.0e+00;
	[tilespmem:s16+$0x50] =	vst v5;
	v5 =	vld [tilespmem:s3+$0xFFFFFFE0]  }
0x448: {  	v2 =	vmax.f32 v2, $0.0e+00;
	[tilespmem:s16+$0xFFFFFE60] =	vst v4;
	v59 =	vld [tilespmem:s29+$0x60]  }
0x449: {  	v6 =	vadd.f32 v6, v56;
	v1 =	vmax.f32 v1, $0.0e+00;
	[tilespmem:s16+$0xD0] =	vst v2;
	v2 =	vld [tilespmem:s3+$0x60]  }
0x44a: {  	[tilespmem:s16+$0xFFFFFEE0] =	vst v1;
	v1 =	vld [tilespmem:s3+$0xFFFFFE70]  }
0x44b: {  	v6 =	vmax.f32 v6, $0.0e+00;
	v60 =	vld [tilespmem:s29+$0xE0]  }
0x44c: {  	[tilespmem:s16+$0x150] =	vst v6;
	v6 =	vld [tilespmem:s3+$0xE0]  }
0x44d: {  	v0 =	vadd.f32 v0, v8;
	v8 =	vld [tilespmem:s29+$0xFFFFFE70]  }
0x44e: {  	v13 =	vld [tilespmem:s3+$0xFFFFFEF0]  }
0x44f: {  	v61 =	vld [tilespmem:s29+$0x160]  }
0x450: {  	v4 =	vld [tilespmem:s3+$0x160];
	v0 =	vmax.f32 v0, $0.0e+00;
	v5 =	vadd.f32 v5, v7  }
0x451: {  	v7 =	vld [tilespmem:s29+$0xFFFFFEF0];
	[tilespmem:s16+$0xFFFFFF60] =	vst v0  }
0x452: {  	v2 =	vadd.f32 v2, v59;
	v62 =	vld [tilespmem:s3+$0xFFFFFF70];
	v0 =	vmax.f32 v5, $0.0e+00  }
0x453: {  	v3 =	vadd.f32 v3, v48;
	v5 =	vld [tilespmem:s29+$0xFFFFFF70];
	[tilespmem:s16+$0xFFFFFFE0] =	vst v0  }
0x454: {  	v0 =	vmax.f32 v2, $0.0e+00;
	v2 =	vadd.f32 v6, v60;
	v6 =	vld [tilespmem:s29+$0xFFFFFFF0]  }
0x455: {  	[tilespmem:s16+$0x60] =	vst v0;
	v0 =	vmax.f32 v3, $0.0e+00;
	v3 =	vadd.f32 v4, v61;
	v63 =	vld [tilespmem:s3+$0xFFFFFFF0]  }
0x456: {  	v1 =	vadd.f32 v1, v8;
	[tilespmem:s16+$0x1F0] =	vst v0;
	v2 =	vmax.f32 v2, $0.0e+00;
	v0 =	vld [tilespmem:s29+$0x70]  }
0x457: {  	v4 =	vadd.f32 v13, v7;
	[tilespmem:s16+$0xE0] =	vst v2;
	v3 =	vmax.f32 v3, $0.0e+00;
	v2 =	vld [tilespmem:s3+$0x70]  }
0x458: {  	[tilespmem:s16+$0x160] =	vst v3;
	v3 =	vmax.f32 v1, $0.0e+00;
	v5 =	vadd.f32 v62, v5;
	v1 =	vld [tilespmem:s29+$0xF0]  }
0x459: {  	[tilespmem:s16+$0xFFFFFE70] =	vst v3;
	v3 =	vmax.f32 v4, $0.0e+00;
	v4 =	vld [tilespmem:s3+$0xF0]  }
0x45a: {  	[tilespmem:s16+$0xFFFFFEF0] =	vst v3;
	v5 =	vmax.f32 v5, $0.0e+00;
	v3 =	vld [tilespmem:s29+$0x170];
	v6 =	vadd.f32 v63, v6  }
0x45b: {  	s28 =	simm.s32 $0x15E80;
	s26 =	simm.s32 $0x0;
	[tilespmem:s16+$0xFFFFFF70] =	vst v5;
	v5 =	vld [tilespmem:s3+$0x170]  }
.LBB2_9:
0x45c: {  	v7 =	vld [tilespmem:s28+$0x180];
	v6 =	vmax.f32 v6, $0.0e+00;
	v0 =	vadd.f32 v2, v0;
	s3 =	sadd.s32 $0x400, s3  }
0x45d: {  	v2 =	vld [tilespmem:s3+$0x180];
	[tilespmem:s16+$0xFFFFFFF0] =	vst v6  }
0x45e: {  	v6 =	vld [tilespmem:s3+$0xFFFFFE00];
	v0 =	vmax.f32 v0, $0.0e+00;
	v1 =	vadd.f32 v4, v1  }
0x45f: {  	v4 =	vld [tilespmem:s28+$0xFFFFFE80];
	[tilespmem:s16+$0x70] =	vst v0  }
0x460: {  	v0 =	vld [tilespmem:s3+$0xFFFFFE80];
	v1 =	vmax.f32 v1, $0.0e+00;
	v3 =	vadd.f32 v5, v3  }
0x461: {  	v5 =	vld [tilespmem:s28+$0xFFFFFF00];
	[tilespmem:s16+$0xF0] =	vst v1  }
0x462: {  	v1 =	vld [tilespmem:s3+$0xFFFFFF00];
	v2 =	vadd.f32 v2, v7;
	v3 =	vmax.f32 v3, $0.0e+00  }
0x463: {  	v7 =	vld [tilespmem:s28+$0xFFFFFF80];
	[tilespmem:s16+$0x170] =	vst v3  }
0x464: {  	s26 =	sadd.s32 $0x8, s26;
	s16 =	sadd.s32 $0x400, s16;
	v3 =	vld [tilespmem:s3+$0xFFFFFF80];
	v2 =	vmax.f32 v2, $0.0e+00  }
0x465: {  	p2 =	slt.u32 s26, $0x38;
	v0 =	vadd.f32 v0, v4;
	v4 =	vld [tilespmem:s28+$0x0];
	[tilespmem:s16+$0x180] =	vst v2  }
0x466: {  	v2 =	vld [tilespmem:s28+$0x190]  }
0x467: {  	v0 =	vmax.f32 v0, $0.0e+00;
	v1 =	vadd.f32 v1, v5;
	v5 =	vld [tilespmem:s3+$0x190]  }
0x468: {  	[tilespmem:s16+$0xFFFFFE80] =	vst v0;
	v0 =	vld [tilespmem:s3+$0x0]  }
0x469: {  	v1 =	vmax.f32 v1, $0.0e+00;
	v3 =	vadd.f32 v3, v7;
	v7 =	vld [tilespmem:s28+$0x80]  }
0x46a: {  	[tilespmem:s16+$0xFFFFFF00] =	vst v1;
	v1 =	vld [tilespmem:s3+$0x80]  }
0x46b: {  	v3 =	vmax.f32 v3, $0.0e+00;
	v8 =	vld [tilespmem:s28+$0x100]  }
0x46c: {  	[tilespmem:s16+$0xFFFFFF80] =	vst v3;
	v3 =	vld [tilespmem:s3+$0x100];
	v2 =	vadd.f32 v5, v2  }
0x46d: {  	v5 =	vld [tilespmem:s28+$0xFFFFFE00];
	v0 =	vadd.f32 v0, v4  }
0x46e: {  	v4 =	vld [tilespmem:s28+$0xFFFFFE90];
	v2 =	vmax.f32 v2, $0.0e+00  }
0x46f: {  	v9 =	vld [tilespmem:s3+$0xFFFFFE90];
	v0 =	vmax.f32 v0, $0.0e+00;
	v1 =	vadd.f32 v1, v7;
	[tilespmem:s16+$0x190] =	vst v2  }
0x470: {  	[tilespmem:s16+$0x0] =	vst v0;
	v0 =	vld [tilespmem:s28+$0x1A0]  }
0x471: {  	v1 =	vmax.f32 v1, $0.0e+00;
	v2 =	vadd.f32 v3, v8;
	v3 =	vld [tilespmem:s3+$0x1A0]  }
0x472: {  	v5 =	vadd.f32 v6, v5;
	v6 =	vld [tilespmem:s28+$0xFFFFFF10];
	[tilespmem:s16+$0x80] =	vst v1  }
0x473: {  	v1 =	vld [tilespmem:s3+$0xFFFFFF10];
	v2 =	vmax.f32 v2, $0.0e+00  }
0x474: {  	v5 =	vmax.f32 v5, $0.0e+00;
	v4 =	vadd.f32 v9, v4;
	v7 =	vld [tilespmem:s28+$0xFFFFFF90];
	[tilespmem:s16+$0x100] =	vst v2  }
0x475: {  	[tilespmem:s16+$0xFFFFFE00] =	vst v5;
	v2 =	vld [tilespmem:s3+$0xFFFFFF90]  }
0x476: {  	v5 =	vld [tilespmem:s28+$0xFFFFFE10];
	v4 =	vmax.f32 v4, $0.0e+00;
	v0 =	vadd.f32 v3, v0  }
0x477: {  	v3 =	vld [tilespmem:s3+$0xFFFFFE10];
	[tilespmem:s16+$0xFFFFFE90] =	vst v4  }
0x478: {  	v1 =	vadd.f32 v1, v6;
	v4 =	vld [tilespmem:s28+$0x10];
	v0 =	vmax.f32 v0, $0.0e+00  }
0x479: {  	v6 =	vld [tilespmem:s3+$0x10];
	[tilespmem:s16+$0x1A0] =	vst v0  }
0x47a: {  	v0 =	vmax.f32 v1, $0.0e+00;
	v1 =	vadd.f32 v2, v7;
	v2 =	vld [tilespmem:s28+$0x1B0]  }
0x47b: {  	[tilespmem:s16+$0xFFFFFF10] =	vst v0;
	v0 =	vld [tilespmem:s3+$0x1B0]  }
0x47c: {  	v3 =	vadd.f32 v3, v5;
	v1 =	vmax.f32 v1, $0.0e+00;
	v5 =	vld [tilespmem:s28+$0x90]  }
0x47d: {  	[tilespmem:s16+$0xFFFFFF90] =	vst v1;
	v1 =	vld [tilespmem:s3+$0x90]  }
0x47e: {  	v3 =	vmax.f32 v3, $0.0e+00;
	v4 =	vadd.f32 v6, v4;
	v6 =	vld [tilespmem:s28+$0x110]  }
0x47f: {  	[tilespmem:s16+$0xFFFFFE10] =	vst v3;
	v3 =	vld [tilespmem:s3+$0x110]  }
0x480: {  	v7 =	vld [tilespmem:s28+$0xFFFFFE20];
	v4 =	vmax.f32 v4, $0.0e+00;
	v0 =	vadd.f32 v0, v2  }
0x481: {  	v2 =	vld [tilespmem:s3+$0xFFFFFE20];
	[tilespmem:s16+$0x10] =	vst v4  }
0x482: {  	v4 =	vld [tilespmem:s28+$0xFFFFFEA0];
	v1 =	vadd.f32 v1, v5;
	v0 =	vmax.f32 v0, $0.0e+00  }
0x483: {  	v5 =	vld [tilespmem:s3+$0xFFFFFEA0];
	[tilespmem:s16+$0x1B0] =	vst v0  }
0x484: {  	v0 =	vmax.f32 v1, $0.0e+00;
	v1 =	vadd.f32 v3, v6;
	v3 =	vld [tilespmem:s28+$0x1C0]  }
0x485: {  	[tilespmem:s16+$0x90] =	vst v0;
	v0 =	vld [tilespmem:s3+$0x1C0]  }
0x486: {  	v2 =	vadd.f32 v2, v7;
	v6 =	vld [tilespmem:s28+$0xFFFFFF20];
	v1 =	vmax.f32 v1, $0.0e+00  }
0x487: {  	v7 =	vld [tilespmem:s3+$0xFFFFFF20];
	[tilespmem:s16+$0x110] =	vst v1  }
0x488: {  	v1 =	vmax.f32 v2, $0.0e+00;
	v2 =	vadd.f32 v5, v4;
	v4 =	vld [tilespmem:s28+$0xFFFFFFA0]  }
0x489: {  	[tilespmem:s16+$0xFFFFFE20] =	vst v1;
	v1 =	vld [tilespmem:s3+$0xFFFFFFA0]  }
0x48a: {  	v2 =	vmax.f32 v2, $0.0e+00;
	v5 =	vld [tilespmem:s28+$0x20];
	v0 =	vadd.f32 v0, v3  }
0x48b: {  	[tilespmem:s16+$0xFFFFFEA0] =	vst v2;
	v2 =	vld [tilespmem:s3+$0x20]  }
0x48c: {  	v3 =	vadd.f32 v7, v6;
	v6 =	vld [tilespmem:s28+$0xA0];
	v0 =	vmax.f32 v0, $0.0e+00  }
0x48d: {  	v7 =	vld [tilespmem:s3+$0xA0];
	[tilespmem:s16+$0x1C0] =	vst v0  }
0x48e: {  	v0 =	vmax.f32 v3, $0.0e+00;
	v1 =	vadd.f32 v1, v4;
	v3 =	vld [tilespmem:s28+$0x1D0]  }
0x48f: {  	[tilespmem:s16+$0xFFFFFF20] =	vst v0;
	v0 =	vld [tilespmem:s3+$0x1D0]  }
0x490: {  	v1 =	vmax.f32 v1, $0.0e+00;
	v2 =	vadd.f32 v2, v5;
	v4 =	vld [tilespmem:s28+$0x120]  }
0x491: {  	[tilespmem:s16+$0xFFFFFFA0] =	vst v1;
	v1 =	vld [tilespmem:s3+$0x120]  }
0x492: {  	v5 =	vld [tilespmem:s28+$0xFFFFFE30];
	v2 =	vmax.f32 v2, $0.0e+00;
	v6 =	vadd.f32 v7, v6  }
0x493: {  	v7 =	vld [tilespmem:s3+$0xFFFFFE30];
	[tilespmem:s16+$0x20] =	vst v2  }
0x494: {  	v2 =	vld [tilespmem:s28+$0xFFFFFEB0];
	v6 =	vmax.f32 v6, $0.0e+00;
	v0 =	vadd.f32 v0, v3  }
0x495: {  	v3 =	vld [tilespmem:s3+$0xFFFFFEB0];
	[tilespmem:s16+$0xA0] =	vst v6  }
0x496: {  	v6 =	vld [tilespmem:s28+$0xFFFFFF30];
	v1 =	vadd.f32 v1, v4;
	v0 =	vmax.f32 v0, $0.0e+00  }
0x497: {  	v4 =	vld [tilespmem:s3+$0xFFFFFF30];
	[tilespmem:s16+$0x1D0] =	vst v0  }
0x498: {  	v0 =	vadd.f32 v7, v5;
	v1 =	vmax.f32 v1, $0.0e+00;
	v5 =	vld [tilespmem:s28+$0x1E0]  }
0x499: {  	[tilespmem:s16+$0x120] =	vst v1;
	v1 =	vld [tilespmem:s3+$0x1E0]  }
0x49a: {  	v0 =	vmax.f32 v0, $0.0e+00;
	v2 =	vadd.f32 v3, v2;
	v3 =	vld [tilespmem:s28+$0xFFFFFFB0]  }
0x49b: {  	[tilespmem:s16+$0xFFFFFE30] =	vst v0;
	v0 =	vld [tilespmem:s3+$0xFFFFFFB0]  }
0x49c: {  	v2 =	vmax.f32 v2, $0.0e+00;
	v4 =	vadd.f32 v4, v6;
	v6 =	vld [tilespmem:s28+$0x30]  }
0x49d: {  	[tilespmem:s16+$0xFFFFFEB0] =	vst v2;
	v2 =	vld [tilespmem:s3+$0x30]  }
0x49e: {  	v4 =	vmax.f32 v4, $0.0e+00;
	v7 =	vld [tilespmem:s28+$0xB0];
	v1 =	vadd.f32 v1, v5  }
0x49f: {  	[tilespmem:s16+$0xFFFFFF30] =	vst v4;
	v4 =	vld [tilespmem:s3+$0xB0]  }
0x4a0: {  	v0 =	vadd.f32 v0, v3;
	v3 =	vld [tilespmem:s28+$0x130];
	v1 =	vmax.f32 v1, $0.0e+00  }
0x4a1: {  	v5 =	vld [tilespmem:s3+$0x130];
	[tilespmem:s16+$0x1E0] =	vst v1  }
0x4a2: {  	v0 =	vmax.f32 v0, $0.0e+00;
	v1 =	vadd.f32 v2, v6;
	v2 =	vld [tilespmem:s28+$0x1F0]  }
0x4a3: {  	[tilespmem:s16+$0xFFFFFFB0] =	vst v0;
	v0 =	vld [tilespmem:s3+$0x1F0]  }
0x4a4: {  	v6 =	vld [tilespmem:s28+$0xFFFFFE40];
	v1 =	vmax.f32 v1, $0.0e+00;
	v4 =	vadd.f32 v4, v7  }
0x4a5: {  	v7 =	vld [tilespmem:s3+$0xFFFFFE40];
	[tilespmem:s16+$0x30] =	vst v1  }
0x4a6: {  	v1 =	vld [tilespmem:s28+$0xFFFFFEC0];
	v4 =	vmax.f32 v4, $0.0e+00;
	v3 =	vadd.f32 v5, v3  }
0x4a7: {  	v5 =	vld [tilespmem:s3+$0xFFFFFEC0];
	[tilespmem:s16+$0xB0] =	vst v4  }
0x4a8: {  	v4 =	vld [tilespmem:s28+$0xFFFFFF40];
	v3 =	vmax.f32 v3, $0.0e+00;
	v0 =	vadd.f32 v0, v2  }
0x4a9: {  	v2 =	vld [tilespmem:s3+$0xFFFFFF40];
	[tilespmem:s16+$0x130] =	vst v3  }
0x4aa: {  	v3 =	vadd.f32 v7, v6;
	v6 =	vld [tilespmem:s28+$0xFFFFFFC0];
	v0 =	vmax.f32 v0, $0.0e+00  }
0x4ab: {  	v7 =	vld [tilespmem:s3+$0xFFFFFFC0];
	[tilespmem:s16+$0x1F0] =	vst v0  }
0x4ac: {  	v0 =	vmax.f32 v3, $0.0e+00;
	v1 =	vadd.f32 v5, v1;
	v3 =	vld [tilespmem:s28+$0x40]  }
0x4ad: {  	[tilespmem:s16+$0xFFFFFE40] =	vst v0;
	v0 =	vld [tilespmem:s3+$0x40]  }
0x4ae: {  	v1 =	vmax.f32 v1, $0.0e+00;
	v2 =	vadd.f32 v2, v4;
	v4 =	vld [tilespmem:s28+$0xC0]  }
0x4af: {  	[tilespmem:s16+$0xFFFFFEC0] =	vst v1;
	v1 =	vld [tilespmem:s3+$0xC0]  }
0x4b0: {  	v2 =	vmax.f32 v2, $0.0e+00;
	v5 =	vadd.f32 v7, v6;
	v6 =	vld [tilespmem:s28+$0x140]  }
0x4b1: {  	[tilespmem:s16+$0xFFFFFF40] =	vst v2;
	v2 =	vld [tilespmem:s3+$0x140]  }
0x4b2: {  	v7 =	vld [tilespmem:s28+$0xFFFFFE50];
	v5 =	vmax.f32 v5, $0.0e+00;
	v0 =	vadd.f32 v0, v3  }
0x4b3: {  	v3 =	vld [tilespmem:s3+$0xFFFFFE50];
	[tilespmem:s16+$0xFFFFFFC0] =	vst v5  }
0x4b4: {  	v5 =	vld [tilespmem:s28+$0xFFFFFED0];
	v0 =	vmax.f32 v0, $0.0e+00;
	v1 =	vadd.f32 v1, v4  }
0x4b5: {  	v4 =	vld [tilespmem:s3+$0xFFFFFED0];
	[tilespmem:s16+$0x40] =	vst v0  }
0x4b6: {  	v0 =	vld [tilespmem:s28+$0xFFFFFF50];
	v1 =	vmax.f32 v1, $0.0e+00;
	v2 =	vadd.f32 v2, v6  }
0x4b7: {  	v6 =	vld [tilespmem:s3+$0xFFFFFF50];
	[tilespmem:s16+$0xC0] =	vst v1  }
0x4b8: {  	v1 =	vadd.f32 v3, v7;
	v3 =	vld [tilespmem:s28+$0xFFFFFFD0];
	v2 =	vmax.f32 v2, $0.0e+00  }
0x4b9: {  	v7 =	vld [tilespmem:s3+$0xFFFFFFD0];
	[tilespmem:s16+$0x140] =	vst v2  }
0x4ba: {  	v1 =	vmax.f32 v1, $0.0e+00;
	v2 =	vadd.f32 v4, v5;
	v4 =	vld [tilespmem:s28+$0x50]  }
0x4bb: {  	[tilespmem:s16+$0xFFFFFE50] =	vst v1;
	v1 =	vld [tilespmem:s3+$0x50]  }
0x4bc: {  	v2 =	vmax.f32 v2, $0.0e+00;
	v0 =	vadd.f32 v6, v0;
	v5 =	vld [tilespmem:s28+$0xD0]  }
0x4bd: {  	[tilespmem:s16+$0xFFFFFED0] =	vst v2;
	v2 =	vld [tilespmem:s3+$0xD0]  }
0x4be: {  	v0 =	vmax.f32 v0, $0.0e+00;
	v3 =	vadd.f32 v7, v3;
	v6 =	vld [tilespmem:s28+$0x150]  }
0x4bf: {  	[tilespmem:s16+$0xFFFFFF50] =	vst v0;
	v0 =	vld [tilespmem:s3+$0x150]  }
0x4c0: {  	v7 =	vld [tilespmem:s28+$0xFFFFFE60];
	v3 =	vmax.f32 v3, $0.0e+00;
	v1 =	vadd.f32 v1, v4  }
0x4c1: {  	v4 =	vld [tilespmem:s3+$0xFFFFFE60];
	[tilespmem:s16+$0xFFFFFFD0] =	vst v3  }
0x4c2: {  	v3 =	vld [tilespmem:s28+$0xFFFFFEE0];
	v1 =	vmax.f32 v1, $0.0e+00;
	v2 =	vadd.f32 v2, v5  }
0x4c3: {  	v5 =	vld [tilespmem:s3+$0xFFFFFEE0];
	[tilespmem:s16+$0x50] =	vst v1  }
0x4c4: {  	v1 =	vld [tilespmem:s28+$0xFFFFFF60];
	v2 =	vmax.f32 v2, $0.0e+00;
	v0 =	vadd.f32 v0, v6  }
0x4c5: {  	v6 =	vld [tilespmem:s3+$0xFFFFFF60];
	[tilespmem:s16+$0xD0] =	vst v2  }
0x4c6: {  	v2 =	vadd.f32 v4, v7;
	v4 =	vld [tilespmem:s28+$0xFFFFFFE0];
	v0 =	vmax.f32 v0, $0.0e+00  }
0x4c7: {  	v7 =	vld [tilespmem:s3+$0xFFFFFFE0];
	[tilespmem:s16+$0x150] =	vst v0  }
0x4c8: {  	v0 =	vmax.f32 v2, $0.0e+00;
	v2 =	vadd.f32 v5, v3;
	v3 =	vld [tilespmem:s28+$0x60]  }
0x4c9: {  	[tilespmem:s16+$0xFFFFFE60] =	vst v0;
	v0 =	vld [tilespmem:s3+$0x60]  }
0x4ca: {  	v2 =	vmax.f32 v2, $0.0e+00;
	v1 =	vadd.f32 v6, v1;
	v5 =	vld [tilespmem:s28+$0xE0]  }
0x4cb: {  	[tilespmem:s16+$0xFFFFFEE0] =	vst v2;
	v2 =	vld [tilespmem:s3+$0xE0]  }
0x4cc: {  	v1 =	vmax.f32 v1, $0.0e+00;
	v4 =	vadd.f32 v7, v4;
	v6 =	vld [tilespmem:s28+$0x160]  }
0x4cd: {  	[tilespmem:s16+$0xFFFFFF60] =	vst v1;
	v1 =	vld [tilespmem:s3+$0x160]  }
0x4ce: {  	v7 =	vld [tilespmem:s28+$0xFFFFFE70];
	v4 =	vmax.f32 v4, $0.0e+00;
	v0 =	vadd.f32 v0, v3  }
0x4cf: {  	v3 =	vld [tilespmem:s3+$0xFFFFFE70];
	[tilespmem:s16+$0xFFFFFFE0] =	vst v4  }
0x4d0: {  	v4 =	vld [tilespmem:s28+$0xFFFFFEF0];
	v0 =	vmax.f32 v0, $0.0e+00;
	v2 =	vadd.f32 v2, v5  }
0x4d1: {  	v5 =	vld [tilespmem:s3+$0xFFFFFEF0];
	[tilespmem:s16+$0x60] =	vst v0  }
0x4d2: {  	v8 =	vld [tilespmem:s28+$0xFFFFFF70];
	v0 =	vmax.f32 v2, $0.0e+00;
	v1 =	vadd.f32 v1, v6  }
0x4d3: {  	v6 =	vld [tilespmem:s3+$0xFFFFFF70];
	[tilespmem:s16+$0xE0] =	vst v0  }
0x4d4: {  	v0 =	vadd.f32 v3, v7;
	v3 =	vld [tilespmem:s28+$0xFFFFFFF0];
	v1 =	vmax.f32 v1, $0.0e+00  }
0x4d5: {  	v7 =	vld [tilespmem:s3+$0xFFFFFFF0];
	[tilespmem:s16+$0x160] =	vst v1  }
0x4d6: {  	v1 =	vmax.f32 v0, $0.0e+00;
	v4 =	vadd.f32 v5, v4;
	v0 =	vld [tilespmem:s28+$0x70]  }
.Ltmp5:
0x4d7: {  	[tilespmem:s16+$0xFFFFFE70] =	vst v1;
	v2 =	vld [tilespmem:s3+$0x70];
	(pc) =	sbr.rel @p2 .LBB2_9-.Ltmp5, $4  }
0x4d8: {  	v4 =	vmax.f32 v4, $0.0e+00;
	v5 =	vadd.f32 v6, v8;
	v1 =	vld [tilespmem:s28+$0xF0]  }
0x4d9: {  	[tilespmem:s16+$0xFFFFFEF0] =	vst v4;
	v4 =	vld [tilespmem:s3+$0xF0]  }
0x4da: {  	v5 =	vmax.f32 v5, $0.0e+00;
	v6 =	vadd.f32 v7, v3;
	v3 =	vld [tilespmem:s28+$0x170]  }
0x4db: {  	s28 =	sadd.s32 $0x400, s28;
	[tilespmem:s16+$0xFFFFFF70] =	vst v5;
	v5 =	vld [tilespmem:s3+$0x170]  }
0x4dc: {  	_ =	sdelay $0x1  }
0x4dd: {  	v0 =	vadd.f32 v2, v0  }
0x4de: {  	v60 =	vmax.f32 v6, $0.0e+00;
	v1 =	vadd.f32 v4, v1  }
0x4df: {  	s3 =	sadd.s32 $0x5, s24;
	[tilespmem:s16+$0xFFFFFFF0] =	vst v60;
	v0 =	vmax.f32 v0, $0.0e+00;
	v61 =	vadd.f32 v5, v3  }
0x4e0: {  	p2 =	sge.u32 s3, s7;
	[tilespmem:s16+$0x70] =	vst v0;
	v62 =	vmax.f32 v1, $0.0e+00  }
0x4e1: {  	s3 =	sshll.u32 @!p2 s3, $0xD;
	[tilespmem:s16+$0xF0] =	vst v62;
	v63 =	vmax.f32 v61, $0.0e+00  }
0x4e2: {  	s26 =	simm.s32 @!p2 $0x1F8C0;
	s3 =	sadd.s32 @!p2 s21, s3;
	[tilespmem:s16+$0x170] =	vst v63  }
0x4e3: {  	[spmem:s5] =	stream.indirect.scatter.add.f32 [tilespmem:s15], [sflag:$0x8], $0x80, s14, s31, $0xb8;
	[tilespmem:$0x1FB80] =	vst v63  }
0x4e4: {  	s28 =	simm.s32 @!p2 $0x15880;
	s3 =	sshrl.u32 @!p2 s3, $0x3;
	s16 =	simm.s32 @!p2 $0x40  }
0x4e5: {  	[tilespmem:s28], [sflag:$0x2] =	stream.indirect.gather @!p2 [hbm4b:s0+s16], $0x80, s26, s16, $0xb8;
	[tilespmem:$0x1FB80] =	vst v63  }
0x4e6: {  	s3 =	sadd.s32 @!p2 s2, s3;
	s16 =	simm.s32 @!p2 $0x0;
	s26 =	simm.s32 @!p2 $0x19880  }
0x4e7: {  	[tilespmem:s26], [sflag:$0x2] =	stream.linear.gather @!p2 [hbm4b:s3+s16], $0x2000, $0x38;
	[tilespmem:$0x1FB80] =	vst v63  }
0x4e8: {  	p2 =	sge.u32 s24, s20  }
0x4e9: {  	s3 =	sshll.u32 @!p2 s23, $0x6  }
0x4ea: {  	s3 =	sand.u32 @!p2 $0x3F80, s3  }
0x4eb: {  	s3 =	sadd.s32 @!p2 s3, s22  }
0x4ec: {  	s3 =	sshrl.u32 @!p2 s3, $0x2  }
0x4ed: {  	s23 =	simm.s32 @!p2 $0x0;
	s24 =	simm.s32 @!p2 $0x1F900;
	s16 =	sadd.s32 @!p2 s1, s3  }
0x4ee: {  	[tilespmem:s24], [sflag:$0x4] =	stream.linear.gather @!p2 [hbm4b:s16+s23], $0x80, $0x38;
	[tilespmem:$0x1FB80] =	vst v63  }
0x4ef: {  	s30 =	sadd.s32 $0x1, s30;
	s3 =	sadd.s32 @!p2 s3, s9;
	s16 =	simm.s32 @!p2 $0x1FA00  }
0x4f0: {  	[tilespmem:s16], [sflag:$0x6] =	stream.linear.gather @!p2 [hbm4b:s3+s23], $0x80, $0x38;
	[tilespmem:$0x1FB80] =	vst v63  }
0x4f1: {  	p2 =	sne.s32 s30, $0x27  }
.Ltmp6:
0x4f2: {  	_ = 	snop;
	(pc) =	sbr.rel @p2 .LBB2_2-.Ltmp6, $1  }
0x4f3: {  	_ =	sdelay $0x3  }
.Ltmp7:
0x4f4: {  	(pc) =	sbr.rel @p1 .LBB2_17-.Ltmp7, $2  }
0x4f5: {  	_ =	sdelay $0x2  }
0x4f6: {  	s23 =	rddreg [dreg:$0x13]  }
0x4f7: {  	_ =	swait.ge [sflag:s25], $0x2000  }
0x4f8: {  	[sflag:s25] =	ssyncset.done $0x0  }
0x4f9: {  	[sflag:s25] =	ssyncadd.s32 $0xFFFFE000  }
0x4fa: {  	_ =	swait.ge [sflag:s25], $0x2000  }
0x4fb: {  	[sflag:s25] =	ssyncset.done $0x0  }
0x4fc: {  	[sflag:s25] =	ssyncadd.s32 $0xFFFFE000  }
0x4fd: {  	_ =	swait.ge [sflag:s17], $0x2000  }
0x4fe: {  	[sflag:s17] =	ssyncset.done $0x0  }
0x4ff: {  	[sflag:s17] =	ssyncadd.s32 $0xFFFFE000  }
0x500: {  	_ =	swait.ge [sflag:s8], $0x80  }
0x501: {  	[sflag:s8] =	ssyncset.done $0x0  }
0x502: {  	[sflag:s8] =	ssyncadd.s32 $0xFFFFFF80  }
0x503: {  	v0 =	vld [tilespmem:$0x1F980]  }
0x504: {  	v1 =	vld [tilespmem:$0x1F990]  }
0x505: {  	v2 =	vld [tilespmem:$0x1F9A0]  }
0x506: {  	v3 =	vld [tilespmem:$0x1F9B0];
	_ =	sdelay $0x1  }
0x507: {  	[tilespmem:$0x1FA80] =	vst v0  }
0x508: {  	[tilespmem:$0x1FA90] =	vst v1  }
0x509: {  	[tilespmem:$0x1FAA0] =	vst v2  }
0x50a: {  	s23 =	simm.s32 $0x13A80;
	[tilespmem:$0x1FAB0] =	vst v3  }
0x50b: {  	s3 =	simm.s32 $0x17A80;
	v0 =	vld [tilespmem:s23+$0x180]  }
0x50c: {  	v1 =	vld [tilespmem:s3+$0x180]  }
0x50d: {  	v2 =	vld [tilespmem:s3+$0xFFFFFE00]  }
0x50e: {  	v3 =	vld [tilespmem:s23+$0xFFFFFE80]  }
0x50f: {  	v4 =	vld [tilespmem:s3+$0xFFFFFE80]  }
0x510: {  	v5 =	vld [tilespmem:s23+$0xFFFFFF00]  }
0x511: {  	v6 =	vld [tilespmem:s3+$0xFFFFFF00]  }
0x512: {  	v7 =	vld [tilespmem:s3+$0xFFFFFF80]  }
0x513: {  	v8 =	vld [tilespmem:s23+$0x0]  }
0x514: {  	v10 =	vld [tilespmem:s3+$0x0];
	v0 =	vadd.f32 v1, v0  }
0x515: {  	v11 =	vld [tilespmem:s23+$0x80];
	v3 =	vadd.f32 v4, v3  }
0x516: {  	s16 =	simm.s32 $0x1BA80;
	v12 =	vld [tilespmem:s23+$0x100];
	v0 =	vmax.f32 v0, $0.0e+00  }
0x517: {  	v1 =	vld [tilespmem:s23+$0xFFFFFF80];
	v3 =	vmax.f32 v3, $0.0e+00;
	[tilespmem:s16+$0x180] =	vst v0  }
0x518: {  	[tilespmem:s16+$0xFFFFFE80] =	vst v3;
	v3 =	vld [tilespmem:s23+$0xFFFFFE00]  }
0x519: {  	v0 =	vld [tilespmem:s23+$0x190]  }
0x51a: {  	v5 =	vadd.f32 v6, v5;
	v9 =	vld [tilespmem:s3+$0x190]  }
0x51b: {  	v31 =	vld [tilespmem:s3+$0x100]  }
0x51c: {  	v4 =	vld [tilespmem:s3+$0x80];
	v5 =	vmax.f32 v5, $0.0e+00;
	v1 =	vadd.f32 v7, v1  }
0x51d: {  	[tilespmem:s16+$0xFFFFFF00] =	vst v5;
	v6 =	vld [tilespmem:s23+$0xFFFFFE90]  }
0x51e: {  	v1 =	vmax.f32 v1, $0.0e+00;
	v2 =	vadd.f32 v2, v3;
	v3 =	vld [tilespmem:s23+$0xFFFFFF10]  }
0x51f: {  	[tilespmem:s16+$0xFFFFFF80] =	vst v1;
	v1 =	vld [tilespmem:s3+$0xFFFFFF10];
	v0 =	vadd.f32 v9, v0  }
0x520: {  	v32 =	vld [tilespmem:s23+$0xFFFFFF90];
	v2 =	vmax.f32 v2, $0.0e+00  }
0x521: {  	v8 =	vadd.f32 v10, v8;
	v0 =	vmax.f32 v0, $0.0e+00;
	[tilespmem:s16+$0xFFFFFE00] =	vst v2;
	v2 =	vld [tilespmem:s3+$0xFFFFFF90]  }
0x522: {  	v4 =	vadd.f32 v4, v11;
	[tilespmem:s16+$0x190] =	vst v0;
	v0 =	vld [tilespmem:s3+$0xFFFFFE90]  }
0x523: {  	v8 =	vmax.f32 v8, $0.0e+00;
	v7 =	vld [tilespmem:s23+$0x1A0]  }
0x524: {  	[tilespmem:s16+$0x0] =	vst v8;
	v4 =	vmax.f32 v4, $0.0e+00;
	v5 =	vld [tilespmem:s3+$0x1A0];
	v1 =	vadd.f32 v1, v3  }
0x525: {  	v33 =	vld [tilespmem:s23+$0x10];
	[tilespmem:s16+$0x80] =	vst v4  }
0x526: {  	v35 =	vld [tilespmem:s3+$0x90];
	v1 =	vmax.f32 v1, $0.0e+00  }
0x527: {  	v8 =	vld [tilespmem:s3+$0xFFFFFE10];
	v2 =	vadd.f32 v2, v32;
	[tilespmem:s16+$0xFFFFFF10] =	vst v1  }
0x528: {  	v0 =	vadd.f32 v0, v6;
	v38 =	vld [tilespmem:s23+$0xFFFFFF20]  }
0x529: {  	v5 =	vadd.f32 v5, v7;
	v7 =	vld [tilespmem:s23+$0xFFFFFE10];
	v2 =	vmax.f32 v2, $0.0e+00  }
0x52a: {  	v0 =	vmax.f32 v0, $0.0e+00;
	[tilespmem:s16+$0xFFFFFF90] =	vst v2;
	v2 =	vld [tilespmem:s3+$0xFFFFFF20]  }
0x52b: {  	v5 =	vmax.f32 v5, $0.0e+00;
	[tilespmem:s16+$0xFFFFFE90] =	vst v0;
	v39 =	vld [tilespmem:s23+$0xFFFFFFA0]  }
0x52c: {  	[tilespmem:s16+$0x1A0] =	vst v5;
	v5 =	vld [tilespmem:s3+$0x10]  }
0x52d: {  	v9 =	vadd.f32 v31, v12;
	v3 =	vld [tilespmem:s23+$0xFFFFFEA0]  }
0x52e: {  	v34 =	vld [tilespmem:s23+$0x1B0]  }
0x52f: {  	v9 =	vmax.f32 v9, $0.0e+00;
	v4 =	vld [tilespmem:s3+$0x1B0];
	v7 =	vadd.f32 v8, v7  }
0x530: {  	[tilespmem:s16+$0x100] =	vst v9;
	v8 =	vld [tilespmem:s23+$0x90]  }
0x531: {  	v2 =	vadd.f32 v2, v38;
	v6 =	vmax.f32 v7, $0.0e+00;
	v7 =	vld [tilespmem:s23+$0x110]  }
0x532: {  	[tilespmem:s16+$0xFFFFFE10] =	vst v6;
	v6 =	vld [tilespmem:s3+$0x110]  }
0x533: {  	v5 =	vadd.f32 v5, v33;
	v2 =	vmax.f32 v2, $0.0e+00;
	v36 =	vld [tilespmem:s23+$0xFFFFFE20]  }
0x534: {  	v4 =	vadd.f32 v4, v34;
	v0 =	vld [tilespmem:s3+$0xFFFFFE20];
	[tilespmem:s16+$0xFFFFFF20] =	vst v2  }
0x535: {  	v5 =	vmax.f32 v5, $0.0e+00;
	v44 =	vld [tilespmem:s23+$0xFFFFFF30]  }
0x536: {  	v4 =	vmax.f32 v4, $0.0e+00;
	[tilespmem:s16+$0x10] =	vst v5;
	v5 =	vld [tilespmem:s3+$0xFFFFFFA0]  }
0x537: {  	[tilespmem:s16+$0x1B0] =	vst v4;
	v4 =	vld [tilespmem:s3+$0xFFFFFEA0]  }
0x538: {  	v8 =	vadd.f32 v35, v8;
	v37 =	vld [tilespmem:s23+$0x1C0]  }
0x539: {  	v1 =	vld [tilespmem:s3+$0x1C0];
	v6 =	vadd.f32 v6, v7  }
0x53a: {  	v8 =	vmax.f32 v8, $0.0e+00;
	v40 =	vld [tilespmem:s23+$0x20]  }
0x53b: {  	[tilespmem:s16+$0x90] =	vst v8;
	v8 =	vld [tilespmem:s3+$0x20];
	v0 =	vadd.f32 v0, v36;
	v6 =	vmax.f32 v6, $0.0e+00  }
0x53c: {  	v7 =	vld [tilespmem:s23+$0xA0];
	[tilespmem:s16+$0x110] =	vst v6  }
0x53d: {  	v0 =	vmax.f32 v0, $0.0e+00;
	v3 =	vadd.f32 v4, v3;
	v4 =	vld [tilespmem:s23+$0x120]  }
0x53e: {  	[tilespmem:s16+$0xFFFFFE20] =	vst v0;
	v0 =	vld [tilespmem:s3+$0x120];
	v1 =	vadd.f32 v1, v37  }
0x53f: {  	v42 =	vld [tilespmem:s23+$0xFFFFFE30];
	v3 =	vmax.f32 v3, $0.0e+00  }
0x540: {  	v1 =	vmax.f32 v1, $0.0e+00;
	[tilespmem:s16+$0xFFFFFEA0] =	vst v3;
	v3 =	vld [tilespmem:s3+$0xFFFFFE30]  }
0x541: {  	[tilespmem:s16+$0x1C0] =	vst v1;
	v1 =	vld [tilespmem:s3+$0xA0]  }
0x542: {  	v5 =	vadd.f32 v5, v39;
	v43 =	vld [tilespmem:s23+$0xFFFFFEB0]  }
0x543: {  	v8 =	vadd.f32 v8, v40;
	v2 =	vld [tilespmem:s3+$0xFFFFFEB0]  }
0x544: {  	v5 =	vmax.f32 v5, $0.0e+00;
	v41 =	vld [tilespmem:s23+$0x1D0]  }
0x545: {  	[tilespmem:s16+$0xFFFFFFA0] =	vst v5;
	v8 =	vmax.f32 v8, $0.0e+00;
	v6 =	vld [tilespmem:s3+$0x1D0];
	v0 =	vadd.f32 v0, v4  }
0x546: {  	[tilespmem:s16+$0x20] =	vst v8;
	v8 =	vld [tilespmem:s3+$0xFFFFFFB0];
	v3 =	vadd.f32 v3, v42  }
0x547: {  	v4 =	vld [tilespmem:s23+$0x30];
	v0 =	vmax.f32 v0, $0.0e+00;
	v1 =	vadd.f32 v1, v7  }
0x548: {  	[tilespmem:s16+$0x120] =	vst v0;
	v7 =	vld [tilespmem:s23+$0xFFFFFFB0];
	v3 =	vmax.f32 v3, $0.0e+00  }
0x549: {  	v47 =	vld [tilespmem:s23+$0x130];
	v2 =	vadd.f32 v2, v43;
	v1 =	vmax.f32 v1, $0.0e+00;
	[tilespmem:s16+$0xFFFFFE30] =	vst v3  }
0x54a: {  	v6 =	vadd.f32 v6, v41;
	[tilespmem:s16+$0xA0] =	vst v1;
	v1 =	vld [tilespmem:s3+$0x30]  }
0x54b: {  	v2 =	vmax.f32 v2, $0.0e+00;
	v49 =	vld [tilespmem:s23+$0xFFFFFE40]  }
0x54c: {  	v6 =	vmax.f32 v6, $0.0e+00;
	[tilespmem:s16+$0xFFFFFEB0] =	vst v2;
	v2 =	vld [tilespmem:s3+$0xFFFFFE40]  }
0x54d: {  	[tilespmem:s16+$0x1D0] =	vst v6;
	v6 =	vld [tilespmem:s3+$0xFFFFFF30]  }
0x54e: {  	v45 =	vld [tilespmem:s23+$0x1E0]  }
0x54f: {  	v5 =	vld [tilespmem:s3+$0x1E0];
	v7 =	vadd.f32 v8, v7  }
0x550: {  	v46 =	vld [tilespmem:s23+$0xB0]  }
0x551: {  	v0 =	vld [tilespmem:s3+$0xB0];
	v7 =	vmax.f32 v7, $0.0e+00;
	v1 =	vadd.f32 v1, v4  }
0x552: {  	v8 =	vld [tilespmem:s23+$0xFFFFFEC0];
	[tilespmem:s16+$0xFFFFFFB0] =	vst v7;
	v6 =	vadd.f32 v6, v44  }
0x553: {  	v50 =	vld [tilespmem:s23+$0xFFFFFFC0];
	v1 =	vmax.f32 v1, $0.0e+00  }
0x554: {  	v5 =	vadd.f32 v5, v45;
	v6 =	vmax.f32 v6, $0.0e+00;
	[tilespmem:s16+$0x30] =	vst v1;
	v1 =	vld [tilespmem:s3+$0xFFFFFFC0]  }
0x555: {  	[tilespmem:s16+$0xFFFFFF30] =	vst v6;
	v6 =	vld [tilespmem:s3+$0xFFFFFEC0]  }
0x556: {  	v5 =	vmax.f32 v5, $0.0e+00;
	v51 =	vld [tilespmem:s23+$0x40]  }
0x557: {  	v0 =	vadd.f32 v0, v46;
	[tilespmem:s16+$0x1E0] =	vst v5;
	v5 =	vld [tilespmem:s3+$0x130]  }
0x558: {  	v4 =	vld [tilespmem:s23+$0xFFFFFF40]  }
0x559: {  	v0 =	vmax.f32 v0, $0.0e+00;
	v7 =	vld [tilespmem:s3+$0xFFFFFF40]  }
0x55a: {  	v2 =	vadd.f32 v2, v49;
	[tilespmem:s16+$0xB0] =	vst v0;
	v0 =	vld [tilespmem:s3+$0x40]  }
0x55b: {  	v52 =	vld [tilespmem:s23+$0xC0]  }
0x55c: {  	v2 =	vmax.f32 v2, $0.0e+00;
	v48 =	vld [tilespmem:s23+$0x1F0];
	v6 =	vadd.f32 v6, v8  }
0x55d: {  	[tilespmem:s16+$0xFFFFFE40] =	vst v2;
	v3 =	vld [tilespmem:s3+$0x1F0];
	v5 =	vadd.f32 v5, v47  }
0x55e: {  	v4 =	vadd.f32 v7, v4;
	v7 =	vld [tilespmem:s23+$0xFFFFFE50];
	v6 =	vmax.f32 v6, $0.0e+00  }
0x55f: {  	v5 =	vmax.f32 v5, $0.0e+00;
	[tilespmem:s16+$0xFFFFFEC0] =	vst v6;
	v6 =	vld [tilespmem:s3+$0xFFFFFE50]  }
0x560: {  	[tilespmem:s16+$0x130] =	vst v5;
	v5 =	vld [tilespmem:s3+$0xC0]  }
0x561: {  	v1 =	vadd.f32 v1, v50;
	v4 =	vmax.f32 v4, $0.0e+00;
	v53 =	vld [tilespmem:s23+$0xFFFFFED0]  }
0x562: {  	[tilespmem:s16+$0xFFFFFF40] =	vst v4;
	v4 =	vld [tilespmem:s3+$0xFFFFFED0]  }
0x563: {  	v0 =	vadd.f32 v0, v51;
	v1 =	vmax.f32 v1, $0.0e+00;
	v8 =	vld [tilespmem:s23+$0x140]  }
0x564: {  	[tilespmem:s16+$0xFFFFFFC0] =	vst v1;
	v2 =	vld [tilespmem:s3+$0x140]  }
0x565: {  	v0 =	vmax.f32 v0, $0.0e+00;
	v55 =	vld [tilespmem:s23+$0xFFFFFFD0]  }
0x566: {  	[tilespmem:s16+$0x40] =	vst v0;
	v0 =	vld [tilespmem:s3+$0xFFFFFFD0];
	v6 =	vadd.f32 v6, v7  }
0x567: {  	v54 =	vld [tilespmem:s23+$0xFFFFFF50];
	v5 =	vadd.f32 v5, v52  }
0x568: {  	v1 =	vld [tilespmem:s3+$0xFFFFFF50];
	v6 =	vmax.f32 v6, $0.0e+00  }
0x569: {  	v4 =	vadd.f32 v4, v53;
	v2 =	vadd.f32 v2, v8;
	v8 =	vld [tilespmem:s23+$0x50];
	v5 =	vmax.f32 v5, $0.0e+00;
	[tilespmem:s16+$0xFFFFFE50] =	vst v6  }
0x56a: {  	[tilespmem:s16+$0xC0] =	vst v5;
	v5 =	vld [tilespmem:s3+$0x50]  }
0x56b: {  	v4 =	vmax.f32 v4, $0.0e+00;
	v57 =	vld [tilespmem:s23+$0xFFFFFE60]  }
0x56c: {  	[tilespmem:s16+$0xFFFFFED0] =	vst v4;
	v4 =	vld [tilespmem:s3+$0xFFFFFE60]  }
0x56d: {  	v1 =	vadd.f32 v1, v54;
	v2 =	vmax.f32 v2, $0.0e+00;
	v7 =	vld [tilespmem:s23+$0xD0]  }
0x56e: {  	[tilespmem:s16+$0x140] =	vst v2;
	v2 =	vld [tilespmem:s3+$0xD0]  }
0x56f: {  	v1 =	vmax.f32 v1, $0.0e+00;
	v58 =	vld [tilespmem:s23+$0xFFFFFEE0]  }
0x570: {  	v0 =	vadd.f32 v0, v55;
	[tilespmem:s16+$0xFFFFFF50] =	vst v1;
	v1 =	vld [tilespmem:s3+$0xFFFFFEE0]  }
0x571: {  	v56 =	vld [tilespmem:s23+$0x150]  }
0x572: {  	v0 =	vmax.f32 v0, $0.0e+00;
	v6 =	vld [tilespmem:s3+$0x150]  }
0x573: {  	[tilespmem:s16+$0xFFFFFFD0] =	vst v0;
	v0 =	vld [tilespmem:s3+$0xFFFFFF60];
	v5 =	vadd.f32 v5, v8  }
0x574: {  	v8 =	vld [tilespmem:s23+$0xFFFFFF60];
	v4 =	vadd.f32 v4, v57  }
0x575: {  	v2 =	vadd.f32 v2, v7;
	v7 =	vld [tilespmem:s23+$0xFFFFFFE0];
	v5 =	vmax.f32 v5, $0.0e+00  }
0x576: {  	v1 =	vadd.f32 v1, v58;
	v4 =	vmax.f32 v4, $0.0e+00;
	[tilespmem:s16+$0x50] =	vst v5;
	v5 =	vld [tilespmem:s3+$0xFFFFFFE0]  }
0x577: {  	v2 =	vmax.f32 v2, $0.0e+00;
	[tilespmem:s16+$0xFFFFFE60] =	vst v4;
	v59 =	vld [tilespmem:s23+$0x60]  }
0x578: {  	v6 =	vadd.f32 v6, v56;
	v1 =	vmax.f32 v1, $0.0e+00;
	[tilespmem:s16+$0xD0] =	vst v2;
	v2 =	vld [tilespmem:s3+$0x60]  }
0x579: {  	[tilespmem:s16+$0xFFFFFEE0] =	vst v1;
	v1 =	vld [tilespmem:s3+$0xFFFFFE70]  }
0x57a: {  	v6 =	vmax.f32 v6, $0.0e+00;
	v60 =	vld [tilespmem:s23+$0xE0]  }
0x57b: {  	[tilespmem:s16+$0x150] =	vst v6;
	v6 =	vld [tilespmem:s3+$0xE0]  }
0x57c: {  	v0 =	vadd.f32 v0, v8;
	v8 =	vld [tilespmem:s23+$0xFFFFFE70]  }
0x57d: {  	v13 =	vld [tilespmem:s3+$0xFFFFFEF0]  }
0x57e: {  	v61 =	vld [tilespmem:s23+$0x160]  }
0x57f: {  	v4 =	vld [tilespmem:s3+$0x160];
	v0 =	vmax.f32 v0, $0.0e+00;
	v5 =	vadd.f32 v5, v7  }
0x580: {  	v7 =	vld [tilespmem:s23+$0xFFFFFEF0];
	[tilespmem:s16+$0xFFFFFF60] =	vst v0  }
0x581: {  	v2 =	vadd.f32 v2, v59;
	v62 =	vld [tilespmem:s3+$0xFFFFFF70];
	v0 =	vmax.f32 v5, $0.0e+00  }
0x582: {  	v3 =	vadd.f32 v3, v48;
	v5 =	vld [tilespmem:s23+$0xFFFFFF70];
	[tilespmem:s16+$0xFFFFFFE0] =	vst v0  }
0x583: {  	v0 =	vmax.f32 v2, $0.0e+00;
	v2 =	vadd.f32 v6, v60;
	v6 =	vld [tilespmem:s23+$0xFFFFFFF0]  }
0x584: {  	[tilespmem:s16+$0x60] =	vst v0;
	v0 =	vmax.f32 v3, $0.0e+00;
	v3 =	vadd.f32 v4, v61;
	v63 =	vld [tilespmem:s3+$0xFFFFFFF0]  }
0x585: {  	v1 =	vadd.f32 v1, v8;
	[tilespmem:s16+$0x1F0] =	vst v0;
	v2 =	vmax.f32 v2, $0.0e+00;
	v0 =	vld [tilespmem:s23+$0x70]  }
0x586: {  	v4 =	vadd.f32 v13, v7;
	[tilespmem:s16+$0xE0] =	vst v2;
	v3 =	vmax.f32 v3, $0.0e+00;
	v2 =	vld [tilespmem:s3+$0x70]  }
0x587: {  	[tilespmem:s16+$0x160] =	vst v3;
	v3 =	vmax.f32 v1, $0.0e+00;
	v5 =	vadd.f32 v62, v5;
	v1 =	vld [tilespmem:s23+$0xF0]  }
0x588: {  	[tilespmem:s16+$0xFFFFFE70] =	vst v3;
	v3 =	vmax.f32 v4, $0.0e+00;
	v4 =	vld [tilespmem:s3+$0xF0]  }
0x589: {  	[tilespmem:s16+$0xFFFFFEF0] =	vst v3;
	v5 =	vmax.f32 v5, $0.0e+00;
	v3 =	vld [tilespmem:s23+$0x170];
	v6 =	vadd.f32 v63, v6  }
0x58a: {  	s24 =	simm.s32 $0x13E80;
	s23 =	simm.s32 $0x0;
	[tilespmem:s16+$0xFFFFFF70] =	vst v5;
	v5 =	vld [tilespmem:s3+$0x170]  }
.LBB2_13:
0x58b: {  	v7 =	vld [tilespmem:s24+$0x180];
	v6 =	vmax.f32 v6, $0.0e+00;
	v0 =	vadd.f32 v2, v0;
	s3 =	sadd.s32 $0x400, s3  }
0x58c: {  	v2 =	vld [tilespmem:s3+$0x180];
	[tilespmem:s16+$0xFFFFFFF0] =	vst v6  }
0x58d: {  	v6 =	vld [tilespmem:s3+$0xFFFFFE00];
	v0 =	vmax.f32 v0, $0.0e+00;
	v1 =	vadd.f32 v4, v1  }
0x58e: {  	v4 =	vld [tilespmem:s24+$0xFFFFFE80];
	[tilespmem:s16+$0x70] =	vst v0  }
0x58f: {  	v0 =	vld [tilespmem:s3+$0xFFFFFE80];
	v1 =	vmax.f32 v1, $0.0e+00;
	v3 =	vadd.f32 v5, v3  }
0x590: {  	v5 =	vld [tilespmem:s24+$0xFFFFFF00];
	[tilespmem:s16+$0xF0] =	vst v1  }
0x591: {  	v1 =	vld [tilespmem:s3+$0xFFFFFF00];
	v2 =	vadd.f32 v2, v7;
	v3 =	vmax.f32 v3, $0.0e+00  }
0x592: {  	v7 =	vld [tilespmem:s24+$0xFFFFFF80];
	[tilespmem:s16+$0x170] =	vst v3  }
0x593: {  	s23 =	sadd.s32 $0x8, s23;
	s16 =	sadd.s32 $0x400, s16;
	v3 =	vld [tilespmem:s3+$0xFFFFFF80];
	v2 =	vmax.f32 v2, $0.0e+00  }
0x594: {  	p2 =	slt.u32 s23, $0x38;
	v0 =	vadd.f32 v0, v4;
	v4 =	vld [tilespmem:s24+$0x0];
	[tilespmem:s16+$0x180] =	vst v2  }
0x595: {  	v2 =	vld [tilespmem:s24+$0x190]  }
0x596: {  	v0 =	vmax.f32 v0, $0.0e+00;
	v1 =	vadd.f32 v1, v5;
	v5 =	vld [tilespmem:s3+$0x190]  }
0x597: {  	[tilespmem:s16+$0xFFFFFE80] =	vst v0;
	v0 =	vld [tilespmem:s3+$0x0]  }
0x598: {  	v1 =	vmax.f32 v1, $0.0e+00;
	v3 =	vadd.f32 v3, v7;
	v7 =	vld [tilespmem:s24+$0x80]  }
0x599: {  	[tilespmem:s16+$0xFFFFFF00] =	vst v1;
	v1 =	vld [tilespmem:s3+$0x80]  }
0x59a: {  	v3 =	vmax.f32 v3, $0.0e+00;
	v8 =	vld [tilespmem:s24+$0x100]  }
0x59b: {  	[tilespmem:s16+$0xFFFFFF80] =	vst v3;
	v3 =	vld [tilespmem:s3+$0x100];
	v2 =	vadd.f32 v5, v2  }
0x59c: {  	v5 =	vld [tilespmem:s24+$0xFFFFFE00];
	v0 =	vadd.f32 v0, v4  }
0x59d: {  	v4 =	vld [tilespmem:s24+$0xFFFFFE90];
	v2 =	vmax.f32 v2, $0.0e+00  }
0x59e: {  	v9 =	vld [tilespmem:s3+$0xFFFFFE90];
	v0 =	vmax.f32 v0, $0.0e+00;
	v1 =	vadd.f32 v1, v7;
	[tilespmem:s16+$0x190] =	vst v2  }
0x59f: {  	[tilespmem:s16+$0x0] =	vst v0;
	v0 =	vld [tilespmem:s24+$0x1A0]  }
0x5a0: {  	v1 =	vmax.f32 v1, $0.0e+00;
	v2 =	vadd.f32 v3, v8;
	v3 =	vld [tilespmem:s3+$0x1A0]  }
0x5a1: {  	v5 =	vadd.f32 v6, v5;
	v6 =	vld [tilespmem:s24+$0xFFFFFF10];
	[tilespmem:s16+$0x80] =	vst v1  }
0x5a2: {  	v1 =	vld [tilespmem:s3+$0xFFFFFF10];
	v2 =	vmax.f32 v2, $0.0e+00  }
0x5a3: {  	v5 =	vmax.f32 v5, $0.0e+00;
	v4 =	vadd.f32 v9, v4;
	v7 =	vld [tilespmem:s24+$0xFFFFFF90];
	[tilespmem:s16+$0x100] =	vst v2  }
0x5a4: {  	[tilespmem:s16+$0xFFFFFE00] =	vst v5;
	v2 =	vld [tilespmem:s3+$0xFFFFFF90]  }
0x5a5: {  	v5 =	vld [tilespmem:s24+$0xFFFFFE10];
	v4 =	vmax.f32 v4, $0.0e+00;
	v0 =	vadd.f32 v3, v0  }
0x5a6: {  	v3 =	vld [tilespmem:s3+$0xFFFFFE10];
	[tilespmem:s16+$0xFFFFFE90] =	vst v4  }
0x5a7: {  	v1 =	vadd.f32 v1, v6;
	v4 =	vld [tilespmem:s24+$0x10];
	v0 =	vmax.f32 v0, $0.0e+00  }
0x5a8: {  	v6 =	vld [tilespmem:s3+$0x10];
	[tilespmem:s16+$0x1A0] =	vst v0  }
0x5a9: {  	v0 =	vmax.f32 v1, $0.0e+00;
	v1 =	vadd.f32 v2, v7;
	v2 =	vld [tilespmem:s24+$0x1B0]  }
0x5aa: {  	[tilespmem:s16+$0xFFFFFF10] =	vst v0;
	v0 =	vld [tilespmem:s3+$0x1B0]  }
0x5ab: {  	v3 =	vadd.f32 v3, v5;
	v1 =	vmax.f32 v1, $0.0e+00;
	v5 =	vld [tilespmem:s24+$0x90]  }
0x5ac: {  	[tilespmem:s16+$0xFFFFFF90] =	vst v1;
	v1 =	vld [tilespmem:s3+$0x90]  }
0x5ad: {  	v3 =	vmax.f32 v3, $0.0e+00;
	v4 =	vadd.f32 v6, v4;
	v6 =	vld [tilespmem:s24+$0x110]  }
0x5ae: {  	[tilespmem:s16+$0xFFFFFE10] =	vst v3;
	v3 =	vld [tilespmem:s3+$0x110]  }
0x5af: {  	v7 =	vld [tilespmem:s24+$0xFFFFFE20];
	v4 =	vmax.f32 v4, $0.0e+00;
	v0 =	vadd.f32 v0, v2  }
0x5b0: {  	v2 =	vld [tilespmem:s3+$0xFFFFFE20];
	[tilespmem:s16+$0x10] =	vst v4  }
0x5b1: {  	v4 =	vld [tilespmem:s24+$0xFFFFFEA0];
	v1 =	vadd.f32 v1, v5;
	v0 =	vmax.f32 v0, $0.0e+00  }
0x5b2: {  	v5 =	vld [tilespmem:s3+$0xFFFFFEA0];
	[tilespmem:s16+$0x1B0] =	vst v0  }
0x5b3: {  	v0 =	vmax.f32 v1, $0.0e+00;
	v1 =	vadd.f32 v3, v6;
	v3 =	vld [tilespmem:s24+$0x1C0]  }
0x5b4: {  	[tilespmem:s16+$0x90] =	vst v0;
	v0 =	vld [tilespmem:s3+$0x1C0]  }
0x5b5: {  	v2 =	vadd.f32 v2, v7;
	v6 =	vld [tilespmem:s24+$0xFFFFFF20];
	v1 =	vmax.f32 v1, $0.0e+00  }
0x5b6: {  	v7 =	vld [tilespmem:s3+$0xFFFFFF20];
	[tilespmem:s16+$0x110] =	vst v1  }
0x5b7: {  	v1 =	vmax.f32 v2, $0.0e+00;
	v2 =	vadd.f32 v5, v4;
	v4 =	vld [tilespmem:s24+$0xFFFFFFA0]  }
0x5b8: {  	[tilespmem:s16+$0xFFFFFE20] =	vst v1;
	v1 =	vld [tilespmem:s3+$0xFFFFFFA0]  }
0x5b9: {  	v2 =	vmax.f32 v2, $0.0e+00;
	v5 =	vld [tilespmem:s24+$0x20];
	v0 =	vadd.f32 v0, v3  }
0x5ba: {  	[tilespmem:s16+$0xFFFFFEA0] =	vst v2;
	v2 =	vld [tilespmem:s3+$0x20]  }
0x5bb: {  	v3 =	vadd.f32 v7, v6;
	v6 =	vld [tilespmem:s24+$0xA0];
	v0 =	vmax.f32 v0, $0.0e+00  }
0x5bc: {  	v7 =	vld [tilespmem:s3+$0xA0];
	[tilespmem:s16+$0x1C0] =	vst v0  }
0x5bd: {  	v0 =	vmax.f32 v3, $0.0e+00;
	v1 =	vadd.f32 v1, v4;
	v3 =	vld [tilespmem:s24+$0x1D0]  }
0x5be: {  	[tilespmem:s16+$0xFFFFFF20] =	vst v0;
	v0 =	vld [tilespmem:s3+$0x1D0]  }
0x5bf: {  	v1 =	vmax.f32 v1, $0.0e+00;
	v2 =	vadd.f32 v2, v5;
	v4 =	vld [tilespmem:s24+$0x120]  }
0x5c0: {  	[tilespmem:s16+$0xFFFFFFA0] =	vst v1;
	v1 =	vld [tilespmem:s3+$0x120]  }
0x5c1: {  	v5 =	vld [tilespmem:s24+$0xFFFFFE30];
	v2 =	vmax.f32 v2, $0.0e+00;
	v6 =	vadd.f32 v7, v6  }
0x5c2: {  	v7 =	vld [tilespmem:s3+$0xFFFFFE30];
	[tilespmem:s16+$0x20] =	vst v2  }
0x5c3: {  	v2 =	vld [tilespmem:s24+$0xFFFFFEB0];
	v6 =	vmax.f32 v6, $0.0e+00;
	v0 =	vadd.f32 v0, v3  }
0x5c4: {  	v3 =	vld [tilespmem:s3+$0xFFFFFEB0];
	[tilespmem:s16+$0xA0] =	vst v6  }
0x5c5: {  	v6 =	vld [tilespmem:s24+$0xFFFFFF30];
	v1 =	vadd.f32 v1, v4;
	v0 =	vmax.f32 v0, $0.0e+00  }
0x5c6: {  	v4 =	vld [tilespmem:s3+$0xFFFFFF30];
	[tilespmem:s16+$0x1D0] =	vst v0  }
0x5c7: {  	v0 =	vadd.f32 v7, v5;
	v1 =	vmax.f32 v1, $0.0e+00;
	v5 =	vld [tilespmem:s24+$0x1E0]  }
0x5c8: {  	[tilespmem:s16+$0x120] =	vst v1;
	v1 =	vld [tilespmem:s3+$0x1E0]  }
0x5c9: {  	v0 =	vmax.f32 v0, $0.0e+00;
	v2 =	vadd.f32 v3, v2;
	v3 =	vld [tilespmem:s24+$0xFFFFFFB0]  }
0x5ca: {  	[tilespmem:s16+$0xFFFFFE30] =	vst v0;
	v0 =	vld [tilespmem:s3+$0xFFFFFFB0]  }
0x5cb: {  	v2 =	vmax.f32 v2, $0.0e+00;
	v4 =	vadd.f32 v4, v6;
	v6 =	vld [tilespmem:s24+$0x30]  }
0x5cc: {  	[tilespmem:s16+$0xFFFFFEB0] =	vst v2;
	v2 =	vld [tilespmem:s3+$0x30]  }
0x5cd: {  	v4 =	vmax.f32 v4, $0.0e+00;
	v7 =	vld [tilespmem:s24+$0xB0];
	v1 =	vadd.f32 v1, v5  }
0x5ce: {  	[tilespmem:s16+$0xFFFFFF30] =	vst v4;
	v4 =	vld [tilespmem:s3+$0xB0]  }
0x5cf: {  	v0 =	vadd.f32 v0, v3;
	v3 =	vld [tilespmem:s24+$0x130];
	v1 =	vmax.f32 v1, $0.0e+00  }
0x5d0: {  	v5 =	vld [tilespmem:s3+$0x130];
	[tilespmem:s16+$0x1E0] =	vst v1  }
0x5d1: {  	v0 =	vmax.f32 v0, $0.0e+00;
	v1 =	vadd.f32 v2, v6;
	v2 =	vld [tilespmem:s24+$0x1F0]  }
0x5d2: {  	[tilespmem:s16+$0xFFFFFFB0] =	vst v0;
	v0 =	vld [tilespmem:s3+$0x1F0]  }
0x5d3: {  	v6 =	vld [tilespmem:s24+$0xFFFFFE40];
	v1 =	vmax.f32 v1, $0.0e+00;
	v4 =	vadd.f32 v4, v7  }
0x5d4: {  	v7 =	vld [tilespmem:s3+$0xFFFFFE40];
	[tilespmem:s16+$0x30] =	vst v1  }
0x5d5: {  	v1 =	vld [tilespmem:s24+$0xFFFFFEC0];
	v4 =	vmax.f32 v4, $0.0e+00;
	v3 =	vadd.f32 v5, v3  }
0x5d6: {  	v5 =	vld [tilespmem:s3+$0xFFFFFEC0];
	[tilespmem:s16+$0xB0] =	vst v4  }
0x5d7: {  	v4 =	vld [tilespmem:s24+$0xFFFFFF40];
	v3 =	vmax.f32 v3, $0.0e+00;
	v0 =	vadd.f32 v0, v2  }
0x5d8: {  	v2 =	vld [tilespmem:s3+$0xFFFFFF40];
	[tilespmem:s16+$0x130] =	vst v3  }
0x5d9: {  	v3 =	vadd.f32 v7, v6;
	v6 =	vld [tilespmem:s24+$0xFFFFFFC0];
	v0 =	vmax.f32 v0, $0.0e+00  }
0x5da: {  	v7 =	vld [tilespmem:s3+$0xFFFFFFC0];
	[tilespmem:s16+$0x1F0] =	vst v0  }
0x5db: {  	v0 =	vmax.f32 v3, $0.0e+00;
	v1 =	vadd.f32 v5, v1;
	v3 =	vld [tilespmem:s24+$0x40]  }
0x5dc: {  	[tilespmem:s16+$0xFFFFFE40] =	vst v0;
	v0 =	vld [tilespmem:s3+$0x40]  }
0x5dd: {  	v1 =	vmax.f32 v1, $0.0e+00;
	v2 =	vadd.f32 v2, v4;
	v4 =	vld [tilespmem:s24+$0xC0]  }
0x5de: {  	[tilespmem:s16+$0xFFFFFEC0] =	vst v1;
	v1 =	vld [tilespmem:s3+$0xC0]  }
0x5df: {  	v2 =	vmax.f32 v2, $0.0e+00;
	v5 =	vadd.f32 v7, v6;
	v6 =	vld [tilespmem:s24+$0x140]  }
0x5e0: {  	[tilespmem:s16+$0xFFFFFF40] =	vst v2;
	v2 =	vld [tilespmem:s3+$0x140]  }
0x5e1: {  	v7 =	vld [tilespmem:s24+$0xFFFFFE50];
	v5 =	vmax.f32 v5, $0.0e+00;
	v0 =	vadd.f32 v0, v3  }
0x5e2: {  	v3 =	vld [tilespmem:s3+$0xFFFFFE50];
	[tilespmem:s16+$0xFFFFFFC0] =	vst v5  }
0x5e3: {  	v5 =	vld [tilespmem:s24+$0xFFFFFED0];
	v0 =	vmax.f32 v0, $0.0e+00;
	v1 =	vadd.f32 v1, v4  }
0x5e4: {  	v4 =	vld [tilespmem:s3+$0xFFFFFED0];
	[tilespmem:s16+$0x40] =	vst v0  }
0x5e5: {  	v0 =	vld [tilespmem:s24+$0xFFFFFF50];
	v1 =	vmax.f32 v1, $0.0e+00;
	v2 =	vadd.f32 v2, v6  }
0x5e6: {  	v6 =	vld [tilespmem:s3+$0xFFFFFF50];
	[tilespmem:s16+$0xC0] =	vst v1  }
0x5e7: {  	v1 =	vadd.f32 v3, v7;
	v3 =	vld [tilespmem:s24+$0xFFFFFFD0];
	v2 =	vmax.f32 v2, $0.0e+00  }
0x5e8: {  	v7 =	vld [tilespmem:s3+$0xFFFFFFD0];
	[tilespmem:s16+$0x140] =	vst v2  }
0x5e9: {  	v1 =	vmax.f32 v1, $0.0e+00;
	v2 =	vadd.f32 v4, v5;
	v4 =	vld [tilespmem:s24+$0x50]  }
0x5ea: {  	[tilespmem:s16+$0xFFFFFE50] =	vst v1;
	v1 =	vld [tilespmem:s3+$0x50]  }
0x5eb: {  	v2 =	vmax.f32 v2, $0.0e+00;
	v0 =	vadd.f32 v6, v0;
	v5 =	vld [tilespmem:s24+$0xD0]  }
0x5ec: {  	[tilespmem:s16+$0xFFFFFED0] =	vst v2;
	v2 =	vld [tilespmem:s3+$0xD0]  }
0x5ed: {  	v0 =	vmax.f32 v0, $0.0e+00;
	v3 =	vadd.f32 v7, v3;
	v6 =	vld [tilespmem:s24+$0x150]  }
0x5ee: {  	[tilespmem:s16+$0xFFFFFF50] =	vst v0;
	v0 =	vld [tilespmem:s3+$0x150]  }
0x5ef: {  	v7 =	vld [tilespmem:s24+$0xFFFFFE60];
	v3 =	vmax.f32 v3, $0.0e+00;
	v1 =	vadd.f32 v1, v4  }
0x5f0: {  	v4 =	vld [tilespmem:s3+$0xFFFFFE60];
	[tilespmem:s16+$0xFFFFFFD0] =	vst v3  }
0x5f1: {  	v3 =	vld [tilespmem:s24+$0xFFFFFEE0];
	v1 =	vmax.f32 v1, $0.0e+00;
	v2 =	vadd.f32 v2, v5  }
0x5f2: {  	v5 =	vld [tilespmem:s3+$0xFFFFFEE0];
	[tilespmem:s16+$0x50] =	vst v1  }
0x5f3: {  	v1 =	vld [tilespmem:s24+$0xFFFFFF60];
	v2 =	vmax.f32 v2, $0.0e+00;
	v0 =	vadd.f32 v0, v6  }
0x5f4: {  	v6 =	vld [tilespmem:s3+$0xFFFFFF60];
	[tilespmem:s16+$0xD0] =	vst v2  }
0x5f5: {  	v2 =	vadd.f32 v4, v7;
	v4 =	vld [tilespmem:s24+$0xFFFFFFE0];
	v0 =	vmax.f32 v0, $0.0e+00  }
0x5f6: {  	v7 =	vld [tilespmem:s3+$0xFFFFFFE0];
	[tilespmem:s16+$0x150] =	vst v0  }
0x5f7: {  	v0 =	vmax.f32 v2, $0.0e+00;
	v2 =	vadd.f32 v5, v3;
	v3 =	vld [tilespmem:s24+$0x60]  }
0x5f8: {  	[tilespmem:s16+$0xFFFFFE60] =	vst v0;
	v0 =	vld [tilespmem:s3+$0x60]  }
0x5f9: {  	v2 =	vmax.f32 v2, $0.0e+00;
	v1 =	vadd.f32 v6, v1;
	v5 =	vld [tilespmem:s24+$0xE0]  }
0x5fa: {  	[tilespmem:s16+$0xFFFFFEE0] =	vst v2;
	v2 =	vld [tilespmem:s3+$0xE0]  }
0x5fb: {  	v1 =	vmax.f32 v1, $0.0e+00;
	v4 =	vadd.f32 v7, v4;
	v6 =	vld [tilespmem:s24+$0x160]  }
0x5fc: {  	[tilespmem:s16+$0xFFFFFF60] =	vst v1;
	v1 =	vld [tilespmem:s3+$0x160]  }
0x5fd: {  	v7 =	vld [tilespmem:s24+$0xFFFFFE70];
	v4 =	vmax.f32 v4, $0.0e+00;
	v0 =	vadd.f32 v0, v3  }
0x5fe: {  	v3 =	vld [tilespmem:s3+$0xFFFFFE70];
	[tilespmem:s16+$0xFFFFFFE0] =	vst v4  }
0x5ff: {  	v4 =	vld [tilespmem:s24+$0xFFFFFEF0];
	v0 =	vmax.f32 v0, $0.0e+00;
	v2 =	vadd.f32 v2, v5  }
0x600: {  	v5 =	vld [tilespmem:s3+$0xFFFFFEF0];
	[tilespmem:s16+$0x60] =	vst v0  }
0x601: {  	v8 =	vld [tilespmem:s24+$0xFFFFFF70];
	v0 =	vmax.f32 v2, $0.0e+00;
	v1 =	vadd.f32 v1, v6  }
0x602: {  	v6 =	vld [tilespmem:s3+$0xFFFFFF70];
	[tilespmem:s16+$0xE0] =	vst v0  }
0x603: {  	v0 =	vadd.f32 v3, v7;
	v3 =	vld [tilespmem:s24+$0xFFFFFFF0];
	v1 =	vmax.f32 v1, $0.0e+00  }
0x604: {  	v7 =	vld [tilespmem:s3+$0xFFFFFFF0];
	[tilespmem:s16+$0x160] =	vst v1  }
0x605: {  	v1 =	vmax.f32 v0, $0.0e+00;
	v4 =	vadd.f32 v5, v4;
	v0 =	vld [tilespmem:s24+$0x70]  }
.Ltmp8:
0x606: {  	[tilespmem:s16+$0xFFFFFE70] =	vst v1;
	v2 =	vld [tilespmem:s3+$0x70];
	(pc) =	sbr.rel @p2 .LBB2_13-.Ltmp8, $4  }
0x607: {  	v4 =	vmax.f32 v4, $0.0e+00;
	v5 =	vadd.f32 v6, v8;
	v1 =	vld [tilespmem:s24+$0xF0]  }
0x608: {  	[tilespmem:s16+$0xFFFFFEF0] =	vst v4;
	v4 =	vld [tilespmem:s3+$0xF0]  }
0x609: {  	v5 =	vmax.f32 v5, $0.0e+00;
	v6 =	vadd.f32 v7, v3;
	v3 =	vld [tilespmem:s24+$0x170]  }
0x60a: {  	s24 =	sadd.s32 $0x400, s24;
	[tilespmem:s16+$0xFFFFFF70] =	vst v5;
	v5 =	vld [tilespmem:s3+$0x170]  }
0x60b: {  	_ =	sdelay $0x1  }
0x60c: {  	v0 =	vadd.f32 v2, v0  }
0x60d: {  	v2 =	vmax.f32 v6, $0.0e+00;
	v1 =	vadd.f32 v4, v1  }
0x60e: {  	[tilespmem:s16+$0xFFFFFFF0] =	vst v2;
	v0 =	vmax.f32 v0, $0.0e+00;
	v2 =	vadd.f32 v5, v3  }
0x60f: {  	[tilespmem:s16+$0x70] =	vst v0;
	v0 =	vmax.f32 v1, $0.0e+00  }
0x610: {  	[tilespmem:s16+$0xF0] =	vst v0;
	v0 =	vmax.f32 v2, $0.0e+00  }
0x611: {  	[tilespmem:s16+$0x170] =	vst v0  }
0x612: {  	[spmem:s5] =	stream.indirect.scatter.add.f32 [tilespmem:s11], [sflag:$0x7], $0x80, s10, s31, $0xb8;
	[tilespmem:$0x1FB80] =	vst v63  }
0x613: {  	_ =	swait.ge [sflag:s13], $0x2000  }
0x614: {  	[sflag:s13] =	ssyncset.done $0x0  }
0x615: {  	[sflag:s13] =	ssyncadd.s32 $0xFFFFE000  }
0x616: {  	_ =	swait.ge [sflag:s13], $0x2000  }
0x617: {  	[sflag:s13] =	ssyncset.done $0x0  }
0x618: {  	[sflag:s13] =	ssyncadd.s32 $0xFFFFE000  }
0x619: {  	_ =	swait.ge [sflag:s19], $0x2000  }
0x61a: {  	[sflag:s19] =	ssyncset.done $0x0  }
0x61b: {  	[sflag:s19] =	ssyncadd.s32 $0xFFFFE000  }
0x61c: {  	v0 =	vld [tilespmem:$0x1F9C0]  }
0x61d: {  	v1 =	vld [tilespmem:$0x1F9D0]  }
0x61e: {  	v2 =	vld [tilespmem:$0x1F9E0]  }
0x61f: {  	v3 =	vld [tilespmem:$0x1F9F0];
	_ =	sdelay $0x1  }
0x620: {  	[tilespmem:$0x1FB00] =	vst v0  }
0x621: {  	[tilespmem:$0x1FB10] =	vst v1  }
0x622: {  	[tilespmem:$0x1FB20] =	vst v2  }
0x623: {  	s23 =	simm.s32 $0x15A80;
	[tilespmem:$0x1FB30] =	vst v3  }
0x624: {  	s3 =	simm.s32 $0x19A80;
	v0 =	vld [tilespmem:s23+$0x180]  }
0x625: {  	v1 =	vld [tilespmem:s3+$0x180]  }
0x626: {  	v2 =	vld [tilespmem:s3+$0xFFFFFE00]  }
0x627: {  	v3 =	vld [tilespmem:s23+$0xFFFFFE80]  }
0x628: {  	v4 =	vld [tilespmem:s3+$0xFFFFFE80]  }
0x629: {  	v5 =	vld [tilespmem:s23+$0xFFFFFF00]  }
0x62a: {  	v6 =	vld [tilespmem:s3+$0xFFFFFF00]  }
0x62b: {  	v7 =	vld [tilespmem:s3+$0xFFFFFF80]  }
0x62c: {  	v8 =	vld [tilespmem:s23+$0x0]  }
0x62d: {  	v10 =	vld [tilespmem:s3+$0x0];
	v0 =	vadd.f32 v1, v0  }
0x62e: {  	v11 =	vld [tilespmem:s23+$0x80];
	v3 =	vadd.f32 v4, v3  }
0x62f: {  	s16 =	simm.s32 $0x1DA80;
	v12 =	vld [tilespmem:s23+$0x100];
	v0 =	vmax.f32 v0, $0.0e+00  }
0x630: {  	v1 =	vld [tilespmem:s23+$0xFFFFFF80];
	v3 =	vmax.f32 v3, $0.0e+00;
	[tilespmem:s16+$0x180] =	vst v0  }
0x631: {  	[tilespmem:s16+$0xFFFFFE80] =	vst v3;
	v3 =	vld [tilespmem:s23+$0xFFFFFE00]  }
0x632: {  	v0 =	vld [tilespmem:s23+$0x190]  }
0x633: {  	v5 =	vadd.f32 v6, v5;
	v9 =	vld [tilespmem:s3+$0x190]  }
0x634: {  	v31 =	vld [tilespmem:s3+$0x100]  }
0x635: {  	v4 =	vld [tilespmem:s3+$0x80];
	v5 =	vmax.f32 v5, $0.0e+00;
	v1 =	vadd.f32 v7, v1  }
0x636: {  	[tilespmem:s16+$0xFFFFFF00] =	vst v5;
	v6 =	vld [tilespmem:s23+$0xFFFFFE90]  }
0x637: {  	v1 =	vmax.f32 v1, $0.0e+00;
	v2 =	vadd.f32 v2, v3;
	v3 =	vld [tilespmem:s23+$0xFFFFFF10]  }
0x638: {  	[tilespmem:s16+$0xFFFFFF80] =	vst v1;
	v1 =	vld [tilespmem:s3+$0xFFFFFF10];
	v0 =	vadd.f32 v9, v0  }
0x639: {  	v32 =	vld [tilespmem:s23+$0xFFFFFF90];
	v2 =	vmax.f32 v2, $0.0e+00  }
0x63a: {  	v8 =	vadd.f32 v10, v8;
	v0 =	vmax.f32 v0, $0.0e+00;
	[tilespmem:s16+$0xFFFFFE00] =	vst v2;
	v2 =	vld [tilespmem:s3+$0xFFFFFF90]  }
0x63b: {  	v4 =	vadd.f32 v4, v11;
	[tilespmem:s16+$0x190] =	vst v0;
	v0 =	vld [tilespmem:s3+$0xFFFFFE90]  }
0x63c: {  	v8 =	vmax.f32 v8, $0.0e+00;
	v7 =	vld [tilespmem:s23+$0x1A0]  }
0x63d: {  	[tilespmem:s16+$0x0] =	vst v8;
	v4 =	vmax.f32 v4, $0.0e+00;
	v5 =	vld [tilespmem:s3+$0x1A0];
	v1 =	vadd.f32 v1, v3  }
0x63e: {  	v33 =	vld [tilespmem:s23+$0x10];
	[tilespmem:s16+$0x80] =	vst v4  }
0x63f: {  	v35 =	vld [tilespmem:s3+$0x90];
	v1 =	vmax.f32 v1, $0.0e+00  }
0x640: {  	v8 =	vld [tilespmem:s3+$0xFFFFFE10];
	v2 =	vadd.f32 v2, v32;
	[tilespmem:s16+$0xFFFFFF10] =	vst v1  }
0x641: {  	v0 =	vadd.f32 v0, v6;
	v38 =	vld [tilespmem:s23+$0xFFFFFF20]  }
0x642: {  	v5 =	vadd.f32 v5, v7;
	v7 =	vld [tilespmem:s23+$0xFFFFFE10];
	v2 =	vmax.f32 v2, $0.0e+00  }
0x643: {  	v0 =	vmax.f32 v0, $0.0e+00;
	[tilespmem:s16+$0xFFFFFF90] =	vst v2;
	v2 =	vld [tilespmem:s3+$0xFFFFFF20]  }
0x644: {  	v5 =	vmax.f32 v5, $0.0e+00;
	[tilespmem:s16+$0xFFFFFE90] =	vst v0;
	v39 =	vld [tilespmem:s23+$0xFFFFFFA0]  }
0x645: {  	[tilespmem:s16+$0x1A0] =	vst v5;
	v5 =	vld [tilespmem:s3+$0x10]  }
0x646: {  	v9 =	vadd.f32 v31, v12;
	v3 =	vld [tilespmem:s23+$0xFFFFFEA0]  }
0x647: {  	v34 =	vld [tilespmem:s23+$0x1B0]  }
0x648: {  	v9 =	vmax.f32 v9, $0.0e+00;
	v4 =	vld [tilespmem:s3+$0x1B0];
	v7 =	vadd.f32 v8, v7  }
0x649: {  	[tilespmem:s16+$0x100] =	vst v9;
	v8 =	vld [tilespmem:s23+$0x90]  }
0x64a: {  	v2 =	vadd.f32 v2, v38;
	v6 =	vmax.f32 v7, $0.0e+00;
	v7 =	vld [tilespmem:s23+$0x110]  }
0x64b: {  	[tilespmem:s16+$0xFFFFFE10] =	vst v6;
	v6 =	vld [tilespmem:s3+$0x110]  }
0x64c: {  	v5 =	vadd.f32 v5, v33;
	v2 =	vmax.f32 v2, $0.0e+00;
	v36 =	vld [tilespmem:s23+$0xFFFFFE20]  }
0x64d: {  	v4 =	vadd.f32 v4, v34;
	v0 =	vld [tilespmem:s3+$0xFFFFFE20];
	[tilespmem:s16+$0xFFFFFF20] =	vst v2  }
0x64e: {  	v5 =	vmax.f32 v5, $0.0e+00;
	v44 =	vld [tilespmem:s23+$0xFFFFFF30]  }
0x64f: {  	v4 =	vmax.f32 v4, $0.0e+00;
	[tilespmem:s16+$0x10] =	vst v5;
	v5 =	vld [tilespmem:s3+$0xFFFFFFA0]  }
0x650: {  	[tilespmem:s16+$0x1B0] =	vst v4;
	v4 =	vld [tilespmem:s3+$0xFFFFFEA0]  }
0x651: {  	v8 =	vadd.f32 v35, v8;
	v37 =	vld [tilespmem:s23+$0x1C0]  }
0x652: {  	v1 =	vld [tilespmem:s3+$0x1C0];
	v6 =	vadd.f32 v6, v7  }
0x653: {  	v8 =	vmax.f32 v8, $0.0e+00;
	v40 =	vld [tilespmem:s23+$0x20]  }
0x654: {  	[tilespmem:s16+$0x90] =	vst v8;
	v8 =	vld [tilespmem:s3+$0x20];
	v0 =	vadd.f32 v0, v36;
	v6 =	vmax.f32 v6, $0.0e+00  }
0x655: {  	v7 =	vld [tilespmem:s23+$0xA0];
	[tilespmem:s16+$0x110] =	vst v6  }
0x656: {  	v0 =	vmax.f32 v0, $0.0e+00;
	v3 =	vadd.f32 v4, v3;
	v4 =	vld [tilespmem:s23+$0x120]  }
0x657: {  	[tilespmem:s16+$0xFFFFFE20] =	vst v0;
	v0 =	vld [tilespmem:s3+$0x120];
	v1 =	vadd.f32 v1, v37  }
0x658: {  	v42 =	vld [tilespmem:s23+$0xFFFFFE30];
	v3 =	vmax.f32 v3, $0.0e+00  }
0x659: {  	v1 =	vmax.f32 v1, $0.0e+00;
	[tilespmem:s16+$0xFFFFFEA0] =	vst v3;
	v3 =	vld [tilespmem:s3+$0xFFFFFE30]  }
0x65a: {  	[tilespmem:s16+$0x1C0] =	vst v1;
	v1 =	vld [tilespmem:s3+$0xA0]  }
0x65b: {  	v5 =	vadd.f32 v5, v39;
	v43 =	vld [tilespmem:s23+$0xFFFFFEB0]  }
0x65c: {  	v8 =	vadd.f32 v8, v40;
	v2 =	vld [tilespmem:s3+$0xFFFFFEB0]  }
0x65d: {  	v5 =	vmax.f32 v5, $0.0e+00;
	v41 =	vld [tilespmem:s23+$0x1D0]  }
0x65e: {  	[tilespmem:s16+$0xFFFFFFA0] =	vst v5;
	v8 =	vmax.f32 v8, $0.0e+00;
	v6 =	vld [tilespmem:s3+$0x1D0];
	v0 =	vadd.f32 v0, v4  }
0x65f: {  	[tilespmem:s16+$0x20] =	vst v8;
	v8 =	vld [tilespmem:s3+$0xFFFFFFB0];
	v3 =	vadd.f32 v3, v42  }
0x660: {  	v4 =	vld [tilespmem:s23+$0x30];
	v0 =	vmax.f32 v0, $0.0e+00;
	v1 =	vadd.f32 v1, v7  }
0x661: {  	[tilespmem:s16+$0x120] =	vst v0;
	v7 =	vld [tilespmem:s23+$0xFFFFFFB0];
	v3 =	vmax.f32 v3, $0.0e+00  }
0x662: {  	v47 =	vld [tilespmem:s23+$0x130];
	v2 =	vadd.f32 v2, v43;
	v1 =	vmax.f32 v1, $0.0e+00;
	[tilespmem:s16+$0xFFFFFE30] =	vst v3  }
0x663: {  	v6 =	vadd.f32 v6, v41;
	[tilespmem:s16+$0xA0] =	vst v1;
	v1 =	vld [tilespmem:s3+$0x30]  }
0x664: {  	v2 =	vmax.f32 v2, $0.0e+00;
	v49 =	vld [tilespmem:s23+$0xFFFFFE40]  }
0x665: {  	v6 =	vmax.f32 v6, $0.0e+00;
	[tilespmem:s16+$0xFFFFFEB0] =	vst v2;
	v2 =	vld [tilespmem:s3+$0xFFFFFE40]  }
0x666: {  	[tilespmem:s16+$0x1D0] =	vst v6;
	v6 =	vld [tilespmem:s3+$0xFFFFFF30]  }
0x667: {  	v45 =	vld [tilespmem:s23+$0x1E0]  }
0x668: {  	v5 =	vld [tilespmem:s3+$0x1E0];
	v7 =	vadd.f32 v8, v7  }
0x669: {  	v46 =	vld [tilespmem:s23+$0xB0]  }
0x66a: {  	v0 =	vld [tilespmem:s3+$0xB0];
	v7 =	vmax.f32 v7, $0.0e+00;
	v1 =	vadd.f32 v1, v4  }
0x66b: {  	v8 =	vld [tilespmem:s23+$0xFFFFFEC0];
	[tilespmem:s16+$0xFFFFFFB0] =	vst v7;
	v6 =	vadd.f32 v6, v44  }
0x66c: {  	v50 =	vld [tilespmem:s23+$0xFFFFFFC0];
	v1 =	vmax.f32 v1, $0.0e+00  }
0x66d: {  	v5 =	vadd.f32 v5, v45;
	v6 =	vmax.f32 v6, $0.0e+00;
	[tilespmem:s16+$0x30] =	vst v1;
	v1 =	vld [tilespmem:s3+$0xFFFFFFC0]  }
0x66e: {  	[tilespmem:s16+$0xFFFFFF30] =	vst v6;
	v6 =	vld [tilespmem:s3+$0xFFFFFEC0]  }
0x66f: {  	v5 =	vmax.f32 v5, $0.0e+00;
	v51 =	vld [tilespmem:s23+$0x40]  }
0x670: {  	v0 =	vadd.f32 v0, v46;
	[tilespmem:s16+$0x1E0] =	vst v5;
	v5 =	vld [tilespmem:s3+$0x130]  }
0x671: {  	v4 =	vld [tilespmem:s23+$0xFFFFFF40]  }
0x672: {  	v0 =	vmax.f32 v0, $0.0e+00;
	v7 =	vld [tilespmem:s3+$0xFFFFFF40]  }
0x673: {  	v2 =	vadd.f32 v2, v49;
	[tilespmem:s16+$0xB0] =	vst v0;
	v0 =	vld [tilespmem:s3+$0x40]  }
0x674: {  	v52 =	vld [tilespmem:s23+$0xC0]  }
0x675: {  	v2 =	vmax.f32 v2, $0.0e+00;
	v48 =	vld [tilespmem:s23+$0x1F0];
	v6 =	vadd.f32 v6, v8  }
0x676: {  	[tilespmem:s16+$0xFFFFFE40] =	vst v2;
	v3 =	vld [tilespmem:s3+$0x1F0];
	v5 =	vadd.f32 v5, v47  }
0x677: {  	v4 =	vadd.f32 v7, v4;
	v7 =	vld [tilespmem:s23+$0xFFFFFE50];
	v6 =	vmax.f32 v6, $0.0e+00  }
0x678: {  	v5 =	vmax.f32 v5, $0.0e+00;
	[tilespmem:s16+$0xFFFFFEC0] =	vst v6;
	v6 =	vld [tilespmem:s3+$0xFFFFFE50]  }
0x679: {  	[tilespmem:s16+$0x130] =	vst v5;
	v5 =	vld [tilespmem:s3+$0xC0]  }
0x67a: {  	v1 =	vadd.f32 v1, v50;
	v4 =	vmax.f32 v4, $0.0e+00;
	v53 =	vld [tilespmem:s23+$0xFFFFFED0]  }
0x67b: {  	[tilespmem:s16+$0xFFFFFF40] =	vst v4;
	v4 =	vld [tilespmem:s3+$0xFFFFFED0]  }
0x67c: {  	v0 =	vadd.f32 v0, v51;
	v1 =	vmax.f32 v1, $0.0e+00;
	v8 =	vld [tilespmem:s23+$0x140]  }
0x67d: {  	[tilespmem:s16+$0xFFFFFFC0] =	vst v1;
	v2 =	vld [tilespmem:s3+$0x140]  }
0x67e: {  	v0 =	vmax.f32 v0, $0.0e+00;
	v55 =	vld [tilespmem:s23+$0xFFFFFFD0]  }
0x67f: {  	[tilespmem:s16+$0x40] =	vst v0;
	v0 =	vld [tilespmem:s3+$0xFFFFFFD0];
	v6 =	vadd.f32 v6, v7  }
0x680: {  	v54 =	vld [tilespmem:s23+$0xFFFFFF50];
	v5 =	vadd.f32 v5, v52  }
0x681: {  	v1 =	vld [tilespmem:s3+$0xFFFFFF50];
	v6 =	vmax.f32 v6, $0.0e+00  }
0x682: {  	v4 =	vadd.f32 v4, v53;
	v2 =	vadd.f32 v2, v8;
	v8 =	vld [tilespmem:s23+$0x50];
	v5 =	vmax.f32 v5, $0.0e+00;
	[tilespmem:s16+$0xFFFFFE50] =	vst v6  }
0x683: {  	[tilespmem:s16+$0xC0] =	vst v5;
	v5 =	vld [tilespmem:s3+$0x50]  }
0x684: {  	v4 =	vmax.f32 v4, $0.0e+00;
	v57 =	vld [tilespmem:s23+$0xFFFFFE60]  }
0x685: {  	[tilespmem:s16+$0xFFFFFED0] =	vst v4;
	v4 =	vld [tilespmem:s3+$0xFFFFFE60]  }
0x686: {  	v1 =	vadd.f32 v1, v54;
	v2 =	vmax.f32 v2, $0.0e+00;
	v7 =	vld [tilespmem:s23+$0xD0]  }
0x687: {  	[tilespmem:s16+$0x140] =	vst v2;
	v2 =	vld [tilespmem:s3+$0xD0]  }
0x688: {  	v1 =	vmax.f32 v1, $0.0e+00;
	v58 =	vld [tilespmem:s23+$0xFFFFFEE0]  }
0x689: {  	v0 =	vadd.f32 v0, v55;
	[tilespmem:s16+$0xFFFFFF50] =	vst v1;
	v1 =	vld [tilespmem:s3+$0xFFFFFEE0]  }
0x68a: {  	v56 =	vld [tilespmem:s23+$0x150]  }
0x68b: {  	v0 =	vmax.f32 v0, $0.0e+00;
	v6 =	vld [tilespmem:s3+$0x150]  }
0x68c: {  	[tilespmem:s16+$0xFFFFFFD0] =	vst v0;
	v0 =	vld [tilespmem:s3+$0xFFFFFF60];
	v5 =	vadd.f32 v5, v8  }
0x68d: {  	v8 =	vld [tilespmem:s23+$0xFFFFFF60];
	v4 =	vadd.f32 v4, v57  }
0x68e: {  	v2 =	vadd.f32 v2, v7;
	v7 =	vld [tilespmem:s23+$0xFFFFFFE0];
	v5 =	vmax.f32 v5, $0.0e+00  }
0x68f: {  	v1 =	vadd.f32 v1, v58;
	v4 =	vmax.f32 v4, $0.0e+00;
	[tilespmem:s16+$0x50] =	vst v5;
	v5 =	vld [tilespmem:s3+$0xFFFFFFE0]  }
0x690: {  	v2 =	vmax.f32 v2, $0.0e+00;
	[tilespmem:s16+$0xFFFFFE60] =	vst v4;
	v59 =	vld [tilespmem:s23+$0x60]  }
0x691: {  	v6 =	vadd.f32 v6, v56;
	v1 =	vmax.f32 v1, $0.0e+00;
	[tilespmem:s16+$0xD0] =	vst v2;
	v2 =	vld [tilespmem:s3+$0x60]  }
0x692: {  	[tilespmem:s16+$0xFFFFFEE0] =	vst v1;
	v1 =	vld [tilespmem:s3+$0xFFFFFE70]  }
0x693: {  	v6 =	vmax.f32 v6, $0.0e+00;
	v60 =	vld [tilespmem:s23+$0xE0]  }
0x694: {  	[tilespmem:s16+$0x150] =	vst v6;
	v6 =	vld [tilespmem:s3+$0xE0]  }
0x695: {  	v0 =	vadd.f32 v0, v8;
	v8 =	vld [tilespmem:s23+$0xFFFFFE70]  }
0x696: {  	v13 =	vld [tilespmem:s3+$0xFFFFFEF0]  }
0x697: {  	v61 =	vld [tilespmem:s23+$0x160]  }
0x698: {  	v4 =	vld [tilespmem:s3+$0x160];
	v0 =	vmax.f32 v0, $0.0e+00;
	v5 =	vadd.f32 v5, v7  }
0x699: {  	v7 =	vld [tilespmem:s23+$0xFFFFFEF0];
	[tilespmem:s16+$0xFFFFFF60] =	vst v0  }
0x69a: {  	v2 =	vadd.f32 v2, v59;
	v62 =	vld [tilespmem:s3+$0xFFFFFF70];
	v0 =	vmax.f32 v5, $0.0e+00  }
0x69b: {  	v3 =	vadd.f32 v3, v48;
	v5 =	vld [tilespmem:s23+$0xFFFFFF70];
	[tilespmem:s16+$0xFFFFFFE0] =	vst v0  }
0x69c: {  	v0 =	vmax.f32 v2, $0.0e+00;
	v2 =	vadd.f32 v6, v60;
	v6 =	vld [tilespmem:s23+$0xFFFFFFF0]  }
0x69d: {  	[tilespmem:s16+$0x60] =	vst v0;
	v0 =	vmax.f32 v3, $0.0e+00;
	v3 =	vadd.f32 v4, v61;
	v63 =	vld [tilespmem:s3+$0xFFFFFFF0]  }
0x69e: {  	v1 =	vadd.f32 v1, v8;
	[tilespmem:s16+$0x1F0] =	vst v0;
	v2 =	vmax.f32 v2, $0.0e+00;
	v0 =	vld [tilespmem:s23+$0x70]  }
0x69f: {  	v4 =	vadd.f32 v13, v7;
	[tilespmem:s16+$0xE0] =	vst v2;
	v3 =	vmax.f32 v3, $0.0e+00;
	v2 =	vld [tilespmem:s3+$0x70]  }
0x6a0: {  	[tilespmem:s16+$0x160] =	vst v3;
	v3 =	vmax.f32 v1, $0.0e+00;
	v5 =	vadd.f32 v62, v5;
	v1 =	vld [tilespmem:s23+$0xF0]  }
0x6a1: {  	[tilespmem:s16+$0xFFFFFE70] =	vst v3;
	v3 =	vmax.f32 v4, $0.0e+00;
	v4 =	vld [tilespmem:s3+$0xF0]  }
0x6a2: {  	[tilespmem:s16+$0xFFFFFEF0] =	vst v3;
	v5 =	vmax.f32 v5, $0.0e+00;
	v3 =	vld [tilespmem:s23+$0x170];
	v6 =	vadd.f32 v63, v6  }
0x6a3: {  	s24 =	simm.s32 $0x15E80;
	s23 =	simm.s32 $0x0;
	[tilespmem:s16+$0xFFFFFF70] =	vst v5;
	v5 =	vld [tilespmem:s3+$0x170]  }
.LBB2_15:
0x6a4: {  	v7 =	vld [tilespmem:s24+$0x180];
	v6 =	vmax.f32 v6, $0.0e+00;
	v0 =	vadd.f32 v2, v0;
	s3 =	sadd.s32 $0x400, s3  }
0x6a5: {  	v2 =	vld [tilespmem:s3+$0x180];
	[tilespmem:s16+$0xFFFFFFF0] =	vst v6  }
0x6a6: {  	v6 =	vld [tilespmem:s3+$0xFFFFFE00];
	v0 =	vmax.f32 v0, $0.0e+00;
	v1 =	vadd.f32 v4, v1  }
0x6a7: {  	v4 =	vld [tilespmem:s24+$0xFFFFFE80];
	[tilespmem:s16+$0x70] =	vst v0  }
0x6a8: {  	v0 =	vld [tilespmem:s3+$0xFFFFFE80];
	v1 =	vmax.f32 v1, $0.0e+00;
	v3 =	vadd.f32 v5, v3  }
0x6a9: {  	v5 =	vld [tilespmem:s24+$0xFFFFFF00];
	[tilespmem:s16+$0xF0] =	vst v1  }
0x6aa: {  	v1 =	vld [tilespmem:s3+$0xFFFFFF00];
	v2 =	vadd.f32 v2, v7;
	v3 =	vmax.f32 v3, $0.0e+00  }
0x6ab: {  	v7 =	vld [tilespmem:s24+$0xFFFFFF80];
	[tilespmem:s16+$0x170] =	vst v3  }
0x6ac: {  	s23 =	sadd.s32 $0x8, s23;
	s16 =	sadd.s32 $0x400, s16;
	v3 =	vld [tilespmem:s3+$0xFFFFFF80];
	v2 =	vmax.f32 v2, $0.0e+00  }
0x6ad: {  	p2 =	slt.u32 s23, $0x38;
	v0 =	vadd.f32 v0, v4;
	v4 =	vld [tilespmem:s24+$0x0];
	[tilespmem:s16+$0x180] =	vst v2  }
0x6ae: {  	v2 =	vld [tilespmem:s24+$0x190]  }
0x6af: {  	v0 =	vmax.f32 v0, $0.0e+00;
	v1 =	vadd.f32 v1, v5;
	v5 =	vld [tilespmem:s3+$0x190]  }
0x6b0: {  	[tilespmem:s16+$0xFFFFFE80] =	vst v0;
	v0 =	vld [tilespmem:s3+$0x0]  }
0x6b1: {  	v1 =	vmax.f32 v1, $0.0e+00;
	v3 =	vadd.f32 v3, v7;
	v7 =	vld [tilespmem:s24+$0x80]  }
0x6b2: {  	[tilespmem:s16+$0xFFFFFF00] =	vst v1;
	v1 =	vld [tilespmem:s3+$0x80]  }
0x6b3: {  	v3 =	vmax.f32 v3, $0.0e+00;
	v8 =	vld [tilespmem:s24+$0x100]  }
0x6b4: {  	[tilespmem:s16+$0xFFFFFF80] =	vst v3;
	v3 =	vld [tilespmem:s3+$0x100];
	v2 =	vadd.f32 v5, v2  }
0x6b5: {  	v5 =	vld [tilespmem:s24+$0xFFFFFE00];
	v0 =	vadd.f32 v0, v4  }
0x6b6: {  	v4 =	vld [tilespmem:s24+$0xFFFFFE90];
	v2 =	vmax.f32 v2, $0.0e+00  }
0x6b7: {  	v9 =	vld [tilespmem:s3+$0xFFFFFE90];
	v0 =	vmax.f32 v0, $0.0e+00;
	v1 =	vadd.f32 v1, v7;
	[tilespmem:s16+$0x190] =	vst v2  }
0x6b8: {  	[tilespmem:s16+$0x0] =	vst v0;
	v0 =	vld [tilespmem:s24+$0x1A0]  }
0x6b9: {  	v1 =	vmax.f32 v1, $0.0e+00;
	v2 =	vadd.f32 v3, v8;
	v3 =	vld [tilespmem:s3+$0x1A0]  }
0x6ba: {  	v5 =	vadd.f32 v6, v5;
	v6 =	vld [tilespmem:s24+$0xFFFFFF10];
	[tilespmem:s16+$0x80] =	vst v1  }
0x6bb: {  	v1 =	vld [tilespmem:s3+$0xFFFFFF10];
	v2 =	vmax.f32 v2, $0.0e+00  }
0x6bc: {  	v5 =	vmax.f32 v5, $0.0e+00;
	v4 =	vadd.f32 v9, v4;
	v7 =	vld [tilespmem:s24+$0xFFFFFF90];
	[tilespmem:s16+$0x100] =	vst v2  }
0x6bd: {  	[tilespmem:s16+$0xFFFFFE00] =	vst v5;
	v2 =	vld [tilespmem:s3+$0xFFFFFF90]  }
0x6be: {  	v5 =	vld [tilespmem:s24+$0xFFFFFE10];
	v4 =	vmax.f32 v4, $0.0e+00;
	v0 =	vadd.f32 v3, v0  }
0x6bf: {  	v3 =	vld [tilespmem:s3+$0xFFFFFE10];
	[tilespmem:s16+$0xFFFFFE90] =	vst v4  }
0x6c0: {  	v1 =	vadd.f32 v1, v6;
	v4 =	vld [tilespmem:s24+$0x10];
	v0 =	vmax.f32 v0, $0.0e+00  }
0x6c1: {  	v6 =	vld [tilespmem:s3+$0x10];
	[tilespmem:s16+$0x1A0] =	vst v0  }
0x6c2: {  	v0 =	vmax.f32 v1, $0.0e+00;
	v1 =	vadd.f32 v2, v7;
	v2 =	vld [tilespmem:s24+$0x1B0]  }
0x6c3: {  	[tilespmem:s16+$0xFFFFFF10] =	vst v0;
	v0 =	vld [tilespmem:s3+$0x1B0]  }
0x6c4: {  	v3 =	vadd.f32 v3, v5;
	v1 =	vmax.f32 v1, $0.0e+00;
	v5 =	vld [tilespmem:s24+$0x90]  }
0x6c5: {  	[tilespmem:s16+$0xFFFFFF90] =	vst v1;
	v1 =	vld [tilespmem:s3+$0x90]  }
0x6c6: {  	v3 =	vmax.f32 v3, $0.0e+00;
	v4 =	vadd.f32 v6, v4;
	v6 =	vld [tilespmem:s24+$0x110]  }
0x6c7: {  	[tilespmem:s16+$0xFFFFFE10] =	vst v3;
	v3 =	vld [tilespmem:s3+$0x110]  }
0x6c8: {  	v7 =	vld [tilespmem:s24+$0xFFFFFE20];
	v4 =	vmax.f32 v4, $0.0e+00;
	v0 =	vadd.f32 v0, v2  }
0x6c9: {  	v2 =	vld [tilespmem:s3+$0xFFFFFE20];
	[tilespmem:s16+$0x10] =	vst v4  }
0x6ca: {  	v4 =	vld [tilespmem:s24+$0xFFFFFEA0];
	v1 =	vadd.f32 v1, v5;
	v0 =	vmax.f32 v0, $0.0e+00  }
0x6cb: {  	v5 =	vld [tilespmem:s3+$0xFFFFFEA0];
	[tilespmem:s16+$0x1B0] =	vst v0  }
0x6cc: {  	v0 =	vmax.f32 v1, $0.0e+00;
	v1 =	vadd.f32 v3, v6;
	v3 =	vld [tilespmem:s24+$0x1C0]  }
0x6cd: {  	[tilespmem:s16+$0x90] =	vst v0;
	v0 =	vld [tilespmem:s3+$0x1C0]  }
0x6ce: {  	v2 =	vadd.f32 v2, v7;
	v6 =	vld [tilespmem:s24+$0xFFFFFF20];
	v1 =	vmax.f32 v1, $0.0e+00  }
0x6cf: {  	v7 =	vld [tilespmem:s3+$0xFFFFFF20];
	[tilespmem:s16+$0x110] =	vst v1  }
0x6d0: {  	v1 =	vmax.f32 v2, $0.0e+00;
	v2 =	vadd.f32 v5, v4;
	v4 =	vld [tilespmem:s24+$0xFFFFFFA0]  }
0x6d1: {  	[tilespmem:s16+$0xFFFFFE20] =	vst v1;
	v1 =	vld [tilespmem:s3+$0xFFFFFFA0]  }
0x6d2: {  	v2 =	vmax.f32 v2, $0.0e+00;
	v5 =	vld [tilespmem:s24+$0x20];
	v0 =	vadd.f32 v0, v3  }
0x6d3: {  	[tilespmem:s16+$0xFFFFFEA0] =	vst v2;
	v2 =	vld [tilespmem:s3+$0x20]  }
0x6d4: {  	v3 =	vadd.f32 v7, v6;
	v6 =	vld [tilespmem:s24+$0xA0];
	v0 =	vmax.f32 v0, $0.0e+00  }
0x6d5: {  	v7 =	vld [tilespmem:s3+$0xA0];
	[tilespmem:s16+$0x1C0] =	vst v0  }
0x6d6: {  	v0 =	vmax.f32 v3, $0.0e+00;
	v1 =	vadd.f32 v1, v4;
	v3 =	vld [tilespmem:s24+$0x1D0]  }
0x6d7: {  	[tilespmem:s16+$0xFFFFFF20] =	vst v0;
	v0 =	vld [tilespmem:s3+$0x1D0]  }
0x6d8: {  	v1 =	vmax.f32 v1, $0.0e+00;
	v2 =	vadd.f32 v2, v5;
	v4 =	vld [tilespmem:s24+$0x120]  }
0x6d9: {  	[tilespmem:s16+$0xFFFFFFA0] =	vst v1;
	v1 =	vld [tilespmem:s3+$0x120]  }
0x6da: {  	v5 =	vld [tilespmem:s24+$0xFFFFFE30];
	v2 =	vmax.f32 v2, $0.0e+00;
	v6 =	vadd.f32 v7, v6  }
0x6db: {  	v7 =	vld [tilespmem:s3+$0xFFFFFE30];
	[tilespmem:s16+$0x20] =	vst v2  }
0x6dc: {  	v2 =	vld [tilespmem:s24+$0xFFFFFEB0];
	v6 =	vmax.f32 v6, $0.0e+00;
	v0 =	vadd.f32 v0, v3  }
0x6dd: {  	v3 =	vld [tilespmem:s3+$0xFFFFFEB0];
	[tilespmem:s16+$0xA0] =	vst v6  }
0x6de: {  	v6 =	vld [tilespmem:s24+$0xFFFFFF30];
	v1 =	vadd.f32 v1, v4;
	v0 =	vmax.f32 v0, $0.0e+00  }
0x6df: {  	v4 =	vld [tilespmem:s3+$0xFFFFFF30];
	[tilespmem:s16+$0x1D0] =	vst v0  }
0x6e0: {  	v0 =	vadd.f32 v7, v5;
	v1 =	vmax.f32 v1, $0.0e+00;
	v5 =	vld [tilespmem:s24+$0x1E0]  }
0x6e1: {  	[tilespmem:s16+$0x120] =	vst v1;
	v1 =	vld [tilespmem:s3+$0x1E0]  }
0x6e2: {  	v0 =	vmax.f32 v0, $0.0e+00;
	v2 =	vadd.f32 v3, v2;
	v3 =	vld [tilespmem:s24+$0xFFFFFFB0]  }
0x6e3: {  	[tilespmem:s16+$0xFFFFFE30] =	vst v0;
	v0 =	vld [tilespmem:s3+$0xFFFFFFB0]  }
0x6e4: {  	v2 =	vmax.f32 v2, $0.0e+00;
	v4 =	vadd.f32 v4, v6;
	v6 =	vld [tilespmem:s24+$0x30]  }
0x6e5: {  	[tilespmem:s16+$0xFFFFFEB0] =	vst v2;
	v2 =	vld [tilespmem:s3+$0x30]  }
0x6e6: {  	v4 =	vmax.f32 v4, $0.0e+00;
	v7 =	vld [tilespmem:s24+$0xB0];
	v1 =	vadd.f32 v1, v5  }
0x6e7: {  	[tilespmem:s16+$0xFFFFFF30] =	vst v4;
	v4 =	vld [tilespmem:s3+$0xB0]  }
0x6e8: {  	v0 =	vadd.f32 v0, v3;
	v3 =	vld [tilespmem:s24+$0x130];
	v1 =	vmax.f32 v1, $0.0e+00  }
0x6e9: {  	v5 =	vld [tilespmem:s3+$0x130];
	[tilespmem:s16+$0x1E0] =	vst v1  }
0x6ea: {  	v0 =	vmax.f32 v0, $0.0e+00;
	v1 =	vadd.f32 v2, v6;
	v2 =	vld [tilespmem:s24+$0x1F0]  }
0x6eb: {  	[tilespmem:s16+$0xFFFFFFB0] =	vst v0;
	v0 =	vld [tilespmem:s3+$0x1F0]  }
0x6ec: {  	v6 =	vld [tilespmem:s24+$0xFFFFFE40];
	v1 =	vmax.f32 v1, $0.0e+00;
	v4 =	vadd.f32 v4, v7  }
0x6ed: {  	v7 =	vld [tilespmem:s3+$0xFFFFFE40];
	[tilespmem:s16+$0x30] =	vst v1  }
0x6ee: {  	v1 =	vld [tilespmem:s24+$0xFFFFFEC0];
	v4 =	vmax.f32 v4, $0.0e+00;
	v3 =	vadd.f32 v5, v3  }
0x6ef: {  	v5 =	vld [tilespmem:s3+$0xFFFFFEC0];
	[tilespmem:s16+$0xB0] =	vst v4  }
0x6f0: {  	v4 =	vld [tilespmem:s24+$0xFFFFFF40];
	v3 =	vmax.f32 v3, $0.0e+00;
	v0 =	vadd.f32 v0, v2  }
0x6f1: {  	v2 =	vld [tilespmem:s3+$0xFFFFFF40];
	[tilespmem:s16+$0x130] =	vst v3  }
0x6f2: {  	v3 =	vadd.f32 v7, v6;
	v6 =	vld [tilespmem:s24+$0xFFFFFFC0];
	v0 =	vmax.f32 v0, $0.0e+00  }
0x6f3: {  	v7 =	vld [tilespmem:s3+$0xFFFFFFC0];
	[tilespmem:s16+$0x1F0] =	vst v0  }
0x6f4: {  	v0 =	vmax.f32 v3, $0.0e+00;
	v1 =	vadd.f32 v5, v1;
	v3 =	vld [tilespmem:s24+$0x40]  }
0x6f5: {  	[tilespmem:s16+$0xFFFFFE40] =	vst v0;
	v0 =	vld [tilespmem:s3+$0x40]  }
0x6f6: {  	v1 =	vmax.f32 v1, $0.0e+00;
	v2 =	vadd.f32 v2, v4;
	v4 =	vld [tilespmem:s24+$0xC0]  }
0x6f7: {  	[tilespmem:s16+$0xFFFFFEC0] =	vst v1;
	v1 =	vld [tilespmem:s3+$0xC0]  }
0x6f8: {  	v2 =	vmax.f32 v2, $0.0e+00;
	v5 =	vadd.f32 v7, v6;
	v6 =	vld [tilespmem:s24+$0x140]  }
0x6f9: {  	[tilespmem:s16+$0xFFFFFF40] =	vst v2;
	v2 =	vld [tilespmem:s3+$0x140]  }
0x6fa: {  	v7 =	vld [tilespmem:s24+$0xFFFFFE50];
	v5 =	vmax.f32 v5, $0.0e+00;
	v0 =	vadd.f32 v0, v3  }
0x6fb: {  	v3 =	vld [tilespmem:s3+$0xFFFFFE50];
	[tilespmem:s16+$0xFFFFFFC0] =	vst v5  }
0x6fc: {  	v5 =	vld [tilespmem:s24+$0xFFFFFED0];
	v0 =	vmax.f32 v0, $0.0e+00;
	v1 =	vadd.f32 v1, v4  }
0x6fd: {  	v4 =	vld [tilespmem:s3+$0xFFFFFED0];
	[tilespmem:s16+$0x40] =	vst v0  }
0x6fe: {  	v0 =	vld [tilespmem:s24+$0xFFFFFF50];
	v1 =	vmax.f32 v1, $0.0e+00;
	v2 =	vadd.f32 v2, v6  }
0x6ff: {  	v6 =	vld [tilespmem:s3+$0xFFFFFF50];
	[tilespmem:s16+$0xC0] =	vst v1  }
0x700: {  	v1 =	vadd.f32 v3, v7;
	v3 =	vld [tilespmem:s24+$0xFFFFFFD0];
	v2 =	vmax.f32 v2, $0.0e+00  }
0x701: {  	v7 =	vld [tilespmem:s3+$0xFFFFFFD0];
	[tilespmem:s16+$0x140] =	vst v2  }
0x702: {  	v1 =	vmax.f32 v1, $0.0e+00;
	v2 =	vadd.f32 v4, v5;
	v4 =	vld [tilespmem:s24+$0x50]  }
0x703: {  	[tilespmem:s16+$0xFFFFFE50] =	vst v1;
	v1 =	vld [tilespmem:s3+$0x50]  }
0x704: {  	v2 =	vmax.f32 v2, $0.0e+00;
	v0 =	vadd.f32 v6, v0;
	v5 =	vld [tilespmem:s24+$0xD0]  }
0x705: {  	[tilespmem:s16+$0xFFFFFED0] =	vst v2;
	v2 =	vld [tilespmem:s3+$0xD0]  }
0x706: {  	v0 =	vmax.f32 v0, $0.0e+00;
	v3 =	vadd.f32 v7, v3;
	v6 =	vld [tilespmem:s24+$0x150]  }
0x707: {  	[tilespmem:s16+$0xFFFFFF50] =	vst v0;
	v0 =	vld [tilespmem:s3+$0x150]  }
0x708: {  	v7 =	vld [tilespmem:s24+$0xFFFFFE60];
	v3 =	vmax.f32 v3, $0.0e+00;
	v1 =	vadd.f32 v1, v4  }
0x709: {  	v4 =	vld [tilespmem:s3+$0xFFFFFE60];
	[tilespmem:s16+$0xFFFFFFD0] =	vst v3  }
0x70a: {  	v3 =	vld [tilespmem:s24+$0xFFFFFEE0];
	v1 =	vmax.f32 v1, $0.0e+00;
	v2 =	vadd.f32 v2, v5  }
0x70b: {  	v5 =	vld [tilespmem:s3+$0xFFFFFEE0];
	[tilespmem:s16+$0x50] =	vst v1  }
0x70c: {  	v1 =	vld [tilespmem:s24+$0xFFFFFF60];
	v2 =	vmax.f32 v2, $0.0e+00;
	v0 =	vadd.f32 v0, v6  }
0x70d: {  	v6 =	vld [tilespmem:s3+$0xFFFFFF60];
	[tilespmem:s16+$0xD0] =	vst v2  }
0x70e: {  	v2 =	vadd.f32 v4, v7;
	v4 =	vld [tilespmem:s24+$0xFFFFFFE0];
	v0 =	vmax.f32 v0, $0.0e+00  }
0x70f: {  	v7 =	vld [tilespmem:s3+$0xFFFFFFE0];
	[tilespmem:s16+$0x150] =	vst v0  }
0x710: {  	v0 =	vmax.f32 v2, $0.0e+00;
	v2 =	vadd.f32 v5, v3;
	v3 =	vld [tilespmem:s24+$0x60]  }
0x711: {  	[tilespmem:s16+$0xFFFFFE60] =	vst v0;
	v0 =	vld [tilespmem:s3+$0x60]  }
0x712: {  	v2 =	vmax.f32 v2, $0.0e+00;
	v1 =	vadd.f32 v6, v1;
	v5 =	vld [tilespmem:s24+$0xE0]  }
0x713: {  	[tilespmem:s16+$0xFFFFFEE0] =	vst v2;
	v2 =	vld [tilespmem:s3+$0xE0]  }
0x714: {  	v1 =	vmax.f32 v1, $0.0e+00;
	v4 =	vadd.f32 v7, v4;
	v6 =	vld [tilespmem:s24+$0x160]  }
0x715: {  	[tilespmem:s16+$0xFFFFFF60] =	vst v1;
	v1 =	vld [tilespmem:s3+$0x160]  }
0x716: {  	v7 =	vld [tilespmem:s24+$0xFFFFFE70];
	v4 =	vmax.f32 v4, $0.0e+00;
	v0 =	vadd.f32 v0, v3  }
0x717: {  	v3 =	vld [tilespmem:s3+$0xFFFFFE70];
	[tilespmem:s16+$0xFFFFFFE0] =	vst v4  }
0x718: {  	v4 =	vld [tilespmem:s24+$0xFFFFFEF0];
	v0 =	vmax.f32 v0, $0.0e+00;
	v2 =	vadd.f32 v2, v5  }
0x719: {  	v5 =	vld [tilespmem:s3+$0xFFFFFEF0];
	[tilespmem:s16+$0x60] =	vst v0  }
0x71a: {  	v8 =	vld [tilespmem:s24+$0xFFFFFF70];
	v0 =	vmax.f32 v2, $0.0e+00;
	v1 =	vadd.f32 v1, v6  }
0x71b: {  	v6 =	vld [tilespmem:s3+$0xFFFFFF70];
	[tilespmem:s16+$0xE0] =	vst v0  }
0x71c: {  	v0 =	vadd.f32 v3, v7;
	v3 =	vld [tilespmem:s24+$0xFFFFFFF0];
	v1 =	vmax.f32 v1, $0.0e+00  }
0x71d: {  	v7 =	vld [tilespmem:s3+$0xFFFFFFF0];
	[tilespmem:s16+$0x160] =	vst v1  }
0x71e: {  	v1 =	vmax.f32 v0, $0.0e+00;
	v4 =	vadd.f32 v5, v4;
	v0 =	vld [tilespmem:s24+$0x70]  }
.Ltmp9:
0x71f: {  	[tilespmem:s16+$0xFFFFFE70] =	vst v1;
	v2 =	vld [tilespmem:s3+$0x70];
	(pc) =	sbr.rel @p2 .LBB2_15-.Ltmp9, $4  }
0x720: {  	v4 =	vmax.f32 v4, $0.0e+00;
	v5 =	vadd.f32 v6, v8;
	v1 =	vld [tilespmem:s24+$0xF0]  }
0x721: {  	[tilespmem:s16+$0xFFFFFEF0] =	vst v4;
	v4 =	vld [tilespmem:s3+$0xF0]  }
0x722: {  	v5 =	vmax.f32 v5, $0.0e+00;
	v6 =	vadd.f32 v7, v3;
	v3 =	vld [tilespmem:s24+$0x170]  }
0x723: {  	s24 =	sadd.s32 $0x400, s24;
	[tilespmem:s16+$0xFFFFFF70] =	vst v5;
	v5 =	vld [tilespmem:s3+$0x170]  }
0x724: {  	_ =	sdelay $0x1  }
0x725: {  	v0 =	vadd.f32 v2, v0  }
0x726: {  	v60 =	vmax.f32 v6, $0.0e+00;
	v1 =	vadd.f32 v4, v1  }
0x727: {  	[tilespmem:s16+$0xFFFFFFF0] =	vst v60;
	v0 =	vmax.f32 v0, $0.0e+00;
	v61 =	vadd.f32 v5, v3  }
.Ltmp10:
0x728: {  	[tilespmem:s16+$0x70] =	vst v0;
	v62 =	vmax.f32 v1, $0.0e+00;
	(pc) =	sbr.rel .LBB2_17-.Ltmp10, $4  }
0x729: {  	[tilespmem:s16+$0xF0] =	vst v62;
	v63 =	vmax.f32 v61, $0.0e+00  }
0x72a: {  	[tilespmem:s16+$0x170] =	vst v63  }
0x72b: {  	[spmem:s5] =	stream.indirect.scatter.add.f32 [tilespmem:s15], [sflag:$0x8], $0x80, s14, s31, $0xb8;
	[tilespmem:$0x1FB80] =	vst v63  }
0x72c: {  	s23 =	rddreg [dreg:$0x13]  }
.LBB2_18:
0x72d: {  	_ =	sfence.sel $0x180000  }
0x72e: {  	[bflag:$0x0] =	sbarrier.arrive $0xFFFF  }
0x72f: {  	_ =	strace $0x90000047  }
0x730: {  	s0 =	stileid.u32;
	[bflag:$0x2] =	sbarrier.arrive $0xFFFF  }
0x731: {  	p0 =	sne.s32 s0, $0x0;
	s0 =	rddreg [dreg:$0x5]  }
0x732: {  	s0 =	sadd.s32 @!p0 $0x100000, s0  }
0x733: {  	[sflag:s0] =	ssyncadd.tile.s32 @!p0 $0x1;
	_ =	shalt  }
.Lfunc_end2:
_tile_overlayer_lowered:
.L_overlay_start_2:
0x734: {  	(tag) =	ssettag $0x2  }
0x735: {  	s0 =	rddreg [dreg:$0x0];
	s2 =	stileid.u32  }
0x736: {  	s1 =	rddreg [dreg:$0x1];
	p0 =	sne.s32 s2, $0x0  }
0x737: {  	s3 =	rddreg [dreg:$0x2];
	[bflag:$0x3] =	sbarrier.arrive $0xFFFF;
	s2 =	simm.s32 @!p0 $0x1C09  }
0x738: {  	[timem:s3], [sflag:s2] =	dma.local @!p0 [hbm:s0], s1  }
0x739: {  	s0 =	simm.s32 @!p0 $0x9  }
0x73a: {  	_ =	swait.ge @!p0 [sflag:s0], s1  }
0x73b: {  	s1 =	ssub.s32 @!p0 $0x0, s1;
	[sflag:s0] =	ssyncset.done @!p0 $0x0  }
0x73c: {  	[sflag:s0] =	ssyncadd.s32 @!p0 s1  }
0x73d: {  	[bflag:$0x3] =	sbarrier.arrive $0xFFFF  }
0x73e: {  	_ =	shalt  }

</sc_bundles>
